<compile_context>
chip_gen: v7x
topology: tpu7x:2x2x1
jax: 0.10.2.dev20260603
libtpu: 0.0.44.dev20260713+nightly
codegen_flags: <defaults>
</compile_context>

<pallas_src>
import functools

import jax
import jax.numpy as jnp
from jax import lax
from jax.experimental import pallas as pl
from jax.experimental.pallas import tpu as pltpu
import jax.experimental.pallas.tpu_sc as plsc

N = 10000
E = 320000
D_IN = 128
D_HID = 128
D_LAT = 32
D_OUT = 128

NC = 2
NS = 16
NW = NC * NS
N_PAD = 10240
ROWS_PER_TILE = N_PAD // NS
C = 80
E_PAD = E
EW = E_PAD // NW
NCHUNK = EW // C
NHALF = 5
NCHUNK_H = NCHUNK // NHALF
PAD_DST = N - 1 + (N_PAD - N) // 2

_MESH = dict(core_axis_name="c", subcore_axis_name="s")


def _worker_id():
    return lax.axis_index("s") * NC + lax.axis_index("c")


@functools.partial(
    pl.kernel,
    out_type=jax.ShapeDtypeStruct((NC, N_PAD), jnp.float32),
    mesh=plsc.VectorSubcoreMesh(**_MESH),
    scratch_types=[
        pltpu.VMEM((NCHUNK, C), jnp.int32),
        pltpu.VMEM((C,), jnp.float32),
        pltpu.VMEM_SHARED((N_PAD,), jnp.float32),
    ],
)
def _sc_deg(dst3d, zeros1d, out, idx_v, ones_v, acc):
    cid = lax.axis_index("c")
    sid = lax.axis_index("s")
    w = _worker_id()
    pltpu.sync_copy(zeros1d, acc.at[pl.ds(sid * ROWS_PER_TILE, ROWS_PER_TILE)])
    for i in range(C // 16):
        ones_v[pl.ds(i * 16, 16)] = jnp.ones((16,), jnp.float32)
    pltpu.sync_copy(dst3d.at[w], idx_v)
    plsc.subcore_barrier()

    def body(j, carry):
        pltpu.sync_copy(ones_v, acc.at[idx_v.at[j]], add=True)
        return carry

    lax.fori_loop(0, NCHUNK, body, 0)
    plsc.subcore_barrier()
    pltpu.sync_copy(
        acc.at[pl.ds(sid * ROWS_PER_TILE, ROWS_PER_TILE)],
        out.at[cid].at[pl.ds(sid * ROWS_PER_TILE, ROWS_PER_TILE)],
    )


def _make_sc_segsum(D):
    @functools.partial(
        pl.kernel,
        out_type=jax.ShapeDtypeStruct((NC, N_PAD, D), jnp.float32),
        mesh=plsc.VectorSubcoreMesh(**_MESH),
        scratch_types=[
            pltpu.VMEM((NCHUNK_H, C), jnp.int32),
            pltpu.VMEM((NCHUNK_H, C), jnp.int32),
            pltpu.VMEM((2, C, D), jnp.float32),
            pltpu.VMEM_SHARED((N_PAD, D), jnp.float32),
            pltpu.SemaphoreType.DMA,
        ],
    )
    def _sc_segsum(u_hbm, src4d, dst4d, zeros2d, out, src_v, dst_v, rows_v, acc, sem):
        cid = lax.axis_index("c")
        sid = lax.axis_index("s")
        w = _worker_id()
        pltpu.sync_copy(zeros2d, acc.at[pl.ds(sid * ROWS_PER_TILE, ROWS_PER_TILE)])
        plsc.subcore_barrier()

        for half in range(NHALF):
            pltpu.sync_copy(src4d.at[w].at[half], src_v)
            pltpu.sync_copy(dst4d.at[w].at[half], dst_v)
            pltpu.async_copy(u_hbm.at[src_v.at[0]], rows_v.at[0], sem)

            def body(j, carry):
                b = lax.rem(j, 2)
                @pl.when(j + 1 < NCHUNK_H)
                def _():
                    pltpu.async_copy(
                        u_hbm.at[src_v.at[j + 1]], rows_v.at[1 - b], sem)
                pltpu.make_async_copy(
                    u_hbm.at[src_v.at[j]], rows_v.at[b], sem).wait()
                pltpu.sync_copy(rows_v.at[b], acc.at[dst_v.at[j]], add=True)
                return carry

            lax.fori_loop(0, NCHUNK_H, body, 0)
        plsc.subcore_barrier()
        pltpu.sync_copy(
            acc.at[pl.ds(sid * ROWS_PER_TILE, ROWS_PER_TILE)],
            out.at[cid].at[pl.ds(sid * ROWS_PER_TILE, ROWS_PER_TILE)],
        )

    return _sc_segsum


_sc_segsum_128 = _make_sc_segsum(D_HID)

_BM = 1000


def _tc1_body(x_ref, w1_ref, degp_ref, u1_ref, dinv_ref):
    deg = degp_ref[:, 0] + degp_ref[:, 1] + 1.0
    dinv = lax.rsqrt(deg)
    xw = jnp.dot(x_ref[...], w1_ref[...], preferred_element_type=jnp.float32)
    u1_ref[...] = dinv[:, None] * xw
    dinv_ref[...] = dinv[:, None]


def _tc1(x, w1, degp):
    return pl.pallas_call(
        _tc1_body,
        grid=(N // _BM,),
        in_specs=[
            pl.BlockSpec((_BM, D_IN), lambda i: (i, 0)),
            pl.BlockSpec((D_IN, D_HID), lambda i: (0, 0)),
            pl.BlockSpec((_BM, NC), lambda i: (i, 0)),
        ],
        out_specs=[
            pl.BlockSpec((_BM, D_HID), lambda i: (i, 0)),
            pl.BlockSpec((_BM, 1), lambda i: (i, 0)),
        ],
        out_shape=[
            jax.ShapeDtypeStruct((N, D_HID), jnp.float32),
            jax.ShapeDtypeStruct((N, 1), jnp.float32),
        ],
    )(x, w1, degp)


def _tc2_body(u1_ref, aggp_ref, dinv_ref, b1_ref, w2_ref, u2_ref):
    agg = aggp_ref[0] + aggp_ref[1]
    dinv = dinv_ref[...]
    h = jnp.maximum(dinv * (agg + u1_ref[...]) + b1_ref[...], 0.0)
    v = jnp.dot(h, w2_ref[...], preferred_element_type=jnp.float32)
    u2_ref[...] = dinv * v


def _tc2(u1, aggp, dinv, b1, w2):
    return pl.pallas_call(
        _tc2_body,
        grid=(N // _BM,),
        in_specs=[
            pl.BlockSpec((_BM, D_HID), lambda i: (i, 0)),
            pl.BlockSpec((NC, _BM, D_HID), lambda i: (0, i, 0)),
            pl.BlockSpec((_BM, 1), lambda i: (i, 0)),
            pl.BlockSpec((1, D_HID), lambda i: (0, 0)),
            pl.BlockSpec((D_HID, D_HID), lambda i: (0, 0)),
        ],
        out_specs=pl.BlockSpec((_BM, D_HID), lambda i: (i, 0)),
        out_shape=jax.ShapeDtypeStruct((N, D_HID), jnp.float32),
    )(u1, aggp, dinv, b1, w2)


def _tc3_body(u2_ref, aggp_ref, dinv_ref, bmu_ref, bls_ref, decw_ref, mask_ref,
              decb_ref, mu_ref, ls_ref, expr_ref):
    out2 = dinv_ref[...] * (aggp_ref[0] + aggp_ref[1] + u2_ref[...])
    mu = out2[:, :D_LAT] + bmu_ref[...]
    ls = out2[:, D_LAT:2 * D_LAT] + bls_ref[...]
    mu_ref[...] = mu
    ls_ref[...] = ls
    t = jnp.dot(mu, decw_ref[...] * mask_ref[...],
                preferred_element_type=jnp.float32) + decb_ref[...]
    t = t - jnp.max(t, axis=-1, keepdims=True)
    et = jnp.exp(t)
    expr_ref[...] = et / jnp.sum(et, axis=-1, keepdims=True)


def _tc3(u2, aggp, dinv, bmu, bls, decw, mask, decb):
    return pl.pallas_call(
        _tc3_body,
        grid=(N // _BM,),
        in_specs=[
            pl.BlockSpec((_BM, D_HID), lambda i: (i, 0)),
            pl.BlockSpec((NC, _BM, D_HID), lambda i: (0, i, 0)),
            pl.BlockSpec((_BM, 1), lambda i: (i, 0)),
            pl.BlockSpec((1, D_LAT), lambda i: (0, 0)),
            pl.BlockSpec((1, D_LAT), lambda i: (0, 0)),
            pl.BlockSpec((D_LAT, D_OUT), lambda i: (0, 0)),
            pl.BlockSpec((D_LAT, D_OUT), lambda i: (0, 0)),
            pl.BlockSpec((1, D_OUT), lambda i: (0, 0)),
        ],
        out_specs=[
            pl.BlockSpec((_BM, D_LAT), lambda i: (i, 0)),
            pl.BlockSpec((_BM, D_LAT), lambda i: (i, 0)),
            pl.BlockSpec((_BM, D_OUT), lambda i: (i, 0)),
        ],
        out_shape=[
            jax.ShapeDtypeStruct((N, D_LAT), jnp.float32),
            jax.ShapeDtypeStruct((N, D_LAT), jnp.float32),
            jax.ShapeDtypeStruct((N, D_OUT), jnp.float32),
        ],
    )(u2, aggp, dinv, bmu, bls, decw, mask, decb)


def _tc4_body(a_ref, b_ref, out_ref):
    out_ref[...] = lax.dot_general(
        a_ref[...], b_ref[...], (((1,), (1,)), ((), ())),
        preferred_element_type=jnp.float32)


_BM4 = 400


def _tc4(z):
    return pl.pallas_call(
        _tc4_body,
        grid=(N // _BM4,),
        in_specs=[
            pl.BlockSpec((_BM4, D_LAT), lambda i: (i, 0)),
            pl.BlockSpec((N, D_LAT), lambda i: (0, 0)),
        ],
        out_specs=pl.BlockSpec((_BM4, N), lambda i: (i, 0)),
        out_shape=jax.ShapeDtypeStruct((N, N), jnp.float32),
    )(z, z)


def kernel(x, edge_index, W1, b1, Wmu, bmu, Wls, bls, decW, decb, dec_mask):
    pad = E_PAD - E
    src_p = jnp.concatenate([edge_index[0], jnp.zeros((pad,), jnp.int32)])
    dst_p = jnp.concatenate([edge_index[1], jnp.full((pad,), PAD_DST, jnp.int32)])
    src2d = src_p.reshape(NW, NHALF, NCHUNK_H, C)
    dst2d = dst_p.reshape(NW, NHALF, NCHUNK_H, C)
    dst3d_deg = dst_p.reshape(NW, NCHUNK, C)
    z1 = jnp.zeros((ROWS_PER_TILE,), jnp.float32)
    z128 = jnp.zeros((ROWS_PER_TILE, D_HID), jnp.float32)

    degp = _sc_deg(dst3d_deg, z1)
    u1, dinv = _tc1(x, W1, degp.T)
    agg1p = _sc_segsum_128(u1, src2d, dst2d, z128)
    w2 = jnp.concatenate(
        [Wmu, Wls, jnp.zeros((D_HID, D_HID - 2 * D_LAT), jnp.float32)], axis=1)
    u2 = _tc2(u1, agg1p, dinv, b1.reshape(1, D_HID), w2)
    agg2p = _sc_segsum_128(u2, src2d, dst2d, z128)
    mu, logstd, expr = _tc3(
        u2, agg2p, dinv, bmu.reshape(1, D_LAT), bls.reshape(1, D_LAT),
        decW, dec_mask, decb.reshape(1, D_OUT))
    adj = _tc4(mu)
    return (adj, expr, mu, logstd)

# --- scband reference (transcript-rebuilt; emitter-appended) ---
"""Pipeline reference for scband-vgpgae-18210661335634 (READ-ONLY COPY).

The authoritative reference and input builder live on the scoring server;
editing this copy changes nothing except your own understanding.
"""

import jax
import jax.numpy as jnp
import numpy as np

N = 10000
E = 320000
D_IN = 128
D_HID = 128
D_LAT = 32
D_OUT = 128


def setup_inputs(seed: int = 0):
    key = jax.random.key(seed)
    ks = jax.random.split(key, 12)
    x = jax.random.normal(ks[0], (N, D_IN), dtype=jnp.float32)
    edge_index = jax.random.randint(ks[1], (2, E), 0, N, dtype=jnp.int32)
    W1 = jax.random.normal(ks[2], (D_IN, D_HID), dtype=jnp.float32) / np.sqrt(D_IN)
    b1 = jnp.zeros((D_HID,), dtype=jnp.float32)
    Wmu = jax.random.normal(ks[3], (D_HID, D_LAT), dtype=jnp.float32) / np.sqrt(D_HID)
    bmu = jnp.zeros((D_LAT,), dtype=jnp.float32)
    Wls = jax.random.normal(ks[4], (D_HID, D_LAT), dtype=jnp.float32) / np.sqrt(D_HID)
    bls = jnp.zeros((D_LAT,), dtype=jnp.float32)
    decW = jax.random.normal(ks[5], (D_LAT, D_OUT), dtype=jnp.float32) / np.sqrt(D_LAT)
    decb = jnp.zeros((D_OUT,), dtype=jnp.float32)
    dec_mask = jnp.ones((D_LAT, D_OUT), dtype=jnp.float32)
    return {
        'x': x,
        'edge_index': edge_index,
        'W1': W1, 'b1': b1,
        'Wmu': Wmu, 'bmu': bmu,
        'Wls': Wls, 'bls': bls,
        'decW': decW, 'decb': decb,
        'dec_mask': dec_mask,
    }


def _gcn(x, src, dst, dinv, W, b):
    # PyG-style GCNConv: symmetric norm with self-loops, aggregate at dst
    h = x @ W
    coef = (dinv[src] * dinv[dst])[:, None]
    out = jax.ops.segment_sum(h[src] * coef, dst, num_segments=N)
    return out + b


def reference(x, edge_index, W1, b1, Wmu, bmu, Wls, bls, decW, decb, dec_mask):
    src = edge_index[0]
    dst = edge_index[1]
    loops = jnp.arange(N, dtype=src.dtype)
    src = jnp.concatenate([src, loops])
    dst = jnp.concatenate([dst, loops])
    deg = jax.ops.segment_sum(jnp.ones(dst.shape[0], dtype=jnp.float32), dst, num_segments=N)
    dinv = jnp.where(deg > 0, jax.lax.rsqrt(deg), 0.0)
    # GCNEncoder: shared hidden GCN layer + relu, then GCN heads for mu / logstd
    h = jax.nn.relu(_gcn(x, src, dst, dinv, W1, b1))
    mu = _gcn(h, src, dst, dinv, Wmu, bmu)
    logstd = _gcn(h, src, dst, dinv, Wls, bls)
    # eval-mode reparameterization: z = mu (no stochastic eps for determinism)
    z = mu
    # DotProductGraphDecoder (dropout_rate=0.0)
    adj_recon_logits = z @ z.T
    # MaskedFCExprDecoder (expiMap-style masked linear + softmax over genes)
    expr_decoder_output = jax.nn.softmax(z @ (decW * dec_mask) + decb, axis=-1)
    return (adj_recon_logits, expr_decoder_output, mu, logstd)

if __name__ == "__main__":
    import jax
    _d = setup_inputs()
    print(jax.jit(kernel)(*tuple(_d.values())))

</pallas_src>

<mosaic_0001>
#map = affine_map<(d0, d1) -> (0, 0, 0)>
#map1 = affine_map<(d0, d1) -> (0)>
#map2 = affine_map<(d0, d1) -> (0, 0)>
module attributes {stable_mosaic.version = 14 : i64} {
  func.func @_sc_deg(%arg0: i32, %arg1: i32, %arg2: memref<32x125x80xi32, #tpu.memory_space<hbm>>, %arg3: memref<640xf32, #tpu.memory_space<hbm>>, %arg4: memref<2x10240xf32, #tpu.memory_space<hbm>>, %arg5: memref<125x80xi32, #tpu.memory_space<vmem>>, %arg6: memref<80xf32, #tpu.memory_space<vmem>>, %arg7: memref<10240xf32, #tpu.memory_space<vmem_shared>>) attributes {dimension_semantics = [#tpu.dimension_semantics<core_parallel>, #tpu.dimension_semantics<subcore_parallel>], iteration_bounds = array<i64: 2, 16>, scalar_prefetch = 0 : i64, scratch_operands = 3 : i64, tpu.core_type = #tpu.core_type<sc_vector_subcore>, window_params = [{transform_indices = #map}, {transform_indices = #map1}, {transform_indices = #map2}]} {
    %mul3A = arith.constant 2 : i32
    %mul3A_0 = arith.muli %arg1, %mul3A : i32
    %add3A = arith.addi %mul3A_0, %arg0 : i32
    %mul3A_1 = arith.constant 640 : i32
    %mul3A_2 = arith.muli %arg1, %mul3A_1 : i32
    "tpu.region"() ({
      %run_scoped3A = tpu.sem_alloc : memref<!tpu.dma_semaphore, #tpu.memory_space<semaphore_mem>>
      %dma_start3A = tpu.memref_slice %arg7[%mul3A_2] : memref<10240xf32, #tpu.memory_space<vmem_shared>> -> memref<640xf32, #tpu.memory_space<vmem_shared>>
      tpu.enqueue_dma source(%arg3 : memref<640xf32, #tpu.memory_space<hbm>>) target(%dma_start3A : memref<640xf32, #tpu.memory_space<vmem_shared>>) target_semaphore(%run_scoped3A : memref<!tpu.dma_semaphore, #tpu.memory_space<semaphore_mem>>)
      %dma_wait3A = tpu.memref_slice %arg7[%mul3A_2] : memref<10240xf32, #tpu.memory_space<vmem_shared>> -> memref<640xf32, #tpu.memory_space<vmem_shared>>
      tpu.wait_dma2 semaphore(%run_scoped3A : memref<!tpu.dma_semaphore, #tpu.memory_space<semaphore_mem>>) src(%arg3 : memref<640xf32, #tpu.memory_space<hbm>>) dst(%dma_wait3A : memref<640xf32, #tpu.memory_space<vmem_shared>>)
      tpu.yield
    }) : () -> ()
    %broadcast_in_dim3A = arith.constant 1.000000e+00 : f32
    %broadcast_in_dim3A_3 = vector.broadcast %broadcast_in_dim3A : f32 to vector<16xf32>
    %swap3A = arith.constant 0 : index
    %swap3A_4 = tpu.vector_load %arg6[%swap3A] {strides = array<i32>} : memref<80xf32, #tpu.memory_space<vmem>>, vector<16xf32>,
    %swap3A_5 = vector.shape_cast %swap3A_4 : vector<16xf32> to vector<16xf32>
    %swap3A_6 = vector.shape_cast %broadcast_in_dim3A_3 : vector<16xf32> to vector<16xf32>
    tpu.vector_store %arg6[%swap3A], %swap3A_6 {strides = array<i32>} : memref<80xf32, #tpu.memory_space<vmem>>, vector<16xf32>,
    %broadcast_in_dim3A_7 = arith.constant 1.000000e+00 : f32
    %broadcast_in_dim3A_8 = vector.broadcast %broadcast_in_dim3A_7 : f32 to vector<16xf32>
    %swap3A_9 = arith.constant 16 : index
    %swap3A_10 = tpu.vector_load %arg6[%swap3A_9] {strides = array<i32>} : memref<80xf32, #tpu.memory_space<vmem>>, vector<16xf32>,
    %swap3A_11 = vector.shape_cast %swap3A_10 : vector<16xf32> to vector<16xf32>
    %swap3A_12 = vector.shape_cast %broadcast_in_dim3A_8 : vector<16xf32> to vector<16xf32>
    tpu.vector_store %arg6[%swap3A_9], %swap3A_12 {strides = array<i32>} : memref<80xf32, #tpu.memory_space<vmem>>, vector<16xf32>,
    %broadcast_in_dim3A_13 = arith.constant 1.000000e+00 : f32
    %broadcast_in_dim3A_14 = vector.broadcast %broadcast_in_dim3A_13 : f32 to vector<16xf32>
    %swap3A_15 = arith.constant 32 : index
    %swap3A_16 = tpu.vector_load %arg6[%swap3A_15] {strides = array<i32>} : memref<80xf32, #tpu.memory_space<vmem>>, vector<16xf32>,
    %swap3A_17 = vector.shape_cast %swap3A_16 : vector<16xf32> to vector<16xf32>
    %swap3A_18 = vector.shape_cast %broadcast_in_dim3A_14 : vector<16xf32> to vector<16xf32>
    tpu.vector_store %arg6[%swap3A_15], %swap3A_18 {strides = array<i32>} : memref<80xf32, #tpu.memory_space<vmem>>, vector<16xf32>,
    %broadcast_in_dim3A_19 = arith.constant 1.000000e+00 : f32
    %broadcast_in_dim3A_20 = vector.broadcast %broadcast_in_dim3A_19 : f32 to vector<16xf32>
    %swap3A_21 = arith.constant 48 : index
    %swap3A_22 = tpu.vector_load %arg6[%swap3A_21] {strides = array<i32>} : memref<80xf32, #tpu.memory_space<vmem>>, vector<16xf32>,
    %swap3A_23 = vector.shape_cast %swap3A_22 : vector<16xf32> to vector<16xf32>
    %swap3A_24 = vector.shape_cast %broadcast_in_dim3A_20 : vector<16xf32> to vector<16xf32>
    tpu.vector_store %arg6[%swap3A_21], %swap3A_24 {strides = array<i32>} : memref<80xf32, #tpu.memory_space<vmem>>, vector<16xf32>,
    %broadcast_in_dim3A_25 = arith.constant 1.000000e+00 : f32
    %broadcast_in_dim3A_26 = vector.broadcast %broadcast_in_dim3A_25 : f32 to vector<16xf32>
    %swap3A_27 = arith.constant 64 : index
    %swap3A_28 = tpu.vector_load %arg6[%swap3A_27] {strides = array<i32>} : memref<80xf32, #tpu.memory_space<vmem>>, vector<16xf32>,
    %swap3A_29 = vector.shape_cast %swap3A_28 : vector<16xf32> to vector<16xf32>
    %swap3A_30 = vector.shape_cast %broadcast_in_dim3A_26 : vector<16xf32> to vector<16xf32>
    tpu.vector_store %arg6[%swap3A_27], %swap3A_30 {strides = array<i32>} : memref<80xf32, #tpu.memory_space<vmem>>, vector<16xf32>,
    "tpu.region"() ({
      %run_scoped3A = tpu.sem_alloc : memref<!tpu.dma_semaphore, #tpu.memory_space<semaphore_mem>>
      %dma_start3A = arith.constant 0 : i32
      %dma_start3A_41 = arith.constant 0 : i32
      %dma_start3A_42 = tpu.memref_slice %arg2[%add3A, %dma_start3A, %dma_start3A_41] : memref<32x125x80xi32, #tpu.memory_space<hbm>> -> memref<1x125x80xi32, #tpu.memory_space<hbm>>
      %dma_start3A_43 = tpu.memref_squeeze %dma_start3A_42 : memref<1x125x80xi32, #tpu.memory_space<hbm>> -> memref<125x80xi32, #tpu.memory_space<hbm>>
      %dma_start3A_44 = arith.constant 0 : i32
      %dma_start3A_45 = arith.constant 0 : i32
      %dma_start3A_46 = tpu.memref_slice %arg2[%add3A, %dma_start3A_44, %dma_start3A_45] : memref<32x125x80xi32, #tpu.memory_space<hbm>> -> memref<1x125x80xi32, #tpu.memory_space<hbm>>
      %dma_start3A_47 = tpu.memref_squeeze %dma_start3A_46 : memref<1x125x80xi32, #tpu.memory_space<hbm>> -> memref<125x80xi32, #tpu.memory_space<hbm>>
      tpu.enqueue_dma source(%dma_start3A_47 : memref<125x80xi32, #tpu.memory_space<hbm>>) target(%arg5 : memref<125x80xi32, #tpu.memory_space<vmem>>) target_semaphore(%run_scoped3A : memref<!tpu.dma_semaphore, #tpu.memory_space<semaphore_mem>>)
      %dma_wait3A = arith.constant 0 : i32
      %dma_wait3A_48 = arith.constant 0 : i32
      %dma_wait3A_49 = tpu.memref_slice %arg2[%add3A, %dma_wait3A, %dma_wait3A_48] : memref<32x125x80xi32, #tpu.memory_space<hbm>> -> memref<1x125x80xi32, #tpu.memory_space<hbm>>
      %dma_wait3A_50 = tpu.memref_squeeze %dma_wait3A_49 : memref<1x125x80xi32, #tpu.memory_space<hbm>> -> memref<125x80xi32, #tpu.memory_space<hbm>>
      %dma_wait3A_51 = arith.constant 0 : i32
      %dma_wait3A_52 = arith.constant 0 : i32
      %dma_wait3A_53 = tpu.memref_slice %arg2[%add3A, %dma_wait3A_51, %dma_wait3A_52] : memref<32x125x80xi32, #tpu.memory_space<hbm>> -> memref<1x125x80xi32, #tpu.memory_space<hbm>>
      %dma_wait3A_54 = tpu.memref_squeeze %dma_wait3A_53 : memref<1x125x80xi32, #tpu.memory_space<hbm>> -> memref<125x80xi32, #tpu.memory_space<hbm>>
      tpu.wait_dma2 semaphore(%run_scoped3A : memref<!tpu.dma_semaphore, #tpu.memory_space<semaphore_mem>>) src(%dma_wait3A_54 : memref<125x80xi32, #tpu.memory_space<hbm>>) dst(%arg5 : memref<125x80xi32, #tpu.memory_space<vmem>>)
      tpu.yield
    }) : () -> ()
    %barrier3A = arith.constant 0 : index
    tpu.barrier barrier_id(%barrier3A)
    %scan3A = arith.constant 0 : i32
    %scan3A_31 = arith.constant 0 : i32
    %scan3A_32 = arith.constant 125 : i32
    %scan3A_33 = arith.addi %scan3A_31, %scan3A_32 : i32
    %scan3A_34 = arith.constant 1 : i32
    scf.for %scan3A_41 = %scan3A_31 to %scan3A_33 step %scan3A_34  : i32 {
      "tpu.region"() ({
        %run_scoped3A = tpu.sem_alloc : memref<!tpu.dma_semaphore, #tpu.memory_space<semaphore_mem>>
        %dma_start3A = arith.constant 0 : i32
        %dma_start3A_42 = tpu.memref_slice %arg5[%scan3A_41, %dma_start3A] : memref<125x80xi32, #tpu.memory_space<vmem>> -> memref<1x80xi32, #tpu.memory_space<vmem>>
        %dma_start3A_43 = tpu.memref_squeeze %dma_start3A_42 : memref<1x80xi32, #tpu.memory_space<vmem>> -> memref<80xi32, #tpu.memory_space<vmem>>
        %dma_start3A_44 = arith.constant 0 : i32
        %dma_start3A_45 = tpu.memref_slice %arg7[%dma_start3A_44] : memref<10240xf32, #tpu.memory_space<vmem_shared>> -> memref<10240xf32, #tpu.memory_space<vmem_shared>>
        tpu.enqueue_indirect_dma source(%arg6 : memref<80xf32, #tpu.memory_space<vmem>>) target(%dma_start3A_45 : memref<10240xf32, #tpu.memory_space<vmem_shared>>) offsets(%dma_start3A_43 : memref<80xi32, #tpu.memory_space<vmem>>) semaphore(%run_scoped3A : memref<!tpu.dma_semaphore, #tpu.memory_space<semaphore_mem>>) {add = true}
        %dma_wait3A = arith.constant 0 : i32
        %dma_wait3A_46 = tpu.memref_slice %arg5[%scan3A_41, %dma_wait3A] : memref<125x80xi32, #tpu.memory_space<vmem>> -> memref<1x80xi32, #tpu.memory_space<vmem>>
        %dma_wait3A_47 = tpu.memref_squeeze %dma_wait3A_46 : memref<1x80xi32, #tpu.memory_space<vmem>> -> memref<80xi32, #tpu.memory_space<vmem>>
        %dma_wait3A_48 = arith.constant 0 : i32
        %dma_wait3A_49 = tpu.memref_slice %arg7[%dma_wait3A_48] : memref<10240xf32, #tpu.memory_space<vmem_shared>> -> memref<10240xf32, #tpu.memory_space<vmem_shared>>
        tpu.wait_indirect_dma semaphore(%run_scoped3A : memref<!tpu.dma_semaphore, #tpu.memory_space<semaphore_mem>>) src(%arg6 : memref<80xf32, #tpu.memory_space<vmem>>) dst(%dma_wait3A_49 : memref<10240xf32, #tpu.memory_space<vmem_shared>>)
        tpu.yield
      }) : () -> ()
    }
    %scan3A_35 = arith.constant 125 : i32
    %barrier3A_36 = arith.constant 0 : index
    tpu.barrier barrier_id(%barrier3A_36)
    %mul3A_37 = arith.constant 640 : i32
    %mul3A_38 = arith.muli %arg1, %mul3A_37 : i32
    %mul3A_39 = arith.constant 640 : i32
    %mul3A_40 = arith.muli %arg1, %mul3A_39 : i32
    "tpu.region"() ({
      %run_scoped3A = tpu.sem_alloc : memref<!tpu.dma_semaphore, #tpu.memory_space<semaphore_mem>>
      %dma_start3A = arith.constant 0 : i32
      %dma_start3A_41 = tpu.memref_slice %arg4[%arg0, %dma_start3A] : memref<2x10240xf32, #tpu.memory_space<hbm>> -> memref<1x10240xf32, #tpu.memory_space<hbm>>
      %dma_start3A_42 = tpu.memref_squeeze %dma_start3A_41 : memref<1x10240xf32, #tpu.memory_space<hbm>> -> memref<10240xf32, #tpu.memory_space<hbm>>
      %dma_start3A_43 = tpu.memref_slice %dma_start3A_42[%mul3A_40] : memref<10240xf32, #tpu.memory_space<hbm>> -> memref<640xf32, #tpu.memory_space<hbm>>
      %dma_start3A_44 = tpu.memref_slice %arg7[%mul3A_38] : memref<10240xf32, #tpu.memory_space<vmem_shared>> -> memref<640xf32, #tpu.memory_space<vmem_shared>>
      tpu.enqueue_dma source(%dma_start3A_44 : memref<640xf32, #tpu.memory_space<vmem_shared>>) target(%dma_start3A_43 : memref<640xf32, #tpu.memory_space<hbm>>) target_semaphore(%run_scoped3A : memref<!tpu.dma_semaphore, #tpu.memory_space<semaphore_mem>>)
      %dma_wait3A = arith.constant 0 : i32
      %dma_wait3A_45 = tpu.memref_slice %arg4[%arg0, %dma_wait3A] : memref<2x10240xf32, #tpu.memory_space<hbm>> -> memref<1x10240xf32, #tpu.memory_space<hbm>>
      %dma_wait3A_46 = tpu.memref_squeeze %dma_wait3A_45 : memref<1x10240xf32, #tpu.memory_space<hbm>> -> memref<10240xf32, #tpu.memory_space<hbm>>
      %dma_wait3A_47 = tpu.memref_slice %dma_wait3A_46[%mul3A_40] : memref<10240xf32, #tpu.memory_space<hbm>> -> memref<640xf32, #tpu.memory_space<hbm>>
      %dma_wait3A_48 = tpu.memref_slice %arg7[%mul3A_38] : memref<10240xf32, #tpu.memory_space<vmem_shared>> -> memref<640xf32, #tpu.memory_space<vmem_shared>>
      tpu.wait_dma2 semaphore(%run_scoped3A : memref<!tpu.dma_semaphore, #tpu.memory_space<semaphore_mem>>) src(%dma_wait3A_48 : memref<640xf32, #tpu.memory_space<vmem_shared>>) dst(%dma_wait3A_47 : memref<640xf32, #tpu.memory_space<hbm>>)
      tpu.yield
    }) : () -> ()
    return
  }
}

#map = affine_map<(d0, d1) -> (0, 0)>
#map1 = affine_map<(d0, d1) -> (0, 0, 0, 0)>
#map2 = affine_map<(d0, d1) -> (0, 0, 0)>
module attributes {stable_mosaic.version = 14 : i64} {
  func.func @_sc_segsum(%arg0: i32, %arg1: i32, %arg2: memref<10000x128xf32, #tpu.memory_space<hbm>>, %arg3: memref<32x5x25x80xi32, #tpu.memory_space<hbm>>, %arg4: memref<32x5x25x80xi32, #tpu.memory_space<hbm>>, %arg5: memref<640x128xf32, #tpu.memory_space<hbm>>, %arg6: memref<2x10240x128xf32, #tpu.memory_space<hbm>>, %arg7: memref<25x80xi32, #tpu.memory_space<vmem>>, %arg8: memref<25x80xi32, #tpu.memory_space<vmem>>, %arg9: memref<2x80x128xf32, #tpu.memory_space<vmem>>, %arg10: memref<10240x128xf32, #tpu.memory_space<vmem_shared>>, %arg11: memref<!tpu.dma_semaphore, #tpu.memory_space<semaphore_mem>>) attributes {dimension_semantics = [#tpu.dimension_semantics<core_parallel>, #tpu.dimension_semantics<subcore_parallel>], iteration_bounds = array<i64: 2, 16>, scalar_prefetch = 0 : i64, scratch_operands = 5 : i64, tpu.core_type = #tpu.core_type<sc_vector_subcore>, window_params = [{transform_indices = #map}, {transform_indices = #map1}, {transform_indices = #map1}, {transform_indices = #map}, {transform_indices = #map2}]} {
    %mul3A = arith.constant 2 : i32
    %mul3A_0 = arith.muli %arg1, %mul3A : i32
    %add3A = arith.addi %mul3A_0, %arg0 : i32
    %mul3A_1 = arith.constant 640 : i32
    %mul3A_2 = arith.muli %arg1, %mul3A_1 : i32
    "tpu.region"() ({
      %run_scoped3A_105 = tpu.sem_alloc : memref<!tpu.dma_semaphore, #tpu.memory_space<semaphore_mem>>
      %dma_start3A_106 = arith.constant 0 : i32
      %dma_start3A_107 = tpu.memref_slice %arg10[%mul3A_2, %dma_start3A_106] : memref<10240x128xf32, #tpu.memory_space<vmem_shared>> -> memref<640x128xf32, #tpu.memory_space<vmem_shared>>
      tpu.enqueue_dma source(%arg5 : memref<640x128xf32, #tpu.memory_space<hbm>>) target(%dma_start3A_107 : memref<640x128xf32, #tpu.memory_space<vmem_shared>>) target_semaphore(%run_scoped3A_105 : memref<!tpu.dma_semaphore, #tpu.memory_space<semaphore_mem>>)
      %dma_wait3A = arith.constant 0 : i32
      %dma_wait3A_108 = tpu.memref_slice %arg10[%mul3A_2, %dma_wait3A] : memref<10240x128xf32, #tpu.memory_space<vmem_shared>> -> memref<640x128xf32, #tpu.memory_space<vmem_shared>>
      tpu.wait_dma2 semaphore(%run_scoped3A_105 : memref<!tpu.dma_semaphore, #tpu.memory_space<semaphore_mem>>) src(%arg5 : memref<640x128xf32, #tpu.memory_space<hbm>>) dst(%dma_wait3A_108 : memref<640x128xf32, #tpu.memory_space<vmem_shared>>)
      tpu.yield
    }) : () -> ()
    %barrier3A = arith.constant 0 : index
    tpu.barrier barrier_id(%barrier3A)
    %run_scoped3A = arith.constant 0 : i32
    "tpu.region"() ({
      %run_scoped3A_105 = tpu.sem_alloc : memref<!tpu.dma_semaphore, #tpu.memory_space<semaphore_mem>>
      %dma_start3A_106 = arith.constant 0 : i32
      %dma_start3A_107 = arith.constant 0 : i32
      %dma_start3A_108 = arith.constant 0 : i32
      %dma_start3A_109 = tpu.memref_slice %arg3[%add3A, %dma_start3A_106, %dma_start3A_107, %dma_start3A_108] : memref<32x5x25x80xi32, #tpu.memory_space<hbm>> -> memref<1x5x25x80xi32, #tpu.memory_space<hbm>>
      %dma_start3A_110 = tpu.memref_squeeze %dma_start3A_109 : memref<1x5x25x80xi32, #tpu.memory_space<hbm>> -> memref<5x25x80xi32, #tpu.memory_space<hbm>>
      %dma_start3A_111 = arith.constant 0 : i32
      %dma_start3A_112 = arith.constant 0 : i32
      %dma_start3A_113 = tpu.memref_slice %dma_start3A_110[%run_scoped3A, %dma_start3A_111, %dma_start3A_112] : memref<5x25x80xi32, #tpu.memory_space<hbm>> -> memref<1x25x80xi32, #tpu.memory_space<hbm>>
      %dma_start3A_114 = tpu.memref_squeeze %dma_start3A_113 : memref<1x25x80xi32, #tpu.memory_space<hbm>> -> memref<25x80xi32, #tpu.memory_space<hbm>>
      %dma_start3A_115 = arith.constant 0 : i32
      %dma_start3A_116 = arith.constant 0 : i32
      %dma_start3A_117 = arith.constant 0 : i32
      %dma_start3A_118 = tpu.memref_slice %arg3[%add3A, %dma_start3A_115, %dma_start3A_116, %dma_start3A_117] : memref<32x5x25x80xi32, #tpu.memory_space<hbm>> -> memref<1x5x25x80xi32, #tpu.memory_space<hbm>>
      %dma_start3A_119 = tpu.memref_squeeze %dma_start3A_118 : memref<1x5x25x80xi32, #tpu.memory_space<hbm>> -> memref<5x25x80xi32, #tpu.memory_space<hbm>>
      %dma_start3A_120 = arith.constant 0 : i32
      %dma_start3A_121 = arith.constant 0 : i32
      %dma_start3A_122 = tpu.memref_slice %dma_start3A_119[%run_scoped3A, %dma_start3A_120, %dma_start3A_121] : memref<5x25x80xi32, #tpu.memory_space<hbm>> -> memref<1x25x80xi32, #tpu.memory_space<hbm>>
      %dma_start3A_123 = tpu.memref_squeeze %dma_start3A_122 : memref<1x25x80xi32, #tpu.memory_space<hbm>> -> memref<25x80xi32, #tpu.memory_space<hbm>>
      tpu.enqueue_dma source(%dma_start3A_123 : memref<25x80xi32, #tpu.memory_space<hbm>>) target(%arg7 : memref<25x80xi32, #tpu.memory_space<vmem>>) target_semaphore(%run_scoped3A_105 : memref<!tpu.dma_semaphore, #tpu.memory_space<semaphore_mem>>)
      %dma_wait3A = arith.constant 0 : i32
      %dma_wait3A_124 = arith.constant 0 : i32
      %dma_wait3A_125 = arith.constant 0 : i32
      %dma_wait3A_126 = tpu.memref_slice %arg3[%add3A, %dma_wait3A, %dma_wait3A_124, %dma_wait3A_125] : memref<32x5x25x80xi32, #tpu.memory_space<hbm>> -> memref<1x5x25x80xi32, #tpu.memory_space<hbm>>
      %dma_wait3A_127 = tpu.memref_squeeze %dma_wait3A_126 : memref<1x5x25x80xi32, #tpu.memory_space<hbm>> -> memref<5x25x80xi32, #tpu.memory_space<hbm>>
      %dma_wait3A_128 = arith.constant 0 : i32
      %dma_wait3A_129 = arith.constant 0 : i32
      %dma_wait3A_130 = tpu.memref_slice %dma_wait3A_127[%run_scoped3A, %dma_wait3A_128, %dma_wait3A_129] : memref<5x25x80xi32, #tpu.memory_space<hbm>> -> memref<1x25x80xi32, #tpu.memory_space<hbm>>
      %dma_wait3A_131 = tpu.memref_squeeze %dma_wait3A_130 : memref<1x25x80xi32, #tpu.memory_space<hbm>> -> memref<25x80xi32, #tpu.memory_space<hbm>>
      %dma_wait3A_132 = arith.constant 0 : i32
      %dma_wait3A_133 = arith.constant 0 : i32
      %dma_wait3A_134 = arith.constant 0 : i32
      %dma_wait3A_135 = tpu.memref_slice %arg3[%add3A, %dma_wait3A_132, %dma_wait3A_133, %dma_wait3A_134] : memref<32x5x25x80xi32, #tpu.memory_space<hbm>> -> memref<1x5x25x80xi32, #tpu.memory_space<hbm>>
      %dma_wait3A_136 = tpu.memref_squeeze %dma_wait3A_135 : memref<1x5x25x80xi32, #tpu.memory_space<hbm>> -> memref<5x25x80xi32, #tpu.memory_space<hbm>>
      %dma_wait3A_137 = arith.constant 0 : i32
      %dma_wait3A_138 = arith.constant 0 : i32
      %dma_wait3A_139 = tpu.memref_slice %dma_wait3A_136[%run_scoped3A, %dma_wait3A_137, %dma_wait3A_138] : memref<5x25x80xi32, #tpu.memory_space<hbm>> -> memref<1x25x80xi32, #tpu.memory_space<hbm>>
      %dma_wait3A_140 = tpu.memref_squeeze %dma_wait3A_139 : memref<1x25x80xi32, #tpu.memory_space<hbm>> -> memref<25x80xi32, #tpu.memory_space<hbm>>
      tpu.wait_dma2 semaphore(%run_scoped3A_105 : memref<!tpu.dma_semaphore, #tpu.memory_space<semaphore_mem>>) src(%dma_wait3A_140 : memref<25x80xi32, #tpu.memory_space<hbm>>) dst(%arg7 : memref<25x80xi32, #tpu.memory_space<vmem>>)
      tpu.yield
    }) : () -> ()
    %run_scoped3A_3 = arith.constant 0 : i32
    "tpu.region"() ({
      %run_scoped3A_105 = tpu.sem_alloc : memref<!tpu.dma_semaphore, #tpu.memory_space<semaphore_mem>>
      %dma_start3A_106 = arith.constant 0 : i32
      %dma_start3A_107 = arith.constant 0 : i32
      %dma_start3A_108 = arith.constant 0 : i32
      %dma_start3A_109 = tpu.memref_slice %arg4[%add3A, %dma_start3A_106, %dma_start3A_107, %dma_start3A_108] : memref<32x5x25x80xi32, #tpu.memory_space<hbm>> -> memref<1x5x25x80xi32, #tpu.memory_space<hbm>>
      %dma_start3A_110 = tpu.memref_squeeze %dma_start3A_109 : memref<1x5x25x80xi32, #tpu.memory_space<hbm>> -> memref<5x25x80xi32, #tpu.memory_space<hbm>>
      %dma_start3A_111 = arith.constant 0 : i32
      %dma_start3A_112 = arith.constant 0 : i32
      %dma_start3A_113 = tpu.memref_slice %dma_start3A_110[%run_scoped3A_3, %dma_start3A_111, %dma_start3A_112] : memref<5x25x80xi32, #tpu.memory_space<hbm>> -> memref<1x25x80xi32, #tpu.memory_space<hbm>>
      %dma_start3A_114 = tpu.memref_squeeze %dma_start3A_113 : memref<1x25x80xi32, #tpu.memory_space<hbm>> -> memref<25x80xi32, #tpu.memory_space<hbm>>
      %dma_start3A_115 = arith.constant 0 : i32
      %dma_start3A_116 = arith.constant 0 : i32
      %dma_start3A_117 = arith.constant 0 : i32
      %dma_start3A_118 = tpu.memref_slice %arg4[%add3A, %dma_start3A_115, %dma_start3A_116, %dma_start3A_117] : memref<32x5x25x80xi32, #tpu.memory_space<hbm>> -> memref<1x5x25x80xi32, #tpu.memory_space<hbm>>
      %dma_start3A_119 = tpu.memref_squeeze %dma_start3A_118 : memref<1x5x25x80xi32, #tpu.memory_space<hbm>> -> memref<5x25x80xi32, #tpu.memory_space<hbm>>
      %dma_start3A_120 = arith.constant 0 : i32
      %dma_start3A_121 = arith.constant 0 : i32
      %dma_start3A_122 = tpu.memref_slice %dma_start3A_119[%run_scoped3A_3, %dma_start3A_120, %dma_start3A_121] : memref<5x25x80xi32, #tpu.memory_space<hbm>> -> memref<1x25x80xi32, #tpu.memory_space<hbm>>
      %dma_start3A_123 = tpu.memref_squeeze %dma_start3A_122 : memref<1x25x80xi32, #tpu.memory_space<hbm>> -> memref<25x80xi32, #tpu.memory_space<hbm>>
      tpu.enqueue_dma source(%dma_start3A_123 : memref<25x80xi32, #tpu.memory_space<hbm>>) target(%arg8 : memref<25x80xi32, #tpu.memory_space<vmem>>) target_semaphore(%run_scoped3A_105 : memref<!tpu.dma_semaphore, #tpu.memory_space<semaphore_mem>>)
      %dma_wait3A = arith.constant 0 : i32
      %dma_wait3A_124 = arith.constant 0 : i32
      %dma_wait3A_125 = arith.constant 0 : i32
      %dma_wait3A_126 = tpu.memref_slice %arg4[%add3A, %dma_wait3A, %dma_wait3A_124, %dma_wait3A_125] : memref<32x5x25x80xi32, #tpu.memory_space<hbm>> -> memref<1x5x25x80xi32, #tpu.memory_space<hbm>>
      %dma_wait3A_127 = tpu.memref_squeeze %dma_wait3A_126 : memref<1x5x25x80xi32, #tpu.memory_space<hbm>> -> memref<5x25x80xi32, #tpu.memory_space<hbm>>
      %dma_wait3A_128 = arith.constant 0 : i32
      %dma_wait3A_129 = arith.constant 0 : i32
      %dma_wait3A_130 = tpu.memref_slice %dma_wait3A_127[%run_scoped3A_3, %dma_wait3A_128, %dma_wait3A_129] : memref<5x25x80xi32, #tpu.memory_space<hbm>> -> memref<1x25x80xi32, #tpu.memory_space<hbm>>
      %dma_wait3A_131 = tpu.memref_squeeze %dma_wait3A_130 : memref<1x25x80xi32, #tpu.memory_space<hbm>> -> memref<25x80xi32, #tpu.memory_space<hbm>>
      %dma_wait3A_132 = arith.constant 0 : i32
      %dma_wait3A_133 = arith.constant 0 : i32
      %dma_wait3A_134 = arith.constant 0 : i32
      %dma_wait3A_135 = tpu.memref_slice %arg4[%add3A, %dma_wait3A_132, %dma_wait3A_133, %dma_wait3A_134] : memref<32x5x25x80xi32, #tpu.memory_space<hbm>> -> memref<1x5x25x80xi32, #tpu.memory_space<hbm>>
      %dma_wait3A_136 = tpu.memref_squeeze %dma_wait3A_135 : memref<1x5x25x80xi32, #tpu.memory_space<hbm>> -> memref<5x25x80xi32, #tpu.memory_space<hbm>>
      %dma_wait3A_137 = arith.constant 0 : i32
      %dma_wait3A_138 = arith.constant 0 : i32
      %dma_wait3A_139 = tpu.memref_slice %dma_wait3A_136[%run_scoped3A_3, %dma_wait3A_137, %dma_wait3A_138] : memref<5x25x80xi32, #tpu.memory_space<hbm>> -> memref<1x25x80xi32, #tpu.memory_space<hbm>>
      %dma_wait3A_140 = tpu.memref_squeeze %dma_wait3A_139 : memref<1x25x80xi32, #tpu.memory_space<hbm>> -> memref<25x80xi32, #tpu.memory_space<hbm>>
      tpu.wait_dma2 semaphore(%run_scoped3A_105 : memref<!tpu.dma_semaphore, #tpu.memory_space<semaphore_mem>>) src(%dma_wait3A_140 : memref<25x80xi32, #tpu.memory_space<hbm>>) dst(%arg8 : memref<25x80xi32, #tpu.memory_space<vmem>>)
      tpu.yield
    }) : () -> ()
    %dma_start3A = arith.constant 0 : i32
    %dma_start3A_4 = arith.constant 0 : i32
    %dma_start3A_5 = arith.constant 0 : i32
    %dma_start3A_6 = arith.constant 0 : i32
    %dma_start3A_7 = tpu.memref_slice %arg9[%dma_start3A_4, %dma_start3A_5, %dma_start3A_6] : memref<2x80x128xf32, #tpu.memory_space<vmem>> -> memref<1x80x128xf32, #tpu.memory_space<vmem>>
    %dma_start3A_8 = tpu.memref_squeeze %dma_start3A_7 : memref<1x80x128xf32, #tpu.memory_space<vmem>> -> memref<80x128xf32, #tpu.memory_space<vmem>>
    %dma_start3A_9 = arith.constant 0 : i32
    %dma_start3A_10 = tpu.memref_slice %arg7[%dma_start3A, %dma_start3A_9] : memref<25x80xi32, #tpu.memory_space<vmem>> -> memref<1x80xi32, #tpu.memory_space<vmem>>
    %dma_start3A_11 = tpu.memref_squeeze %dma_start3A_10 : memref<1x80xi32, #tpu.memory_space<vmem>> -> memref<80xi32, #tpu.memory_space<vmem>>
    %dma_start3A_12 = arith.constant 0 : i32
    %dma_start3A_13 = arith.constant 0 : i32
    %dma_start3A_14 = tpu.memref_slice %arg2[%dma_start3A_12, %dma_start3A_13] : memref<10000x128xf32, #tpu.memory_space<hbm>> -> memref<10000x128xf32, #tpu.memory_space<hbm>>
    tpu.enqueue_indirect_dma source(%dma_start3A_14 : memref<10000x128xf32, #tpu.memory_space<hbm>>) target(%dma_start3A_8 : memref<80x128xf32, #tpu.memory_space<vmem>>) offsets(%dma_start3A_11 : memref<80xi32, #tpu.memory_space<vmem>>) semaphore(%arg11 : memref<!tpu.dma_semaphore, #tpu.memory_space<semaphore_mem>>)
    %scan3A = arith.constant 0 : i32
    %scan3A_15 = arith.constant 0 : i32
    %scan3A_16 = arith.constant 25 : i32
    %scan3A_17 = arith.addi %scan3A_15, %scan3A_16 : i32
    %scan3A_18 = arith.constant 1 : i32
    scf.for %scan3A_105 = %scan3A_15 to %scan3A_17 step %scan3A_18  : i32 {
      %rem3A = arith.constant 2 : i32
      %rem3A_106 = arith.remsi %scan3A_105, %rem3A : i32
      %add3A_107 = arith.constant 1 : i32
      %add3A_108 = arith.addi %scan3A_105, %add3A_107 : i32
      %lt3A = arith.constant 25 : i32
      %lt3A_109 = arith.cmpi slt, %add3A_108, %lt3A : i32
      %convert_element_type3A = arith.extui %lt3A_109 : i1 to i32
      %cond3A = arith.constant 0 : i32
      %cond3A_110 = arith.cmpi ne, %convert_element_type3A, %cond3A : i32
      scf.if %cond3A_110 {
        %add3A_120 = arith.constant 1 : i32
        %add3A_121 = arith.addi %scan3A_105, %add3A_120 : i32
        %sub3A = arith.constant 1 : i32
        %sub3A_122 = arith.subi %sub3A, %rem3A_106 : i32
        %dma_start3A_123 = arith.constant 0 : i32
        %dma_start3A_124 = arith.constant 0 : i32
        %dma_start3A_125 = tpu.memref_slice %arg9[%sub3A_122, %dma_start3A_123, %dma_start3A_124] : memref<2x80x128xf32, #tpu.memory_space<vmem>> -> memref<1x80x128xf32, #tpu.memory_space<vmem>>
        %dma_start3A_126 = tpu.memref_squeeze %dma_start3A_125 : memref<1x80x128xf32, #tpu.memory_space<vmem>> -> memref<80x128xf32, #tpu.memory_space<vmem>>
        %dma_start3A_127 = arith.constant 0 : i32
        %dma_start3A_128 = tpu.memref_slice %arg7[%add3A_121, %dma_start3A_127] : memref<25x80xi32, #tpu.memory_space<vmem>> -> memref<1x80xi32, #tpu.memory_space<vmem>>
        %dma_start3A_129 = tpu.memref_squeeze %dma_start3A_128 : memref<1x80xi32, #tpu.memory_space<vmem>> -> memref<80xi32, #tpu.memory_space<vmem>>
        %dma_start3A_130 = arith.constant 0 : i32
        %dma_start3A_131 = arith.constant 0 : i32
        %dma_start3A_132 = tpu.memref_slice %arg2[%dma_start3A_130, %dma_start3A_131] : memref<10000x128xf32, #tpu.memory_space<hbm>> -> memref<10000x128xf32, #tpu.memory_space<hbm>>
        tpu.enqueue_indirect_dma source(%dma_start3A_132 : memref<10000x128xf32, #tpu.memory_space<hbm>>) target(%dma_start3A_126 : memref<80x128xf32, #tpu.memory_space<vmem>>) offsets(%dma_start3A_129 : memref<80xi32, #tpu.memory_space<vmem>>) semaphore(%arg11 : memref<!tpu.dma_semaphore, #tpu.memory_space<semaphore_mem>>)
      } else {
      }
      %dma_wait3A = arith.constant 0 : i32
      %dma_wait3A_111 = arith.constant 0 : i32
      %dma_wait3A_112 = tpu.memref_slice %arg9[%rem3A_106, %dma_wait3A, %dma_wait3A_111] : memref<2x80x128xf32, #tpu.memory_space<vmem>> -> memref<1x80x128xf32, #tpu.memory_space<vmem>>
      %dma_wait3A_113 = tpu.memref_squeeze %dma_wait3A_112 : memref<1x80x128xf32, #tpu.memory_space<vmem>> -> memref<80x128xf32, #tpu.memory_space<vmem>>
      %dma_wait3A_114 = arith.constant 0 : i32
      %dma_wait3A_115 = tpu.memref_slice %arg7[%scan3A_105, %dma_wait3A_114] : memref<25x80xi32, #tpu.memory_space<vmem>> -> memref<1x80xi32, #tpu.memory_space<vmem>>
      %dma_wait3A_116 = tpu.memref_squeeze %dma_wait3A_115 : memref<1x80xi32, #tpu.memory_space<vmem>> -> memref<80xi32, #tpu.memory_space<vmem>>
      %dma_wait3A_117 = arith.constant 0 : i32
      %dma_wait3A_118 = arith.constant 0 : i32
      %dma_wait3A_119 = tpu.memref_slice %arg2[%dma_wait3A_117, %dma_wait3A_118] : memref<10000x128xf32, #tpu.memory_space<hbm>> -> memref<10000x128xf32, #tpu.memory_space<hbm>>
      tpu.wait_indirect_dma semaphore(%arg11 : memref<!tpu.dma_semaphore, #tpu.memory_space<semaphore_mem>>) src(%dma_wait3A_119 : memref<10000x128xf32, #tpu.memory_space<hbm>>) dst(%dma_wait3A_113 : memref<80x128xf32, #tpu.memory_space<vmem>>)
      "tpu.region"() ({
        %run_scoped3A_120 = tpu.sem_alloc : memref<!tpu.dma_semaphore, #tpu.memory_space<semaphore_mem>>
        %dma_start3A_121 = arith.constant 0 : i32
        %dma_start3A_122 = arith.constant 0 : i32
        %dma_start3A_123 = tpu.memref_slice %arg9[%rem3A_106, %dma_start3A_121, %dma_start3A_122] : memref<2x80x128xf32, #tpu.memory_space<vmem>> -> memref<1x80x128xf32, #tpu.memory_space<vmem>>
        %dma_start3A_124 = tpu.memref_squeeze %dma_start3A_123 : memref<1x80x128xf32, #tpu.memory_space<vmem>> -> memref<80x128xf32, #tpu.memory_space<vmem>>
        %dma_start3A_125 = arith.constant 0 : i32
        %dma_start3A_126 = tpu.memref_slice %arg8[%scan3A_105, %dma_start3A_125] : memref<25x80xi32, #tpu.memory_space<vmem>> -> memref<1x80xi32, #tpu.memory_space<vmem>>
        %dma_start3A_127 = tpu.memref_squeeze %dma_start3A_126 : memref<1x80xi32, #tpu.memory_space<vmem>> -> memref<80xi32, #tpu.memory_space<vmem>>
        %dma_start3A_128 = arith.constant 0 : i32
        %dma_start3A_129 = arith.constant 0 : i32
        %dma_start3A_130 = tpu.memref_slice %arg10[%dma_start3A_128, %dma_start3A_129] : memref<10240x128xf32, #tpu.memory_space<vmem_shared>> -> memref<10240x128xf32, #tpu.memory_space<vmem_shared>>
        tpu.enqueue_indirect_dma source(%dma_start3A_124 : memref<80x128xf32, #tpu.memory_space<vmem>>) target(%dma_start3A_130 : memref<10240x128xf32, #tpu.memory_space<vmem_shared>>) offsets(%dma_start3A_127 : memref<80xi32, #tpu.memory_space<vmem>>) semaphore(%run_scoped3A_120 : memref<!tpu.dma_semaphore, #tpu.memory_space<semaphore_mem>>) {add = true}
        %dma_wait3A_131 = arith.constant 0 : i32
        %dma_wait3A_132 = arith.constant 0 : i32
        %dma_wait3A_133 = tpu.memref_slice %arg9[%rem3A_106, %dma_wait3A_131, %dma_wait3A_132] : memref<2x80x128xf32, #tpu.memory_space<vmem>> -> memref<1x80x128xf32, #tpu.memory_space<vmem>>
        %dma_wait3A_134 = tpu.memref_squeeze %dma_wait3A_133 : memref<1x80x128xf32, #tpu.memory_space<vmem>> -> memref<80x128xf32, #tpu.memory_space<vmem>>
        %dma_wait3A_135 = arith.constant 0 : i32
        %dma_wait3A_136 = tpu.memref_slice %arg8[%scan3A_105, %dma_wait3A_135] : memref<25x80xi32, #tpu.memory_space<vmem>> -> memref<1x80xi32, #tpu.memory_space<vmem>>
        %dma_wait3A_137 = tpu.memref_squeeze %dma_wait3A_136 : memref<1x80xi32, #tpu.memory_space<vmem>> -> memref<80xi32, #tpu.memory_space<vmem>>
        %dma_wait3A_138 = arith.constant 0 : i32
        %dma_wait3A_139 = arith.constant 0 : i32
        %dma_wait3A_140 = tpu.memref_slice %arg10[%dma_wait3A_138, %dma_wait3A_139] : memref<10240x128xf32, #tpu.memory_space<vmem_shared>> -> memref<10240x128xf32, #tpu.memory_space<vmem_shared>>
        tpu.wait_indirect_dma semaphore(%run_scoped3A_120 : memref<!tpu.dma_semaphore, #tpu.memory_space<semaphore_mem>>) src(%dma_wait3A_134 : memref<80x128xf32, #tpu.memory_space<vmem>>) dst(%dma_wait3A_140 : memref<10240x128xf32, #tpu.memory_space<vmem_shared>>)
        tpu.yield
      }) : () -> ()
    }
    %scan3A_19 = arith.constant 25 : i32
    %run_scoped3A_20 = arith.constant 1 : i32
    "tpu.region"() ({
      %run_scoped3A_105 = tpu.sem_alloc : memref<!tpu.dma_semaphore, #tpu.memory_space<semaphore_mem>>
      %dma_start3A_106 = arith.constant 0 : i32
      %dma_start3A_107 = arith.constant 0 : i32
      %dma_start3A_108 = arith.constant 0 : i32
      %dma_start3A_109 = tpu.memref_slice %arg3[%add3A, %dma_start3A_106, %dma_start3A_107, %dma_start3A_108] : memref<32x5x25x80xi32, #tpu.memory_space<hbm>> -> memref<1x5x25x80xi32, #tpu.memory_space<hbm>>
      %dma_start3A_110 = tpu.memref_squeeze %dma_start3A_109 : memref<1x5x25x80xi32, #tpu.memory_space<hbm>> -> memref<5x25x80xi32, #tpu.memory_space<hbm>>
      %dma_start3A_111 = arith.constant 0 : i32
      %dma_start3A_112 = arith.constant 0 : i32
      %dma_start3A_113 = tpu.memref_slice %dma_start3A_110[%run_scoped3A_20, %dma_start3A_111, %dma_start3A_112] : memref<5x25x80xi32, #tpu.memory_space<hbm>> -> memref<1x25x80xi32, #tpu.memory_space<hbm>>
      %dma_start3A_114 = tpu.memref_squeeze %dma_start3A_113 : memref<1x25x80xi32, #tpu.memory_space<hbm>> -> memref<25x80xi32, #tpu.memory_space<hbm>>
      %dma_start3A_115 = arith.constant 0 : i32
      %dma_start3A_116 = arith.constant 0 : i32
      %dma_start3A_117 = arith.constant 0 : i32
      %dma_start3A_118 = tpu.memref_slice %arg3[%add3A, %dma_start3A_115, %dma_start3A_116, %dma_start3A_117] : memref<32x5x25x80xi32, #tpu.memory_space<hbm>> -> memref<1x5x25x80xi32, #tpu.memory_space<hbm>>
      %dma_start3A_119 = tpu.memref_squeeze %dma_start3A_118 : memref<1x5x25x80xi32, #tpu.memory_space<hbm>> -> memref<5x25x80xi32, #tpu.memory_space<hbm>>
      %dma_start3A_120 = arith.constant 0 : i32
      %dma_start3A_121 = arith.constant 0 : i32
      %dma_start3A_122 = tpu.memref_slice %dma_start3A_119[%run_scoped3A_20, %dma_start3A_120, %dma_start3A_121] : memref<5x25x80xi32, #tpu.memory_space<hbm>> -> memref<1x25x80xi32, #tpu.memory_space<hbm>>
      %dma_start3A_123 = tpu.memref_squeeze %dma_start3A_122 : memref<1x25x80xi32, #tpu.memory_space<hbm>> -> memref<25x80xi32, #tpu.memory_space<hbm>>
      tpu.enqueue_dma source(%dma_start3A_123 : memref<25x80xi32, #tpu.memory_space<hbm>>) target(%arg7 : memref<25x80xi32, #tpu.memory_space<vmem>>) target_semaphore(%run_scoped3A_105 : memref<!tpu.dma_semaphore, #tpu.memory_space<semaphore_mem>>)
      %dma_wait3A = arith.constant 0 : i32
      %dma_wait3A_124 = arith.constant 0 : i32
      %dma_wait3A_125 = arith.constant 0 : i32
      %dma_wait3A_126 = tpu.memref_slice %arg3[%add3A, %dma_wait3A, %dma_wait3A_124, %dma_wait3A_125] : memref<32x5x25x80xi32, #tpu.memory_space<hbm>> -> memref<1x5x25x80xi32, #tpu.memory_space<hbm>>
      %dma_wait3A_127 = tpu.memref_squeeze %dma_wait3A_126 : memref<1x5x25x80xi32, #tpu.memory_space<hbm>> -> memref<5x25x80xi32, #tpu.memory_space<hbm>>
      %dma_wait3A_128 = arith.constant 0 : i32
      %dma_wait3A_129 = arith.constant 0 : i32
      %dma_wait3A_130 = tpu.memref_slice %dma_wait3A_127[%run_scoped3A_20, %dma_wait3A_128, %dma_wait3A_129] : memref<5x25x80xi32, #tpu.memory_space<hbm>> -> memref<1x25x80xi32, #tpu.memory_space<hbm>>
      %dma_wait3A_131 = tpu.memref_squeeze %dma_wait3A_130 : memref<1x25x80xi32, #tpu.memory_space<hbm>> -> memref<25x80xi32, #tpu.memory_space<hbm>>
      %dma_wait3A_132 = arith.constant 0 : i32
      %dma_wait3A_133 = arith.constant 0 : i32
      %dma_wait3A_134 = arith.constant 0 : i32
      %dma_wait3A_135 = tpu.memref_slice %arg3[%add3A, %dma_wait3A_132, %dma_wait3A_133, %dma_wait3A_134] : memref<32x5x25x80xi32, #tpu.memory_space<hbm>> -> memref<1x5x25x80xi32, #tpu.memory_space<hbm>>
      %dma_wait3A_136 = tpu.memref_squeeze %dma_wait3A_135 : memref<1x5x25x80xi32, #tpu.memory_space<hbm>> -> memref<5x25x80xi32, #tpu.memory_space<hbm>>
      %dma_wait3A_137 = arith.constant 0 : i32
      %dma_wait3A_138 = arith.constant 0 : i32
      %dma_wait3A_139 = tpu.memref_slice %dma_wait3A_136[%run_scoped3A_20, %dma_wait3A_137, %dma_wait3A_138] : memref<5x25x80xi32, #tpu.memory_space<hbm>> -> memref<1x25x80xi32, #tpu.memory_space<hbm>>
      %dma_wait3A_140 = tpu.memref_squeeze %dma_wait3A_139 : memref<1x25x80xi32, #tpu.memory_space<hbm>> -> memref<25x80xi32, #tpu.memory_space<hbm>>
      tpu.wait_dma2 semaphore(%run_scoped3A_105 : memref<!tpu.dma_semaphore, #tpu.memory_space<semaphore_mem>>) src(%dma_wait3A_140 : memref<25x80xi32, #tpu.memory_space<hbm>>) dst(%arg7 : memref<25x80xi32, #tpu.memory_space<vmem>>)
      tpu.yield
    }) : () -> ()
    %run_scoped3A_21 = arith.constant 1 : i32
    "tpu.region"() ({
      %run_scoped3A_105 = tpu.sem_alloc : memref<!tpu.dma_semaphore, #tpu.memory_space<semaphore_mem>>
      %dma_start3A_106 = arith.constant 0 : i32
      %dma_start3A_107 = arith.constant 0 : i32
      %dma_start3A_108 = arith.constant 0 : i32
      %dma_start3A_109 = tpu.memref_slice %arg4[%add3A, %dma_start3A_106, %dma_start3A_107, %dma_start3A_108] : memref<32x5x25x80xi32, #tpu.memory_space<hbm>> -> memref<1x5x25x80xi32, #tpu.memory_space<hbm>>
      %dma_start3A_110 = tpu.memref_squeeze %dma_start3A_109 : memref<1x5x25x80xi32, #tpu.memory_space<hbm>> -> memref<5x25x80xi32, #tpu.memory_space<hbm>>
      %dma_start3A_111 = arith.constant 0 : i32
      %dma_start3A_112 = arith.constant 0 : i32
      %dma_start3A_113 = tpu.memref_slice %dma_start3A_110[%run_scoped3A_21, %dma_start3A_111, %dma_start3A_112] : memref<5x25x80xi32, #tpu.memory_space<hbm>> -> memref<1x25x80xi32, #tpu.memory_space<hbm>>
      %dma_start3A_114 = tpu.memref_squeeze %dma_start3A_113 : memref<1x25x80xi32, #tpu.memory_space<hbm>> -> memref<25x80xi32, #tpu.memory_space<hbm>>
      %dma_start3A_115 = arith.constant 0 : i32
      %dma_start3A_116 = arith.constant 0 : i32
      %dma_start3A_117 = arith.constant 0 : i32
      %dma_start3A_118 = tpu.memref_slice %arg4[%add3A, %dma_start3A_115, %dma_start3A_116, %dma_start3A_117] : memref<32x5x25x80xi32, #tpu.memory_space<hbm>> -> memref<1x5x25x80xi32, #tpu.memory_space<hbm>>
      %dma_start3A_119 = tpu.memref_squeeze %dma_start3A_118 : memref<1x5x25x80xi32, #tpu.memory_space<hbm>> -> memref<5x25x80xi32, #tpu.memory_space<hbm>>
      %dma_start3A_120 = arith.constant 0 : i32
      %dma_start3A_121 = arith.constant 0 : i32
      %dma_start3A_122 = tpu.memref_slice %dma_start3A_119[%run_scoped3A_21, %dma_start3A_120, %dma_start3A_121] : memref<5x25x80xi32, #tpu.memory_space<hbm>> -> memref<1x25x80xi32, #tpu.memory_space<hbm>>
      %dma_start3A_123 = tpu.memref_squeeze %dma_start3A_122 : memref<1x25x80xi32, #tpu.memory_space<hbm>> -> memref<25x80xi32, #tpu.memory_space<hbm>>
      tpu.enqueue_dma source(%dma_start3A_123 : memref<25x80xi32, #tpu.memory_space<hbm>>) target(%arg8 : memref<25x80xi32, #tpu.memory_space<vmem>>) target_semaphore(%run_scoped3A_105 : memref<!tpu.dma_semaphore, #tpu.memory_space<semaphore_mem>>)
      %dma_wait3A = arith.constant 0 : i32
      %dma_wait3A_124 = arith.constant 0 : i32
      %dma_wait3A_125 = arith.constant 0 : i32
      %dma_wait3A_126 = tpu.memref_slice %arg4[%add3A, %dma_wait3A, %dma_wait3A_124, %dma_wait3A_125] : memref<32x5x25x80xi32, #tpu.memory_space<hbm>> -> memref<1x5x25x80xi32, #tpu.memory_space<hbm>>
      %dma_wait3A_127 = tpu.memref_squeeze %dma_wait3A_126 : memref<1x5x25x80xi32, #tpu.memory_space<hbm>> -> memref<5x25x80xi32, #tpu.memory_space<hbm>>
      %dma_wait3A_128 = arith.constant 0 : i32
      %dma_wait3A_129 = arith.constant 0 : i32
      %dma_wait3A_130 = tpu.memref_slice %dma_wait3A_127[%run_scoped3A_21, %dma_wait3A_128, %dma_wait3A_129] : memref<5x25x80xi32, #tpu.memory_space<hbm>> -> memref<1x25x80xi32, #tpu.memory_space<hbm>>
      %dma_wait3A_131 = tpu.memref_squeeze %dma_wait3A_130 : memref<1x25x80xi32, #tpu.memory_space<hbm>> -> memref<25x80xi32, #tpu.memory_space<hbm>>
      %dma_wait3A_132 = arith.constant 0 : i32
      %dma_wait3A_133 = arith.constant 0 : i32
      %dma_wait3A_134 = arith.constant 0 : i32
      %dma_wait3A_135 = tpu.memref_slice %arg4[%add3A, %dma_wait3A_132, %dma_wait3A_133, %dma_wait3A_134] : memref<32x5x25x80xi32, #tpu.memory_space<hbm>> -> memref<1x5x25x80xi32, #tpu.memory_space<hbm>>
      %dma_wait3A_136 = tpu.memref_squeeze %dma_wait3A_135 : memref<1x5x25x80xi32, #tpu.memory_space<hbm>> -> memref<5x25x80xi32, #tpu.memory_space<hbm>>
      %dma_wait3A_137 = arith.constant 0 : i32
      %dma_wait3A_138 = arith.constant 0 : i32
      %dma_wait3A_139 = tpu.memref_slice %dma_wait3A_136[%run_scoped3A_21, %dma_wait3A_137, %dma_wait3A_138] : memref<5x25x80xi32, #tpu.memory_space<hbm>> -> memref<1x25x80xi32, #tpu.memory_space<hbm>>
      %dma_wait3A_140 = tpu.memref_squeeze %dma_wait3A_139 : memref<1x25x80xi32, #tpu.memory_space<hbm>> -> memref<25x80xi32, #tpu.memory_space<hbm>>
      tpu.wait_dma2 semaphore(%run_scoped3A_105 : memref<!tpu.dma_semaphore, #tpu.memory_space<semaphore_mem>>) src(%dma_wait3A_140 : memref<25x80xi32, #tpu.memory_space<hbm>>) dst(%arg8 : memref<25x80xi32, #tpu.memory_space<vmem>>)
      tpu.yield
    }) : () -> ()
    %dma_start3A_22 = arith.constant 0 : i32
    %dma_start3A_23 = arith.constant 0 : i32
    %dma_start3A_24 = arith.constant 0 : i32
    %dma_start3A_25 = arith.constant 0 : i32
    %dma_start3A_26 = tpu.memref_slice %arg9[%dma_start3A_23, %dma_start3A_24, %dma_start3A_25] : memref<2x80x128xf32, #tpu.memory_space<vmem>> -> memref<1x80x128xf32, #tpu.memory_space<vmem>>
    %dma_start3A_27 = tpu.memref_squeeze %dma_start3A_26 : memref<1x80x128xf32, #tpu.memory_space<vmem>> -> memref<80x128xf32, #tpu.memory_space<vmem>>
    %dma_start3A_28 = arith.constant 0 : i32
    %dma_start3A_29 = tpu.memref_slice %arg7[%dma_start3A_22, %dma_start3A_28] : memref<25x80xi32, #tpu.memory_space<vmem>> -> memref<1x80xi32, #tpu.memory_space<vmem>>
    %dma_start3A_30 = tpu.memref_squeeze %dma_start3A_29 : memref<1x80xi32, #tpu.memory_space<vmem>> -> memref<80xi32, #tpu.memory_space<vmem>>
    %dma_start3A_31 = arith.constant 0 : i32
    %dma_start3A_32 = arith.constant 0 : i32
    %dma_start3A_33 = tpu.memref_slice %arg2[%dma_start3A_31, %dma_start3A_32] : memref<10000x128xf32, #tpu.memory_space<hbm>> -> memref<10000x128xf32, #tpu.memory_space<hbm>>
    tpu.enqueue_indirect_dma source(%dma_start3A_33 : memref<10000x128xf32, #tpu.memory_space<hbm>>) target(%dma_start3A_27 : memref<80x128xf32, #tpu.memory_space<vmem>>) offsets(%dma_start3A_30 : memref<80xi32, #tpu.memory_space<vmem>>) semaphore(%arg11 : memref<!tpu.dma_semaphore, #tpu.memory_space<semaphore_mem>>)
    %scan3A_34 = arith.constant 0 : i32
    %scan3A_35 = arith.constant 0 : i32
    %scan3A_36 = arith.constant 25 : i32
    %scan3A_37 = arith.addi %scan3A_35, %scan3A_36 : i32
    %scan3A_38 = arith.constant 1 : i32
    scf.for %scan3A_105 = %scan3A_35 to %scan3A_37 step %scan3A_38  : i32 {
      %rem3A = arith.constant 2 : i32
      %rem3A_106 = arith.remsi %scan3A_105, %rem3A : i32
      %add3A_107 = arith.constant 1 : i32
      %add3A_108 = arith.addi %scan3A_105, %add3A_107 : i32
      %lt3A = arith.constant 25 : i32
      %lt3A_109 = arith.cmpi slt, %add3A_108, %lt3A : i32
      %convert_element_type3A = arith.extui %lt3A_109 : i1 to i32
      %cond3A = arith.constant 0 : i32
      %cond3A_110 = arith.cmpi ne, %convert_element_type3A, %cond3A : i32
      scf.if %cond3A_110 {
        %add3A_120 = arith.constant 1 : i32
        %add3A_121 = arith.addi %scan3A_105, %add3A_120 : i32
        %sub3A = arith.constant 1 : i32
        %sub3A_122 = arith.subi %sub3A, %rem3A_106 : i32
        %dma_start3A_123 = arith.constant 0 : i32
        %dma_start3A_124 = arith.constant 0 : i32
        %dma_start3A_125 = tpu.memref_slice %arg9[%sub3A_122, %dma_start3A_123, %dma_start3A_124] : memref<2x80x128xf32, #tpu.memory_space<vmem>> -> memref<1x80x128xf32, #tpu.memory_space<vmem>>
        %dma_start3A_126 = tpu.memref_squeeze %dma_start3A_125 : memref<1x80x128xf32, #tpu.memory_space<vmem>> -> memref<80x128xf32, #tpu.memory_space<vmem>>
        %dma_start3A_127 = arith.constant 0 : i32
        %dma_start3A_128 = tpu.memref_slice %arg7[%add3A_121, %dma_start3A_127] : memref<25x80xi32, #tpu.memory_space<vmem>> -> memref<1x80xi32, #tpu.memory_space<vmem>>
        %dma_start3A_129 = tpu.memref_squeeze %dma_start3A_128 : memref<1x80xi32, #tpu.memory_space<vmem>> -> memref<80xi32, #tpu.memory_space<vmem>>
        %dma_start3A_130 = arith.constant 0 : i32
        %dma_start3A_131 = arith.constant 0 : i32
        %dma_start3A_132 = tpu.memref_slice %arg2[%dma_start3A_130, %dma_start3A_131] : memref<10000x128xf32, #tpu.memory_space<hbm>> -> memref<10000x128xf32, #tpu.memory_space<hbm>>
        tpu.enqueue_indirect_dma source(%dma_start3A_132 : memref<10000x128xf32, #tpu.memory_space<hbm>>) target(%dma_start3A_126 : memref<80x128xf32, #tpu.memory_space<vmem>>) offsets(%dma_start3A_129 : memref<80xi32, #tpu.memory_space<vmem>>) semaphore(%arg11 : memref<!tpu.dma_semaphore, #tpu.memory_space<semaphore_mem>>)
      } else {
      }
      %dma_wait3A = arith.constant 0 : i32
      %dma_wait3A_111 = arith.constant 0 : i32
      %dma_wait3A_112 = tpu.memref_slice %arg9[%rem3A_106, %dma_wait3A, %dma_wait3A_111] : memref<2x80x128xf32, #tpu.memory_space<vmem>> -> memref<1x80x128xf32, #tpu.memory_space<vmem>>
      %dma_wait3A_113 = tpu.memref_squeeze %dma_wait3A_112 : memref<1x80x128xf32, #tpu.memory_space<vmem>> -> memref<80x128xf32, #tpu.memory_space<vmem>>
      %dma_wait3A_114 = arith.constant 0 : i32
      %dma_wait3A_115 = tpu.memref_slice %arg7[%scan3A_105, %dma_wait3A_114] : memref<25x80xi32, #tpu.memory_space<vmem>> -> memref<1x80xi32, #tpu.memory_space<vmem>>
      %dma_wait3A_116 = tpu.memref_squeeze %dma_wait3A_115 : memref<1x80xi32, #tpu.memory_space<vmem>> -> memref<80xi32, #tpu.memory_space<vmem>>
      %dma_wait3A_117 = arith.constant 0 : i32
      %dma_wait3A_118 = arith.constant 0 : i32
      %dma_wait3A_119 = tpu.memref_slice %arg2[%dma_wait3A_117, %dma_wait3A_118] : memref<10000x128xf32, #tpu.memory_space<hbm>> -> memref<10000x128xf32, #tpu.memory_space<hbm>>
      tpu.wait_indirect_dma semaphore(%arg11 : memref<!tpu.dma_semaphore, #tpu.memory_space<semaphore_mem>>) src(%dma_wait3A_119 : memref<10000x128xf32, #tpu.memory_space<hbm>>) dst(%dma_wait3A_113 : memref<80x128xf32, #tpu.memory_space<vmem>>)
      "tpu.region"() ({
        %run_scoped3A_120 = tpu.sem_alloc : memref<!tpu.dma_semaphore, #tpu.memory_space<semaphore_mem>>
        %dma_start3A_121 = arith.constant 0 : i32
        %dma_start3A_122 = arith.constant 0 : i32
        %dma_start3A_123 = tpu.memref_slice %arg9[%rem3A_106, %dma_start3A_121, %dma_start3A_122] : memref<2x80x128xf32, #tpu.memory_space<vmem>> -> memref<1x80x128xf32, #tpu.memory_space<vmem>>
        %dma_start3A_124 = tpu.memref_squeeze %dma_start3A_123 : memref<1x80x128xf32, #tpu.memory_space<vmem>> -> memref<80x128xf32, #tpu.memory_space<vmem>>
        %dma_start3A_125 = arith.constant 0 : i32
        %dma_start3A_126 = tpu.memref_slice %arg8[%scan3A_105, %dma_start3A_125] : memref<25x80xi32, #tpu.memory_space<vmem>> -> memref<1x80xi32, #tpu.memory_space<vmem>>
        %dma_start3A_127 = tpu.memref_squeeze %dma_start3A_126 : memref<1x80xi32, #tpu.memory_space<vmem>> -> memref<80xi32, #tpu.memory_space<vmem>>
        %dma_start3A_128 = arith.constant 0 : i32
        %dma_start3A_129 = arith.constant 0 : i32
        %dma_start3A_130 = tpu.memref_slice %arg10[%dma_start3A_128, %dma_start3A_129] : memref<10240x128xf32, #tpu.memory_space<vmem_shared>> -> memref<10240x128xf32, #tpu.memory_space<vmem_shared>>
        tpu.enqueue_indirect_dma source(%dma_start3A_124 : memref<80x128xf32, #tpu.memory_space<vmem>>) target(%dma_start3A_130 : memref<10240x128xf32, #tpu.memory_space<vmem_shared>>) offsets(%dma_start3A_127 : memref<80xi32, #tpu.memory_space<vmem>>) semaphore(%run_scoped3A_120 : memref<!tpu.dma_semaphore, #tpu.memory_space<semaphore_mem>>) {add = true}
        %dma_wait3A_131 = arith.constant 0 : i32
        %dma_wait3A_132 = arith.constant 0 : i32
        %dma_wait3A_133 = tpu.memref_slice %arg9[%rem3A_106, %dma_wait3A_131, %dma_wait3A_132] : memref<2x80x128xf32, #tpu.memory_space<vmem>> -> memref<1x80x128xf32, #tpu.memory_space<vmem>>
        %dma_wait3A_134 = tpu.memref_squeeze %dma_wait3A_133 : memref<1x80x128xf32, #tpu.memory_space<vmem>> -> memref<80x128xf32, #tpu.memory_space<vmem>>
        %dma_wait3A_135 = arith.constant 0 : i32
        %dma_wait3A_136 = tpu.memref_slice %arg8[%scan3A_105, %dma_wait3A_135] : memref<25x80xi32, #tpu.memory_space<vmem>> -> memref<1x80xi32, #tpu.memory_space<vmem>>
        %dma_wait3A_137 = tpu.memref_squeeze %dma_wait3A_136 : memref<1x80xi32, #tpu.memory_space<vmem>> -> memref<80xi32, #tpu.memory_space<vmem>>
        %dma_wait3A_138 = arith.constant 0 : i32
        %dma_wait3A_139 = arith.constant 0 : i32
        %dma_wait3A_140 = tpu.memref_slice %arg10[%dma_wait3A_138, %dma_wait3A_139] : memref<10240x128xf32, #tpu.memory_space<vmem_shared>> -> memref<10240x128xf32, #tpu.memory_space<vmem_shared>>
        tpu.wait_indirect_dma semaphore(%run_scoped3A_120 : memref<!tpu.dma_semaphore, #tpu.memory_space<semaphore_mem>>) src(%dma_wait3A_134 : memref<80x128xf32, #tpu.memory_space<vmem>>) dst(%dma_wait3A_140 : memref<10240x128xf32, #tpu.memory_space<vmem_shared>>)
        tpu.yield
      }) : () -> ()
    }
    %scan3A_39 = arith.constant 25 : i32
    %run_scoped3A_40 = arith.constant 2 : i32
    "tpu.region"() ({
      %run_scoped3A_105 = tpu.sem_alloc : memref<!tpu.dma_semaphore, #tpu.memory_space<semaphore_mem>>
      %dma_start3A_106 = arith.constant 0 : i32
      %dma_start3A_107 = arith.constant 0 : i32
      %dma_start3A_108 = arith.constant 0 : i32
      %dma_start3A_109 = tpu.memref_slice %arg3[%add3A, %dma_start3A_106, %dma_start3A_107, %dma_start3A_108] : memref<32x5x25x80xi32, #tpu.memory_space<hbm>> -> memref<1x5x25x80xi32, #tpu.memory_space<hbm>>
      %dma_start3A_110 = tpu.memref_squeeze %dma_start3A_109 : memref<1x5x25x80xi32, #tpu.memory_space<hbm>> -> memref<5x25x80xi32, #tpu.memory_space<hbm>>
      %dma_start3A_111 = arith.constant 0 : i32
      %dma_start3A_112 = arith.constant 0 : i32
      %dma_start3A_113 = tpu.memref_slice %dma_start3A_110[%run_scoped3A_40, %dma_start3A_111, %dma_start3A_112] : memref<5x25x80xi32, #tpu.memory_space<hbm>> -> memref<1x25x80xi32, #tpu.memory_space<hbm>>
      %dma_start3A_114 = tpu.memref_squeeze %dma_start3A_113 : memref<1x25x80xi32, #tpu.memory_space<hbm>> -> memref<25x80xi32, #tpu.memory_space<hbm>>
      %dma_start3A_115 = arith.constant 0 : i32
      %dma_start3A_116 = arith.constant 0 : i32
      %dma_start3A_117 = arith.constant 0 : i32
      %dma_start3A_118 = tpu.memref_slice %arg3[%add3A, %dma_start3A_115, %dma_start3A_116, %dma_start3A_117] : memref<32x5x25x80xi32, #tpu.memory_space<hbm>> -> memref<1x5x25x80xi32, #tpu.memory_space<hbm>>
      %dma_start3A_119 = tpu.memref_squeeze %dma_start3A_118 : memref<1x5x25x80xi32, #tpu.memory_space<hbm>> -> memref<5x25x80xi32, #tpu.memory_space<hbm>>
      %dma_start3A_120 = arith.constant 0 : i32
      %dma_start3A_121 = arith.constant 0 : i32
      %dma_start3A_122 = tpu.memref_slice %dma_start3A_119[%run_scoped3A_40, %dma_start3A_120, %dma_start3A_121] : memref<5x25x80xi32, #tpu.memory_space<hbm>> -> memref<1x25x80xi32, #tpu.memory_space<hbm>>
      %dma_start3A_123 = tpu.memref_squeeze %dma_start3A_122 : memref<1x25x80xi32, #tpu.memory_space<hbm>> -> memref<25x80xi32, #tpu.memory_space<hbm>>
      tpu.enqueue_dma source(%dma_start3A_123 : memref<25x80xi32, #tpu.memory_space<hbm>>) target(%arg7 : memref<25x80xi32, #tpu.memory_space<vmem>>) target_semaphore(%run_scoped3A_105 : memref<!tpu.dma_semaphore, #tpu.memory_space<semaphore_mem>>)
      %dma_wait3A = arith.constant 0 : i32
      %dma_wait3A_124 = arith.constant 0 : i32
      %dma_wait3A_125 = arith.constant 0 : i32
      %dma_wait3A_126 = tpu.memref_slice %arg3[%add3A, %dma_wait3A, %dma_wait3A_124, %dma_wait3A_125] : memref<32x5x25x80xi32, #tpu.memory_space<hbm>> -> memref<1x5x25x80xi32, #tpu.memory_space<hbm>>
      %dma_wait3A_127 = tpu.memref_squeeze %dma_wait3A_126 : memref<1x5x25x80xi32, #tpu.memory_space<hbm>> -> memref<5x25x80xi32, #tpu.memory_space<hbm>>
      %dma_wait3A_128 = arith.constant 0 : i32
      %dma_wait3A_129 = arith.constant 0 : i32
      %dma_wait3A_130 = tpu.memref_slice %dma_wait3A_127[%run_scoped3A_40, %dma_wait3A_128, %dma_wait3A_129] : memref<5x25x80xi32, #tpu.memory_space<hbm>> -> memref<1x25x80xi32, #tpu.memory_space<hbm>>
      %dma_wait3A_131 = tpu.memref_squeeze %dma_wait3A_130 : memref<1x25x80xi32, #tpu.memory_space<hbm>> -> memref<25x80xi32, #tpu.memory_space<hbm>>
      %dma_wait3A_132 = arith.constant 0 : i32
      %dma_wait3A_133 = arith.constant 0 : i32
      %dma_wait3A_134 = arith.constant 0 : i32
      %dma_wait3A_135 = tpu.memref_slice %arg3[%add3A, %dma_wait3A_132, %dma_wait3A_133, %dma_wait3A_134] : memref<32x5x25x80xi32, #tpu.memory_space<hbm>> -> memref<1x5x25x80xi32, #tpu.memory_space<hbm>>
      %dma_wait3A_136 = tpu.memref_squeeze %dma_wait3A_135 : memref<1x5x25x80xi32, #tpu.memory_space<hbm>> -> memref<5x25x80xi32, #tpu.memory_space<hbm>>
      %dma_wait3A_137 = arith.constant 0 : i32
      %dma_wait3A_138 = arith.constant 0 : i32
      %dma_wait3A_139 = tpu.memref_slice %dma_wait3A_136[%run_scoped3A_40, %dma_wait3A_137, %dma_wait3A_138] : memref<5x25x80xi32, #tpu.memory_space<hbm>> -> memref<1x25x80xi32, #tpu.memory_space<hbm>>
      %dma_wait3A_140 = tpu.memref_squeeze %dma_wait3A_139 : memref<1x25x80xi32, #tpu.memory_space<hbm>> -> memref<25x80xi32, #tpu.memory_space<hbm>>
      tpu.wait_dma2 semaphore(%run_scoped3A_105 : memref<!tpu.dma_semaphore, #tpu.memory_space<semaphore_mem>>) src(%dma_wait3A_140 : memref<25x80xi32, #tpu.memory_space<hbm>>) dst(%arg7 : memref<25x80xi32, #tpu.memory_space<vmem>>)
      tpu.yield
    }) : () -> ()
    %run_scoped3A_41 = arith.constant 2 : i32
    "tpu.region"() ({
      %run_scoped3A_105 = tpu.sem_alloc : memref<!tpu.dma_semaphore, #tpu.memory_space<semaphore_mem>>
      %dma_start3A_106 = arith.constant 0 : i32
      %dma_start3A_107 = arith.constant 0 : i32
      %dma_start3A_108 = arith.constant 0 : i32
      %dma_start3A_109 = tpu.memref_slice %arg4[%add3A, %dma_start3A_106, %dma_start3A_107, %dma_start3A_108] : memref<32x5x25x80xi32, #tpu.memory_space<hbm>> -> memref<1x5x25x80xi32, #tpu.memory_space<hbm>>
      %dma_start3A_110 = tpu.memref_squeeze %dma_start3A_109 : memref<1x5x25x80xi32, #tpu.memory_space<hbm>> -> memref<5x25x80xi32, #tpu.memory_space<hbm>>
      %dma_start3A_111 = arith.constant 0 : i32
      %dma_start3A_112 = arith.constant 0 : i32
      %dma_start3A_113 = tpu.memref_slice %dma_start3A_110[%run_scoped3A_41, %dma_start3A_111, %dma_start3A_112] : memref<5x25x80xi32, #tpu.memory_space<hbm>> -> memref<1x25x80xi32, #tpu.memory_space<hbm>>
      %dma_start3A_114 = tpu.memref_squeeze %dma_start3A_113 : memref<1x25x80xi32, #tpu.memory_space<hbm>> -> memref<25x80xi32, #tpu.memory_space<hbm>>
      %dma_start3A_115 = arith.constant 0 : i32
      %dma_start3A_116 = arith.constant 0 : i32
      %dma_start3A_117 = arith.constant 0 : i32
      %dma_start3A_118 = tpu.memref_slice %arg4[%add3A, %dma_start3A_115, %dma_start3A_116, %dma_start3A_117] : memref<32x5x25x80xi32, #tpu.memory_space<hbm>> -> memref<1x5x25x80xi32, #tpu.memory_space<hbm>>
      %dma_start3A_119 = tpu.memref_squeeze %dma_start3A_118 : memref<1x5x25x80xi32, #tpu.memory_space<hbm>> -> memref<5x25x80xi32, #tpu.memory_space<hbm>>
      %dma_start3A_120 = arith.constant 0 : i32
      %dma_start3A_121 = arith.constant 0 : i32
      %dma_start3A_122 = tpu.memref_slice %dma_start3A_119[%run_scoped3A_41, %dma_start3A_120, %dma_start3A_121] : memref<5x25x80xi32, #tpu.memory_space<hbm>> -> memref<1x25x80xi32, #tpu.memory_space<hbm>>
      %dma_start3A_123 = tpu.memref_squeeze %dma_start3A_122 : memref<1x25x80xi32, #tpu.memory_space<hbm>> -> memref<25x80xi32, #tpu.memory_space<hbm>>
      tpu.enqueue_dma source(%dma_start3A_123 : memref<25x80xi32, #tpu.memory_space<hbm>>) target(%arg8 : memref<25x80xi32, #tpu.memory_space<vmem>>) target_semaphore(%run_scoped3A_105 : memref<!tpu.dma_semaphore, #tpu.memory_space<semaphore_mem>>)
      %dma_wait3A = arith.constant 0 : i32
      %dma_wait3A_124 = arith.constant 0 : i32
      %dma_wait3A_125 = arith.constant 0 : i32
      %dma_wait3A_126 = tpu.memref_slice %arg4[%add3A, %dma_wait3A, %dma_wait3A_124, %dma_wait3A_125] : memref<32x5x25x80xi32, #tpu.memory_space<hbm>> -> memref<1x5x25x80xi32, #tpu.memory_space<hbm>>
      %dma_wait3A_127 = tpu.memref_squeeze %dma_wait3A_126 : memref<1x5x25x80xi32, #tpu.memory_space<hbm>> -> memref<5x25x80xi32, #tpu.memory_space<hbm>>
      %dma_wait3A_128 = arith.constant 0 : i32
      %dma_wait3A_129 = arith.constant 0 : i32
      %dma_wait3A_130 = tpu.memref_slice %dma_wait3A_127[%run_scoped3A_41, %dma_wait3A_128, %dma_wait3A_129] : memref<5x25x80xi32, #tpu.memory_space<hbm>> -> memref<1x25x80xi32, #tpu.memory_space<hbm>>
      %dma_wait3A_131 = tpu.memref_squeeze %dma_wait3A_130 : memref<1x25x80xi32, #tpu.memory_space<hbm>> -> memref<25x80xi32, #tpu.memory_space<hbm>>
      %dma_wait3A_132 = arith.constant 0 : i32
      %dma_wait3A_133 = arith.constant 0 : i32
      %dma_wait3A_134 = arith.constant 0 : i32
      %dma_wait3A_135 = tpu.memref_slice %arg4[%add3A, %dma_wait3A_132, %dma_wait3A_133, %dma_wait3A_134] : memref<32x5x25x80xi32, #tpu.memory_space<hbm>> -> memref<1x5x25x80xi32, #tpu.memory_space<hbm>>
      %dma_wait3A_136 = tpu.memref_squeeze %dma_wait3A_135 : memref<1x5x25x80xi32, #tpu.memory_space<hbm>> -> memref<5x25x80xi32, #tpu.memory_space<hbm>>
      %dma_wait3A_137 = arith.constant 0 : i32
      %dma_wait3A_138 = arith.constant 0 : i32
      %dma_wait3A_139 = tpu.memref_slice %dma_wait3A_136[%run_scoped3A_41, %dma_wait3A_137, %dma_wait3A_138] : memref<5x25x80xi32, #tpu.memory_space<hbm>> -> memref<1x25x80xi32, #tpu.memory_space<hbm>>
      %dma_wait3A_140 = tpu.memref_squeeze %dma_wait3A_139 : memref<1x25x80xi32, #tpu.memory_space<hbm>> -> memref<25x80xi32, #tpu.memory_space<hbm>>
      tpu.wait_dma2 semaphore(%run_scoped3A_105 : memref<!tpu.dma_semaphore, #tpu.memory_space<semaphore_mem>>) src(%dma_wait3A_140 : memref<25x80xi32, #tpu.memory_space<hbm>>) dst(%arg8 : memref<25x80xi32, #tpu.memory_space<vmem>>)
      tpu.yield
    }) : () -> ()
    %dma_start3A_42 = arith.constant 0 : i32
    %dma_start3A_43 = arith.constant 0 : i32
    %dma_start3A_44 = arith.constant 0 : i32
    %dma_start3A_45 = arith.constant 0 : i32
    %dma_start3A_46 = tpu.memref_slice %arg9[%dma_start3A_43, %dma_start3A_44, %dma_start3A_45] : memref<2x80x128xf32, #tpu.memory_space<vmem>> -> memref<1x80x128xf32, #tpu.memory_space<vmem>>
    %dma_start3A_47 = tpu.memref_squeeze %dma_start3A_46 : memref<1x80x128xf32, #tpu.memory_space<vmem>> -> memref<80x128xf32, #tpu.memory_space<vmem>>
    %dma_start3A_48 = arith.constant 0 : i32
    %dma_start3A_49 = tpu.memref_slice %arg7[%dma_start3A_42, %dma_start3A_48] : memref<25x80xi32, #tpu.memory_space<vmem>> -> memref<1x80xi32, #tpu.memory_space<vmem>>
    %dma_start3A_50 = tpu.memref_squeeze %dma_start3A_49 : memref<1x80xi32, #tpu.memory_space<vmem>> -> memref<80xi32, #tpu.memory_space<vmem>>
    %dma_start3A_51 = arith.constant 0 : i32
    %dma_start3A_52 = arith.constant 0 : i32
    %dma_start3A_53 = tpu.memref_slice %arg2[%dma_start3A_51, %dma_start3A_52] : memref<10000x128xf32, #tpu.memory_space<hbm>> -> memref<10000x128xf32, #tpu.memory_space<hbm>>
    tpu.enqueue_indirect_dma source(%dma_start3A_53 : memref<10000x128xf32, #tpu.memory_space<hbm>>) target(%dma_start3A_47 : memref<80x128xf32, #tpu.memory_space<vmem>>) offsets(%dma_start3A_50 : memref<80xi32, #tpu.memory_space<vmem>>) semaphore(%arg11 : memref<!tpu.dma_semaphore, #tpu.memory_space<semaphore_mem>>)
    %scan3A_54 = arith.constant 0 : i32
    %scan3A_55 = arith.constant 0 : i32
    %scan3A_56 = arith.constant 25 : i32
    %scan3A_57 = arith.addi %scan3A_55, %scan3A_56 : i32
    %scan3A_58 = arith.constant 1 : i32
    scf.for %scan3A_105 = %scan3A_55 to %scan3A_57 step %scan3A_58  : i32 {
      %rem3A = arith.constant 2 : i32
      %rem3A_106 = arith.remsi %scan3A_105, %rem3A : i32
      %add3A_107 = arith.constant 1 : i32
      %add3A_108 = arith.addi %scan3A_105, %add3A_107 : i32
      %lt3A = arith.constant 25 : i32
      %lt3A_109 = arith.cmpi slt, %add3A_108, %lt3A : i32
      %convert_element_type3A = arith.extui %lt3A_109 : i1 to i32
      %cond3A = arith.constant 0 : i32
      %cond3A_110 = arith.cmpi ne, %convert_element_type3A, %cond3A : i32
      scf.if %cond3A_110 {
        %add3A_120 = arith.constant 1 : i32
        %add3A_121 = arith.addi %scan3A_105, %add3A_120 : i32
        %sub3A = arith.constant 1 : i32
        %sub3A_122 = arith.subi %sub3A, %rem3A_106 : i32
        %dma_start3A_123 = arith.constant 0 : i32
        %dma_start3A_124 = arith.constant 0 : i32
        %dma_start3A_125 = tpu.memref_slice %arg9[%sub3A_122, %dma_start3A_123, %dma_start3A_124] : memref<2x80x128xf32, #tpu.memory_space<vmem>> -> memref<1x80x128xf32, #tpu.memory_space<vmem>>
        %dma_start3A_126 = tpu.memref_squeeze %dma_start3A_125 : memref<1x80x128xf32, #tpu.memory_space<vmem>> -> memref<80x128xf32, #tpu.memory_space<vmem>>
        %dma_start3A_127 = arith.constant 0 : i32
        %dma_start3A_128 = tpu.memref_slice %arg7[%add3A_121, %dma_start3A_127] : memref<25x80xi32, #tpu.memory_space<vmem>> -> memref<1x80xi32, #tpu.memory_space<vmem>>
        %dma_start3A_129 = tpu.memref_squeeze %dma_start3A_128 : memref<1x80xi32, #tpu.memory_space<vmem>> -> memref<80xi32, #tpu.memory_space<vmem>>
        %dma_start3A_130 = arith.constant 0 : i32
        %dma_start3A_131 = arith.constant 0 : i32
        %dma_start3A_132 = tpu.memref_slice %arg2[%dma_start3A_130, %dma_start3A_131] : memref<10000x128xf32, #tpu.memory_space<hbm>> -> memref<10000x128xf32, #tpu.memory_space<hbm>>
        tpu.enqueue_indirect_dma source(%dma_start3A_132 : memref<10000x128xf32, #tpu.memory_space<hbm>>) target(%dma_start3A_126 : memref<80x128xf32, #tpu.memory_space<vmem>>) offsets(%dma_start3A_129 : memref<80xi32, #tpu.memory_space<vmem>>) semaphore(%arg11 : memref<!tpu.dma_semaphore, #tpu.memory_space<semaphore_mem>>)
      } else {
      }
      %dma_wait3A = arith.constant 0 : i32
      %dma_wait3A_111 = arith.constant 0 : i32
      %dma_wait3A_112 = tpu.memref_slice %arg9[%rem3A_106, %dma_wait3A, %dma_wait3A_111] : memref<2x80x128xf32, #tpu.memory_space<vmem>> -> memref<1x80x128xf32, #tpu.memory_space<vmem>>
      %dma_wait3A_113 = tpu.memref_squeeze %dma_wait3A_112 : memref<1x80x128xf32, #tpu.memory_space<vmem>> -> memref<80x128xf32, #tpu.memory_space<vmem>>
      %dma_wait3A_114 = arith.constant 0 : i32
      %dma_wait3A_115 = tpu.memref_slice %arg7[%scan3A_105, %dma_wait3A_114] : memref<25x80xi32, #tpu.memory_space<vmem>> -> memref<1x80xi32, #tpu.memory_space<vmem>>
      %dma_wait3A_116 = tpu.memref_squeeze %dma_wait3A_115 : memref<1x80xi32, #tpu.memory_space<vmem>> -> memref<80xi32, #tpu.memory_space<vmem>>
      %dma_wait3A_117 = arith.constant 0 : i32
      %dma_wait3A_118 = arith.constant 0 : i32
      %dma_wait3A_119 = tpu.memref_slice %arg2[%dma_wait3A_117, %dma_wait3A_118] : memref<10000x128xf32, #tpu.memory_space<hbm>> -> memref<10000x128xf32, #tpu.memory_space<hbm>>
      tpu.wait_indirect_dma semaphore(%arg11 : memref<!tpu.dma_semaphore, #tpu.memory_space<semaphore_mem>>) src(%dma_wait3A_119 : memref<10000x128xf32, #tpu.memory_space<hbm>>) dst(%dma_wait3A_113 : memref<80x128xf32, #tpu.memory_space<vmem>>)
      "tpu.region"() ({
        %run_scoped3A_120 = tpu.sem_alloc : memref<!tpu.dma_semaphore, #tpu.memory_space<semaphore_mem>>
        %dma_start3A_121 = arith.constant 0 : i32
        %dma_start3A_122 = arith.constant 0 : i32
        %dma_start3A_123 = tpu.memref_slice %arg9[%rem3A_106, %dma_start3A_121, %dma_start3A_122] : memref<2x80x128xf32, #tpu.memory_space<vmem>> -> memref<1x80x128xf32, #tpu.memory_space<vmem>>
        %dma_start3A_124 = tpu.memref_squeeze %dma_start3A_123 : memref<1x80x128xf32, #tpu.memory_space<vmem>> -> memref<80x128xf32, #tpu.memory_space<vmem>>
        %dma_start3A_125 = arith.constant 0 : i32
        %dma_start3A_126 = tpu.memref_slice %arg8[%scan3A_105, %dma_start3A_125] : memref<25x80xi32, #tpu.memory_space<vmem>> -> memref<1x80xi32, #tpu.memory_space<vmem>>
        %dma_start3A_127 = tpu.memref_squeeze %dma_start3A_126 : memref<1x80xi32, #tpu.memory_space<vmem>> -> memref<80xi32, #tpu.memory_space<vmem>>
        %dma_start3A_128 = arith.constant 0 : i32
        %dma_start3A_129 = arith.constant 0 : i32
        %dma_start3A_130 = tpu.memref_slice %arg10[%dma_start3A_128, %dma_start3A_129] : memref<10240x128xf32, #tpu.memory_space<vmem_shared>> -> memref<10240x128xf32, #tpu.memory_space<vmem_shared>>
        tpu.enqueue_indirect_dma source(%dma_start3A_124 : memref<80x128xf32, #tpu.memory_space<vmem>>) target(%dma_start3A_130 : memref<10240x128xf32, #tpu.memory_space<vmem_shared>>) offsets(%dma_start3A_127 : memref<80xi32, #tpu.memory_space<vmem>>) semaphore(%run_scoped3A_120 : memref<!tpu.dma_semaphore, #tpu.memory_space<semaphore_mem>>) {add = true}
        %dma_wait3A_131 = arith.constant 0 : i32
        %dma_wait3A_132 = arith.constant 0 : i32
        %dma_wait3A_133 = tpu.memref_slice %arg9[%rem3A_106, %dma_wait3A_131, %dma_wait3A_132] : memref<2x80x128xf32, #tpu.memory_space<vmem>> -> memref<1x80x128xf32, #tpu.memory_space<vmem>>
        %dma_wait3A_134 = tpu.memref_squeeze %dma_wait3A_133 : memref<1x80x128xf32, #tpu.memory_space<vmem>> -> memref<80x128xf32, #tpu.memory_space<vmem>>
        %dma_wait3A_135 = arith.constant 0 : i32
        %dma_wait3A_136 = tpu.memref_slice %arg8[%scan3A_105, %dma_wait3A_135] : memref<25x80xi32, #tpu.memory_space<vmem>> -> memref<1x80xi32, #tpu.memory_space<vmem>>
        %dma_wait3A_137 = tpu.memref_squeeze %dma_wait3A_136 : memref<1x80xi32, #tpu.memory_space<vmem>> -> memref<80xi32, #tpu.memory_space<vmem>>
        %dma_wait3A_138 = arith.constant 0 : i32
        %dma_wait3A_139 = arith.constant 0 : i32
        %dma_wait3A_140 = tpu.memref_slice %arg10[%dma_wait3A_138, %dma_wait3A_139] : memref<10240x128xf32, #tpu.memory_space<vmem_shared>> -> memref<10240x128xf32, #tpu.memory_space<vmem_shared>>
        tpu.wait_indirect_dma semaphore(%run_scoped3A_120 : memref<!tpu.dma_semaphore, #tpu.memory_space<semaphore_mem>>) src(%dma_wait3A_134 : memref<80x128xf32, #tpu.memory_space<vmem>>) dst(%dma_wait3A_140 : memref<10240x128xf32, #tpu.memory_space<vmem_shared>>)
        tpu.yield
      }) : () -> ()
    }
    %scan3A_59 = arith.constant 25 : i32
    %run_scoped3A_60 = arith.constant 3 : i32
    "tpu.region"() ({
      %run_scoped3A_105 = tpu.sem_alloc : memref<!tpu.dma_semaphore, #tpu.memory_space<semaphore_mem>>
      %dma_start3A_106 = arith.constant 0 : i32
      %dma_start3A_107 = arith.constant 0 : i32
      %dma_start3A_108 = arith.constant 0 : i32
      %dma_start3A_109 = tpu.memref_slice %arg3[%add3A, %dma_start3A_106, %dma_start3A_107, %dma_start3A_108] : memref<32x5x25x80xi32, #tpu.memory_space<hbm>> -> memref<1x5x25x80xi32, #tpu.memory_space<hbm>>
      %dma_start3A_110 = tpu.memref_squeeze %dma_start3A_109 : memref<1x5x25x80xi32, #tpu.memory_space<hbm>> -> memref<5x25x80xi32, #tpu.memory_space<hbm>>
      %dma_start3A_111 = arith.constant 0 : i32
      %dma_start3A_112 = arith.constant 0 : i32
      %dma_start3A_113 = tpu.memref_slice %dma_start3A_110[%run_scoped3A_60, %dma_start3A_111, %dma_start3A_112] : memref<5x25x80xi32, #tpu.memory_space<hbm>> -> memref<1x25x80xi32, #tpu.memory_space<hbm>>
      %dma_start3A_114 = tpu.memref_squeeze %dma_start3A_113 : memref<1x25x80xi32, #tpu.memory_space<hbm>> -> memref<25x80xi32, #tpu.memory_space<hbm>>
      %dma_start3A_115 = arith.constant 0 : i32
      %dma_start3A_116 = arith.constant 0 : i32
      %dma_start3A_117 = arith.constant 0 : i32
      %dma_start3A_118 = tpu.memref_slice %arg3[%add3A, %dma_start3A_115, %dma_start3A_116, %dma_start3A_117] : memref<32x5x25x80xi32, #tpu.memory_space<hbm>> -> memref<1x5x25x80xi32, #tpu.memory_space<hbm>>
      %dma_start3A_119 = tpu.memref_squeeze %dma_start3A_118 : memref<1x5x25x80xi32, #tpu.memory_space<hbm>> -> memref<5x25x80xi32, #tpu.memory_space<hbm>>
      %dma_start3A_120 = arith.constant 0 : i32
      %dma_start3A_121 = arith.constant 0 : i32
      %dma_start3A_122 = tpu.memref_slice %dma_start3A_119[%run_scoped3A_60, %dma_start3A_120, %dma_start3A_121] : memref<5x25x80xi32, #tpu.memory_space<hbm>> -> memref<1x25x80xi32, #tpu.memory_space<hbm>>
      %dma_start3A_123 = tpu.memref_squeeze %dma_start3A_122 : memref<1x25x80xi32, #tpu.memory_space<hbm>> -> memref<25x80xi32, #tpu.memory_space<hbm>>
      tpu.enqueue_dma source(%dma_start3A_123 : memref<25x80xi32, #tpu.memory_space<hbm>>) target(%arg7 : memref<25x80xi32, #tpu.memory_space<vmem>>) target_semaphore(%run_scoped3A_105 : memref<!tpu.dma_semaphore, #tpu.memory_space<semaphore_mem>>)
      %dma_wait3A = arith.constant 0 : i32
      %dma_wait3A_124 = arith.constant 0 : i32
      %dma_wait3A_125 = arith.constant 0 : i32
      %dma_wait3A_126 = tpu.memref_slice %arg3[%add3A, %dma_wait3A, %dma_wait3A_124, %dma_wait3A_125] : memref<32x5x25x80xi32, #tpu.memory_space<hbm>> -> memref<1x5x25x80xi32, #tpu.memory_space<hbm>>
      %dma_wait3A_127 = tpu.memref_squeeze %dma_wait3A_126 : memref<1x5x25x80xi32, #tpu.memory_space<hbm>> -> memref<5x25x80xi32, #tpu.memory_space<hbm>>
      %dma_wait3A_128 = arith.constant 0 : i32
      %dma_wait3A_129 = arith.constant 0 : i32
      %dma_wait3A_130 = tpu.memref_slice %dma_wait3A_127[%run_scoped3A_60, %dma_wait3A_128, %dma_wait3A_129] : memref<5x25x80xi32, #tpu.memory_space<hbm>> -> memref<1x25x80xi32, #tpu.memory_space<hbm>>
      %dma_wait3A_131 = tpu.memref_squeeze %dma_wait3A_130 : memref<1x25x80xi32, #tpu.memory_space<hbm>> -> memref<25x80xi32, #tpu.memory_space<hbm>>
      %dma_wait3A_132 = arith.constant 0 : i32
      %dma_wait3A_133 = arith.constant 0 : i32
      %dma_wait3A_134 = arith.constant 0 : i32
      %dma_wait3A_135 = tpu.memref_slice %arg3[%add3A, %dma_wait3A_132, %dma_wait3A_133, %dma_wait3A_134] : memref<32x5x25x80xi32, #tpu.memory_space<hbm>> -> memref<1x5x25x80xi32, #tpu.memory_space<hbm>>
      %dma_wait3A_136 = tpu.memref_squeeze %dma_wait3A_135 : memref<1x5x25x80xi32, #tpu.memory_space<hbm>> -> memref<5x25x80xi32, #tpu.memory_space<hbm>>
      %dma_wait3A_137 = arith.constant 0 : i32
      %dma_wait3A_138 = arith.constant 0 : i32
      %dma_wait3A_139 = tpu.memref_slice %dma_wait3A_136[%run_scoped3A_60, %dma_wait3A_137, %dma_wait3A_138] : memref<5x25x80xi32, #tpu.memory_space<hbm>> -> memref<1x25x80xi32, #tpu.memory_space<hbm>>
      %dma_wait3A_140 = tpu.memref_squeeze %dma_wait3A_139 : memref<1x25x80xi32, #tpu.memory_space<hbm>> -> memref<25x80xi32, #tpu.memory_space<hbm>>
      tpu.wait_dma2 semaphore(%run_scoped3A_105 : memref<!tpu.dma_semaphore, #tpu.memory_space<semaphore_mem>>) src(%dma_wait3A_140 : memref<25x80xi32, #tpu.memory_space<hbm>>) dst(%arg7 : memref<25x80xi32, #tpu.memory_space<vmem>>)
      tpu.yield
    }) : () -> ()
    %run_scoped3A_61 = arith.constant 3 : i32
    "tpu.region"() ({
      %run_scoped3A_105 = tpu.sem_alloc : memref<!tpu.dma_semaphore, #tpu.memory_space<semaphore_mem>>
      %dma_start3A_106 = arith.constant 0 : i32
      %dma_start3A_107 = arith.constant 0 : i32
      %dma_start3A_108 = arith.constant 0 : i32
      %dma_start3A_109 = tpu.memref_slice %arg4[%add3A, %dma_start3A_106, %dma_start3A_107, %dma_start3A_108] : memref<32x5x25x80xi32, #tpu.memory_space<hbm>> -> memref<1x5x25x80xi32, #tpu.memory_space<hbm>>
      %dma_start3A_110 = tpu.memref_squeeze %dma_start3A_109 : memref<1x5x25x80xi32, #tpu.memory_space<hbm>> -> memref<5x25x80xi32, #tpu.memory_space<hbm>>
      %dma_start3A_111 = arith.constant 0 : i32
      %dma_start3A_112 = arith.constant 0 : i32
      %dma_start3A_113 = tpu.memref_slice %dma_start3A_110[%run_scoped3A_61, %dma_start3A_111, %dma_start3A_112] : memref<5x25x80xi32, #tpu.memory_space<hbm>> -> memref<1x25x80xi32, #tpu.memory_space<hbm>>
      %dma_start3A_114 = tpu.memref_squeeze %dma_start3A_113 : memref<1x25x80xi32, #tpu.memory_space<hbm>> -> memref<25x80xi32, #tpu.memory_space<hbm>>
      %dma_start3A_115 = arith.constant 0 : i32
      %dma_start3A_116 = arith.constant 0 : i32
      %dma_start3A_117 = arith.constant 0 : i32
      %dma_start3A_118 = tpu.memref_slice %arg4[%add3A, %dma_start3A_115, %dma_start3A_116, %dma_start3A_117] : memref<32x5x25x80xi32, #tpu.memory_space<hbm>> -> memref<1x5x25x80xi32, #tpu.memory_space<hbm>>
      %dma_start3A_119 = tpu.memref_squeeze %dma_start3A_118 : memref<1x5x25x80xi32, #tpu.memory_space<hbm>> -> memref<5x25x80xi32, #tpu.memory_space<hbm>>
      %dma_start3A_120 = arith.constant 0 : i32
      %dma_start3A_121 = arith.constant 0 : i32
      %dma_start3A_122 = tpu.memref_slice %dma_start3A_119[%run_scoped3A_61, %dma_start3A_120, %dma_start3A_121] : memref<5x25x80xi32, #tpu.memory_space<hbm>> -> memref<1x25x80xi32, #tpu.memory_space<hbm>>
      %dma_start3A_123 = tpu.memref_squeeze %dma_start3A_122 : memref<1x25x80xi32, #tpu.memory_space<hbm>> -> memref<25x80xi32, #tpu.memory_space<hbm>>
      tpu.enqueue_dma source(%dma_start3A_123 : memref<25x80xi32, #tpu.memory_space<hbm>>) target(%arg8 : memref<25x80xi32, #tpu.memory_space<vmem>>) target_semaphore(%run_scoped3A_105 : memref<!tpu.dma_semaphore, #tpu.memory_space<semaphore_mem>>)
      %dma_wait3A = arith.constant 0 : i32
      %dma_wait3A_124 = arith.constant 0 : i32
      %dma_wait3A_125 = arith.constant 0 : i32
      %dma_wait3A_126 = tpu.memref_slice %arg4[%add3A, %dma_wait3A, %dma_wait3A_124, %dma_wait3A_125] : memref<32x5x25x80xi32, #tpu.memory_space<hbm>> -> memref<1x5x25x80xi32, #tpu.memory_space<hbm>>
      %dma_wait3A_127 = tpu.memref_squeeze %dma_wait3A_126 : memref<1x5x25x80xi32, #tpu.memory_space<hbm>> -> memref<5x25x80xi32, #tpu.memory_space<hbm>>
      %dma_wait3A_128 = arith.constant 0 : i32
      %dma_wait3A_129 = arith.constant 0 : i32
      %dma_wait3A_130 = tpu.memref_slice %dma_wait3A_127[%run_scoped3A_61, %dma_wait3A_128, %dma_wait3A_129] : memref<5x25x80xi32, #tpu.memory_space<hbm>> -> memref<1x25x80xi32, #tpu.memory_space<hbm>>
      %dma_wait3A_131 = tpu.memref_squeeze %dma_wait3A_130 : memref<1x25x80xi32, #tpu.memory_space<hbm>> -> memref<25x80xi32, #tpu.memory_space<hbm>>
      %dma_wait3A_132 = arith.constant 0 : i32
      %dma_wait3A_133 = arith.constant 0 : i32
      %dma_wait3A_134 = arith.constant 0 : i32
      %dma_wait3A_135 = tpu.memref_slice %arg4[%add3A, %dma_wait3A_132, %dma_wait3A_133, %dma_wait3A_134] : memref<32x5x25x80xi32, #tpu.memory_space<hbm>> -> memref<1x5x25x80xi32, #tpu.memory_space<hbm>>
      %dma_wait3A_136 = tpu.memref_squeeze %dma_wait3A_135 : memref<1x5x25x80xi32, #tpu.memory_space<hbm>> -> memref<5x25x80xi32, #tpu.memory_space<hbm>>
      %dma_wait3A_137 = arith.constant 0 : i32
      %dma_wait3A_138 = arith.constant 0 : i32
      %dma_wait3A_139 = tpu.memref_slice %dma_wait3A_136[%run_scoped3A_61, %dma_wait3A_137, %dma_wait3A_138] : memref<5x25x80xi32, #tpu.memory_space<hbm>> -> memref<1x25x80xi32, #tpu.memory_space<hbm>>
      %dma_wait3A_140 = tpu.memref_squeeze %dma_wait3A_139 : memref<1x25x80xi32, #tpu.memory_space<hbm>> -> memref<25x80xi32, #tpu.memory_space<hbm>>
      tpu.wait_dma2 semaphore(%run_scoped3A_105 : memref<!tpu.dma_semaphore, #tpu.memory_space<semaphore_mem>>) src(%dma_wait3A_140 : memref<25x80xi32, #tpu.memory_space<hbm>>) dst(%arg8 : memref<25x80xi32, #tpu.memory_space<vmem>>)
      tpu.yield
    }) : () -> ()
    %dma_start3A_62 = arith.constant 0 : i32
    %dma_start3A_63 = arith.constant 0 : i32
    %dma_start3A_64 = arith.constant 0 : i32
    %dma_start3A_65 = arith.constant 0 : i32
    %dma_start3A_66 = tpu.memref_slice %arg9[%dma_start3A_63, %dma_start3A_64, %dma_start3A_65] : memref<2x80x128xf32, #tpu.memory_space<vmem>> -> memref<1x80x128xf32, #tpu.memory_space<vmem>>
    %dma_start3A_67 = tpu.memref_squeeze %dma_start3A_66 : memref<1x80x128xf32, #tpu.memory_space<vmem>> -> memref<80x128xf32, #tpu.memory_space<vmem>>
    %dma_start3A_68 = arith.constant 0 : i32
    %dma_start3A_69 = tpu.memref_slice %arg7[%dma_start3A_62, %dma_start3A_68] : memref<25x80xi32, #tpu.memory_space<vmem>> -> memref<1x80xi32, #tpu.memory_space<vmem>>
    %dma_start3A_70 = tpu.memref_squeeze %dma_start3A_69 : memref<1x80xi32, #tpu.memory_space<vmem>> -> memref<80xi32, #tpu.memory_space<vmem>>
    %dma_start3A_71 = arith.constant 0 : i32
    %dma_start3A_72 = arith.constant 0 : i32
    %dma_start3A_73 = tpu.memref_slice %arg2[%dma_start3A_71, %dma_start3A_72] : memref<10000x128xf32, #tpu.memory_space<hbm>> -> memref<10000x128xf32, #tpu.memory_space<hbm>>
    tpu.enqueue_indirect_dma source(%dma_start3A_73 : memref<10000x128xf32, #tpu.memory_space<hbm>>) target(%dma_start3A_67 : memref<80x128xf32, #tpu.memory_space<vmem>>) offsets(%dma_start3A_70 : memref<80xi32, #tpu.memory_space<vmem>>) semaphore(%arg11 : memref<!tpu.dma_semaphore, #tpu.memory_space<semaphore_mem>>)
    %scan3A_74 = arith.constant 0 : i32
    %scan3A_75 = arith.constant 0 : i32
    %scan3A_76 = arith.constant 25 : i32
    %scan3A_77 = arith.addi %scan3A_75, %scan3A_76 : i32
    %scan3A_78 = arith.constant 1 : i32
    scf.for %scan3A_105 = %scan3A_75 to %scan3A_77 step %scan3A_78  : i32 {
      %rem3A = arith.constant 2 : i32
      %rem3A_106 = arith.remsi %scan3A_105, %rem3A : i32
      %add3A_107 = arith.constant 1 : i32
      %add3A_108 = arith.addi %scan3A_105, %add3A_107 : i32
      %lt3A = arith.constant 25 : i32
      %lt3A_109 = arith.cmpi slt, %add3A_108, %lt3A : i32
      %convert_element_type3A = arith.extui %lt3A_109 : i1 to i32
      %cond3A = arith.constant 0 : i32
      %cond3A_110 = arith.cmpi ne, %convert_element_type3A, %cond3A : i32
      scf.if %cond3A_110 {
        %add3A_120 = arith.constant 1 : i32
        %add3A_121 = arith.addi %scan3A_105, %add3A_120 : i32
        %sub3A = arith.constant 1 : i32
        %sub3A_122 = arith.subi %sub3A, %rem3A_106 : i32
        %dma_start3A_123 = arith.constant 0 : i32
        %dma_start3A_124 = arith.constant 0 : i32
        %dma_start3A_125 = tpu.memref_slice %arg9[%sub3A_122, %dma_start3A_123, %dma_start3A_124] : memref<2x80x128xf32, #tpu.memory_space<vmem>> -> memref<1x80x128xf32, #tpu.memory_space<vmem>>
        %dma_start3A_126 = tpu.memref_squeeze %dma_start3A_125 : memref<1x80x128xf32, #tpu.memory_space<vmem>> -> memref<80x128xf32, #tpu.memory_space<vmem>>
        %dma_start3A_127 = arith.constant 0 : i32
        %dma_start3A_128 = tpu.memref_slice %arg7[%add3A_121, %dma_start3A_127] : memref<25x80xi32, #tpu.memory_space<vmem>> -> memref<1x80xi32, #tpu.memory_space<vmem>>
        %dma_start3A_129 = tpu.memref_squeeze %dma_start3A_128 : memref<1x80xi32, #tpu.memory_space<vmem>> -> memref<80xi32, #tpu.memory_space<vmem>>
        %dma_start3A_130 = arith.constant 0 : i32
        %dma_start3A_131 = arith.constant 0 : i32
        %dma_start3A_132 = tpu.memref_slice %arg2[%dma_start3A_130, %dma_start3A_131] : memref<10000x128xf32, #tpu.memory_space<hbm>> -> memref<10000x128xf32, #tpu.memory_space<hbm>>
        tpu.enqueue_indirect_dma source(%dma_start3A_132 : memref<10000x128xf32, #tpu.memory_space<hbm>>) target(%dma_start3A_126 : memref<80x128xf32, #tpu.memory_space<vmem>>) offsets(%dma_start3A_129 : memref<80xi32, #tpu.memory_space<vmem>>) semaphore(%arg11 : memref<!tpu.dma_semaphore, #tpu.memory_space<semaphore_mem>>)
      } else {
      }
      %dma_wait3A = arith.constant 0 : i32
      %dma_wait3A_111 = arith.constant 0 : i32
      %dma_wait3A_112 = tpu.memref_slice %arg9[%rem3A_106, %dma_wait3A, %dma_wait3A_111] : memref<2x80x128xf32, #tpu.memory_space<vmem>> -> memref<1x80x128xf32, #tpu.memory_space<vmem>>
      %dma_wait3A_113 = tpu.memref_squeeze %dma_wait3A_112 : memref<1x80x128xf32, #tpu.memory_space<vmem>> -> memref<80x128xf32, #tpu.memory_space<vmem>>
      %dma_wait3A_114 = arith.constant 0 : i32
      %dma_wait3A_115 = tpu.memref_slice %arg7[%scan3A_105, %dma_wait3A_114] : memref<25x80xi32, #tpu.memory_space<vmem>> -> memref<1x80xi32, #tpu.memory_space<vmem>>
      %dma_wait3A_116 = tpu.memref_squeeze %dma_wait3A_115 : memref<1x80xi32, #tpu.memory_space<vmem>> -> memref<80xi32, #tpu.memory_space<vmem>>
      %dma_wait3A_117 = arith.constant 0 : i32
      %dma_wait3A_118 = arith.constant 0 : i32
      %dma_wait3A_119 = tpu.memref_slice %arg2[%dma_wait3A_117, %dma_wait3A_118] : memref<10000x128xf32, #tpu.memory_space<hbm>> -> memref<10000x128xf32, #tpu.memory_space<hbm>>
      tpu.wait_indirect_dma semaphore(%arg11 : memref<!tpu.dma_semaphore, #tpu.memory_space<semaphore_mem>>) src(%dma_wait3A_119 : memref<10000x128xf32, #tpu.memory_space<hbm>>) dst(%dma_wait3A_113 : memref<80x128xf32, #tpu.memory_space<vmem>>)
      "tpu.region"() ({
        %run_scoped3A_120 = tpu.sem_alloc : memref<!tpu.dma_semaphore, #tpu.memory_space<semaphore_mem>>
        %dma_start3A_121 = arith.constant 0 : i32
        %dma_start3A_122 = arith.constant 0 : i32
        %dma_start3A_123 = tpu.memref_slice %arg9[%rem3A_106, %dma_start3A_121, %dma_start3A_122] : memref<2x80x128xf32, #tpu.memory_space<vmem>> -> memref<1x80x128xf32, #tpu.memory_space<vmem>>
        %dma_start3A_124 = tpu.memref_squeeze %dma_start3A_123 : memref<1x80x128xf32, #tpu.memory_space<vmem>> -> memref<80x128xf32, #tpu.memory_space<vmem>>
        %dma_start3A_125 = arith.constant 0 : i32
        %dma_start3A_126 = tpu.memref_slice %arg8[%scan3A_105, %dma_start3A_125] : memref<25x80xi32, #tpu.memory_space<vmem>> -> memref<1x80xi32, #tpu.memory_space<vmem>>
        %dma_start3A_127 = tpu.memref_squeeze %dma_start3A_126 : memref<1x80xi32, #tpu.memory_space<vmem>> -> memref<80xi32, #tpu.memory_space<vmem>>
        %dma_start3A_128 = arith.constant 0 : i32
        %dma_start3A_129 = arith.constant 0 : i32
        %dma_start3A_130 = tpu.memref_slice %arg10[%dma_start3A_128, %dma_start3A_129] : memref<10240x128xf32, #tpu.memory_space<vmem_shared>> -> memref<10240x128xf32, #tpu.memory_space<vmem_shared>>
        tpu.enqueue_indirect_dma source(%dma_start3A_124 : memref<80x128xf32, #tpu.memory_space<vmem>>) target(%dma_start3A_130 : memref<10240x128xf32, #tpu.memory_space<vmem_shared>>) offsets(%dma_start3A_127 : memref<80xi32, #tpu.memory_space<vmem>>) semaphore(%run_scoped3A_120 : memref<!tpu.dma_semaphore, #tpu.memory_space<semaphore_mem>>) {add = true}
        %dma_wait3A_131 = arith.constant 0 : i32
        %dma_wait3A_132 = arith.constant 0 : i32
        %dma_wait3A_133 = tpu.memref_slice %arg9[%rem3A_106, %dma_wait3A_131, %dma_wait3A_132] : memref<2x80x128xf32, #tpu.memory_space<vmem>> -> memref<1x80x128xf32, #tpu.memory_space<vmem>>
        %dma_wait3A_134 = tpu.memref_squeeze %dma_wait3A_133 : memref<1x80x128xf32, #tpu.memory_space<vmem>> -> memref<80x128xf32, #tpu.memory_space<vmem>>
        %dma_wait3A_135 = arith.constant 0 : i32
        %dma_wait3A_136 = tpu.memref_slice %arg8[%scan3A_105, %dma_wait3A_135] : memref<25x80xi32, #tpu.memory_space<vmem>> -> memref<1x80xi32, #tpu.memory_space<vmem>>
        %dma_wait3A_137 = tpu.memref_squeeze %dma_wait3A_136 : memref<1x80xi32, #tpu.memory_space<vmem>> -> memref<80xi32, #tpu.memory_space<vmem>>
        %dma_wait3A_138 = arith.constant 0 : i32
        %dma_wait3A_139 = arith.constant 0 : i32
        %dma_wait3A_140 = tpu.memref_slice %arg10[%dma_wait3A_138, %dma_wait3A_139] : memref<10240x128xf32, #tpu.memory_space<vmem_shared>> -> memref<10240x128xf32, #tpu.memory_space<vmem_shared>>
        tpu.wait_indirect_dma semaphore(%run_scoped3A_120 : memref<!tpu.dma_semaphore, #tpu.memory_space<semaphore_mem>>) src(%dma_wait3A_134 : memref<80x128xf32, #tpu.memory_space<vmem>>) dst(%dma_wait3A_140 : memref<10240x128xf32, #tpu.memory_space<vmem_shared>>)
        tpu.yield
      }) : () -> ()
    }
    %scan3A_79 = arith.constant 25 : i32
    %run_scoped3A_80 = arith.constant 4 : i32
    "tpu.region"() ({
      %run_scoped3A_105 = tpu.sem_alloc : memref<!tpu.dma_semaphore, #tpu.memory_space<semaphore_mem>>
      %dma_start3A_106 = arith.constant 0 : i32
      %dma_start3A_107 = arith.constant 0 : i32
      %dma_start3A_108 = arith.constant 0 : i32
      %dma_start3A_109 = tpu.memref_slice %arg3[%add3A, %dma_start3A_106, %dma_start3A_107, %dma_start3A_108] : memref<32x5x25x80xi32, #tpu.memory_space<hbm>> -> memref<1x5x25x80xi32, #tpu.memory_space<hbm>>
      %dma_start3A_110 = tpu.memref_squeeze %dma_start3A_109 : memref<1x5x25x80xi32, #tpu.memory_space<hbm>> -> memref<5x25x80xi32, #tpu.memory_space<hbm>>
      %dma_start3A_111 = arith.constant 0 : i32
      %dma_start3A_112 = arith.constant 0 : i32
      %dma_start3A_113 = tpu.memref_slice %dma_start3A_110[%run_scoped3A_80, %dma_start3A_111, %dma_start3A_112] : memref<5x25x80xi32, #tpu.memory_space<hbm>> -> memref<1x25x80xi32, #tpu.memory_space<hbm>>
      %dma_start3A_114 = tpu.memref_squeeze %dma_start3A_113 : memref<1x25x80xi32, #tpu.memory_space<hbm>> -> memref<25x80xi32, #tpu.memory_space<hbm>>
      %dma_start3A_115 = arith.constant 0 : i32
      %dma_start3A_116 = arith.constant 0 : i32
      %dma_start3A_117 = arith.constant 0 : i32
      %dma_start3A_118 = tpu.memref_slice %arg3[%add3A, %dma_start3A_115, %dma_start3A_116, %dma_start3A_117] : memref<32x5x25x80xi32, #tpu.memory_space<hbm>> -> memref<1x5x25x80xi32, #tpu.memory_space<hbm>>
      %dma_start3A_119 = tpu.memref_squeeze %dma_start3A_118 : memref<1x5x25x80xi32, #tpu.memory_space<hbm>> -> memref<5x25x80xi32, #tpu.memory_space<hbm>>
      %dma_start3A_120 = arith.constant 0 : i32
      %dma_start3A_121 = arith.constant 0 : i32
      %dma_start3A_122 = tpu.memref_slice %dma_start3A_119[%run_scoped3A_80, %dma_start3A_120, %dma_start3A_121] : memref<5x25x80xi32, #tpu.memory_space<hbm>> -> memref<1x25x80xi32, #tpu.memory_space<hbm>>
      %dma_start3A_123 = tpu.memref_squeeze %dma_start3A_122 : memref<1x25x80xi32, #tpu.memory_space<hbm>> -> memref<25x80xi32, #tpu.memory_space<hbm>>
      tpu.enqueue_dma source(%dma_start3A_123 : memref<25x80xi32, #tpu.memory_space<hbm>>) target(%arg7 : memref<25x80xi32, #tpu.memory_space<vmem>>) target_semaphore(%run_scoped3A_105 : memref<!tpu.dma_semaphore, #tpu.memory_space<semaphore_mem>>)
      %dma_wait3A = arith.constant 0 : i32
      %dma_wait3A_124 = arith.constant 0 : i32
      %dma_wait3A_125 = arith.constant 0 : i32
      %dma_wait3A_126 = tpu.memref_slice %arg3[%add3A, %dma_wait3A, %dma_wait3A_124, %dma_wait3A_125] : memref<32x5x25x80xi32, #tpu.memory_space<hbm>> -> memref<1x5x25x80xi32, #tpu.memory_space<hbm>>
      %dma_wait3A_127 = tpu.memref_squeeze %dma_wait3A_126 : memref<1x5x25x80xi32, #tpu.memory_space<hbm>> -> memref<5x25x80xi32, #tpu.memory_space<hbm>>
      %dma_wait3A_128 = arith.constant 0 : i32
      %dma_wait3A_129 = arith.constant 0 : i32
      %dma_wait3A_130 = tpu.memref_slice %dma_wait3A_127[%run_scoped3A_80, %dma_wait3A_128, %dma_wait3A_129] : memref<5x25x80xi32, #tpu.memory_space<hbm>> -> memref<1x25x80xi32, #tpu.memory_space<hbm>>
      %dma_wait3A_131 = tpu.memref_squeeze %dma_wait3A_130 : memref<1x25x80xi32, #tpu.memory_space<hbm>> -> memref<25x80xi32, #tpu.memory_space<hbm>>
      %dma_wait3A_132 = arith.constant 0 : i32
      %dma_wait3A_133 = arith.constant 0 : i32
      %dma_wait3A_134 = arith.constant 0 : i32
      %dma_wait3A_135 = tpu.memref_slice %arg3[%add3A, %dma_wait3A_132, %dma_wait3A_133, %dma_wait3A_134] : memref<32x5x25x80xi32, #tpu.memory_space<hbm>> -> memref<1x5x25x80xi32, #tpu.memory_space<hbm>>
      %dma_wait3A_136 = tpu.memref_squeeze %dma_wait3A_135 : memref<1x5x25x80xi32, #tpu.memory_space<hbm>> -> memref<5x25x80xi32, #tpu.memory_space<hbm>>
      %dma_wait3A_137 = arith.constant 0 : i32
      %dma_wait3A_138 = arith.constant 0 : i32
      %dma_wait3A_139 = tpu.memref_slice %dma_wait3A_136[%run_scoped3A_80, %dma_wait3A_137, %dma_wait3A_138] : memref<5x25x80xi32, #tpu.memory_space<hbm>> -> memref<1x25x80xi32, #tpu.memory_space<hbm>>
      %dma_wait3A_140 = tpu.memref_squeeze %dma_wait3A_139 : memref<1x25x80xi32, #tpu.memory_space<hbm>> -> memref<25x80xi32, #tpu.memory_space<hbm>>
      tpu.wait_dma2 semaphore(%run_scoped3A_105 : memref<!tpu.dma_semaphore, #tpu.memory_space<semaphore_mem>>) src(%dma_wait3A_140 : memref<25x80xi32, #tpu.memory_space<hbm>>) dst(%arg7 : memref<25x80xi32, #tpu.memory_space<vmem>>)
      tpu.yield
    }) : () -> ()
    %run_scoped3A_81 = arith.constant 4 : i32
    "tpu.region"() ({
      %run_scoped3A_105 = tpu.sem_alloc : memref<!tpu.dma_semaphore, #tpu.memory_space<semaphore_mem>>
      %dma_start3A_106 = arith.constant 0 : i32
      %dma_start3A_107 = arith.constant 0 : i32
      %dma_start3A_108 = arith.constant 0 : i32
      %dma_start3A_109 = tpu.memref_slice %arg4[%add3A, %dma_start3A_106, %dma_start3A_107, %dma_start3A_108] : memref<32x5x25x80xi32, #tpu.memory_space<hbm>> -> memref<1x5x25x80xi32, #tpu.memory_space<hbm>>
      %dma_start3A_110 = tpu.memref_squeeze %dma_start3A_109 : memref<1x5x25x80xi32, #tpu.memory_space<hbm>> -> memref<5x25x80xi32, #tpu.memory_space<hbm>>
      %dma_start3A_111 = arith.constant 0 : i32
      %dma_start3A_112 = arith.constant 0 : i32
      %dma_start3A_113 = tpu.memref_slice %dma_start3A_110[%run_scoped3A_81, %dma_start3A_111, %dma_start3A_112] : memref<5x25x80xi32, #tpu.memory_space<hbm>> -> memref<1x25x80xi32, #tpu.memory_space<hbm>>
      %dma_start3A_114 = tpu.memref_squeeze %dma_start3A_113 : memref<1x25x80xi32, #tpu.memory_space<hbm>> -> memref<25x80xi32, #tpu.memory_space<hbm>>
      %dma_start3A_115 = arith.constant 0 : i32
      %dma_start3A_116 = arith.constant 0 : i32
      %dma_start3A_117 = arith.constant 0 : i32
      %dma_start3A_118 = tpu.memref_slice %arg4[%add3A, %dma_start3A_115, %dma_start3A_116, %dma_start3A_117] : memref<32x5x25x80xi32, #tpu.memory_space<hbm>> -> memref<1x5x25x80xi32, #tpu.memory_space<hbm>>
      %dma_start3A_119 = tpu.memref_squeeze %dma_start3A_118 : memref<1x5x25x80xi32, #tpu.memory_space<hbm>> -> memref<5x25x80xi32, #tpu.memory_space<hbm>>
      %dma_start3A_120 = arith.constant 0 : i32
      %dma_start3A_121 = arith.constant 0 : i32
      %dma_start3A_122 = tpu.memref_slice %dma_start3A_119[%run_scoped3A_81, %dma_start3A_120, %dma_start3A_121] : memref<5x25x80xi32, #tpu.memory_space<hbm>> -> memref<1x25x80xi32, #tpu.memory_space<hbm>>
      %dma_start3A_123 = tpu.memref_squeeze %dma_start3A_122 : memref<1x25x80xi32, #tpu.memory_space<hbm>> -> memref<25x80xi32, #tpu.memory_space<hbm>>
      tpu.enqueue_dma source(%dma_start3A_123 : memref<25x80xi32, #tpu.memory_space<hbm>>) target(%arg8 : memref<25x80xi32, #tpu.memory_space<vmem>>) target_semaphore(%run_scoped3A_105 : memref<!tpu.dma_semaphore, #tpu.memory_space<semaphore_mem>>)
      %dma_wait3A = arith.constant 0 : i32
      %dma_wait3A_124 = arith.constant 0 : i32
      %dma_wait3A_125 = arith.constant 0 : i32
      %dma_wait3A_126 = tpu.memref_slice %arg4[%add3A, %dma_wait3A, %dma_wait3A_124, %dma_wait3A_125] : memref<32x5x25x80xi32, #tpu.memory_space<hbm>> -> memref<1x5x25x80xi32, #tpu.memory_space<hbm>>
      %dma_wait3A_127 = tpu.memref_squeeze %dma_wait3A_126 : memref<1x5x25x80xi32, #tpu.memory_space<hbm>> -> memref<5x25x80xi32, #tpu.memory_space<hbm>>
      %dma_wait3A_128 = arith.constant 0 : i32
      %dma_wait3A_129 = arith.constant 0 : i32
      %dma_wait3A_130 = tpu.memref_slice %dma_wait3A_127[%run_scoped3A_81, %dma_wait3A_128, %dma_wait3A_129] : memref<5x25x80xi32, #tpu.memory_space<hbm>> -> memref<1x25x80xi32, #tpu.memory_space<hbm>>
      %dma_wait3A_131 = tpu.memref_squeeze %dma_wait3A_130 : memref<1x25x80xi32, #tpu.memory_space<hbm>> -> memref<25x80xi32, #tpu.memory_space<hbm>>
      %dma_wait3A_132 = arith.constant 0 : i32
      %dma_wait3A_133 = arith.constant 0 : i32
      %dma_wait3A_134 = arith.constant 0 : i32
      %dma_wait3A_135 = tpu.memref_slice %arg4[%add3A, %dma_wait3A_132, %dma_wait3A_133, %dma_wait3A_134] : memref<32x5x25x80xi32, #tpu.memory_space<hbm>> -> memref<1x5x25x80xi32, #tpu.memory_space<hbm>>
      %dma_wait3A_136 = tpu.memref_squeeze %dma_wait3A_135 : memref<1x5x25x80xi32, #tpu.memory_space<hbm>> -> memref<5x25x80xi32, #tpu.memory_space<hbm>>
      %dma_wait3A_137 = arith.constant 0 : i32
      %dma_wait3A_138 = arith.constant 0 : i32
      %dma_wait3A_139 = tpu.memref_slice %dma_wait3A_136[%run_scoped3A_81, %dma_wait3A_137, %dma_wait3A_138] : memref<5x25x80xi32, #tpu.memory_space<hbm>> -> memref<1x25x80xi32, #tpu.memory_space<hbm>>
      %dma_wait3A_140 = tpu.memref_squeeze %dma_wait3A_139 : memref<1x25x80xi32, #tpu.memory_space<hbm>> -> memref<25x80xi32, #tpu.memory_space<hbm>>
      tpu.wait_dma2 semaphore(%run_scoped3A_105 : memref<!tpu.dma_semaphore, #tpu.memory_space<semaphore_mem>>) src(%dma_wait3A_140 : memref<25x80xi32, #tpu.memory_space<hbm>>) dst(%arg8 : memref<25x80xi32, #tpu.memory_space<vmem>>)
      tpu.yield
    }) : () -> ()
    %dma_start3A_82 = arith.constant 0 : i32
    %dma_start3A_83 = arith.constant 0 : i32
    %dma_start3A_84 = arith.constant 0 : i32
    %dma_start3A_85 = arith.constant 0 : i32
    %dma_start3A_86 = tpu.memref_slice %arg9[%dma_start3A_83, %dma_start3A_84, %dma_start3A_85] : memref<2x80x128xf32, #tpu.memory_space<vmem>> -> memref<1x80x128xf32, #tpu.memory_space<vmem>>
    %dma_start3A_87 = tpu.memref_squeeze %dma_start3A_86 : memref<1x80x128xf32, #tpu.memory_space<vmem>> -> memref<80x128xf32, #tpu.memory_space<vmem>>
    %dma_start3A_88 = arith.constant 0 : i32
    %dma_start3A_89 = tpu.memref_slice %arg7[%dma_start3A_82, %dma_start3A_88] : memref<25x80xi32, #tpu.memory_space<vmem>> -> memref<1x80xi32, #tpu.memory_space<vmem>>
    %dma_start3A_90 = tpu.memref_squeeze %dma_start3A_89 : memref<1x80xi32, #tpu.memory_space<vmem>> -> memref<80xi32, #tpu.memory_space<vmem>>
    %dma_start3A_91 = arith.constant 0 : i32
    %dma_start3A_92 = arith.constant 0 : i32
    %dma_start3A_93 = tpu.memref_slice %arg2[%dma_start3A_91, %dma_start3A_92] : memref<10000x128xf32, #tpu.memory_space<hbm>> -> memref<10000x128xf32, #tpu.memory_space<hbm>>
    tpu.enqueue_indirect_dma source(%dma_start3A_93 : memref<10000x128xf32, #tpu.memory_space<hbm>>) target(%dma_start3A_87 : memref<80x128xf32, #tpu.memory_space<vmem>>) offsets(%dma_start3A_90 : memref<80xi32, #tpu.memory_space<vmem>>) semaphore(%arg11 : memref<!tpu.dma_semaphore, #tpu.memory_space<semaphore_mem>>)
    %scan3A_94 = arith.constant 0 : i32
    %scan3A_95 = arith.constant 0 : i32
    %scan3A_96 = arith.constant 25 : i32
    %scan3A_97 = arith.addi %scan3A_95, %scan3A_96 : i32
    %scan3A_98 = arith.constant 1 : i32
    scf.for %scan3A_105 = %scan3A_95 to %scan3A_97 step %scan3A_98  : i32 {
      %rem3A = arith.constant 2 : i32
      %rem3A_106 = arith.remsi %scan3A_105, %rem3A : i32
      %add3A_107 = arith.constant 1 : i32
      %add3A_108 = arith.addi %scan3A_105, %add3A_107 : i32
      %lt3A = arith.constant 25 : i32
      %lt3A_109 = arith.cmpi slt, %add3A_108, %lt3A : i32
      %convert_element_type3A = arith.extui %lt3A_109 : i1 to i32
      %cond3A = arith.constant 0 : i32
      %cond3A_110 = arith.cmpi ne, %convert_element_type3A, %cond3A : i32
      scf.if %cond3A_110 {
        %add3A_120 = arith.constant 1 : i32
        %add3A_121 = arith.addi %scan3A_105, %add3A_120 : i32
        %sub3A = arith.constant 1 : i32
        %sub3A_122 = arith.subi %sub3A, %rem3A_106 : i32
        %dma_start3A_123 = arith.constant 0 : i32
        %dma_start3A_124 = arith.constant 0 : i32
        %dma_start3A_125 = tpu.memref_slice %arg9[%sub3A_122, %dma_start3A_123, %dma_start3A_124] : memref<2x80x128xf32, #tpu.memory_space<vmem>> -> memref<1x80x128xf32, #tpu.memory_space<vmem>>
        %dma_start3A_126 = tpu.memref_squeeze %dma_start3A_125 : memref<1x80x128xf32, #tpu.memory_space<vmem>> -> memref<80x128xf32, #tpu.memory_space<vmem>>
        %dma_start3A_127 = arith.constant 0 : i32
        %dma_start3A_128 = tpu.memref_slice %arg7[%add3A_121, %dma_start3A_127] : memref<25x80xi32, #tpu.memory_space<vmem>> -> memref<1x80xi32, #tpu.memory_space<vmem>>
        %dma_start3A_129 = tpu.memref_squeeze %dma_start3A_128 : memref<1x80xi32, #tpu.memory_space<vmem>> -> memref<80xi32, #tpu.memory_space<vmem>>
        %dma_start3A_130 = arith.constant 0 : i32
        %dma_start3A_131 = arith.constant 0 : i32
        %dma_start3A_132 = tpu.memref_slice %arg2[%dma_start3A_130, %dma_start3A_131] : memref<10000x128xf32, #tpu.memory_space<hbm>> -> memref<10000x128xf32, #tpu.memory_space<hbm>>
        tpu.enqueue_indirect_dma source(%dma_start3A_132 : memref<10000x128xf32, #tpu.memory_space<hbm>>) target(%dma_start3A_126 : memref<80x128xf32, #tpu.memory_space<vmem>>) offsets(%dma_start3A_129 : memref<80xi32, #tpu.memory_space<vmem>>) semaphore(%arg11 : memref<!tpu.dma_semaphore, #tpu.memory_space<semaphore_mem>>)
      } else {
      }
      %dma_wait3A = arith.constant 0 : i32
      %dma_wait3A_111 = arith.constant 0 : i32
      %dma_wait3A_112 = tpu.memref_slice %arg9[%rem3A_106, %dma_wait3A, %dma_wait3A_111] : memref<2x80x128xf32, #tpu.memory_space<vmem>> -> memref<1x80x128xf32, #tpu.memory_space<vmem>>
      %dma_wait3A_113 = tpu.memref_squeeze %dma_wait3A_112 : memref<1x80x128xf32, #tpu.memory_space<vmem>> -> memref<80x128xf32, #tpu.memory_space<vmem>>
      %dma_wait3A_114 = arith.constant 0 : i32
      %dma_wait3A_115 = tpu.memref_slice %arg7[%scan3A_105, %dma_wait3A_114] : memref<25x80xi32, #tpu.memory_space<vmem>> -> memref<1x80xi32, #tpu.memory_space<vmem>>
      %dma_wait3A_116 = tpu.memref_squeeze %dma_wait3A_115 : memref<1x80xi32, #tpu.memory_space<vmem>> -> memref<80xi32, #tpu.memory_space<vmem>>
      %dma_wait3A_117 = arith.constant 0 : i32
      %dma_wait3A_118 = arith.constant 0 : i32
      %dma_wait3A_119 = tpu.memref_slice %arg2[%dma_wait3A_117, %dma_wait3A_118] : memref<10000x128xf32, #tpu.memory_space<hbm>> -> memref<10000x128xf32, #tpu.memory_space<hbm>>
      tpu.wait_indirect_dma semaphore(%arg11 : memref<!tpu.dma_semaphore, #tpu.memory_space<semaphore_mem>>) src(%dma_wait3A_119 : memref<10000x128xf32, #tpu.memory_space<hbm>>) dst(%dma_wait3A_113 : memref<80x128xf32, #tpu.memory_space<vmem>>)
      "tpu.region"() ({
        %run_scoped3A_120 = tpu.sem_alloc : memref<!tpu.dma_semaphore, #tpu.memory_space<semaphore_mem>>
        %dma_start3A_121 = arith.constant 0 : i32
        %dma_start3A_122 = arith.constant 0 : i32
        %dma_start3A_123 = tpu.memref_slice %arg9[%rem3A_106, %dma_start3A_121, %dma_start3A_122] : memref<2x80x128xf32, #tpu.memory_space<vmem>> -> memref<1x80x128xf32, #tpu.memory_space<vmem>>
        %dma_start3A_124 = tpu.memref_squeeze %dma_start3A_123 : memref<1x80x128xf32, #tpu.memory_space<vmem>> -> memref<80x128xf32, #tpu.memory_space<vmem>>
        %dma_start3A_125 = arith.constant 0 : i32
        %dma_start3A_126 = tpu.memref_slice %arg8[%scan3A_105, %dma_start3A_125] : memref<25x80xi32, #tpu.memory_space<vmem>> -> memref<1x80xi32, #tpu.memory_space<vmem>>
        %dma_start3A_127 = tpu.memref_squeeze %dma_start3A_126 : memref<1x80xi32, #tpu.memory_space<vmem>> -> memref<80xi32, #tpu.memory_space<vmem>>
        %dma_start3A_128 = arith.constant 0 : i32
        %dma_start3A_129 = arith.constant 0 : i32
        %dma_start3A_130 = tpu.memref_slice %arg10[%dma_start3A_128, %dma_start3A_129] : memref<10240x128xf32, #tpu.memory_space<vmem_shared>> -> memref<10240x128xf32, #tpu.memory_space<vmem_shared>>
        tpu.enqueue_indirect_dma source(%dma_start3A_124 : memref<80x128xf32, #tpu.memory_space<vmem>>) target(%dma_start3A_130 : memref<10240x128xf32, #tpu.memory_space<vmem_shared>>) offsets(%dma_start3A_127 : memref<80xi32, #tpu.memory_space<vmem>>) semaphore(%run_scoped3A_120 : memref<!tpu.dma_semaphore, #tpu.memory_space<semaphore_mem>>) {add = true}
        %dma_wait3A_131 = arith.constant 0 : i32
        %dma_wait3A_132 = arith.constant 0 : i32
        %dma_wait3A_133 = tpu.memref_slice %arg9[%rem3A_106, %dma_wait3A_131, %dma_wait3A_132] : memref<2x80x128xf32, #tpu.memory_space<vmem>> -> memref<1x80x128xf32, #tpu.memory_space<vmem>>
        %dma_wait3A_134 = tpu.memref_squeeze %dma_wait3A_133 : memref<1x80x128xf32, #tpu.memory_space<vmem>> -> memref<80x128xf32, #tpu.memory_space<vmem>>
        %dma_wait3A_135 = arith.constant 0 : i32
        %dma_wait3A_136 = tpu.memref_slice %arg8[%scan3A_105, %dma_wait3A_135] : memref<25x80xi32, #tpu.memory_space<vmem>> -> memref<1x80xi32, #tpu.memory_space<vmem>>
        %dma_wait3A_137 = tpu.memref_squeeze %dma_wait3A_136 : memref<1x80xi32, #tpu.memory_space<vmem>> -> memref<80xi32, #tpu.memory_space<vmem>>
        %dma_wait3A_138 = arith.constant 0 : i32
        %dma_wait3A_139 = arith.constant 0 : i32
        %dma_wait3A_140 = tpu.memref_slice %arg10[%dma_wait3A_138, %dma_wait3A_139] : memref<10240x128xf32, #tpu.memory_space<vmem_shared>> -> memref<10240x128xf32, #tpu.memory_space<vmem_shared>>
        tpu.wait_indirect_dma semaphore(%run_scoped3A_120 : memref<!tpu.dma_semaphore, #tpu.memory_space<semaphore_mem>>) src(%dma_wait3A_134 : memref<80x128xf32, #tpu.memory_space<vmem>>) dst(%dma_wait3A_140 : memref<10240x128xf32, #tpu.memory_space<vmem_shared>>)
        tpu.yield
      }) : () -> ()
    }
    %scan3A_99 = arith.constant 25 : i32
    %barrier3A_100 = arith.constant 0 : index
    tpu.barrier barrier_id(%barrier3A_100)
    %mul3A_101 = arith.constant 640 : i32
    %mul3A_102 = arith.muli %arg1, %mul3A_101 : i32
    %mul3A_103 = arith.constant 640 : i32
    %mul3A_104 = arith.muli %arg1, %mul3A_103 : i32
    "tpu.region"() ({
      %run_scoped3A_105 = tpu.sem_alloc : memref<!tpu.dma_semaphore, #tpu.memory_space<semaphore_mem>>
      %dma_start3A_106 = arith.constant 0 : i32
      %dma_start3A_107 = arith.constant 0 : i32
      %dma_start3A_108 = tpu.memref_slice %arg6[%arg0, %dma_start3A_106, %dma_start3A_107] : memref<2x10240x128xf32, #tpu.memory_space<hbm>> -> memref<1x10240x128xf32, #tpu.memory_space<hbm>>
      %dma_start3A_109 = tpu.memref_squeeze %dma_start3A_108 : memref<1x10240x128xf32, #tpu.memory_space<hbm>> -> memref<10240x128xf32, #tpu.memory_space<hbm>>
      %dma_start3A_110 = arith.constant 0 : i32
      %dma_start3A_111 = tpu.memref_slice %dma_start3A_109[%mul3A_104, %dma_start3A_110] : memref<10240x128xf32, #tpu.memory_space<hbm>> -> memref<640x128xf32, #tpu.memory_space<hbm>>
      %dma_start3A_112 = arith.constant 0 : i32
      %dma_start3A_113 = tpu.memref_slice %arg10[%mul3A_102, %dma_start3A_112] : memref<10240x128xf32, #tpu.memory_space<vmem_shared>> -> memref<640x128xf32, #tpu.memory_space<vmem_shared>>
      tpu.enqueue_dma source(%dma_start3A_113 : memref<640x128xf32, #tpu.memory_space<vmem_shared>>) target(%dma_start3A_111 : memref<640x128xf32, #tpu.memory_space<hbm>>) target_semaphore(%run_scoped3A_105 : memref<!tpu.dma_semaphore, #tpu.memory_space<semaphore_mem>>)
      %dma_wait3A = arith.constant 0 : i32
      %dma_wait3A_114 = arith.constant 0 : i32
      %dma_wait3A_115 = tpu.memref_slice %arg6[%arg0, %dma_wait3A, %dma_wait3A_114] : memref<2x10240x128xf32, #tpu.memory_space<hbm>> -> memref<1x10240x128xf32, #tpu.memory_space<hbm>>
      %dma_wait3A_116 = tpu.memref_squeeze %dma_wait3A_115 : memref<1x10240x128xf32, #tpu.memory_space<hbm>> -> memref<10240x128xf32, #tpu.memory_space<hbm>>
      %dma_wait3A_117 = arith.constant 0 : i32
      %dma_wait3A_118 = tpu.memref_slice %dma_wait3A_116[%mul3A_104, %dma_wait3A_117] : memref<10240x128xf32, #tpu.memory_space<hbm>> -> memref<640x128xf32, #tpu.memory_space<hbm>>
      %dma_wait3A_119 = arith.constant 0 : i32
      %dma_wait3A_120 = tpu.memref_slice %arg10[%mul3A_102, %dma_wait3A_119] : memref<10240x128xf32, #tpu.memory_space<vmem_shared>> -> memref<640x128xf32, #tpu.memory_space<vmem_shared>>
      tpu.wait_dma2 semaphore(%run_scoped3A_105 : memref<!tpu.dma_semaphore, #tpu.memory_space<semaphore_mem>>) src(%dma_wait3A_120 : memref<640x128xf32, #tpu.memory_space<vmem_shared>>) dst(%dma_wait3A_118 : memref<640x128xf32, #tpu.memory_space<hbm>>)
      tpu.yield
    }) : () -> ()
    return
  }
}

#map = affine_map<(d0, d1) -> (0, 0)>
#map1 = affine_map<(d0, d1) -> (0, 0, 0, 0)>
#map2 = affine_map<(d0, d1) -> (0, 0, 0)>
module attributes {stable_mosaic.version = 14 : i64} {
  func.func @_sc_segsum(%arg0: i32, %arg1: i32, %arg2: memref<10000x128xf32, #tpu.memory_space<hbm>>, %arg3: memref<32x5x25x80xi32, #tpu.memory_space<hbm>>, %arg4: memref<32x5x25x80xi32, #tpu.memory_space<hbm>>, %arg5: memref<640x128xf32, #tpu.memory_space<hbm>>, %arg6: memref<2x10240x128xf32, #tpu.memory_space<hbm>>, %arg7: memref<25x80xi32, #tpu.memory_space<vmem>>, %arg8: memref<25x80xi32, #tpu.memory_space<vmem>>, %arg9: memref<2x80x128xf32, #tpu.memory_space<vmem>>, %arg10: memref<10240x128xf32, #tpu.memory_space<vmem_shared>>, %arg11: memref<!tpu.dma_semaphore, #tpu.memory_space<semaphore_mem>>) attributes {dimension_semantics = [#tpu.dimension_semantics<core_parallel>, #tpu.dimension_semantics<subcore_parallel>], iteration_bounds = array<i64: 2, 16>, scalar_prefetch = 0 : i64, scratch_operands = 5 : i64, tpu.core_type = #tpu.core_type<sc_vector_subcore>, window_params = [{transform_indices = #map}, {transform_indices = #map1}, {transform_indices = #map1}, {transform_indices = #map}, {transform_indices = #map2}]} {
    %mul3A = arith.constant 2 : i32
    %mul3A_0 = arith.muli %arg1, %mul3A : i32
    %add3A = arith.addi %mul3A_0, %arg0 : i32
    %mul3A_1 = arith.constant 640 : i32
    %mul3A_2 = arith.muli %arg1, %mul3A_1 : i32
    "tpu.region"() ({
      %run_scoped3A_105 = tpu.sem_alloc : memref<!tpu.dma_semaphore, #tpu.memory_space<semaphore_mem>>
      %dma_start3A_106 = arith.constant 0 : i32
      %dma_start3A_107 = tpu.memref_slice %arg10[%mul3A_2, %dma_start3A_106] : memref<10240x128xf32, #tpu.memory_space<vmem_shared>> -> memref<640x128xf32, #tpu.memory_space<vmem_shared>>
      tpu.enqueue_dma source(%arg5 : memref<640x128xf32, #tpu.memory_space<hbm>>) target(%dma_start3A_107 : memref<640x128xf32, #tpu.memory_space<vmem_shared>>) target_semaphore(%run_scoped3A_105 : memref<!tpu.dma_semaphore, #tpu.memory_space<semaphore_mem>>)
      %dma_wait3A = arith.constant 0 : i32
      %dma_wait3A_108 = tpu.memref_slice %arg10[%mul3A_2, %dma_wait3A] : memref<10240x128xf32, #tpu.memory_space<vmem_shared>> -> memref<640x128xf32, #tpu.memory_space<vmem_shared>>
      tpu.wait_dma2 semaphore(%run_scoped3A_105 : memref<!tpu.dma_semaphore, #tpu.memory_space<semaphore_mem>>) src(%arg5 : memref<640x128xf32, #tpu.memory_space<hbm>>) dst(%dma_wait3A_108 : memref<640x128xf32, #tpu.memory_space<vmem_shared>>)
      tpu.yield
    }) : () -> ()
    %barrier3A = arith.constant 0 : index
    tpu.barrier barrier_id(%barrier3A)
    %run_scoped3A = arith.constant 0 : i32
    "tpu.region"() ({
      %run_scoped3A_105 = tpu.sem_alloc : memref<!tpu.dma_semaphore, #tpu.memory_space<semaphore_mem>>
      %dma_start3A_106 = arith.constant 0 : i32
      %dma_start3A_107 = arith.constant 0 : i32
      %dma_start3A_108 = arith.constant 0 : i32
      %dma_start3A_109 = tpu.memref_slice %arg3[%add3A, %dma_start3A_106, %dma_start3A_107, %dma_start3A_108] : memref<32x5x25x80xi32, #tpu.memory_space<hbm>> -> memref<1x5x25x80xi32, #tpu.memory_space<hbm>>
      %dma_start3A_110 = tpu.memref_squeeze %dma_start3A_109 : memref<1x5x25x80xi32, #tpu.memory_space<hbm>> -> memref<5x25x80xi32, #tpu.memory_space<hbm>>
      %dma_start3A_111 = arith.constant 0 : i32
      %dma_start3A_112 = arith.constant 0 : i32
      %dma_start3A_113 = tpu.memref_slice %dma_start3A_110[%run_scoped3A, %dma_start3A_111, %dma_start3A_112] : memref<5x25x80xi32, #tpu.memory_space<hbm>> -> memref<1x25x80xi32, #tpu.memory_space<hbm>>
      %dma_start3A_114 = tpu.memref_squeeze %dma_start3A_113 : memref<1x25x80xi32, #tpu.memory_space<hbm>> -> memref<25x80xi32, #tpu.memory_space<hbm>>
      %dma_start3A_115 = arith.constant 0 : i32
      %dma_start3A_116 = arith.constant 0 : i32
      %dma_start3A_117 = arith.constant 0 : i32
      %dma_start3A_118 = tpu.memref_slice %arg3[%add3A, %dma_start3A_115, %dma_start3A_116, %dma_start3A_117] : memref<32x5x25x80xi32, #tpu.memory_space<hbm>> -> memref<1x5x25x80xi32, #tpu.memory_space<hbm>>
      %dma_start3A_119 = tpu.memref_squeeze %dma_start3A_118 : memref<1x5x25x80xi32, #tpu.memory_space<hbm>> -> memref<5x25x80xi32, #tpu.memory_space<hbm>>
      %dma_start3A_120 = arith.constant 0 : i32
      %dma_start3A_121 = arith.constant 0 : i32
      %dma_start3A_122 = tpu.memref_slice %dma_start3A_119[%run_scoped3A, %dma_start3A_120, %dma_start3A_121] : memref<5x25x80xi32, #tpu.memory_space<hbm>> -> memref<1x25x80xi32, #tpu.memory_space<hbm>>
      %dma_start3A_123 = tpu.memref_squeeze %dma_start3A_122 : memref<1x25x80xi32, #tpu.memory_space<hbm>> -> memref<25x80xi32, #tpu.memory_space<hbm>>
      tpu.enqueue_dma source(%dma_start3A_123 : memref<25x80xi32, #tpu.memory_space<hbm>>) target(%arg7 : memref<25x80xi32, #tpu.memory_space<vmem>>) target_semaphore(%run_scoped3A_105 : memref<!tpu.dma_semaphore, #tpu.memory_space<semaphore_mem>>)
      %dma_wait3A = arith.constant 0 : i32
      %dma_wait3A_124 = arith.constant 0 : i32
      %dma_wait3A_125 = arith.constant 0 : i32
      %dma_wait3A_126 = tpu.memref_slice %arg3[%add3A, %dma_wait3A, %dma_wait3A_124, %dma_wait3A_125] : memref<32x5x25x80xi32, #tpu.memory_space<hbm>> -> memref<1x5x25x80xi32, #tpu.memory_space<hbm>>
      %dma_wait3A_127 = tpu.memref_squeeze %dma_wait3A_126 : memref<1x5x25x80xi32, #tpu.memory_space<hbm>> -> memref<5x25x80xi32, #tpu.memory_space<hbm>>
      %dma_wait3A_128 = arith.constant 0 : i32
      %dma_wait3A_129 = arith.constant 0 : i32
      %dma_wait3A_130 = tpu.memref_slice %dma_wait3A_127[%run_scoped3A, %dma_wait3A_128, %dma_wait3A_129] : memref<5x25x80xi32, #tpu.memory_space<hbm>> -> memref<1x25x80xi32, #tpu.memory_space<hbm>>
      %dma_wait3A_131 = tpu.memref_squeeze %dma_wait3A_130 : memref<1x25x80xi32, #tpu.memory_space<hbm>> -> memref<25x80xi32, #tpu.memory_space<hbm>>
      %dma_wait3A_132 = arith.constant 0 : i32
      %dma_wait3A_133 = arith.constant 0 : i32
      %dma_wait3A_134 = arith.constant 0 : i32
      %dma_wait3A_135 = tpu.memref_slice %arg3[%add3A, %dma_wait3A_132, %dma_wait3A_133, %dma_wait3A_134] : memref<32x5x25x80xi32, #tpu.memory_space<hbm>> -> memref<1x5x25x80xi32, #tpu.memory_space<hbm>>
      %dma_wait3A_136 = tpu.memref_squeeze %dma_wait3A_135 : memref<1x5x25x80xi32, #tpu.memory_space<hbm>> -> memref<5x25x80xi32, #tpu.memory_space<hbm>>
      %dma_wait3A_137 = arith.constant 0 : i32
      %dma_wait3A_138 = arith.constant 0 : i32
      %dma_wait3A_139 = tpu.memref_slice %dma_wait3A_136[%run_scoped3A, %dma_wait3A_137, %dma_wait3A_138] : memref<5x25x80xi32, #tpu.memory_space<hbm>> -> memref<1x25x80xi32, #tpu.memory_space<hbm>>
      %dma_wait3A_140 = tpu.memref_squeeze %dma_wait3A_139 : memref<1x25x80xi32, #tpu.memory_space<hbm>> -> memref<25x80xi32, #tpu.memory_space<hbm>>
      tpu.wait_dma2 semaphore(%run_scoped3A_105 : memref<!tpu.dma_semaphore, #tpu.memory_space<semaphore_mem>>) src(%dma_wait3A_140 : memref<25x80xi32, #tpu.memory_space<hbm>>) dst(%arg7 : memref<25x80xi32, #tpu.memory_space<vmem>>)
      tpu.yield
    }) : () -> ()
    %run_scoped3A_3 = arith.constant 0 : i32
    "tpu.region"() ({
      %run_scoped3A_105 = tpu.sem_alloc : memref<!tpu.dma_semaphore, #tpu.memory_space<semaphore_mem>>
      %dma_start3A_106 = arith.constant 0 : i32
      %dma_start3A_107 = arith.constant 0 : i32
      %dma_start3A_108 = arith.constant 0 : i32
      %dma_start3A_109 = tpu.memref_slice %arg4[%add3A, %dma_start3A_106, %dma_start3A_107, %dma_start3A_108] : memref<32x5x25x80xi32, #tpu.memory_space<hbm>> -> memref<1x5x25x80xi32, #tpu.memory_space<hbm>>
      %dma_start3A_110 = tpu.memref_squeeze %dma_start3A_109 : memref<1x5x25x80xi32, #tpu.memory_space<hbm>> -> memref<5x25x80xi32, #tpu.memory_space<hbm>>
      %dma_start3A_111 = arith.constant 0 : i32
      %dma_start3A_112 = arith.constant 0 : i32
      %dma_start3A_113 = tpu.memref_slice %dma_start3A_110[%run_scoped3A_3, %dma_start3A_111, %dma_start3A_112] : memref<5x25x80xi32, #tpu.memory_space<hbm>> -> memref<1x25x80xi32, #tpu.memory_space<hbm>>
      %dma_start3A_114 = tpu.memref_squeeze %dma_start3A_113 : memref<1x25x80xi32, #tpu.memory_space<hbm>> -> memref<25x80xi32, #tpu.memory_space<hbm>>
      %dma_start3A_115 = arith.constant 0 : i32
      %dma_start3A_116 = arith.constant 0 : i32
      %dma_start3A_117 = arith.constant 0 : i32
      %dma_start3A_118 = tpu.memref_slice %arg4[%add3A, %dma_start3A_115, %dma_start3A_116, %dma_start3A_117] : memref<32x5x25x80xi32, #tpu.memory_space<hbm>> -> memref<1x5x25x80xi32, #tpu.memory_space<hbm>>
      %dma_start3A_119 = tpu.memref_squeeze %dma_start3A_118 : memref<1x5x25x80xi32, #tpu.memory_space<hbm>> -> memref<5x25x80xi32, #tpu.memory_space<hbm>>
      %dma_start3A_120 = arith.constant 0 : i32
      %dma_start3A_121 = arith.constant 0 : i32
      %dma_start3A_122 = tpu.memref_slice %dma_start3A_119[%run_scoped3A_3, %dma_start3A_120, %dma_start3A_121] : memref<5x25x80xi32, #tpu.memory_space<hbm>> -> memref<1x25x80xi32, #tpu.memory_space<hbm>>
      %dma_start3A_123 = tpu.memref_squeeze %dma_start3A_122 : memref<1x25x80xi32, #tpu.memory_space<hbm>> -> memref<25x80xi32, #tpu.memory_space<hbm>>
      tpu.enqueue_dma source(%dma_start3A_123 : memref<25x80xi32, #tpu.memory_space<hbm>>) target(%arg8 : memref<25x80xi32, #tpu.memory_space<vmem>>) target_semaphore(%run_scoped3A_105 : memref<!tpu.dma_semaphore, #tpu.memory_space<semaphore_mem>>)
      %dma_wait3A = arith.constant 0 : i32
      %dma_wait3A_124 = arith.constant 0 : i32
      %dma_wait3A_125 = arith.constant 0 : i32
      %dma_wait3A_126 = tpu.memref_slice %arg4[%add3A, %dma_wait3A, %dma_wait3A_124, %dma_wait3A_125] : memref<32x5x25x80xi32, #tpu.memory_space<hbm>> -> memref<1x5x25x80xi32, #tpu.memory_space<hbm>>
      %dma_wait3A_127 = tpu.memref_squeeze %dma_wait3A_126 : memref<1x5x25x80xi32, #tpu.memory_space<hbm>> -> memref<5x25x80xi32, #tpu.memory_space<hbm>>
      %dma_wait3A_128 = arith.constant 0 : i32
      %dma_wait3A_129 = arith.constant 0 : i32
      %dma_wait3A_130 = tpu.memref_slice %dma_wait3A_127[%run_scoped3A_3, %dma_wait3A_128, %dma_wait3A_129] : memref<5x25x80xi32, #tpu.memory_space<hbm>> -> memref<1x25x80xi32, #tpu.memory_space<hbm>>
      %dma_wait3A_131 = tpu.memref_squeeze %dma_wait3A_130 : memref<1x25x80xi32, #tpu.memory_space<hbm>> -> memref<25x80xi32, #tpu.memory_space<hbm>>
      %dma_wait3A_132 = arith.constant 0 : i32
      %dma_wait3A_133 = arith.constant 0 : i32
      %dma_wait3A_134 = arith.constant 0 : i32
      %dma_wait3A_135 = tpu.memref_slice %arg4[%add3A, %dma_wait3A_132, %dma_wait3A_133, %dma_wait3A_134] : memref<32x5x25x80xi32, #tpu.memory_space<hbm>> -> memref<1x5x25x80xi32, #tpu.memory_space<hbm>>
      %dma_wait3A_136 = tpu.memref_squeeze %dma_wait3A_135 : memref<1x5x25x80xi32, #tpu.memory_space<hbm>> -> memref<5x25x80xi32, #tpu.memory_space<hbm>>
      %dma_wait3A_137 = arith.constant 0 : i32
      %dma_wait3A_138 = arith.constant 0 : i32
      %dma_wait3A_139 = tpu.memref_slice %dma_wait3A_136[%run_scoped3A_3, %dma_wait3A_137, %dma_wait3A_138] : memref<5x25x80xi32, #tpu.memory_space<hbm>> -> memref<1x25x80xi32, #tpu.memory_space<hbm>>
      %dma_wait3A_140 = tpu.memref_squeeze %dma_wait3A_139 : memref<1x25x80xi32, #tpu.memory_space<hbm>> -> memref<25x80xi32, #tpu.memory_space<hbm>>
      tpu.wait_dma2 semaphore(%run_scoped3A_105 : memref<!tpu.dma_semaphore, #tpu.memory_space<semaphore_mem>>) src(%dma_wait3A_140 : memref<25x80xi32, #tpu.memory_space<hbm>>) dst(%arg8 : memref<25x80xi32, #tpu.memory_space<vmem>>)
      tpu.yield
    }) : () -> ()
    %dma_start3A = arith.constant 0 : i32
    %dma_start3A_4 = arith.constant 0 : i32
    %dma_start3A_5 = arith.constant 0 : i32
    %dma_start3A_6 = arith.constant 0 : i32
    %dma_start3A_7 = tpu.memref_slice %arg9[%dma_start3A_4, %dma_start3A_5, %dma_start3A_6] : memref<2x80x128xf32, #tpu.memory_space<vmem>> -> memref<1x80x128xf32, #tpu.memory_space<vmem>>
    %dma_start3A_8 = tpu.memref_squeeze %dma_start3A_7 : memref<1x80x128xf32, #tpu.memory_space<vmem>> -> memref<80x128xf32, #tpu.memory_space<vmem>>
    %dma_start3A_9 = arith.constant 0 : i32
    %dma_start3A_10 = tpu.memref_slice %arg7[%dma_start3A, %dma_start3A_9] : memref<25x80xi32, #tpu.memory_space<vmem>> -> memref<1x80xi32, #tpu.memory_space<vmem>>
    %dma_start3A_11 = tpu.memref_squeeze %dma_start3A_10 : memref<1x80xi32, #tpu.memory_space<vmem>> -> memref<80xi32, #tpu.memory_space<vmem>>
    %dma_start3A_12 = arith.constant 0 : i32
    %dma_start3A_13 = arith.constant 0 : i32
    %dma_start3A_14 = tpu.memref_slice %arg2[%dma_start3A_12, %dma_start3A_13] : memref<10000x128xf32, #tpu.memory_space<hbm>> -> memref<10000x128xf32, #tpu.memory_space<hbm>>
    tpu.enqueue_indirect_dma source(%dma_start3A_14 : memref<10000x128xf32, #tpu.memory_space<hbm>>) target(%dma_start3A_8 : memref<80x128xf32, #tpu.memory_space<vmem>>) offsets(%dma_start3A_11 : memref<80xi32, #tpu.memory_space<vmem>>) semaphore(%arg11 : memref<!tpu.dma_semaphore, #tpu.memory_space<semaphore_mem>>)
    %scan3A = arith.constant 0 : i32
    %scan3A_15 = arith.constant 0 : i32
    %scan3A_16 = arith.constant 25 : i32
    %scan3A_17 = arith.addi %scan3A_15, %scan3A_16 : i32
    %scan3A_18 = arith.constant 1 : i32
    scf.for %scan3A_105 = %scan3A_15 to %scan3A_17 step %scan3A_18  : i32 {
      %rem3A = arith.constant 2 : i32
      %rem3A_106 = arith.remsi %scan3A_105, %rem3A : i32
      %add3A_107 = arith.constant 1 : i32
      %add3A_108 = arith.addi %scan3A_105, %add3A_107 : i32
      %lt3A = arith.constant 25 : i32
      %lt3A_109 = arith.cmpi slt, %add3A_108, %lt3A : i32
      %convert_element_type3A = arith.extui %lt3A_109 : i1 to i32
      %cond3A = arith.constant 0 : i32
      %cond3A_110 = arith.cmpi ne, %convert_element_type3A, %cond3A : i32
      scf.if %cond3A_110 {
        %add3A_120 = arith.constant 1 : i32
        %add3A_121 = arith.addi %scan3A_105, %add3A_120 : i32
        %sub3A = arith.constant 1 : i32
        %sub3A_122 = arith.subi %sub3A, %rem3A_106 : i32
        %dma_start3A_123 = arith.constant 0 : i32
        %dma_start3A_124 = arith.constant 0 : i32
        %dma_start3A_125 = tpu.memref_slice %arg9[%sub3A_122, %dma_start3A_123, %dma_start3A_124] : memref<2x80x128xf32, #tpu.memory_space<vmem>> -> memref<1x80x128xf32, #tpu.memory_space<vmem>>
        %dma_start3A_126 = tpu.memref_squeeze %dma_start3A_125 : memref<1x80x128xf32, #tpu.memory_space<vmem>> -> memref<80x128xf32, #tpu.memory_space<vmem>>
        %dma_start3A_127 = arith.constant 0 : i32
        %dma_start3A_128 = tpu.memref_slice %arg7[%add3A_121, %dma_start3A_127] : memref<25x80xi32, #tpu.memory_space<vmem>> -> memref<1x80xi32, #tpu.memory_space<vmem>>
        %dma_start3A_129 = tpu.memref_squeeze %dma_start3A_128 : memref<1x80xi32, #tpu.memory_space<vmem>> -> memref<80xi32, #tpu.memory_space<vmem>>
        %dma_start3A_130 = arith.constant 0 : i32
        %dma_start3A_131 = arith.constant 0 : i32
        %dma_start3A_132 = tpu.memref_slice %arg2[%dma_start3A_130, %dma_start3A_131] : memref<10000x128xf32, #tpu.memory_space<hbm>> -> memref<10000x128xf32, #tpu.memory_space<hbm>>
        tpu.enqueue_indirect_dma source(%dma_start3A_132 : memref<10000x128xf32, #tpu.memory_space<hbm>>) target(%dma_start3A_126 : memref<80x128xf32, #tpu.memory_space<vmem>>) offsets(%dma_start3A_129 : memref<80xi32, #tpu.memory_space<vmem>>) semaphore(%arg11 : memref<!tpu.dma_semaphore, #tpu.memory_space<semaphore_mem>>)
      } else {
      }
      %dma_wait3A = arith.constant 0 : i32
      %dma_wait3A_111 = arith.constant 0 : i32
      %dma_wait3A_112 = tpu.memref_slice %arg9[%rem3A_106, %dma_wait3A, %dma_wait3A_111] : memref<2x80x128xf32, #tpu.memory_space<vmem>> -> memref<1x80x128xf32, #tpu.memory_space<vmem>>
      %dma_wait3A_113 = tpu.memref_squeeze %dma_wait3A_112 : memref<1x80x128xf32, #tpu.memory_space<vmem>> -> memref<80x128xf32, #tpu.memory_space<vmem>>
      %dma_wait3A_114 = arith.constant 0 : i32
      %dma_wait3A_115 = tpu.memref_slice %arg7[%scan3A_105, %dma_wait3A_114] : memref<25x80xi32, #tpu.memory_space<vmem>> -> memref<1x80xi32, #tpu.memory_space<vmem>>
      %dma_wait3A_116 = tpu.memref_squeeze %dma_wait3A_115 : memref<1x80xi32, #tpu.memory_space<vmem>> -> memref<80xi32, #tpu.memory_space<vmem>>
      %dma_wait3A_117 = arith.constant 0 : i32
      %dma_wait3A_118 = arith.constant 0 : i32
      %dma_wait3A_119 = tpu.memref_slice %arg2[%dma_wait3A_117, %dma_wait3A_118] : memref<10000x128xf32, #tpu.memory_space<hbm>> -> memref<10000x128xf32, #tpu.memory_space<hbm>>
      tpu.wait_indirect_dma semaphore(%arg11 : memref<!tpu.dma_semaphore, #tpu.memory_space<semaphore_mem>>) src(%dma_wait3A_119 : memref<10000x128xf32, #tpu.memory_space<hbm>>) dst(%dma_wait3A_113 : memref<80x128xf32, #tpu.memory_space<vmem>>)
      "tpu.region"() ({
        %run_scoped3A_120 = tpu.sem_alloc : memref<!tpu.dma_semaphore, #tpu.memory_space<semaphore_mem>>
        %dma_start3A_121 = arith.constant 0 : i32
        %dma_start3A_122 = arith.constant 0 : i32
        %dma_start3A_123 = tpu.memref_slice %arg9[%rem3A_106, %dma_start3A_121, %dma_start3A_122] : memref<2x80x128xf32, #tpu.memory_space<vmem>> -> memref<1x80x128xf32, #tpu.memory_space<vmem>>
        %dma_start3A_124 = tpu.memref_squeeze %dma_start3A_123 : memref<1x80x128xf32, #tpu.memory_space<vmem>> -> memref<80x128xf32, #tpu.memory_space<vmem>>
        %dma_start3A_125 = arith.constant 0 : i32
        %dma_start3A_126 = tpu.memref_slice %arg8[%scan3A_105, %dma_start3A_125] : memref<25x80xi32, #tpu.memory_space<vmem>> -> memref<1x80xi32, #tpu.memory_space<vmem>>
        %dma_start3A_127 = tpu.memref_squeeze %dma_start3A_126 : memref<1x80xi32, #tpu.memory_space<vmem>> -> memref<80xi32, #tpu.memory_space<vmem>>
        %dma_start3A_128 = arith.constant 0 : i32
        %dma_start3A_129 = arith.constant 0 : i32
        %dma_start3A_130 = tpu.memref_slice %arg10[%dma_start3A_128, %dma_start3A_129] : memref<10240x128xf32, #tpu.memory_space<vmem_shared>> -> memref<10240x128xf32, #tpu.memory_space<vmem_shared>>
        tpu.enqueue_indirect_dma source(%dma_start3A_124 : memref<80x128xf32, #tpu.memory_space<vmem>>) target(%dma_start3A_130 : memref<10240x128xf32, #tpu.memory_space<vmem_shared>>) offsets(%dma_start3A_127 : memref<80xi32, #tpu.memory_space<vmem>>) semaphore(%run_scoped3A_120 : memref<!tpu.dma_semaphore, #tpu.memory_space<semaphore_mem>>) {add = true}
        %dma_wait3A_131 = arith.constant 0 : i32
        %dma_wait3A_132 = arith.constant 0 : i32
        %dma_wait3A_133 = tpu.memref_slice %arg9[%rem3A_106, %dma_wait3A_131, %dma_wait3A_132] : memref<2x80x128xf32, #tpu.memory_space<vmem>> -> memref<1x80x128xf32, #tpu.memory_space<vmem>>
        %dma_wait3A_134 = tpu.memref_squeeze %dma_wait3A_133 : memref<1x80x128xf32, #tpu.memory_space<vmem>> -> memref<80x128xf32, #tpu.memory_space<vmem>>
        %dma_wait3A_135 = arith.constant 0 : i32
        %dma_wait3A_136 = tpu.memref_slice %arg8[%scan3A_105, %dma_wait3A_135] : memref<25x80xi32, #tpu.memory_space<vmem>> -> memref<1x80xi32, #tpu.memory_space<vmem>>
        %dma_wait3A_137 = tpu.memref_squeeze %dma_wait3A_136 : memref<1x80xi32, #tpu.memory_space<vmem>> -> memref<80xi32, #tpu.memory_space<vmem>>
        %dma_wait3A_138 = arith.constant 0 : i32
        %dma_wait3A_139 = arith.constant 0 : i32
        %dma_wait3A_140 = tpu.memref_slice %arg10[%dma_wait3A_138, %dma_wait3A_139] : memref<10240x128xf32, #tpu.memory_space<vmem_shared>> -> memref<10240x128xf32, #tpu.memory_space<vmem_shared>>
        tpu.wait_indirect_dma semaphore(%run_scoped3A_120 : memref<!tpu.dma_semaphore, #tpu.memory_space<semaphore_mem>>) src(%dma_wait3A_134 : memref<80x128xf32, #tpu.memory_space<vmem>>) dst(%dma_wait3A_140 : memref<10240x128xf32, #tpu.memory_space<vmem_shared>>)
        tpu.yield
      }) : () -> ()
    }
    %scan3A_19 = arith.constant 25 : i32
    %run_scoped3A_20 = arith.constant 1 : i32
    "tpu.region"() ({
      %run_scoped3A_105 = tpu.sem_alloc : memref<!tpu.dma_semaphore, #tpu.memory_space<semaphore_mem>>
      %dma_start3A_106 = arith.constant 0 : i32
      %dma_start3A_107 = arith.constant 0 : i32
      %dma_start3A_108 = arith.constant 0 : i32
      %dma_start3A_109 = tpu.memref_slice %arg3[%add3A, %dma_start3A_106, %dma_start3A_107, %dma_start3A_108] : memref<32x5x25x80xi32, #tpu.memory_space<hbm>> -> memref<1x5x25x80xi32, #tpu.memory_space<hbm>>
      %dma_start3A_110 = tpu.memref_squeeze %dma_start3A_109 : memref<1x5x25x80xi32, #tpu.memory_space<hbm>> -> memref<5x25x80xi32, #tpu.memory_space<hbm>>
      %dma_start3A_111 = arith.constant 0 : i32
      %dma_start3A_112 = arith.constant 0 : i32
      %dma_start3A_113 = tpu.memref_slice %dma_start3A_110[%run_scoped3A_20, %dma_start3A_111, %dma_start3A_112] : memref<5x25x80xi32, #tpu.memory_space<hbm>> -> memref<1x25x80xi32, #tpu.memory_space<hbm>>
      %dma_start3A_114 = tpu.memref_squeeze %dma_start3A_113 : memref<1x25x80xi32, #tpu.memory_space<hbm>> -> memref<25x80xi32, #tpu.memory_space<hbm>>
      %dma_start3A_115 = arith.constant 0 : i32
      %dma_start3A_116 = arith.constant 0 : i32
      %dma_start3A_117 = arith.constant 0 : i32
      %dma_start3A_118 = tpu.memref_slice %arg3[%add3A, %dma_start3A_115, %dma_start3A_116, %dma_start3A_117] : memref<32x5x25x80xi32, #tpu.memory_space<hbm>> -> memref<1x5x25x80xi32, #tpu.memory_space<hbm>>
      %dma_start3A_119 = tpu.memref_squeeze %dma_start3A_118 : memref<1x5x25x80xi32, #tpu.memory_space<hbm>> -> memref<5x25x80xi32, #tpu.memory_space<hbm>>
      %dma_start3A_120 = arith.constant 0 : i32
      %dma_start3A_121 = arith.constant 0 : i32
      %dma_start3A_122 = tpu.memref_slice %dma_start3A_119[%run_scoped3A_20, %dma_start3A_120, %dma_start3A_121] : memref<5x25x80xi32, #tpu.memory_space<hbm>> -> memref<1x25x80xi32, #tpu.memory_space<hbm>>
      %dma_start3A_123 = tpu.memref_squeeze %dma_start3A_122 : memref<1x25x80xi32, #tpu.memory_space<hbm>> -> memref<25x80xi32, #tpu.memory_space<hbm>>
      tpu.enqueue_dma source(%dma_start3A_123 : memref<25x80xi32, #tpu.memory_space<hbm>>) target(%arg7 : memref<25x80xi32, #tpu.memory_space<vmem>>) target_semaphore(%run_scoped3A_105 : memref<!tpu.dma_semaphore, #tpu.memory_space<semaphore_mem>>)
      %dma_wait3A = arith.constant 0 : i32
      %dma_wait3A_124 = arith.constant 0 : i32
      %dma_wait3A_125 = arith.constant 0 : i32
      %dma_wait3A_126 = tpu.memref_slice %arg3[%add3A, %dma_wait3A, %dma_wait3A_124, %dma_wait3A_125] : memref<32x5x25x80xi32, #tpu.memory_space<hbm>> -> memref<1x5x25x80xi32, #tpu.memory_space<hbm>>
      %dma_wait3A_127 = tpu.memref_squeeze %dma_wait3A_126 : memref<1x5x25x80xi32, #tpu.memory_space<hbm>> -> memref<5x25x80xi32, #tpu.memory_space<hbm>>
      %dma_wait3A_128 = arith.constant 0 : i32
      %dma_wait3A_129 = arith.constant 0 : i32
      %dma_wait3A_130 = tpu.memref_slice %dma_wait3A_127[%run_scoped3A_20, %dma_wait3A_128, %dma_wait3A_129] : memref<5x25x80xi32, #tpu.memory_space<hbm>> -> memref<1x25x80xi32, #tpu.memory_space<hbm>>
      %dma_wait3A_131 = tpu.memref_squeeze %dma_wait3A_130 : memref<1x25x80xi32, #tpu.memory_space<hbm>> -> memref<25x80xi32, #tpu.memory_space<hbm>>
      %dma_wait3A_132 = arith.constant 0 : i32
      %dma_wait3A_133 = arith.constant 0 : i32
      %dma_wait3A_134 = arith.constant 0 : i32
      %dma_wait3A_135 = tpu.memref_slice %arg3[%add3A, %dma_wait3A_132, %dma_wait3A_133, %dma_wait3A_134] : memref<32x5x25x80xi32, #tpu.memory_space<hbm>> -> memref<1x5x25x80xi32, #tpu.memory_space<hbm>>
      %dma_wait3A_136 = tpu.memref_squeeze %dma_wait3A_135 : memref<1x5x25x80xi32, #tpu.memory_space<hbm>> -> memref<5x25x80xi32, #tpu.memory_space<hbm>>
      %dma_wait3A_137 = arith.constant 0 : i32
      %dma_wait3A_138 = arith.constant 0 : i32
      %dma_wait3A_139 = tpu.memref_slice %dma_wait3A_136[%run_scoped3A_20, %dma_wait3A_137, %dma_wait3A_138] : memref<5x25x80xi32, #tpu.memory_space<hbm>> -> memref<1x25x80xi32, #tpu.memory_space<hbm>>
      %dma_wait3A_140 = tpu.memref_squeeze %dma_wait3A_139 : memref<1x25x80xi32, #tpu.memory_space<hbm>> -> memref<25x80xi32, #tpu.memory_space<hbm>>
      tpu.wait_dma2 semaphore(%run_scoped3A_105 : memref<!tpu.dma_semaphore, #tpu.memory_space<semaphore_mem>>) src(%dma_wait3A_140 : memref<25x80xi32, #tpu.memory_space<hbm>>) dst(%arg7 : memref<25x80xi32, #tpu.memory_space<vmem>>)
      tpu.yield
    }) : () -> ()
    %run_scoped3A_21 = arith.constant 1 : i32
    "tpu.region"() ({
      %run_scoped3A_105 = tpu.sem_alloc : memref<!tpu.dma_semaphore, #tpu.memory_space<semaphore_mem>>
      %dma_start3A_106 = arith.constant 0 : i32
      %dma_start3A_107 = arith.constant 0 : i32
      %dma_start3A_108 = arith.constant 0 : i32
      %dma_start3A_109 = tpu.memref_slice %arg4[%add3A, %dma_start3A_106, %dma_start3A_107, %dma_start3A_108] : memref<32x5x25x80xi32, #tpu.memory_space<hbm>> -> memref<1x5x25x80xi32, #tpu.memory_space<hbm>>
      %dma_start3A_110 = tpu.memref_squeeze %dma_start3A_109 : memref<1x5x25x80xi32, #tpu.memory_space<hbm>> -> memref<5x25x80xi32, #tpu.memory_space<hbm>>
      %dma_start3A_111 = arith.constant 0 : i32
      %dma_start3A_112 = arith.constant 0 : i32
      %dma_start3A_113 = tpu.memref_slice %dma_start3A_110[%run_scoped3A_21, %dma_start3A_111, %dma_start3A_112] : memref<5x25x80xi32, #tpu.memory_space<hbm>> -> memref<1x25x80xi32, #tpu.memory_space<hbm>>
      %dma_start3A_114 = tpu.memref_squeeze %dma_start3A_113 : memref<1x25x80xi32, #tpu.memory_space<hbm>> -> memref<25x80xi32, #tpu.memory_space<hbm>>
      %dma_start3A_115 = arith.constant 0 : i32
      %dma_start3A_116 = arith.constant 0 : i32
      %dma_start3A_117 = arith.constant 0 : i32
      %dma_start3A_118 = tpu.memref_slice %arg4[%add3A, %dma_start3A_115, %dma_start3A_116, %dma_start3A_117] : memref<32x5x25x80xi32, #tpu.memory_space<hbm>> -> memref<1x5x25x80xi32, #tpu.memory_space<hbm>>
      %dma_start3A_119 = tpu.memref_squeeze %dma_start3A_118 : memref<1x5x25x80xi32, #tpu.memory_space<hbm>> -> memref<5x25x80xi32, #tpu.memory_space<hbm>>
      %dma_start3A_120 = arith.constant 0 : i32
      %dma_start3A_121 = arith.constant 0 : i32
      %dma_start3A_122 = tpu.memref_slice %dma_start3A_119[%run_scoped3A_21, %dma_start3A_120, %dma_start3A_121] : memref<5x25x80xi32, #tpu.memory_space<hbm>> -> memref<1x25x80xi32, #tpu.memory_space<hbm>>
      %dma_start3A_123 = tpu.memref_squeeze %dma_start3A_122 : memref<1x25x80xi32, #tpu.memory_space<hbm>> -> memref<25x80xi32, #tpu.memory_space<hbm>>
      tpu.enqueue_dma source(%dma_start3A_123 : memref<25x80xi32, #tpu.memory_space<hbm>>) target(%arg8 : memref<25x80xi32, #tpu.memory_space<vmem>>) target_semaphore(%run_scoped3A_105 : memref<!tpu.dma_semaphore, #tpu.memory_space<semaphore_mem>>)
      %dma_wait3A = arith.constant 0 : i32
      %dma_wait3A_124 = arith.constant 0 : i32
      %dma_wait3A_125 = arith.constant 0 : i32
      %dma_wait3A_126 = tpu.memref_slice %arg4[%add3A, %dma_wait3A, %dma_wait3A_124, %dma_wait3A_125] : memref<32x5x25x80xi32, #tpu.memory_space<hbm>> -> memref<1x5x25x80xi32, #tpu.memory_space<hbm>>
      %dma_wait3A_127 = tpu.memref_squeeze %dma_wait3A_126 : memref<1x5x25x80xi32, #tpu.memory_space<hbm>> -> memref<5x25x80xi32, #tpu.memory_space<hbm>>
      %dma_wait3A_128 = arith.constant 0 : i32
      %dma_wait3A_129 = arith.constant 0 : i32
      %dma_wait3A_130 = tpu.memref_slice %dma_wait3A_127[%run_scoped3A_21, %dma_wait3A_128, %dma_wait3A_129] : memref<5x25x80xi32, #tpu.memory_space<hbm>> -> memref<1x25x80xi32, #tpu.memory_space<hbm>>
      %dma_wait3A_131 = tpu.memref_squeeze %dma_wait3A_130 : memref<1x25x80xi32, #tpu.memory_space<hbm>> -> memref<25x80xi32, #tpu.memory_space<hbm>>
      %dma_wait3A_132 = arith.constant 0 : i32
      %dma_wait3A_133 = arith.constant 0 : i32
      %dma_wait3A_134 = arith.constant 0 : i32
      %dma_wait3A_135 = tpu.memref_slice %arg4[%add3A, %dma_wait3A_132, %dma_wait3A_133, %dma_wait3A_134] : memref<32x5x25x80xi32, #tpu.memory_space<hbm>> -> memref<1x5x25x80xi32, #tpu.memory_space<hbm>>
      %dma_wait3A_136 = tpu.memref_squeeze %dma_wait3A_135 : memref<1x5x25x80xi32, #tpu.memory_space<hbm>> -> memref<5x25x80xi32, #tpu.memory_space<hbm>>
      %dma_wait3A_137 = arith.constant 0 : i32
      %dma_wait3A_138 = arith.constant 0 : i32
      %dma_wait3A_139 = tpu.memref_slice %dma_wait3A_136[%run_scoped3A_21, %dma_wait3A_137, %dma_wait3A_138] : memref<5x25x80xi32, #tpu.memory_space<hbm>> -> memref<1x25x80xi32, #tpu.memory_space<hbm>>
      %dma_wait3A_140 = tpu.memref_squeeze %dma_wait3A_139 : memref<1x25x80xi32, #tpu.memory_space<hbm>> -> memref<25x80xi32, #tpu.memory_space<hbm>>
      tpu.wait_dma2 semaphore(%run_scoped3A_105 : memref<!tpu.dma_semaphore, #tpu.memory_space<semaphore_mem>>) src(%dma_wait3A_140 : memref<25x80xi32, #tpu.memory_space<hbm>>) dst(%arg8 : memref<25x80xi32, #tpu.memory_space<vmem>>)
      tpu.yield
    }) : () -> ()
    %dma_start3A_22 = arith.constant 0 : i32
    %dma_start3A_23 = arith.constant 0 : i32
    %dma_start3A_24 = arith.constant 0 : i32
    %dma_start3A_25 = arith.constant 0 : i32
    %dma_start3A_26 = tpu.memref_slice %arg9[%dma_start3A_23, %dma_start3A_24, %dma_start3A_25] : memref<2x80x128xf32, #tpu.memory_space<vmem>> -> memref<1x80x128xf32, #tpu.memory_space<vmem>>
    %dma_start3A_27 = tpu.memref_squeeze %dma_start3A_26 : memref<1x80x128xf32, #tpu.memory_space<vmem>> -> memref<80x128xf32, #tpu.memory_space<vmem>>
    %dma_start3A_28 = arith.constant 0 : i32
    %dma_start3A_29 = tpu.memref_slice %arg7[%dma_start3A_22, %dma_start3A_28] : memref<25x80xi32, #tpu.memory_space<vmem>> -> memref<1x80xi32, #tpu.memory_space<vmem>>
    %dma_start3A_30 = tpu.memref_squeeze %dma_start3A_29 : memref<1x80xi32, #tpu.memory_space<vmem>> -> memref<80xi32, #tpu.memory_space<vmem>>
    %dma_start3A_31 = arith.constant 0 : i32
    %dma_start3A_32 = arith.constant 0 : i32
    %dma_start3A_33 = tpu.memref_slice %arg2[%dma_start3A_31, %dma_start3A_32] : memref<10000x128xf32, #tpu.memory_space<hbm>> -> memref<10000x128xf32, #tpu.memory_space<hbm>>
    tpu.enqueue_indirect_dma source(%dma_start3A_33 : memref<10000x128xf32, #tpu.memory_space<hbm>>) target(%dma_start3A_27 : memref<80x128xf32, #tpu.memory_space<vmem>>) offsets(%dma_start3A_30 : memref<80xi32, #tpu.memory_space<vmem>>) semaphore(%arg11 : memref<!tpu.dma_semaphore, #tpu.memory_space<semaphore_mem>>)
    %scan3A_34 = arith.constant 0 : i32
    %scan3A_35 = arith.constant 0 : i32
    %scan3A_36 = arith.constant 25 : i32
    %scan3A_37 = arith.addi %scan3A_35, %scan3A_36 : i32
    %scan3A_38 = arith.constant 1 : i32
    scf.for %scan3A_105 = %scan3A_35 to %scan3A_37 step %scan3A_38  : i32 {
      %rem3A = arith.constant 2 : i32
      %rem3A_106 = arith.remsi %scan3A_105, %rem3A : i32
      %add3A_107 = arith.constant 1 : i32
      %add3A_108 = arith.addi %scan3A_105, %add3A_107 : i32
      %lt3A = arith.constant 25 : i32
      %lt3A_109 = arith.cmpi slt, %add3A_108, %lt3A : i32
      %convert_element_type3A = arith.extui %lt3A_109 : i1 to i32
      %cond3A = arith.constant 0 : i32
      %cond3A_110 = arith.cmpi ne, %convert_element_type3A, %cond3A : i32
      scf.if %cond3A_110 {
        %add3A_120 = arith.constant 1 : i32
        %add3A_121 = arith.addi %scan3A_105, %add3A_120 : i32
        %sub3A = arith.constant 1 : i32
        %sub3A_122 = arith.subi %sub3A, %rem3A_106 : i32
        %dma_start3A_123 = arith.constant 0 : i32
        %dma_start3A_124 = arith.constant 0 : i32
        %dma_start3A_125 = tpu.memref_slice %arg9[%sub3A_122, %dma_start3A_123, %dma_start3A_124] : memref<2x80x128xf32, #tpu.memory_space<vmem>> -> memref<1x80x128xf32, #tpu.memory_space<vmem>>
        %dma_start3A_126 = tpu.memref_squeeze %dma_start3A_125 : memref<1x80x128xf32, #tpu.memory_space<vmem>> -> memref<80x128xf32, #tpu.memory_space<vmem>>
        %dma_start3A_127 = arith.constant 0 : i32
        %dma_start3A_128 = tpu.memref_slice %arg7[%add3A_121, %dma_start3A_127] : memref<25x80xi32, #tpu.memory_space<vmem>> -> memref<1x80xi32, #tpu.memory_space<vmem>>
        %dma_start3A_129 = tpu.memref_squeeze %dma_start3A_128 : memref<1x80xi32, #tpu.memory_space<vmem>> -> memref<80xi32, #tpu.memory_space<vmem>>
        %dma_start3A_130 = arith.constant 0 : i32
        %dma_start3A_131 = arith.constant 0 : i32
        %dma_start3A_132 = tpu.memref_slice %arg2[%dma_start3A_130, %dma_start3A_131] : memref<10000x128xf32, #tpu.memory_space<hbm>> -> memref<10000x128xf32, #tpu.memory_space<hbm>>
        tpu.enqueue_indirect_dma source(%dma_start3A_132 : memref<10000x128xf32, #tpu.memory_space<hbm>>) target(%dma_start3A_126 : memref<80x128xf32, #tpu.memory_space<vmem>>) offsets(%dma_start3A_129 : memref<80xi32, #tpu.memory_space<vmem>>) semaphore(%arg11 : memref<!tpu.dma_semaphore, #tpu.memory_space<semaphore_mem>>)
      } else {
      }
      %dma_wait3A = arith.constant 0 : i32
      %dma_wait3A_111 = arith.constant 0 : i32
      %dma_wait3A_112 = tpu.memref_slice %arg9[%rem3A_106, %dma_wait3A, %dma_wait3A_111] : memref<2x80x128xf32, #tpu.memory_space<vmem>> -> memref<1x80x128xf32, #tpu.memory_space<vmem>>
      %dma_wait3A_113 = tpu.memref_squeeze %dma_wait3A_112 : memref<1x80x128xf32, #tpu.memory_space<vmem>> -> memref<80x128xf32, #tpu.memory_space<vmem>>
      %dma_wait3A_114 = arith.constant 0 : i32
      %dma_wait3A_115 = tpu.memref_slice %arg7[%scan3A_105, %dma_wait3A_114] : memref<25x80xi32, #tpu.memory_space<vmem>> -> memref<1x80xi32, #tpu.memory_space<vmem>>
      %dma_wait3A_116 = tpu.memref_squeeze %dma_wait3A_115 : memref<1x80xi32, #tpu.memory_space<vmem>> -> memref<80xi32, #tpu.memory_space<vmem>>
      %dma_wait3A_117 = arith.constant 0 : i32
      %dma_wait3A_118 = arith.constant 0 : i32
      %dma_wait3A_119 = tpu.memref_slice %arg2[%dma_wait3A_117, %dma_wait3A_118] : memref<10000x128xf32, #tpu.memory_space<hbm>> -> memref<10000x128xf32, #tpu.memory_space<hbm>>
      tpu.wait_indirect_dma semaphore(%arg11 : memref<!tpu.dma_semaphore, #tpu.memory_space<semaphore_mem>>) src(%dma_wait3A_119 : memref<10000x128xf32, #tpu.memory_space<hbm>>) dst(%dma_wait3A_113 : memref<80x128xf32, #tpu.memory_space<vmem>>)
      "tpu.region"() ({
        %run_scoped3A_120 = tpu.sem_alloc : memref<!tpu.dma_semaphore, #tpu.memory_space<semaphore_mem>>
        %dma_start3A_121 = arith.constant 0 : i32
        %dma_start3A_122 = arith.constant 0 : i32
        %dma_start3A_123 = tpu.memref_slice %arg9[%rem3A_106, %dma_start3A_121, %dma_start3A_122] : memref<2x80x128xf32, #tpu.memory_space<vmem>> -> memref<1x80x128xf32, #tpu.memory_space<vmem>>
        %dma_start3A_124 = tpu.memref_squeeze %dma_start3A_123 : memref<1x80x128xf32, #tpu.memory_space<vmem>> -> memref<80x128xf32, #tpu.memory_space<vmem>>
        %dma_start3A_125 = arith.constant 0 : i32
        %dma_start3A_126 = tpu.memref_slice %arg8[%scan3A_105, %dma_start3A_125] : memref<25x80xi32, #tpu.memory_space<vmem>> -> memref<1x80xi32, #tpu.memory_space<vmem>>
        %dma_start3A_127 = tpu.memref_squeeze %dma_start3A_126 : memref<1x80xi32, #tpu.memory_space<vmem>> -> memref<80xi32, #tpu.memory_space<vmem>>
        %dma_start3A_128 = arith.constant 0 : i32
        %dma_start3A_129 = arith.constant 0 : i32
        %dma_start3A_130 = tpu.memref_slice %arg10[%dma_start3A_128, %dma_start3A_129] : memref<10240x128xf32, #tpu.memory_space<vmem_shared>> -> memref<10240x128xf32, #tpu.memory_space<vmem_shared>>
        tpu.enqueue_indirect_dma source(%dma_start3A_124 : memref<80x128xf32, #tpu.memory_space<vmem>>) target(%dma_start3A_130 : memref<10240x128xf32, #tpu.memory_space<vmem_shared>>) offsets(%dma_start3A_127 : memref<80xi32, #tpu.memory_space<vmem>>) semaphore(%run_scoped3A_120 : memref<!tpu.dma_semaphore, #tpu.memory_space<semaphore_mem>>) {add = true}
        %dma_wait3A_131 = arith.constant 0 : i32
        %dma_wait3A_132 = arith.constant 0 : i32
        %dma_wait3A_133 = tpu.memref_slice %arg9[%rem3A_106, %dma_wait3A_131, %dma_wait3A_132] : memref<2x80x128xf32, #tpu.memory_space<vmem>> -> memref<1x80x128xf32, #tpu.memory_space<vmem>>
        %dma_wait3A_134 = tpu.memref_squeeze %dma_wait3A_133 : memref<1x80x128xf32, #tpu.memory_space<vmem>> -> memref<80x128xf32, #tpu.memory_space<vmem>>
        %dma_wait3A_135 = arith.constant 0 : i32
        %dma_wait3A_136 = tpu.memref_slice %arg8[%scan3A_105, %dma_wait3A_135] : memref<25x80xi32, #tpu.memory_space<vmem>> -> memref<1x80xi32, #tpu.memory_space<vmem>>
        %dma_wait3A_137 = tpu.memref_squeeze %dma_wait3A_136 : memref<1x80xi32, #tpu.memory_space<vmem>> -> memref<80xi32, #tpu.memory_space<vmem>>
        %dma_wait3A_138 = arith.constant 0 : i32
        %dma_wait3A_139 = arith.constant 0 : i32
        %dma_wait3A_140 = tpu.memref_slice %arg10[%dma_wait3A_138, %dma_wait3A_139] : memref<10240x128xf32, #tpu.memory_space<vmem_shared>> -> memref<10240x128xf32, #tpu.memory_space<vmem_shared>>
        tpu.wait_indirect_dma semaphore(%run_scoped3A_120 : memref<!tpu.dma_semaphore, #tpu.memory_space<semaphore_mem>>) src(%dma_wait3A_134 : memref<80x128xf32, #tpu.memory_space<vmem>>) dst(%dma_wait3A_140 : memref<10240x128xf32, #tpu.memory_space<vmem_shared>>)
        tpu.yield
      }) : () -> ()
    }
    %scan3A_39 = arith.constant 25 : i32
    %run_scoped3A_40 = arith.constant 2 : i32
    "tpu.region"() ({
      %run_scoped3A_105 = tpu.sem_alloc : memref<!tpu.dma_semaphore, #tpu.memory_space<semaphore_mem>>
      %dma_start3A_106 = arith.constant 0 : i32
      %dma_start3A_107 = arith.constant 0 : i32
      %dma_start3A_108 = arith.constant 0 : i32
      %dma_start3A_109 = tpu.memref_slice %arg3[%add3A, %dma_start3A_106, %dma_start3A_107, %dma_start3A_108] : memref<32x5x25x80xi32, #tpu.memory_space<hbm>> -> memref<1x5x25x80xi32, #tpu.memory_space<hbm>>
      %dma_start3A_110 = tpu.memref_squeeze %dma_start3A_109 : memref<1x5x25x80xi32, #tpu.memory_space<hbm>> -> memref<5x25x80xi32, #tpu.memory_space<hbm>>
      %dma_start3A_111 = arith.constant 0 : i32
      %dma_start3A_112 = arith.constant 0 : i32
      %dma_start3A_113 = tpu.memref_slice %dma_start3A_110[%run_scoped3A_40, %dma_start3A_111, %dma_start3A_112] : memref<5x25x80xi32, #tpu.memory_space<hbm>> -> memref<1x25x80xi32, #tpu.memory_space<hbm>>
      %dma_start3A_114 = tpu.memref_squeeze %dma_start3A_113 : memref<1x25x80xi32, #tpu.memory_space<hbm>> -> memref<25x80xi32, #tpu.memory_space<hbm>>
      %dma_start3A_115 = arith.constant 0 : i32
      %dma_start3A_116 = arith.constant 0 : i32
      %dma_start3A_117 = arith.constant 0 : i32
      %dma_start3A_118 = tpu.memref_slice %arg3[%add3A, %dma_start3A_115, %dma_start3A_116, %dma_start3A_117] : memref<32x5x25x80xi32, #tpu.memory_space<hbm>> -> memref<1x5x25x80xi32, #tpu.memory_space<hbm>>
      %dma_start3A_119 = tpu.memref_squeeze %dma_start3A_118 : memref<1x5x25x80xi32, #tpu.memory_space<hbm>> -> memref<5x25x80xi32, #tpu.memory_space<hbm>>
      %dma_start3A_120 = arith.constant 0 : i32
      %dma_start3A_121 = arith.constant 0 : i32
      %dma_start3A_122 = tpu.memref_slice %dma_start3A_119[%run_scoped3A_40, %dma_start3A_120, %dma_start3A_121] : memref<5x25x80xi32, #tpu.memory_space<hbm>> -> memref<1x25x80xi32, #tpu.memory_space<hbm>>
      %dma_start3A_123 = tpu.memref_squeeze %dma_start3A_122 : memref<1x25x80xi32, #tpu.memory_space<hbm>> -> memref<25x80xi32, #tpu.memory_space<hbm>>
      tpu.enqueue_dma source(%dma_start3A_123 : memref<25x80xi32, #tpu.memory_space<hbm>>) target(%arg7 : memref<25x80xi32, #tpu.memory_space<vmem>>) target_semaphore(%run_scoped3A_105 : memref<!tpu.dma_semaphore, #tpu.memory_space<semaphore_mem>>)
      %dma_wait3A = arith.constant 0 : i32
      %dma_wait3A_124 = arith.constant 0 : i32
      %dma_wait3A_125 = arith.constant 0 : i32
      %dma_wait3A_126 = tpu.memref_slice %arg3[%add3A, %dma_wait3A, %dma_wait3A_124, %dma_wait3A_125] : memref<32x5x25x80xi32, #tpu.memory_space<hbm>> -> memref<1x5x25x80xi32, #tpu.memory_space<hbm>>
      %dma_wait3A_127 = tpu.memref_squeeze %dma_wait3A_126 : memref<1x5x25x80xi32, #tpu.memory_space<hbm>> -> memref<5x25x80xi32, #tpu.memory_space<hbm>>
      %dma_wait3A_128 = arith.constant 0 : i32
      %dma_wait3A_129 = arith.constant 0 : i32
      %dma_wait3A_130 = tpu.memref_slice %dma_wait3A_127[%run_scoped3A_40, %dma_wait3A_128, %dma_wait3A_129] : memref<5x25x80xi32, #tpu.memory_space<hbm>> -> memref<1x25x80xi32, #tpu.memory_space<hbm>>
      %dma_wait3A_131 = tpu.memref_squeeze %dma_wait3A_130 : memref<1x25x80xi32, #tpu.memory_space<hbm>> -> memref<25x80xi32, #tpu.memory_space<hbm>>
      %dma_wait3A_132 = arith.constant 0 : i32
      %dma_wait3A_133 = arith.constant 0 : i32
      %dma_wait3A_134 = arith.constant 0 : i32
      %dma_wait3A_135 = tpu.memref_slice %arg3[%add3A, %dma_wait3A_132, %dma_wait3A_133, %dma_wait3A_134] : memref<32x5x25x80xi32, #tpu.memory_space<hbm>> -> memref<1x5x25x80xi32, #tpu.memory_space<hbm>>
      %dma_wait3A_136 = tpu.memref_squeeze %dma_wait3A_135 : memref<1x5x25x80xi32, #tpu.memory_space<hbm>> -> memref<5x25x80xi32, #tpu.memory_space<hbm>>
      %dma_wait3A_137 = arith.constant 0 : i32
      %dma_wait3A_138 = arith.constant 0 : i32
      %dma_wait3A_139 = tpu.memref_slice %dma_wait3A_136[%run_scoped3A_40, %dma_wait3A_137, %dma_wait3A_138] : memref<5x25x80xi32, #tpu.memory_space<hbm>> -> memref<1x25x80xi32, #tpu.memory_space<hbm>>
      %dma_wait3A_140 = tpu.memref_squeeze %dma_wait3A_139 : memref<1x25x80xi32, #tpu.memory_space<hbm>> -> memref<25x80xi32, #tpu.memory_space<hbm>>
      tpu.wait_dma2 semaphore(%run_scoped3A_105 : memref<!tpu.dma_semaphore, #tpu.memory_space<semaphore_mem>>) src(%dma_wait3A_140 : memref<25x80xi32, #tpu.memory_space<hbm>>) dst(%arg7 : memref<25x80xi32, #tpu.memory_space<vmem>>)
      tpu.yield
    }) : () -> ()
    %run_scoped3A_41 = arith.constant 2 : i32
    "tpu.region"() ({
      %run_scoped3A_105 = tpu.sem_alloc : memref<!tpu.dma_semaphore, #tpu.memory_space<semaphore_mem>>
      %dma_start3A_106 = arith.constant 0 : i32
      %dma_start3A_107 = arith.constant 0 : i32
      %dma_start3A_108 = arith.constant 0 : i32
      %dma_start3A_109 = tpu.memref_slice %arg4[%add3A, %dma_start3A_106, %dma_start3A_107, %dma_start3A_108] : memref<32x5x25x80xi32, #tpu.memory_space<hbm>> -> memref<1x5x25x80xi32, #tpu.memory_space<hbm>>
      %dma_start3A_110 = tpu.memref_squeeze %dma_start3A_109 : memref<1x5x25x80xi32, #tpu.memory_space<hbm>> -> memref<5x25x80xi32, #tpu.memory_space<hbm>>
      %dma_start3A_111 = arith.constant 0 : i32
      %dma_start3A_112 = arith.constant 0 : i32
      %dma_start3A_113 = tpu.memref_slice %dma_start3A_110[%run_scoped3A_41, %dma_start3A_111, %dma_start3A_112] : memref<5x25x80xi32, #tpu.memory_space<hbm>> -> memref<1x25x80xi32, #tpu.memory_space<hbm>>
      %dma_start3A_114 = tpu.memref_squeeze %dma_start3A_113 : memref<1x25x80xi32, #tpu.memory_space<hbm>> -> memref<25x80xi32, #tpu.memory_space<hbm>>
      %dma_start3A_115 = arith.constant 0 : i32
      %dma_start3A_116 = arith.constant 0 : i32
      %dma_start3A_117 = arith.constant 0 : i32
      %dma_start3A_118 = tpu.memref_slice %arg4[%add3A, %dma_start3A_115, %dma_start3A_116, %dma_start3A_117] : memref<32x5x25x80xi32, #tpu.memory_space<hbm>> -> memref<1x5x25x80xi32, #tpu.memory_space<hbm>>
      %dma_start3A_119 = tpu.memref_squeeze %dma_start3A_118 : memref<1x5x25x80xi32, #tpu.memory_space<hbm>> -> memref<5x25x80xi32, #tpu.memory_space<hbm>>
      %dma_start3A_120 = arith.constant 0 : i32
      %dma_start3A_121 = arith.constant 0 : i32
      %dma_start3A_122 = tpu.memref_slice %dma_start3A_119[%run_scoped3A_41, %dma_start3A_120, %dma_start3A_121] : memref<5x25x80xi32, #tpu.memory_space<hbm>> -> memref<1x25x80xi32, #tpu.memory_space<hbm>>
      %dma_start3A_123 = tpu.memref_squeeze %dma_start3A_122 : memref<1x25x80xi32, #tpu.memory_space<hbm>> -> memref<25x80xi32, #tpu.memory_space<hbm>>
      tpu.enqueue_dma source(%dma_start3A_123 : memref<25x80xi32, #tpu.memory_space<hbm>>) target(%arg8 : memref<25x80xi32, #tpu.memory_space<vmem>>) target_semaphore(%run_scoped3A_105 : memref<!tpu.dma_semaphore, #tpu.memory_space<semaphore_mem>>)
      %dma_wait3A = arith.constant 0 : i32
      %dma_wait3A_124 = arith.constant 0 : i32
      %dma_wait3A_125 = arith.constant 0 : i32
      %dma_wait3A_126 = tpu.memref_slice %arg4[%add3A, %dma_wait3A, %dma_wait3A_124, %dma_wait3A_125] : memref<32x5x25x80xi32, #tpu.memory_space<hbm>> -> memref<1x5x25x80xi32, #tpu.memory_space<hbm>>
      %dma_wait3A_127 = tpu.memref_squeeze %dma_wait3A_126 : memref<1x5x25x80xi32, #tpu.memory_space<hbm>> -> memref<5x25x80xi32, #tpu.memory_space<hbm>>
      %dma_wait3A_128 = arith.constant 0 : i32
      %dma_wait3A_129 = arith.constant 0 : i32
      %dma_wait3A_130 = tpu.memref_slice %dma_wait3A_127[%run_scoped3A_41, %dma_wait3A_128, %dma_wait3A_129] : memref<5x25x80xi32, #tpu.memory_space<hbm>> -> memref<1x25x80xi32, #tpu.memory_space<hbm>>
      %dma_wait3A_131 = tpu.memref_squeeze %dma_wait3A_130 : memref<1x25x80xi32, #tpu.memory_space<hbm>> -> memref<25x80xi32, #tpu.memory_space<hbm>>
      %dma_wait3A_132 = arith.constant 0 : i32
      %dma_wait3A_133 = arith.constant 0 : i32
      %dma_wait3A_134 = arith.constant 0 : i32
      %dma_wait3A_135 = tpu.memref_slice %arg4[%add3A, %dma_wait3A_132, %dma_wait3A_133, %dma_wait3A_134] : memref<32x5x25x80xi32, #tpu.memory_space<hbm>> -> memref<1x5x25x80xi32, #tpu.memory_space<hbm>>
      %dma_wait3A_136 = tpu.memref_squeeze %dma_wait3A_135 : memref<1x5x25x80xi32, #tpu.memory_space<hbm>> -> memref<5x25x80xi32, #tpu.memory_space<hbm>>
      %dma_wait3A_137 = arith.constant 0 : i32
      %dma_wait3A_138 = arith.constant 0 : i32
      %dma_wait3A_139 = tpu.memref_slice %dma_wait3A_136[%run_scoped3A_41, %dma_wait3A_137, %dma_wait3A_138] : memref<5x25x80xi32, #tpu.memory_space<hbm>> -> memref<1x25x80xi32, #tpu.memory_space<hbm>>
      %dma_wait3A_140 = tpu.memref_squeeze %dma_wait3A_139 : memref<1x25x80xi32, #tpu.memory_space<hbm>> -> memref<25x80xi32, #tpu.memory_space<hbm>>
      tpu.wait_dma2 semaphore(%run_scoped3A_105 : memref<!tpu.dma_semaphore, #tpu.memory_space<semaphore_mem>>) src(%dma_wait3A_140 : memref<25x80xi32, #tpu.memory_space<hbm>>) dst(%arg8 : memref<25x80xi32, #tpu.memory_space<vmem>>)
      tpu.yield
    }) : () -> ()
    %dma_start3A_42 = arith.constant 0 : i32
    %dma_start3A_43 = arith.constant 0 : i32
    %dma_start3A_44 = arith.constant 0 : i32
    %dma_start3A_45 = arith.constant 0 : i32
    %dma_start3A_46 = tpu.memref_slice %arg9[%dma_start3A_43, %dma_start3A_44, %dma_start3A_45] : memref<2x80x128xf32, #tpu.memory_space<vmem>> -> memref<1x80x128xf32, #tpu.memory_space<vmem>>
    %dma_start3A_47 = tpu.memref_squeeze %dma_start3A_46 : memref<1x80x128xf32, #tpu.memory_space<vmem>> -> memref<80x128xf32, #tpu.memory_space<vmem>>
    %dma_start3A_48 = arith.constant 0 : i32
    %dma_start3A_49 = tpu.memref_slice %arg7[%dma_start3A_42, %dma_start3A_48] : memref<25x80xi32, #tpu.memory_space<vmem>> -> memref<1x80xi32, #tpu.memory_space<vmem>>
    %dma_start3A_50 = tpu.memref_squeeze %dma_start3A_49 : memref<1x80xi32, #tpu.memory_space<vmem>> -> memref<80xi32, #tpu.memory_space<vmem>>
    %dma_start3A_51 = arith.constant 0 : i32
    %dma_start3A_52 = arith.constant 0 : i32
    %dma_start3A_53 = tpu.memref_slice %arg2[%dma_start3A_51, %dma_start3A_52] : memref<10000x128xf32, #tpu.memory_space<hbm>> -> memref<10000x128xf32, #tpu.memory_space<hbm>>
    tpu.enqueue_indirect_dma source(%dma_start3A_53 : memref<10000x128xf32, #tpu.memory_space<hbm>>) target(%dma_start3A_47 : memref<80x128xf32, #tpu.memory_space<vmem>>) offsets(%dma_start3A_50 : memref<80xi32, #tpu.memory_space<vmem>>) semaphore(%arg11 : memref<!tpu.dma_semaphore, #tpu.memory_space<semaphore_mem>>)
    %scan3A_54 = arith.constant 0 : i32
    %scan3A_55 = arith.constant 0 : i32
    %scan3A_56 = arith.constant 25 : i32
    %scan3A_57 = arith.addi %scan3A_55, %scan3A_56 : i32
    %scan3A_58 = arith.constant 1 : i32
    scf.for %scan3A_105 = %scan3A_55 to %scan3A_57 step %scan3A_58  : i32 {
      %rem3A = arith.constant 2 : i32
      %rem3A_106 = arith.remsi %scan3A_105, %rem3A : i32
      %add3A_107 = arith.constant 1 : i32
      %add3A_108 = arith.addi %scan3A_105, %add3A_107 : i32
      %lt3A = arith.constant 25 : i32
      %lt3A_109 = arith.cmpi slt, %add3A_108, %lt3A : i32
      %convert_element_type3A = arith.extui %lt3A_109 : i1 to i32
      %cond3A = arith.constant 0 : i32
      %cond3A_110 = arith.cmpi ne, %convert_element_type3A, %cond3A : i32
      scf.if %cond3A_110 {
        %add3A_120 = arith.constant 1 : i32
        %add3A_121 = arith.addi %scan3A_105, %add3A_120 : i32
        %sub3A = arith.constant 1 : i32
        %sub3A_122 = arith.subi %sub3A, %rem3A_106 : i32
        %dma_start3A_123 = arith.constant 0 : i32
        %dma_start3A_124 = arith.constant 0 : i32
        %dma_start3A_125 = tpu.memref_slice %arg9[%sub3A_122, %dma_start3A_123, %dma_start3A_124] : memref<2x80x128xf32, #tpu.memory_space<vmem>> -> memref<1x80x128xf32, #tpu.memory_space<vmem>>
        %dma_start3A_126 = tpu.memref_squeeze %dma_start3A_125 : memref<1x80x128xf32, #tpu.memory_space<vmem>> -> memref<80x128xf32, #tpu.memory_space<vmem>>
        %dma_start3A_127 = arith.constant 0 : i32
        %dma_start3A_128 = tpu.memref_slice %arg7[%add3A_121, %dma_start3A_127] : memref<25x80xi32, #tpu.memory_space<vmem>> -> memref<1x80xi32, #tpu.memory_space<vmem>>
        %dma_start3A_129 = tpu.memref_squeeze %dma_start3A_128 : memref<1x80xi32, #tpu.memory_space<vmem>> -> memref<80xi32, #tpu.memory_space<vmem>>
        %dma_start3A_130 = arith.constant 0 : i32
        %dma_start3A_131 = arith.constant 0 : i32
        %dma_start3A_132 = tpu.memref_slice %arg2[%dma_start3A_130, %dma_start3A_131] : memref<10000x128xf32, #tpu.memory_space<hbm>> -> memref<10000x128xf32, #tpu.memory_space<hbm>>
        tpu.enqueue_indirect_dma source(%dma_start3A_132 : memref<10000x128xf32, #tpu.memory_space<hbm>>) target(%dma_start3A_126 : memref<80x128xf32, #tpu.memory_space<vmem>>) offsets(%dma_start3A_129 : memref<80xi32, #tpu.memory_space<vmem>>) semaphore(%arg11 : memref<!tpu.dma_semaphore, #tpu.memory_space<semaphore_mem>>)
      } else {
      }
      %dma_wait3A = arith.constant 0 : i32
      %dma_wait3A_111 = arith.constant 0 : i32
      %dma_wait3A_112 = tpu.memref_slice %arg9[%rem3A_106, %dma_wait3A, %dma_wait3A_111] : memref<2x80x128xf32, #tpu.memory_space<vmem>> -> memref<1x80x128xf32, #tpu.memory_space<vmem>>
      %dma_wait3A_113 = tpu.memref_squeeze %dma_wait3A_112 : memref<1x80x128xf32, #tpu.memory_space<vmem>> -> memref<80x128xf32, #tpu.memory_space<vmem>>
      %dma_wait3A_114 = arith.constant 0 : i32
      %dma_wait3A_115 = tpu.memref_slice %arg7[%scan3A_105, %dma_wait3A_114] : memref<25x80xi32, #tpu.memory_space<vmem>> -> memref<1x80xi32, #tpu.memory_space<vmem>>
      %dma_wait3A_116 = tpu.memref_squeeze %dma_wait3A_115 : memref<1x80xi32, #tpu.memory_space<vmem>> -> memref<80xi32, #tpu.memory_space<vmem>>
      %dma_wait3A_117 = arith.constant 0 : i32
      %dma_wait3A_118 = arith.constant 0 : i32
      %dma_wait3A_119 = tpu.memref_slice %arg2[%dma_wait3A_117, %dma_wait3A_118] : memref<10000x128xf32, #tpu.memory_space<hbm>> -> memref<10000x128xf32, #tpu.memory_space<hbm>>
      tpu.wait_indirect_dma semaphore(%arg11 : memref<!tpu.dma_semaphore, #tpu.memory_space<semaphore_mem>>) src(%dma_wait3A_119 : memref<10000x128xf32, #tpu.memory_space<hbm>>) dst(%dma_wait3A_113 : memref<80x128xf32, #tpu.memory_space<vmem>>)
      "tpu.region"() ({
        %run_scoped3A_120 = tpu.sem_alloc : memref<!tpu.dma_semaphore, #tpu.memory_space<semaphore_mem>>
        %dma_start3A_121 = arith.constant 0 : i32
        %dma_start3A_122 = arith.constant 0 : i32
        %dma_start3A_123 = tpu.memref_slice %arg9[%rem3A_106, %dma_start3A_121, %dma_start3A_122] : memref<2x80x128xf32, #tpu.memory_space<vmem>> -> memref<1x80x128xf32, #tpu.memory_space<vmem>>
        %dma_start3A_124 = tpu.memref_squeeze %dma_start3A_123 : memref<1x80x128xf32, #tpu.memory_space<vmem>> -> memref<80x128xf32, #tpu.memory_space<vmem>>
        %dma_start3A_125 = arith.constant 0 : i32
        %dma_start3A_126 = tpu.memref_slice %arg8[%scan3A_105, %dma_start3A_125] : memref<25x80xi32, #tpu.memory_space<vmem>> -> memref<1x80xi32, #tpu.memory_space<vmem>>
        %dma_start3A_127 = tpu.memref_squeeze %dma_start3A_126 : memref<1x80xi32, #tpu.memory_space<vmem>> -> memref<80xi32, #tpu.memory_space<vmem>>
        %dma_start3A_128 = arith.constant 0 : i32
        %dma_start3A_129 = arith.constant 0 : i32
        %dma_start3A_130 = tpu.memref_slice %arg10[%dma_start3A_128, %dma_start3A_129] : memref<10240x128xf32, #tpu.memory_space<vmem_shared>> -> memref<10240x128xf32, #tpu.memory_space<vmem_shared>>
        tpu.enqueue_indirect_dma source(%dma_start3A_124 : memref<80x128xf32, #tpu.memory_space<vmem>>) target(%dma_start3A_130 : memref<10240x128xf32, #tpu.memory_space<vmem_shared>>) offsets(%dma_start3A_127 : memref<80xi32, #tpu.memory_space<vmem>>) semaphore(%run_scoped3A_120 : memref<!tpu.dma_semaphore, #tpu.memory_space<semaphore_mem>>) {add = true}
        %dma_wait3A_131 = arith.constant 0 : i32
        %dma_wait3A_132 = arith.constant 0 : i32
        %dma_wait3A_133 = tpu.memref_slice %arg9[%rem3A_106, %dma_wait3A_131, %dma_wait3A_132] : memref<2x80x128xf32, #tpu.memory_space<vmem>> -> memref<1x80x128xf32, #tpu.memory_space<vmem>>
        %dma_wait3A_134 = tpu.memref_squeeze %dma_wait3A_133 : memref<1x80x128xf32, #tpu.memory_space<vmem>> -> memref<80x128xf32, #tpu.memory_space<vmem>>
        %dma_wait3A_135 = arith.constant 0 : i32
        %dma_wait3A_136 = tpu.memref_slice %arg8[%scan3A_105, %dma_wait3A_135] : memref<25x80xi32, #tpu.memory_space<vmem>> -> memref<1x80xi32, #tpu.memory_space<vmem>>
        %dma_wait3A_137 = tpu.memref_squeeze %dma_wait3A_136 : memref<1x80xi32, #tpu.memory_space<vmem>> -> memref<80xi32, #tpu.memory_space<vmem>>
        %dma_wait3A_138 = arith.constant 0 : i32
        %dma_wait3A_139 = arith.constant 0 : i32
        %dma_wait3A_140 = tpu.memref_slice %arg10[%dma_wait3A_138, %dma_wait3A_139] : memref<10240x128xf32, #tpu.memory_space<vmem_shared>> -> memref<10240x128xf32, #tpu.memory_space<vmem_shared>>
        tpu.wait_indirect_dma semaphore(%run_scoped3A_120 : memref<!tpu.dma_semaphore, #tpu.memory_space<semaphore_mem>>) src(%dma_wait3A_134 : memref<80x128xf32, #tpu.memory_space<vmem>>) dst(%dma_wait3A_140 : memref<10240x128xf32, #tpu.memory_space<vmem_shared>>)
        tpu.yield
      }) : () -> ()
    }
    %scan3A_59 = arith.constant 25 : i32
    %run_scoped3A_60 = arith.constant 3 : i32
    "tpu.region"() ({
      %run_scoped3A_105 = tpu.sem_alloc : memref<!tpu.dma_semaphore, #tpu.memory_space<semaphore_mem>>
      %dma_start3A_106 = arith.constant 0 : i32
      %dma_start3A_107 = arith.constant 0 : i32
      %dma_start3A_108 = arith.constant 0 : i32
      %dma_start3A_109 = tpu.memref_slice %arg3[%add3A, %dma_start3A_106, %dma_start3A_107, %dma_start3A_108] : memref<32x5x25x80xi32, #tpu.memory_space<hbm>> -> memref<1x5x25x80xi32, #tpu.memory_space<hbm>>
      %dma_start3A_110 = tpu.memref_squeeze %dma_start3A_109 : memref<1x5x25x80xi32, #tpu.memory_space<hbm>> -> memref<5x25x80xi32, #tpu.memory_space<hbm>>
      %dma_start3A_111 = arith.constant 0 : i32
      %dma_start3A_112 = arith.constant 0 : i32
      %dma_start3A_113 = tpu.memref_slice %dma_start3A_110[%run_scoped3A_60, %dma_start3A_111, %dma_start3A_112] : memref<5x25x80xi32, #tpu.memory_space<hbm>> -> memref<1x25x80xi32, #tpu.memory_space<hbm>>
      %dma_start3A_114 = tpu.memref_squeeze %dma_start3A_113 : memref<1x25x80xi32, #tpu.memory_space<hbm>> -> memref<25x80xi32, #tpu.memory_space<hbm>>
      %dma_start3A_115 = arith.constant 0 : i32
      %dma_start3A_116 = arith.constant 0 : i32
      %dma_start3A_117 = arith.constant 0 : i32
      %dma_start3A_118 = tpu.memref_slice %arg3[%add3A, %dma_start3A_115, %dma_start3A_116, %dma_start3A_117] : memref<32x5x25x80xi32, #tpu.memory_space<hbm>> -> memref<1x5x25x80xi32, #tpu.memory_space<hbm>>
      %dma_start3A_119 = tpu.memref_squeeze %dma_start3A_118 : memref<1x5x25x80xi32, #tpu.memory_space<hbm>> -> memref<5x25x80xi32, #tpu.memory_space<hbm>>
      %dma_start3A_120 = arith.constant 0 : i32
      %dma_start3A_121 = arith.constant 0 : i32
      %dma_start3A_122 = tpu.memref_slice %dma_start3A_119[%run_scoped3A_60, %dma_start3A_120, %dma_start3A_121] : memref<5x25x80xi32, #tpu.memory_space<hbm>> -> memref<1x25x80xi32, #tpu.memory_space<hbm>>
      %dma_start3A_123 = tpu.memref_squeeze %dma_start3A_122 : memref<1x25x80xi32, #tpu.memory_space<hbm>> -> memref<25x80xi32, #tpu.memory_space<hbm>>
      tpu.enqueue_dma source(%dma_start3A_123 : memref<25x80xi32, #tpu.memory_space<hbm>>) target(%arg7 : memref<25x80xi32, #tpu.memory_space<vmem>>) target_semaphore(%run_scoped3A_105 : memref<!tpu.dma_semaphore, #tpu.memory_space<semaphore_mem>>)
      %dma_wait3A = arith.constant 0 : i32
      %dma_wait3A_124 = arith.constant 0 : i32
      %dma_wait3A_125 = arith.constant 0 : i32
      %dma_wait3A_126 = tpu.memref_slice %arg3[%add3A, %dma_wait3A, %dma_wait3A_124, %dma_wait3A_125] : memref<32x5x25x80xi32, #tpu.memory_space<hbm>> -> memref<1x5x25x80xi32, #tpu.memory_space<hbm>>
      %dma_wait3A_127 = tpu.memref_squeeze %dma_wait3A_126 : memref<1x5x25x80xi32, #tpu.memory_space<hbm>> -> memref<5x25x80xi32, #tpu.memory_space<hbm>>
      %dma_wait3A_128 = arith.constant 0 : i32
      %dma_wait3A_129 = arith.constant 0 : i32
      %dma_wait3A_130 = tpu.memref_slice %dma_wait3A_127[%run_scoped3A_60, %dma_wait3A_128, %dma_wait3A_129] : memref<5x25x80xi32, #tpu.memory_space<hbm>> -> memref<1x25x80xi32, #tpu.memory_space<hbm>>
      %dma_wait3A_131 = tpu.memref_squeeze %dma_wait3A_130 : memref<1x25x80xi32, #tpu.memory_space<hbm>> -> memref<25x80xi32, #tpu.memory_space<hbm>>
      %dma_wait3A_132 = arith.constant 0 : i32
      %dma_wait3A_133 = arith.constant 0 : i32
      %dma_wait3A_134 = arith.constant 0 : i32
      %dma_wait3A_135 = tpu.memref_slice %arg3[%add3A, %dma_wait3A_132, %dma_wait3A_133, %dma_wait3A_134] : memref<32x5x25x80xi32, #tpu.memory_space<hbm>> -> memref<1x5x25x80xi32, #tpu.memory_space<hbm>>
      %dma_wait3A_136 = tpu.memref_squeeze %dma_wait3A_135 : memref<1x5x25x80xi32, #tpu.memory_space<hbm>> -> memref<5x25x80xi32, #tpu.memory_space<hbm>>
      %dma_wait3A_137 = arith.constant 0 : i32
      %dma_wait3A_138 = arith.constant 0 : i32
      %dma_wait3A_139 = tpu.memref_slice %dma_wait3A_136[%run_scoped3A_60, %dma_wait3A_137, %dma_wait3A_138] : memref<5x25x80xi32, #tpu.memory_space<hbm>> -> memref<1x25x80xi32, #tpu.memory_space<hbm>>
      %dma_wait3A_140 = tpu.memref_squeeze %dma_wait3A_139 : memref<1x25x80xi32, #tpu.memory_space<hbm>> -> memref<25x80xi32, #tpu.memory_space<hbm>>
      tpu.wait_dma2 semaphore(%run_scoped3A_105 : memref<!tpu.dma_semaphore, #tpu.memory_space<semaphore_mem>>) src(%dma_wait3A_140 : memref<25x80xi32, #tpu.memory_space<hbm>>) dst(%arg7 : memref<25x80xi32, #tpu.memory_space<vmem>>)
      tpu.yield
    }) : () -> ()
    %run_scoped3A_61 = arith.constant 3 : i32
    "tpu.region"() ({
      %run_scoped3A_105 = tpu.sem_alloc : memref<!tpu.dma_semaphore, #tpu.memory_space<semaphore_mem>>
      %dma_start3A_106 = arith.constant 0 : i32
      %dma_start3A_107 = arith.constant 0 : i32
      %dma_start3A_108 = arith.constant 0 : i32
      %dma_start3A_109 = tpu.memref_slice %arg4[%add3A, %dma_start3A_106, %dma_start3A_107, %dma_start3A_108] : memref<32x5x25x80xi32, #tpu.memory_space<hbm>> -> memref<1x5x25x80xi32, #tpu.memory_space<hbm>>
      %dma_start3A_110 = tpu.memref_squeeze %dma_start3A_109 : memref<1x5x25x80xi32, #tpu.memory_space<hbm>> -> memref<5x25x80xi32, #tpu.memory_space<hbm>>
      %dma_start3A_111 = arith.constant 0 : i32
      %dma_start3A_112 = arith.constant 0 : i32
      %dma_start3A_113 = tpu.memref_slice %dma_start3A_110[%run_scoped3A_61, %dma_start3A_111, %dma_start3A_112] : memref<5x25x80xi32, #tpu.memory_space<hbm>> -> memref<1x25x80xi32, #tpu.memory_space<hbm>>
      %dma_start3A_114 = tpu.memref_squeeze %dma_start3A_113 : memref<1x25x80xi32, #tpu.memory_space<hbm>> -> memref<25x80xi32, #tpu.memory_space<hbm>>
      %dma_start3A_115 = arith.constant 0 : i32
      %dma_start3A_116 = arith.constant 0 : i32
      %dma_start3A_117 = arith.constant 0 : i32
      %dma_start3A_118 = tpu.memref_slice %arg4[%add3A, %dma_start3A_115, %dma_start3A_116, %dma_start3A_117] : memref<32x5x25x80xi32, #tpu.memory_space<hbm>> -> memref<1x5x25x80xi32, #tpu.memory_space<hbm>>
      %dma_start3A_119 = tpu.memref_squeeze %dma_start3A_118 : memref<1x5x25x80xi32, #tpu.memory_space<hbm>> -> memref<5x25x80xi32, #tpu.memory_space<hbm>>
      %dma_start3A_120 = arith.constant 0 : i32
      %dma_start3A_121 = arith.constant 0 : i32
      %dma_start3A_122 = tpu.memref_slice %dma_start3A_119[%run_scoped3A_61, %dma_start3A_120, %dma_start3A_121] : memref<5x25x80xi32, #tpu.memory_space<hbm>> -> memref<1x25x80xi32, #tpu.memory_space<hbm>>
      %dma_start3A_123 = tpu.memref_squeeze %dma_start3A_122 : memref<1x25x80xi32, #tpu.memory_space<hbm>> -> memref<25x80xi32, #tpu.memory_space<hbm>>
      tpu.enqueue_dma source(%dma_start3A_123 : memref<25x80xi32, #tpu.memory_space<hbm>>) target(%arg8 : memref<25x80xi32, #tpu.memory_space<vmem>>) target_semaphore(%run_scoped3A_105 : memref<!tpu.dma_semaphore, #tpu.memory_space<semaphore_mem>>)
      %dma_wait3A = arith.constant 0 : i32
      %dma_wait3A_124 = arith.constant 0 : i32
      %dma_wait3A_125 = arith.constant 0 : i32
      %dma_wait3A_126 = tpu.memref_slice %arg4[%add3A, %dma_wait3A, %dma_wait3A_124, %dma_wait3A_125] : memref<32x5x25x80xi32, #tpu.memory_space<hbm>> -> memref<1x5x25x80xi32, #tpu.memory_space<hbm>>
      %dma_wait3A_127 = tpu.memref_squeeze %dma_wait3A_126 : memref<1x5x25x80xi32, #tpu.memory_space<hbm>> -> memref<5x25x80xi32, #tpu.memory_space<hbm>>
      %dma_wait3A_128 = arith.constant 0 : i32
      %dma_wait3A_129 = arith.constant 0 : i32
      %dma_wait3A_130 = tpu.memref_slice %dma_wait3A_127[%run_scoped3A_61, %dma_wait3A_128, %dma_wait3A_129] : memref<5x25x80xi32, #tpu.memory_space<hbm>> -> memref<1x25x80xi32, #tpu.memory_space<hbm>>
      %dma_wait3A_131 = tpu.memref_squeeze %dma_wait3A_130 : memref<1x25x80xi32, #tpu.memory_space<hbm>> -> memref<25x80xi32, #tpu.memory_space<hbm>>
      %dma_wait3A_132 = arith.constant 0 : i32
      %dma_wait3A_133 = arith.constant 0 : i32
      %dma_wait3A_134 = arith.constant 0 : i32
      %dma_wait3A_135 = tpu.memref_slice %arg4[%add3A, %dma_wait3A_132, %dma_wait3A_133, %dma_wait3A_134] : memref<32x5x25x80xi32, #tpu.memory_space<hbm>> -> memref<1x5x25x80xi32, #tpu.memory_space<hbm>>
      %dma_wait3A_136 = tpu.memref_squeeze %dma_wait3A_135 : memref<1x5x25x80xi32, #tpu.memory_space<hbm>> -> memref<5x25x80xi32, #tpu.memory_space<hbm>>
      %dma_wait3A_137 = arith.constant 0 : i32
      %dma_wait3A_138 = arith.constant 0 : i32
      %dma_wait3A_139 = tpu.memref_slice %dma_wait3A_136[%run_scoped3A_61, %dma_wait3A_137, %dma_wait3A_138] : memref<5x25x80xi32, #tpu.memory_space<hbm>> -> memref<1x25x80xi32, #tpu.memory_space<hbm>>
      %dma_wait3A_140 = tpu.memref_squeeze %dma_wait3A_139 : memref<1x25x80xi32, #tpu.memory_space<hbm>> -> memref<25x80xi32, #tpu.memory_space<hbm>>
      tpu.wait_dma2 semaphore(%run_scoped3A_105 : memref<!tpu.dma_semaphore, #tpu.memory_space<semaphore_mem>>) src(%dma_wait3A_140 : memref<25x80xi32, #tpu.memory_space<hbm>>) dst(%arg8 : memref<25x80xi32, #tpu.memory_space<vmem>>)
      tpu.yield
    }) : () -> ()
    %dma_start3A_62 = arith.constant 0 : i32
    %dma_start3A_63 = arith.constant 0 : i32
    %dma_start3A_64 = arith.constant 0 : i32
    %dma_start3A_65 = arith.constant 0 : i32
    %dma_start3A_66 = tpu.memref_slice %arg9[%dma_start3A_63, %dma_start3A_64, %dma_start3A_65] : memref<2x80x128xf32, #tpu.memory_space<vmem>> -> memref<1x80x128xf32, #tpu.memory_space<vmem>>
    %dma_start3A_67 = tpu.memref_squeeze %dma_start3A_66 : memref<1x80x128xf32, #tpu.memory_space<vmem>> -> memref<80x128xf32, #tpu.memory_space<vmem>>
    %dma_start3A_68 = arith.constant 0 : i32
    %dma_start3A_69 = tpu.memref_slice %arg7[%dma_start3A_62, %dma_start3A_68] : memref<25x80xi32, #tpu.memory_space<vmem>> -> memref<1x80xi32, #tpu.memory_space<vmem>>
    %dma_start3A_70 = tpu.memref_squeeze %dma_start3A_69 : memref<1x80xi32, #tpu.memory_space<vmem>> -> memref<80xi32, #tpu.memory_space<vmem>>
    %dma_start3A_71 = arith.constant 0 : i32
    %dma_start3A_72 = arith.constant 0 : i32
    %dma_start3A_73 = tpu.memref_slice %arg2[%dma_start3A_71, %dma_start3A_72] : memref<10000x128xf32, #tpu.memory_space<hbm>> -> memref<10000x128xf32, #tpu.memory_space<hbm>>
    tpu.enqueue_indirect_dma source(%dma_start3A_73 : memref<10000x128xf32, #tpu.memory_space<hbm>>) target(%dma_start3A_67 : memref<80x128xf32, #tpu.memory_space<vmem>>) offsets(%dma_start3A_70 : memref<80xi32, #tpu.memory_space<vmem>>) semaphore(%arg11 : memref<!tpu.dma_semaphore, #tpu.memory_space<semaphore_mem>>)
    %scan3A_74 = arith.constant 0 : i32
    %scan3A_75 = arith.constant 0 : i32
    %scan3A_76 = arith.constant 25 : i32
    %scan3A_77 = arith.addi %scan3A_75, %scan3A_76 : i32
    %scan3A_78 = arith.constant 1 : i32
    scf.for %scan3A_105 = %scan3A_75 to %scan3A_77 step %scan3A_78  : i32 {
      %rem3A = arith.constant 2 : i32
      %rem3A_106 = arith.remsi %scan3A_105, %rem3A : i32
      %add3A_107 = arith.constant 1 : i32
      %add3A_108 = arith.addi %scan3A_105, %add3A_107 : i32
      %lt3A = arith.constant 25 : i32
      %lt3A_109 = arith.cmpi slt, %add3A_108, %lt3A : i32
      %convert_element_type3A = arith.extui %lt3A_109 : i1 to i32
      %cond3A = arith.constant 0 : i32
      %cond3A_110 = arith.cmpi ne, %convert_element_type3A, %cond3A : i32
      scf.if %cond3A_110 {
        %add3A_120 = arith.constant 1 : i32
        %add3A_121 = arith.addi %scan3A_105, %add3A_120 : i32
        %sub3A = arith.constant 1 : i32
        %sub3A_122 = arith.subi %sub3A, %rem3A_106 : i32
        %dma_start3A_123 = arith.constant 0 : i32
        %dma_start3A_124 = arith.constant 0 : i32
        %dma_start3A_125 = tpu.memref_slice %arg9[%sub3A_122, %dma_start3A_123, %dma_start3A_124] : memref<2x80x128xf32, #tpu.memory_space<vmem>> -> memref<1x80x128xf32, #tpu.memory_space<vmem>>
        %dma_start3A_126 = tpu.memref_squeeze %dma_start3A_125 : memref<1x80x128xf32, #tpu.memory_space<vmem>> -> memref<80x128xf32, #tpu.memory_space<vmem>>
        %dma_start3A_127 = arith.constant 0 : i32
        %dma_start3A_128 = tpu.memref_slice %arg7[%add3A_121, %dma_start3A_127] : memref<25x80xi32, #tpu.memory_space<vmem>> -> memref<1x80xi32, #tpu.memory_space<vmem>>
        %dma_start3A_129 = tpu.memref_squeeze %dma_start3A_128 : memref<1x80xi32, #tpu.memory_space<vmem>> -> memref<80xi32, #tpu.memory_space<vmem>>
        %dma_start3A_130 = arith.constant 0 : i32
        %dma_start3A_131 = arith.constant 0 : i32
        %dma_start3A_132 = tpu.memref_slice %arg2[%dma_start3A_130, %dma_start3A_131] : memref<10000x128xf32, #tpu.memory_space<hbm>> -> memref<10000x128xf32, #tpu.memory_space<hbm>>
        tpu.enqueue_indirect_dma source(%dma_start3A_132 : memref<10000x128xf32, #tpu.memory_space<hbm>>) target(%dma_start3A_126 : memref<80x128xf32, #tpu.memory_space<vmem>>) offsets(%dma_start3A_129 : memref<80xi32, #tpu.memory_space<vmem>>) semaphore(%arg11 : memref<!tpu.dma_semaphore, #tpu.memory_space<semaphore_mem>>)
      } else {
      }
      %dma_wait3A = arith.constant 0 : i32
      %dma_wait3A_111 = arith.constant 0 : i32
      %dma_wait3A_112 = tpu.memref_slice %arg9[%rem3A_106, %dma_wait3A, %dma_wait3A_111] : memref<2x80x128xf32, #tpu.memory_space<vmem>> -> memref<1x80x128xf32, #tpu.memory_space<vmem>>
      %dma_wait3A_113 = tpu.memref_squeeze %dma_wait3A_112 : memref<1x80x128xf32, #tpu.memory_space<vmem>> -> memref<80x128xf32, #tpu.memory_space<vmem>>
      %dma_wait3A_114 = arith.constant 0 : i32
      %dma_wait3A_115 = tpu.memref_slice %arg7[%scan3A_105, %dma_wait3A_114] : memref<25x80xi32, #tpu.memory_space<vmem>> -> memref<1x80xi32, #tpu.memory_space<vmem>>
      %dma_wait3A_116 = tpu.memref_squeeze %dma_wait3A_115 : memref<1x80xi32, #tpu.memory_space<vmem>> -> memref<80xi32, #tpu.memory_space<vmem>>
      %dma_wait3A_117 = arith.constant 0 : i32
      %dma_wait3A_118 = arith.constant 0 : i32
      %dma_wait3A_119 = tpu.memref_slice %arg2[%dma_wait3A_117, %dma_wait3A_118] : memref<10000x128xf32, #tpu.memory_space<hbm>> -> memref<10000x128xf32, #tpu.memory_space<hbm>>
      tpu.wait_indirect_dma semaphore(%arg11 : memref<!tpu.dma_semaphore, #tpu.memory_space<semaphore_mem>>) src(%dma_wait3A_119 : memref<10000x128xf32, #tpu.memory_space<hbm>>) dst(%dma_wait3A_113 : memref<80x128xf32, #tpu.memory_space<vmem>>)
      "tpu.region"() ({
        %run_scoped3A_120 = tpu.sem_alloc : memref<!tpu.dma_semaphore, #tpu.memory_space<semaphore_mem>>
        %dma_start3A_121 = arith.constant 0 : i32
        %dma_start3A_122 = arith.constant 0 : i32
        %dma_start3A_123 = tpu.memref_slice %arg9[%rem3A_106, %dma_start3A_121, %dma_start3A_122] : memref<2x80x128xf32, #tpu.memory_space<vmem>> -> memref<1x80x128xf32, #tpu.memory_space<vmem>>
        %dma_start3A_124 = tpu.memref_squeeze %dma_start3A_123 : memref<1x80x128xf32, #tpu.memory_space<vmem>> -> memref<80x128xf32, #tpu.memory_space<vmem>>
        %dma_start3A_125 = arith.constant 0 : i32
        %dma_start3A_126 = tpu.memref_slice %arg8[%scan3A_105, %dma_start3A_125] : memref<25x80xi32, #tpu.memory_space<vmem>> -> memref<1x80xi32, #tpu.memory_space<vmem>>
        %dma_start3A_127 = tpu.memref_squeeze %dma_start3A_126 : memref<1x80xi32, #tpu.memory_space<vmem>> -> memref<80xi32, #tpu.memory_space<vmem>>
        %dma_start3A_128 = arith.constant 0 : i32
        %dma_start3A_129 = arith.constant 0 : i32
        %dma_start3A_130 = tpu.memref_slice %arg10[%dma_start3A_128, %dma_start3A_129] : memref<10240x128xf32, #tpu.memory_space<vmem_shared>> -> memref<10240x128xf32, #tpu.memory_space<vmem_shared>>
        tpu.enqueue_indirect_dma source(%dma_start3A_124 : memref<80x128xf32, #tpu.memory_space<vmem>>) target(%dma_start3A_130 : memref<10240x128xf32, #tpu.memory_space<vmem_shared>>) offsets(%dma_start3A_127 : memref<80xi32, #tpu.memory_space<vmem>>) semaphore(%run_scoped3A_120 : memref<!tpu.dma_semaphore, #tpu.memory_space<semaphore_mem>>) {add = true}
        %dma_wait3A_131 = arith.constant 0 : i32
        %dma_wait3A_132 = arith.constant 0 : i32
        %dma_wait3A_133 = tpu.memref_slice %arg9[%rem3A_106, %dma_wait3A_131, %dma_wait3A_132] : memref<2x80x128xf32, #tpu.memory_space<vmem>> -> memref<1x80x128xf32, #tpu.memory_space<vmem>>
        %dma_wait3A_134 = tpu.memref_squeeze %dma_wait3A_133 : memref<1x80x128xf32, #tpu.memory_space<vmem>> -> memref<80x128xf32, #tpu.memory_space<vmem>>
        %dma_wait3A_135 = arith.constant 0 : i32
        %dma_wait3A_136 = tpu.memref_slice %arg8[%scan3A_105, %dma_wait3A_135] : memref<25x80xi32, #tpu.memory_space<vmem>> -> memref<1x80xi32, #tpu.memory_space<vmem>>
        %dma_wait3A_137 = tpu.memref_squeeze %dma_wait3A_136 : memref<1x80xi32, #tpu.memory_space<vmem>> -> memref<80xi32, #tpu.memory_space<vmem>>
        %dma_wait3A_138 = arith.constant 0 : i32
        %dma_wait3A_139 = arith.constant 0 : i32
        %dma_wait3A_140 = tpu.memref_slice %arg10[%dma_wait3A_138, %dma_wait3A_139] : memref<10240x128xf32, #tpu.memory_space<vmem_shared>> -> memref<10240x128xf32, #tpu.memory_space<vmem_shared>>
        tpu.wait_indirect_dma semaphore(%run_scoped3A_120 : memref<!tpu.dma_semaphore, #tpu.memory_space<semaphore_mem>>) src(%dma_wait3A_134 : memref<80x128xf32, #tpu.memory_space<vmem>>) dst(%dma_wait3A_140 : memref<10240x128xf32, #tpu.memory_space<vmem_shared>>)
        tpu.yield
      }) : () -> ()
    }
    %scan3A_79 = arith.constant 25 : i32
    %run_scoped3A_80 = arith.constant 4 : i32
    "tpu.region"() ({
      %run_scoped3A_105 = tpu.sem_alloc : memref<!tpu.dma_semaphore, #tpu.memory_space<semaphore_mem>>
      %dma_start3A_106 = arith.constant 0 : i32
      %dma_start3A_107 = arith.constant 0 : i32
      %dma_start3A_108 = arith.constant 0 : i32
      %dma_start3A_109 = tpu.memref_slice %arg3[%add3A, %dma_start3A_106, %dma_start3A_107, %dma_start3A_108] : memref<32x5x25x80xi32, #tpu.memory_space<hbm>> -> memref<1x5x25x80xi32, #tpu.memory_space<hbm>>
      %dma_start3A_110 = tpu.memref_squeeze %dma_start3A_109 : memref<1x5x25x80xi32, #tpu.memory_space<hbm>> -> memref<5x25x80xi32, #tpu.memory_space<hbm>>
      %dma_start3A_111 = arith.constant 0 : i32
      %dma_start3A_112 = arith.constant 0 : i32
      %dma_start3A_113 = tpu.memref_slice %dma_start3A_110[%run_scoped3A_80, %dma_start3A_111, %dma_start3A_112] : memref<5x25x80xi32, #tpu.memory_space<hbm>> -> memref<1x25x80xi32, #tpu.memory_space<hbm>>
      %dma_start3A_114 = tpu.memref_squeeze %dma_start3A_113 : memref<1x25x80xi32, #tpu.memory_space<hbm>> -> memref<25x80xi32, #tpu.memory_space<hbm>>
      %dma_start3A_115 = arith.constant 0 : i32
      %dma_start3A_116 = arith.constant 0 : i32
      %dma_start3A_117 = arith.constant 0 : i32
      %dma_start3A_118 = tpu.memref_slice %arg3[%add3A, %dma_start3A_115, %dma_start3A_116, %dma_start3A_117] : memref<32x5x25x80xi32, #tpu.memory_space<hbm>> -> memref<1x5x25x80xi32, #tpu.memory_space<hbm>>
      %dma_start3A_119 = tpu.memref_squeeze %dma_start3A_118 : memref<1x5x25x80xi32, #tpu.memory_space<hbm>> -> memref<5x25x80xi32, #tpu.memory_space<hbm>>
      %dma_start3A_120 = arith.constant 0 : i32
      %dma_start3A_121 = arith.constant 0 : i32
      %dma_start3A_122 = tpu.memref_slice %dma_start3A_119[%run_scoped3A_80, %dma_start3A_120, %dma_start3A_121] : memref<5x25x80xi32, #tpu.memory_space<hbm>> -> memref<1x25x80xi32, #tpu.memory_space<hbm>>
      %dma_start3A_123 = tpu.memref_squeeze %dma_start3A_122 : memref<1x25x80xi32, #tpu.memory_space<hbm>> -> memref<25x80xi32, #tpu.memory_space<hbm>>
      tpu.enqueue_dma source(%dma_start3A_123 : memref<25x80xi32, #tpu.memory_space<hbm>>) target(%arg7 : memref<25x80xi32, #tpu.memory_space<vmem>>) target_semaphore(%run_scoped3A_105 : memref<!tpu.dma_semaphore, #tpu.memory_space<semaphore_mem>>)
      %dma_wait3A = arith.constant 0 : i32
      %dma_wait3A_124 = arith.constant 0 : i32
      %dma_wait3A_125 = arith.constant 0 : i32
      %dma_wait3A_126 = tpu.memref_slice %arg3[%add3A, %dma_wait3A, %dma_wait3A_124, %dma_wait3A_125] : memref<32x5x25x80xi32, #tpu.memory_space<hbm>> -> memref<1x5x25x80xi32, #tpu.memory_space<hbm>>
      %dma_wait3A_127 = tpu.memref_squeeze %dma_wait3A_126 : memref<1x5x25x80xi32, #tpu.memory_space<hbm>> -> memref<5x25x80xi32, #tpu.memory_space<hbm>>
      %dma_wait3A_128 = arith.constant 0 : i32
      %dma_wait3A_129 = arith.constant 0 : i32
      %dma_wait3A_130 = tpu.memref_slice %dma_wait3A_127[%run_scoped3A_80, %dma_wait3A_128, %dma_wait3A_129] : memref<5x25x80xi32, #tpu.memory_space<hbm>> -> memref<1x25x80xi32, #tpu.memory_space<hbm>>
      %dma_wait3A_131 = tpu.memref_squeeze %dma_wait3A_130 : memref<1x25x80xi32, #tpu.memory_space<hbm>> -> memref<25x80xi32, #tpu.memory_space<hbm>>
      %dma_wait3A_132 = arith.constant 0 : i32
      %dma_wait3A_133 = arith.constant 0 : i32
      %dma_wait3A_134 = arith.constant 0 : i32
      %dma_wait3A_135 = tpu.memref_slice %arg3[%add3A, %dma_wait3A_132, %dma_wait3A_133, %dma_wait3A_134] : memref<32x5x25x80xi32, #tpu.memory_space<hbm>> -> memref<1x5x25x80xi32, #tpu.memory_space<hbm>>
      %dma_wait3A_136 = tpu.memref_squeeze %dma_wait3A_135 : memref<1x5x25x80xi32, #tpu.memory_space<hbm>> -> memref<5x25x80xi32, #tpu.memory_space<hbm>>
      %dma_wait3A_137 = arith.constant 0 : i32
      %dma_wait3A_138 = arith.constant 0 : i32
      %dma_wait3A_139 = tpu.memref_slice %dma_wait3A_136[%run_scoped3A_80, %dma_wait3A_137, %dma_wait3A_138] : memref<5x25x80xi32, #tpu.memory_space<hbm>> -> memref<1x25x80xi32, #tpu.memory_space<hbm>>
      %dma_wait3A_140 = tpu.memref_squeeze %dma_wait3A_139 : memref<1x25x80xi32, #tpu.memory_space<hbm>> -> memref<25x80xi32, #tpu.memory_space<hbm>>
      tpu.wait_dma2 semaphore(%run_scoped3A_105 : memref<!tpu.dma_semaphore, #tpu.memory_space<semaphore_mem>>) src(%dma_wait3A_140 : memref<25x80xi32, #tpu.memory_space<hbm>>) dst(%arg7 : memref<25x80xi32, #tpu.memory_space<vmem>>)
      tpu.yield
    }) : () -> ()
    %run_scoped3A_81 = arith.constant 4 : i32
    "tpu.region"() ({
      %run_scoped3A_105 = tpu.sem_alloc : memref<!tpu.dma_semaphore, #tpu.memory_space<semaphore_mem>>
      %dma_start3A_106 = arith.constant 0 : i32
      %dma_start3A_107 = arith.constant 0 : i32
      %dma_start3A_108 = arith.constant 0 : i32
      %dma_start3A_109 = tpu.memref_slice %arg4[%add3A, %dma_start3A_106, %dma_start3A_107, %dma_start3A_108] : memref<32x5x25x80xi32, #tpu.memory_space<hbm>> -> memref<1x5x25x80xi32, #tpu.memory_space<hbm>>
      %dma_start3A_110 = tpu.memref_squeeze %dma_start3A_109 : memref<1x5x25x80xi32, #tpu.memory_space<hbm>> -> memref<5x25x80xi32, #tpu.memory_space<hbm>>
      %dma_start3A_111 = arith.constant 0 : i32
      %dma_start3A_112 = arith.constant 0 : i32
      %dma_start3A_113 = tpu.memref_slice %dma_start3A_110[%run_scoped3A_81, %dma_start3A_111, %dma_start3A_112] : memref<5x25x80xi32, #tpu.memory_space<hbm>> -> memref<1x25x80xi32, #tpu.memory_space<hbm>>
      %dma_start3A_114 = tpu.memref_squeeze %dma_start3A_113 : memref<1x25x80xi32, #tpu.memory_space<hbm>> -> memref<25x80xi32, #tpu.memory_space<hbm>>
      %dma_start3A_115 = arith.constant 0 : i32
      %dma_start3A_116 = arith.constant 0 : i32
      %dma_start3A_117 = arith.constant 0 : i32
      %dma_start3A_118 = tpu.memref_slice %arg4[%add3A, %dma_start3A_115, %dma_start3A_116, %dma_start3A_117] : memref<32x5x25x80xi32, #tpu.memory_space<hbm>> -> memref<1x5x25x80xi32, #tpu.memory_space<hbm>>
      %dma_start3A_119 = tpu.memref_squeeze %dma_start3A_118 : memref<1x5x25x80xi32, #tpu.memory_space<hbm>> -> memref<5x25x80xi32, #tpu.memory_space<hbm>>
      %dma_start3A_120 = arith.constant 0 : i32
      %dma_start3A_121 = arith.constant 0 : i32
      %dma_start3A_122 = tpu.memref_slice %dma_start3A_119[%run_scoped3A_81, %dma_start3A_120, %dma_start3A_121] : memref<5x25x80xi32, #tpu.memory_space<hbm>> -> memref<1x25x80xi32, #tpu.memory_space<hbm>>
      %dma_start3A_123 = tpu.memref_squeeze %dma_start3A_122 : memref<1x25x80xi32, #tpu.memory_space<hbm>> -> memref<25x80xi32, #tpu.memory_space<hbm>>
      tpu.enqueue_dma source(%dma_start3A_123 : memref<25x80xi32, #tpu.memory_space<hbm>>) target(%arg8 : memref<25x80xi32, #tpu.memory_space<vmem>>) target_semaphore(%run_scoped3A_105 : memref<!tpu.dma_semaphore, #tpu.memory_space<semaphore_mem>>)
      %dma_wait3A = arith.constant 0 : i32
      %dma_wait3A_124 = arith.constant 0 : i32
      %dma_wait3A_125 = arith.constant 0 : i32
      %dma_wait3A_126 = tpu.memref_slice %arg4[%add3A, %dma_wait3A, %dma_wait3A_124, %dma_wait3A_125] : memref<32x5x25x80xi32, #tpu.memory_space<hbm>> -> memref<1x5x25x80xi32, #tpu.memory_space<hbm>>
      %dma_wait3A_127 = tpu.memref_squeeze %dma_wait3A_126 : memref<1x5x25x80xi32, #tpu.memory_space<hbm>> -> memref<5x25x80xi32, #tpu.memory_space<hbm>>
      %dma_wait3A_128 = arith.constant 0 : i32
      %dma_wait3A_129 = arith.constant 0 : i32
      %dma_wait3A_130 = tpu.memref_slice %dma_wait3A_127[%run_scoped3A_81, %dma_wait3A_128, %dma_wait3A_129] : memref<5x25x80xi32, #tpu.memory_space<hbm>> -> memref<1x25x80xi32, #tpu.memory_space<hbm>>
      %dma_wait3A_131 = tpu.memref_squeeze %dma_wait3A_130 : memref<1x25x80xi32, #tpu.memory_space<hbm>> -> memref<25x80xi32, #tpu.memory_space<hbm>>
      %dma_wait3A_132 = arith.constant 0 : i32
      %dma_wait3A_133 = arith.constant 0 : i32
      %dma_wait3A_134 = arith.constant 0 : i32
      %dma_wait3A_135 = tpu.memref_slice %arg4[%add3A, %dma_wait3A_132, %dma_wait3A_133, %dma_wait3A_134] : memref<32x5x25x80xi32, #tpu.memory_space<hbm>> -> memref<1x5x25x80xi32, #tpu.memory_space<hbm>>
      %dma_wait3A_136 = tpu.memref_squeeze %dma_wait3A_135 : memref<1x5x25x80xi32, #tpu.memory_space<hbm>> -> memref<5x25x80xi32, #tpu.memory_space<hbm>>
      %dma_wait3A_137 = arith.constant 0 : i32
      %dma_wait3A_138 = arith.constant 0 : i32
      %dma_wait3A_139 = tpu.memref_slice %dma_wait3A_136[%run_scoped3A_81, %dma_wait3A_137, %dma_wait3A_138] : memref<5x25x80xi32, #tpu.memory_space<hbm>> -> memref<1x25x80xi32, #tpu.memory_space<hbm>>
      %dma_wait3A_140 = tpu.memref_squeeze %dma_wait3A_139 : memref<1x25x80xi32, #tpu.memory_space<hbm>> -> memref<25x80xi32, #tpu.memory_space<hbm>>
      tpu.wait_dma2 semaphore(%run_scoped3A_105 : memref<!tpu.dma_semaphore, #tpu.memory_space<semaphore_mem>>) src(%dma_wait3A_140 : memref<25x80xi32, #tpu.memory_space<hbm>>) dst(%arg8 : memref<25x80xi32, #tpu.memory_space<vmem>>)
      tpu.yield
    }) : () -> ()
    %dma_start3A_82 = arith.constant 0 : i32
    %dma_start3A_83 = arith.constant 0 : i32
    %dma_start3A_84 = arith.constant 0 : i32
    %dma_start3A_85 = arith.constant 0 : i32
    %dma_start3A_86 = tpu.memref_slice %arg9[%dma_start3A_83, %dma_start3A_84, %dma_start3A_85] : memref<2x80x128xf32, #tpu.memory_space<vmem>> -> memref<1x80x128xf32, #tpu.memory_space<vmem>>
    %dma_start3A_87 = tpu.memref_squeeze %dma_start3A_86 : memref<1x80x128xf32, #tpu.memory_space<vmem>> -> memref<80x128xf32, #tpu.memory_space<vmem>>
    %dma_start3A_88 = arith.constant 0 : i32
    %dma_start3A_89 = tpu.memref_slice %arg7[%dma_start3A_82, %dma_start3A_88] : memref<25x80xi32, #tpu.memory_space<vmem>> -> memref<1x80xi32, #tpu.memory_space<vmem>>
    %dma_start3A_90 = tpu.memref_squeeze %dma_start3A_89 : memref<1x80xi32, #tpu.memory_space<vmem>> -> memref<80xi32, #tpu.memory_space<vmem>>
    %dma_start3A_91 = arith.constant 0 : i32
    %dma_start3A_92 = arith.constant 0 : i32
    %dma_start3A_93 = tpu.memref_slice %arg2[%dma_start3A_91, %dma_start3A_92] : memref<10000x128xf32, #tpu.memory_space<hbm>> -> memref<10000x128xf32, #tpu.memory_space<hbm>>
    tpu.enqueue_indirect_dma source(%dma_start3A_93 : memref<10000x128xf32, #tpu.memory_space<hbm>>) target(%dma_start3A_87 : memref<80x128xf32, #tpu.memory_space<vmem>>) offsets(%dma_start3A_90 : memref<80xi32, #tpu.memory_space<vmem>>) semaphore(%arg11 : memref<!tpu.dma_semaphore, #tpu.memory_space<semaphore_mem>>)
    %scan3A_94 = arith.constant 0 : i32
    %scan3A_95 = arith.constant 0 : i32
    %scan3A_96 = arith.constant 25 : i32
    %scan3A_97 = arith.addi %scan3A_95, %scan3A_96 : i32
    %scan3A_98 = arith.constant 1 : i32
    scf.for %scan3A_105 = %scan3A_95 to %scan3A_97 step %scan3A_98  : i32 {
      %rem3A = arith.constant 2 : i32
      %rem3A_106 = arith.remsi %scan3A_105, %rem3A : i32
      %add3A_107 = arith.constant 1 : i32
      %add3A_108 = arith.addi %scan3A_105, %add3A_107 : i32
      %lt3A = arith.constant 25 : i32
      %lt3A_109 = arith.cmpi slt, %add3A_108, %lt3A : i32
      %convert_element_type3A = arith.extui %lt3A_109 : i1 to i32
      %cond3A = arith.constant 0 : i32
      %cond3A_110 = arith.cmpi ne, %convert_element_type3A, %cond3A : i32
      scf.if %cond3A_110 {
        %add3A_120 = arith.constant 1 : i32
        %add3A_121 = arith.addi %scan3A_105, %add3A_120 : i32
        %sub3A = arith.constant 1 : i32
        %sub3A_122 = arith.subi %sub3A, %rem3A_106 : i32
        %dma_start3A_123 = arith.constant 0 : i32
        %dma_start3A_124 = arith.constant 0 : i32
        %dma_start3A_125 = tpu.memref_slice %arg9[%sub3A_122, %dma_start3A_123, %dma_start3A_124] : memref<2x80x128xf32, #tpu.memory_space<vmem>> -> memref<1x80x128xf32, #tpu.memory_space<vmem>>
        %dma_start3A_126 = tpu.memref_squeeze %dma_start3A_125 : memref<1x80x128xf32, #tpu.memory_space<vmem>> -> memref<80x128xf32, #tpu.memory_space<vmem>>
        %dma_start3A_127 = arith.constant 0 : i32
        %dma_start3A_128 = tpu.memref_slice %arg7[%add3A_121, %dma_start3A_127] : memref<25x80xi32, #tpu.memory_space<vmem>> -> memref<1x80xi32, #tpu.memory_space<vmem>>
        %dma_start3A_129 = tpu.memref_squeeze %dma_start3A_128 : memref<1x80xi32, #tpu.memory_space<vmem>> -> memref<80xi32, #tpu.memory_space<vmem>>
        %dma_start3A_130 = arith.constant 0 : i32
        %dma_start3A_131 = arith.constant 0 : i32
        %dma_start3A_132 = tpu.memref_slice %arg2[%dma_start3A_130, %dma_start3A_131] : memref<10000x128xf32, #tpu.memory_space<hbm>> -> memref<10000x128xf32, #tpu.memory_space<hbm>>
        tpu.enqueue_indirect_dma source(%dma_start3A_132 : memref<10000x128xf32, #tpu.memory_space<hbm>>) target(%dma_start3A_126 : memref<80x128xf32, #tpu.memory_space<vmem>>) offsets(%dma_start3A_129 : memref<80xi32, #tpu.memory_space<vmem>>) semaphore(%arg11 : memref<!tpu.dma_semaphore, #tpu.memory_space<semaphore_mem>>)
      } else {
      }
      %dma_wait3A = arith.constant 0 : i32
      %dma_wait3A_111 = arith.constant 0 : i32
      %dma_wait3A_112 = tpu.memref_slice %arg9[%rem3A_106, %dma_wait3A, %dma_wait3A_111] : memref<2x80x128xf32, #tpu.memory_space<vmem>> -> memref<1x80x128xf32, #tpu.memory_space<vmem>>
      %dma_wait3A_113 = tpu.memref_squeeze %dma_wait3A_112 : memref<1x80x128xf32, #tpu.memory_space<vmem>> -> memref<80x128xf32, #tpu.memory_space<vmem>>
      %dma_wait3A_114 = arith.constant 0 : i32
      %dma_wait3A_115 = tpu.memref_slice %arg7[%scan3A_105, %dma_wait3A_114] : memref<25x80xi32, #tpu.memory_space<vmem>> -> memref<1x80xi32, #tpu.memory_space<vmem>>
      %dma_wait3A_116 = tpu.memref_squeeze %dma_wait3A_115 : memref<1x80xi32, #tpu.memory_space<vmem>> -> memref<80xi32, #tpu.memory_space<vmem>>
      %dma_wait3A_117 = arith.constant 0 : i32
      %dma_wait3A_118 = arith.constant 0 : i32
      %dma_wait3A_119 = tpu.memref_slice %arg2[%dma_wait3A_117, %dma_wait3A_118] : memref<10000x128xf32, #tpu.memory_space<hbm>> -> memref<10000x128xf32, #tpu.memory_space<hbm>>
      tpu.wait_indirect_dma semaphore(%arg11 : memref<!tpu.dma_semaphore, #tpu.memory_space<semaphore_mem>>) src(%dma_wait3A_119 : memref<10000x128xf32, #tpu.memory_space<hbm>>) dst(%dma_wait3A_113 : memref<80x128xf32, #tpu.memory_space<vmem>>)
      "tpu.region"() ({
        %run_scoped3A_120 = tpu.sem_alloc : memref<!tpu.dma_semaphore, #tpu.memory_space<semaphore_mem>>
        %dma_start3A_121 = arith.constant 0 : i32
        %dma_start3A_122 = arith.constant 0 : i32
        %dma_start3A_123 = tpu.memref_slice %arg9[%rem3A_106, %dma_start3A_121, %dma_start3A_122] : memref<2x80x128xf32, #tpu.memory_space<vmem>> -> memref<1x80x128xf32, #tpu.memory_space<vmem>>
        %dma_start3A_124 = tpu.memref_squeeze %dma_start3A_123 : memref<1x80x128xf32, #tpu.memory_space<vmem>> -> memref<80x128xf32, #tpu.memory_space<vmem>>
        %dma_start3A_125 = arith.constant 0 : i32
        %dma_start3A_126 = tpu.memref_slice %arg8[%scan3A_105, %dma_start3A_125] : memref<25x80xi32, #tpu.memory_space<vmem>> -> memref<1x80xi32, #tpu.memory_space<vmem>>
        %dma_start3A_127 = tpu.memref_squeeze %dma_start3A_126 : memref<1x80xi32, #tpu.memory_space<vmem>> -> memref<80xi32, #tpu.memory_space<vmem>>
        %dma_start3A_128 = arith.constant 0 : i32
        %dma_start3A_129 = arith.constant 0 : i32
        %dma_start3A_130 = tpu.memref_slice %arg10[%dma_start3A_128, %dma_start3A_129] : memref<10240x128xf32, #tpu.memory_space<vmem_shared>> -> memref<10240x128xf32, #tpu.memory_space<vmem_shared>>
        tpu.enqueue_indirect_dma source(%dma_start3A_124 : memref<80x128xf32, #tpu.memory_space<vmem>>) target(%dma_start3A_130 : memref<10240x128xf32, #tpu.memory_space<vmem_shared>>) offsets(%dma_start3A_127 : memref<80xi32, #tpu.memory_space<vmem>>) semaphore(%run_scoped3A_120 : memref<!tpu.dma_semaphore, #tpu.memory_space<semaphore_mem>>) {add = true}
        %dma_wait3A_131 = arith.constant 0 : i32
        %dma_wait3A_132 = arith.constant 0 : i32
        %dma_wait3A_133 = tpu.memref_slice %arg9[%rem3A_106, %dma_wait3A_131, %dma_wait3A_132] : memref<2x80x128xf32, #tpu.memory_space<vmem>> -> memref<1x80x128xf32, #tpu.memory_space<vmem>>
        %dma_wait3A_134 = tpu.memref_squeeze %dma_wait3A_133 : memref<1x80x128xf32, #tpu.memory_space<vmem>> -> memref<80x128xf32, #tpu.memory_space<vmem>>
        %dma_wait3A_135 = arith.constant 0 : i32
        %dma_wait3A_136 = tpu.memref_slice %arg8[%scan3A_105, %dma_wait3A_135] : memref<25x80xi32, #tpu.memory_space<vmem>> -> memref<1x80xi32, #tpu.memory_space<vmem>>
        %dma_wait3A_137 = tpu.memref_squeeze %dma_wait3A_136 : memref<1x80xi32, #tpu.memory_space<vmem>> -> memref<80xi32, #tpu.memory_space<vmem>>
        %dma_wait3A_138 = arith.constant 0 : i32
        %dma_wait3A_139 = arith.constant 0 : i32
        %dma_wait3A_140 = tpu.memref_slice %arg10[%dma_wait3A_138, %dma_wait3A_139] : memref<10240x128xf32, #tpu.memory_space<vmem_shared>> -> memref<10240x128xf32, #tpu.memory_space<vmem_shared>>
        tpu.wait_indirect_dma semaphore(%run_scoped3A_120 : memref<!tpu.dma_semaphore, #tpu.memory_space<semaphore_mem>>) src(%dma_wait3A_134 : memref<80x128xf32, #tpu.memory_space<vmem>>) dst(%dma_wait3A_140 : memref<10240x128xf32, #tpu.memory_space<vmem_shared>>)
        tpu.yield
      }) : () -> ()
    }
    %scan3A_99 = arith.constant 25 : i32
    %barrier3A_100 = arith.constant 0 : index
    tpu.barrier barrier_id(%barrier3A_100)
    %mul3A_101 = arith.constant 640 : i32
    %mul3A_102 = arith.muli %arg1, %mul3A_101 : i32
    %mul3A_103 = arith.constant 640 : i32
    %mul3A_104 = arith.muli %arg1, %mul3A_103 : i32
    "tpu.region"() ({
      %run_scoped3A_105 = tpu.sem_alloc : memref<!tpu.dma_semaphore, #tpu.memory_space<semaphore_mem>>
      %dma_start3A_106 = arith.constant 0 : i32
      %dma_start3A_107 = arith.constant 0 : i32
      %dma_start3A_108 = tpu.memref_slice %arg6[%arg0, %dma_start3A_106, %dma_start3A_107] : memref<2x10240x128xf32, #tpu.memory_space<hbm>> -> memref<1x10240x128xf32, #tpu.memory_space<hbm>>
      %dma_start3A_109 = tpu.memref_squeeze %dma_start3A_108 : memref<1x10240x128xf32, #tpu.memory_space<hbm>> -> memref<10240x128xf32, #tpu.memory_space<hbm>>
      %dma_start3A_110 = arith.constant 0 : i32
      %dma_start3A_111 = tpu.memref_slice %dma_start3A_109[%mul3A_104, %dma_start3A_110] : memref<10240x128xf32, #tpu.memory_space<hbm>> -> memref<640x128xf32, #tpu.memory_space<hbm>>
      %dma_start3A_112 = arith.constant 0 : i32
      %dma_start3A_113 = tpu.memref_slice %arg10[%mul3A_102, %dma_start3A_112] : memref<10240x128xf32, #tpu.memory_space<vmem_shared>> -> memref<640x128xf32, #tpu.memory_space<vmem_shared>>
      tpu.enqueue_dma source(%dma_start3A_113 : memref<640x128xf32, #tpu.memory_space<vmem_shared>>) target(%dma_start3A_111 : memref<640x128xf32, #tpu.memory_space<hbm>>) target_semaphore(%run_scoped3A_105 : memref<!tpu.dma_semaphore, #tpu.memory_space<semaphore_mem>>)
      %dma_wait3A = arith.constant 0 : i32
      %dma_wait3A_114 = arith.constant 0 : i32
      %dma_wait3A_115 = tpu.memref_slice %arg6[%arg0, %dma_wait3A, %dma_wait3A_114] : memref<2x10240x128xf32, #tpu.memory_space<hbm>> -> memref<1x10240x128xf32, #tpu.memory_space<hbm>>
      %dma_wait3A_116 = tpu.memref_squeeze %dma_wait3A_115 : memref<1x10240x128xf32, #tpu.memory_space<hbm>> -> memref<10240x128xf32, #tpu.memory_space<hbm>>
      %dma_wait3A_117 = arith.constant 0 : i32
      %dma_wait3A_118 = tpu.memref_slice %dma_wait3A_116[%mul3A_104, %dma_wait3A_117] : memref<10240x128xf32, #tpu.memory_space<hbm>> -> memref<640x128xf32, #tpu.memory_space<hbm>>
      %dma_wait3A_119 = arith.constant 0 : i32
      %dma_wait3A_120 = tpu.memref_slice %arg10[%mul3A_102, %dma_wait3A_119] : memref<10240x128xf32, #tpu.memory_space<vmem_shared>> -> memref<640x128xf32, #tpu.memory_space<vmem_shared>>
      tpu.wait_dma2 semaphore(%run_scoped3A_105 : memref<!tpu.dma_semaphore, #tpu.memory_space<semaphore_mem>>) src(%dma_wait3A_120 : memref<640x128xf32, #tpu.memory_space<vmem_shared>>) dst(%dma_wait3A_118 : memref<640x128xf32, #tpu.memory_space<hbm>>)
      tpu.yield
    }) : () -> ()
    return
  }
}

module attributes {stable_mosaic.version = 14 : i64} {
  func.func @_tc1_body(%arg0: i32, %arg1: memref<1000x128xf32, #tpu.memory_space<vmem>>, %arg2: memref<128x128xf32, #tpu.memory_space<vmem>>, %arg3: memref<1000x2xf32, #tpu.memory_space<vmem>>, %arg4: memref<1000x128xf32, #tpu.memory_space<vmem>>, %arg5: memref<1000x1xf32, #tpu.memory_space<vmem>>) attributes {dimension_semantics = [#tpu.dimension_semantics<arbitrary>], iteration_bounds = array<i64: 10>, scalar_prefetch = 0 : i64, scratch_operands = 0 : i64, tpu.core_type = #tpu.core_type<tc>, window_params = [{transform_indices = @transform_0, window_bounds = array<i64: 1000, 128>}, {pipeline_mode = #tpu.pipeline_mode<synchronous>, transform_indices = @transform_1, window_bounds = array<i64: 128, 128>}, {transform_indices = @transform_2, window_bounds = array<i64: 1000, 2>}, {transform_indices = @transform_3, window_bounds = array<i64: 1000, 128>}, {transform_indices = @transform_4, window_bounds = array<i64: 1000, 1>}]} {
    %get3A = arith.constant 0 : index
    %get3A_0 = arith.constant 0 : index
    %get3A_1 = vector.load %arg3[%get3A, %get3A_0] : memref<1000x2xf32, #tpu.memory_space<vmem>>, vector<1000x1xf32>
    %get3A_2 = vector.shape_cast %get3A_1 : vector<1000x1xf32> to vector<1000xf32>
    %get3A_3 = arith.constant 0 : index
    %get3A_4 = arith.constant 1 : index
    %get3A_5 = vector.load %arg3[%get3A_3, %get3A_4] : memref<1000x2xf32, #tpu.memory_space<vmem>>, vector<1000x1xf32>
    %get3A_6 = vector.shape_cast %get3A_5 : vector<1000x1xf32> to vector<1000xf32>
    %add3A = arith.addf %get3A_2, %get3A_6 : vector<1000xf32>
    %add3A_7 = arith.constant 1.000000e+00 : f32
    %add3A_8 = vector.broadcast %add3A_7 : f32 to vector<1000xf32>
    %add3A_9 = arith.addf %add3A, %add3A_8 : vector<1000xf32>
    %rsqrt3A = math.rsqrt %add3A_9 : vector<1000xf32>
    %get3A_10 = arith.constant 0 : index
    %get3A_11 = arith.constant 0 : index
    %get3A_12 = vector.load %arg1[%get3A_10, %get3A_11] : memref<1000x128xf32, #tpu.memory_space<vmem>>, vector<1000x128xf32>
    %get3A_13 = arith.constant 0 : index
    %get3A_14 = arith.constant 0 : index
    %get3A_15 = vector.load %arg2[%get3A_13, %get3A_14] : memref<128x128xf32, #tpu.memory_space<vmem>>, vector<128x128xf32>
    %dot_general3A = arith.constant dense<0.000000e+00> : vector<1000x128xf32>
    %dot_general3A_16 = tpu.matmul %get3A_12, %get3A_15, %dot_general3A {dimension_numbers = #tpu.dot_dimension_numbers<[1], [0], [0], [1], [0, 0, 1, 1], [], []>, transpose_lhs_hint = false} : vector<1000x128xf32>, vector<128x128xf32>, vector<1000x128xf32> -> vector<1000x128xf32>
    %broadcast_in_dim3A = vector.shape_cast %rsqrt3A : vector<1000xf32> to vector<1000x1xf32>
    %mul3A = vector.broadcast %broadcast_in_dim3A : vector<1000x1xf32> to vector<1000x128xf32>
    %mul3A_17 = arith.mulf %mul3A, %dot_general3A_16 : vector<1000x128xf32>
    %swap3A = arith.constant 0 : index
    %swap3A_18 = arith.constant 0 : index
    %swap3A_19 = vector.load %arg4[%swap3A, %swap3A_18] : memref<1000x128xf32, #tpu.memory_space<vmem>>, vector<1000x128xf32>
    tpu.vector_store %arg4[%swap3A, %swap3A_18], %mul3A_17 {strides = array<i32>} : memref<1000x128xf32, #tpu.memory_space<vmem>>, vector<1000x128xf32>,
    %broadcast_in_dim3A_20 = vector.shape_cast %rsqrt3A : vector<1000xf32> to vector<1000x1xf32>
    %swap3A_21 = arith.constant 0 : index
    %swap3A_22 = arith.constant 0 : index
    %swap3A_23 = vector.load %arg5[%swap3A_21, %swap3A_22] : memref<1000x1xf32, #tpu.memory_space<vmem>>, vector<1000x1xf32>
    tpu.vector_store %arg5[%swap3A_21, %swap3A_22], %broadcast_in_dim3A_20 {strides = array<i32>} : memref<1000x1xf32, #tpu.memory_space<vmem>>, vector<1000x1xf32>,
    return
  }
  func.func @transform_0(%arg0: i32) -> (i32, i32) {
    %c0_i32 = arith.constant 0 : i32
    %c0_i32_0 = arith.constant 0 : i32
    return %arg0, %c0_i32 : i32, i32
  }
  func.func @transform_1(%arg0: i32) -> (i32, i32) {
    %c0_i32 = arith.constant 0 : i32
    %c0_i32_0 = arith.constant 0 : i32
    %c0_i32_1 = arith.constant 0 : i32
    return %c0_i32, %c0_i32_0 : i32, i32
  }
  func.func @transform_2(%arg0: i32) -> (i32, i32) {
    %c0_i32 = arith.constant 0 : i32
    %c0_i32_0 = arith.constant 0 : i32
    return %arg0, %c0_i32 : i32, i32
  }
  func.func @transform_3(%arg0: i32) -> (i32, i32) {
    %c0_i32 = arith.constant 0 : i32
    %c0_i32_0 = arith.constant 0 : i32
    return %arg0, %c0_i32 : i32, i32
  }
  func.func @transform_4(%arg0: i32) -> (i32, i32) {
    %c0_i32 = arith.constant 0 : i32
    %c0_i32_0 = arith.constant 0 : i32
    return %arg0, %c0_i32 : i32, i32
  }
}

module attributes {stable_mosaic.version = 14 : i64} {
  func.func @_tc2_body(%arg0: i32, %arg1: memref<1000x128xf32, #tpu.memory_space<vmem>>, %arg2: memref<2x1000x128xf32, #tpu.memory_space<vmem>>, %arg3: memref<1000x1xf32, #tpu.memory_space<vmem>>, %arg4: memref<1x128xf32, #tpu.memory_space<vmem>>, %arg5: memref<128x128xf32, #tpu.memory_space<vmem>>, %arg6: memref<1000x128xf32, #tpu.memory_space<vmem>>) attributes {dimension_semantics = [#tpu.dimension_semantics<arbitrary>], iteration_bounds = array<i64: 10>, scalar_prefetch = 0 : i64, scratch_operands = 0 : i64, tpu.core_type = #tpu.core_type<tc>, window_params = [{transform_indices = @transform_0, window_bounds = array<i64: 1000, 128>}, {transform_indices = @transform_1, window_bounds = array<i64: 2, 1000, 128>}, {transform_indices = @transform_2, window_bounds = array<i64: 1000, 1>}, {pipeline_mode = #tpu.pipeline_mode<synchronous>, transform_indices = @transform_3, window_bounds = array<i64: 1, 128>}, {pipeline_mode = #tpu.pipeline_mode<synchronous>, transform_indices = @transform_4, window_bounds = array<i64: 128, 128>}, {transform_indices = @transform_5, window_bounds = array<i64: 1000, 128>}]} {
    %get3A = arith.constant 0 : index
    %get3A_0 = arith.constant 0 : index
    %get3A_1 = arith.constant 0 : index
    %get3A_2 = vector.load %arg2[%get3A, %get3A_0, %get3A_1] : memref<2x1000x128xf32, #tpu.memory_space<vmem>>, vector<1x1000x128xf32>
    %get3A_3 = vector.shape_cast %get3A_2 : vector<1x1000x128xf32> to vector<1000x128xf32>
    %get3A_4 = arith.constant 1 : index
    %get3A_5 = arith.constant 0 : index
    %get3A_6 = arith.constant 0 : index
    %get3A_7 = vector.load %arg2[%get3A_4, %get3A_5, %get3A_6] : memref<2x1000x128xf32, #tpu.memory_space<vmem>>, vector<1x1000x128xf32>
    %get3A_8 = vector.shape_cast %get3A_7 : vector<1x1000x128xf32> to vector<1000x128xf32>
    %add3A = arith.addf %get3A_3, %get3A_8 : vector<1000x128xf32>
    %get3A_9 = arith.constant 0 : index
    %get3A_10 = arith.constant 0 : index
    %get3A_11 = vector.load %arg3[%get3A_9, %get3A_10] : memref<1000x1xf32, #tpu.memory_space<vmem>>, vector<1000x1xf32>
    %get3A_12 = arith.constant 0 : index
    %get3A_13 = arith.constant 0 : index
    %get3A_14 = vector.load %arg1[%get3A_12, %get3A_13] : memref<1000x128xf32, #tpu.memory_space<vmem>>, vector<1000x128xf32>
    %add3A_15 = arith.addf %add3A, %get3A_14 : vector<1000x128xf32>
    %mul3A = vector.broadcast %get3A_11 : vector<1000x1xf32> to vector<1000x128xf32>
    %mul3A_16 = arith.mulf %mul3A, %add3A_15 : vector<1000x128xf32>
    %get3A_17 = arith.constant 0 : index
    %get3A_18 = arith.constant 0 : index
    %get3A_19 = vector.load %arg4[%get3A_17, %get3A_18] : memref<1x128xf32, #tpu.memory_space<vmem>>, vector<1x128xf32>
    %add3A_20 = vector.broadcast %get3A_19 : vector<1x128xf32> to vector<1000x128xf32>
    %add3A_21 = arith.addf %mul3A_16, %add3A_20 : vector<1000x128xf32>
    %max3A = arith.constant 0.000000e+00 : f32
    %max3A_22 = vector.broadcast %max3A : f32 to vector<1000x128xf32>
    %max3A_23 = arith.maximumf %add3A_21, %max3A_22 : vector<1000x128xf32>
    %get3A_24 = arith.constant 0 : index
    %get3A_25 = arith.constant 0 : index
    %get3A_26 = vector.load %arg5[%get3A_24, %get3A_25] : memref<128x128xf32, #tpu.memory_space<vmem>>, vector<128x128xf32>
    %dot_general3A = arith.constant dense<0.000000e+00> : vector<1000x128xf32>
    %dot_general3A_27 = tpu.matmul %max3A_23, %get3A_26, %dot_general3A {dimension_numbers = #tpu.dot_dimension_numbers<[1], [0], [0], [1], [0, 0, 1, 1], [], []>, transpose_lhs_hint = false} : vector<1000x128xf32>, vector<128x128xf32>, vector<1000x128xf32> -> vector<1000x128xf32>
    %mul3A_28 = vector.broadcast %get3A_11 : vector<1000x1xf32> to vector<1000x128xf32>
    %mul3A_29 = arith.mulf %mul3A_28, %dot_general3A_27 : vector<1000x128xf32>
    %swap3A = arith.constant 0 : index
    %swap3A_30 = arith.constant 0 : index
    %swap3A_31 = vector.load %arg6[%swap3A, %swap3A_30] : memref<1000x128xf32, #tpu.memory_space<vmem>>, vector<1000x128xf32>
    tpu.vector_store %arg6[%swap3A, %swap3A_30], %mul3A_29 {strides = array<i32>} : memref<1000x128xf32, #tpu.memory_space<vmem>>, vector<1000x128xf32>,
    return
  }
  func.func @transform_0(%arg0: i32) -> (i32, i32) {
    %c0_i32 = arith.constant 0 : i32
    %c0_i32_0 = arith.constant 0 : i32
    return %arg0, %c0_i32 : i32, i32
  }
  func.func @transform_1(%arg0: i32) -> (i32, i32, i32) {
    %c0_i32 = arith.constant 0 : i32
    %c0_i32_0 = arith.constant 0 : i32
    %c0_i32_1 = arith.constant 0 : i32
    return %c0_i32, %arg0, %c0_i32_0 : i32, i32, i32
  }
  func.func @transform_2(%arg0: i32) -> (i32, i32) {
    %c0_i32 = arith.constant 0 : i32
    %c0_i32_0 = arith.constant 0 : i32
    return %arg0, %c0_i32 : i32, i32
  }
  func.func @transform_3(%arg0: i32) -> (i32, i32) {
    %c0_i32 = arith.constant 0 : i32
    %c0_i32_0 = arith.constant 0 : i32
    %c0_i32_1 = arith.constant 0 : i32
    return %c0_i32, %c0_i32_0 : i32, i32
  }
  func.func @transform_4(%arg0: i32) -> (i32, i32) {
    %c0_i32 = arith.constant 0 : i32
    %c0_i32_0 = arith.constant 0 : i32
    %c0_i32_1 = arith.constant 0 : i32
    return %c0_i32, %c0_i32_0 : i32, i32
  }
  func.func @transform_5(%arg0: i32) -> (i32, i32) {
    %c0_i32 = arith.constant 0 : i32
    %c0_i32_0 = arith.constant 0 : i32
    return %arg0, %c0_i32 : i32, i32
  }
}

module attributes {stable_mosaic.version = 14 : i64} {
  func.func @_tc3_body(%arg0: i32, %arg1: memref<1000x128xf32, #tpu.memory_space<vmem>>, %arg2: memref<2x1000x128xf32, #tpu.memory_space<vmem>>, %arg3: memref<1000x1xf32, #tpu.memory_space<vmem>>, %arg4: memref<1x32xf32, #tpu.memory_space<vmem>>, %arg5: memref<1x32xf32, #tpu.memory_space<vmem>>, %arg6: memref<32x128xf32, #tpu.memory_space<vmem>>, %arg7: memref<32x128xf32, #tpu.memory_space<vmem>>, %arg8: memref<1x128xf32, #tpu.memory_space<vmem>>, %arg9: memref<1000x32xf32, #tpu.memory_space<vmem>>, %arg10: memref<1000x32xf32, #tpu.memory_space<vmem>>, %arg11: memref<1000x128xf32, #tpu.memory_space<vmem>>) attributes {dimension_semantics = [#tpu.dimension_semantics<arbitrary>], iteration_bounds = array<i64: 10>, scalar_prefetch = 0 : i64, scratch_operands = 0 : i64, tpu.core_type = #tpu.core_type<tc>, window_params = [{transform_indices = @transform_0, window_bounds = array<i64: 1000, 128>}, {transform_indices = @transform_1, window_bounds = array<i64: 2, 1000, 128>}, {transform_indices = @transform_2, window_bounds = array<i64: 1000, 1>}, {pipeline_mode = #tpu.pipeline_mode<synchronous>, transform_indices = @transform_3, window_bounds = array<i64: 1, 32>}, {pipeline_mode = #tpu.pipeline_mode<synchronous>, transform_indices = @transform_4, window_bounds = array<i64: 1, 32>}, {pipeline_mode = #tpu.pipeline_mode<synchronous>, transform_indices = @transform_5, window_bounds = array<i64: 32, 128>}, {pipeline_mode = #tpu.pipeline_mode<synchronous>, transform_indices = @transform_6, window_bounds = array<i64: 32, 128>}, {pipeline_mode = #tpu.pipeline_mode<synchronous>, transform_indices = @transform_7, window_bounds = array<i64: 1, 128>}, {transform_indices = @transform_8, window_bounds = array<i64: 1000, 32>}, {transform_indices = @transform_9, window_bounds = array<i64: 1000, 32>}, {transform_indices = @transform_10, window_bounds = array<i64: 1000, 128>}]} {
    %get3A = arith.constant 0 : index
    %get3A_0 = arith.constant 0 : index
    %get3A_1 = vector.load %arg3[%get3A, %get3A_0] : memref<1000x1xf32, #tpu.memory_space<vmem>>, vector<1000x1xf32>
    %get3A_2 = arith.constant 0 : index
    %get3A_3 = arith.constant 0 : index
    %get3A_4 = arith.constant 0 : index
    %get3A_5 = vector.load %arg2[%get3A_2, %get3A_3, %get3A_4] : memref<2x1000x128xf32, #tpu.memory_space<vmem>>, vector<1x1000x128xf32>
    %get3A_6 = vector.shape_cast %get3A_5 : vector<1x1000x128xf32> to vector<1000x128xf32>
    %get3A_7 = arith.constant 1 : index
    %get3A_8 = arith.constant 0 : index
    %get3A_9 = arith.constant 0 : index
    %get3A_10 = vector.load %arg2[%get3A_7, %get3A_8, %get3A_9] : memref<2x1000x128xf32, #tpu.memory_space<vmem>>, vector<1x1000x128xf32>
    %get3A_11 = vector.shape_cast %get3A_10 : vector<1x1000x128xf32> to vector<1000x128xf32>
    %add3A = arith.addf %get3A_6, %get3A_11 : vector<1000x128xf32>
    %get3A_12 = arith.constant 0 : index
    %get3A_13 = arith.constant 0 : index
    %get3A_14 = vector.load %arg1[%get3A_12, %get3A_13] : memref<1000x128xf32, #tpu.memory_space<vmem>>, vector<1000x128xf32>
    %add3A_15 = arith.addf %add3A, %get3A_14 : vector<1000x128xf32>
    %mul3A = vector.broadcast %get3A_1 : vector<1000x1xf32> to vector<1000x128xf32>
    %mul3A_16 = arith.mulf %mul3A, %add3A_15 : vector<1000x128xf32>
    %slice3A = vector.extract_strided_slice %mul3A_16 {offsets = [0, 0], sizes = [1000, 32], strides = [1, 1]} : vector<1000x128xf32> to vector<1000x32xf32>
    %get3A_17 = arith.constant 0 : index
    %get3A_18 = arith.constant 0 : index
    %get3A_19 = vector.load %arg4[%get3A_17, %get3A_18] : memref<1x32xf32, #tpu.memory_space<vmem>>, vector<1x32xf32>
    %add3A_20 = vector.broadcast %get3A_19 : vector<1x32xf32> to vector<1000x32xf32>
    %add3A_21 = arith.addf %slice3A, %add3A_20 : vector<1000x32xf32>
    %slice3A_22 = vector.extract_strided_slice %mul3A_16 {offsets = [0, 32], sizes = [1000, 32], strides = [1, 1]} : vector<1000x128xf32> to vector<1000x32xf32>
    %get3A_23 = arith.constant 0 : index
    %get3A_24 = arith.constant 0 : index
    %get3A_25 = vector.load %arg5[%get3A_23, %get3A_24] : memref<1x32xf32, #tpu.memory_space<vmem>>, vector<1x32xf32>
    %add3A_26 = vector.broadcast %get3A_25 : vector<1x32xf32> to vector<1000x32xf32>
    %add3A_27 = arith.addf %slice3A_22, %add3A_26 : vector<1000x32xf32>
    %swap3A = arith.constant 0 : index
    %swap3A_28 = arith.constant 0 : index
    %swap3A_29 = vector.load %arg9[%swap3A, %swap3A_28] : memref<1000x32xf32, #tpu.memory_space<vmem>>, vector<1000x32xf32>
    tpu.vector_store %arg9[%swap3A, %swap3A_28], %add3A_21 {strides = array<i32>} : memref<1000x32xf32, #tpu.memory_space<vmem>>, vector<1000x32xf32>,
    %swap3A_30 = arith.constant 0 : index
    %swap3A_31 = arith.constant 0 : index
    %swap3A_32 = vector.load %arg10[%swap3A_30, %swap3A_31] : memref<1000x32xf32, #tpu.memory_space<vmem>>, vector<1000x32xf32>
    tpu.vector_store %arg10[%swap3A_30, %swap3A_31], %add3A_27 {strides = array<i32>} : memref<1000x32xf32, #tpu.memory_space<vmem>>, vector<1000x32xf32>,
    %get3A_33 = arith.constant 0 : index
    %get3A_34 = arith.constant 0 : index
    %get3A_35 = vector.load %arg6[%get3A_33, %get3A_34] : memref<32x128xf32, #tpu.memory_space<vmem>>, vector<32x128xf32>
    %get3A_36 = arith.constant 0 : index
    %get3A_37 = arith.constant 0 : index
    %get3A_38 = vector.load %arg7[%get3A_36, %get3A_37] : memref<32x128xf32, #tpu.memory_space<vmem>>, vector<32x128xf32>
    %mul3A_39 = arith.mulf %get3A_35, %get3A_38 : vector<32x128xf32>
    %dot_general3A = arith.constant dense<0.000000e+00> : vector<1000x128xf32>
    %dot_general3A_40 = tpu.matmul %add3A_21, %mul3A_39, %dot_general3A {dimension_numbers = #tpu.dot_dimension_numbers<[1], [0], [0], [1], [0, 0, 1, 1], [], []>, transpose_lhs_hint = false} : vector<1000x32xf32>, vector<32x128xf32>, vector<1000x128xf32> -> vector<1000x128xf32>
    %get3A_41 = arith.constant 0 : index
    %get3A_42 = arith.constant 0 : index
    %get3A_43 = vector.load %arg8[%get3A_41, %get3A_42] : memref<1x128xf32, #tpu.memory_space<vmem>>, vector<1x128xf32>
    %add3A_44 = vector.broadcast %get3A_43 : vector<1x128xf32> to vector<1000x128xf32>
    %add3A_45 = arith.addf %dot_general3A_40, %add3A_44 : vector<1000x128xf32>
    %reduce_max3A = arith.constant dense<0xFF800000> : vector<1000xf32>
    %reduce_max3A_46 = vector.multi_reduction <maximumf>, %add3A_45, %reduce_max3A [1] : vector<1000x128xf32> to vector<1000xf32>
    %broadcast_in_dim3A = vector.shape_cast %reduce_max3A_46 : vector<1000xf32> to vector<1000x1xf32>
    %sub3A = vector.broadcast %broadcast_in_dim3A : vector<1000x1xf32> to vector<1000x128xf32>
    %sub3A_47 = arith.subf %add3A_45, %sub3A : vector<1000x128xf32>
    %exp3A = math.exp %sub3A_47 : vector<1000x128xf32>
    %reduce_sum3A = arith.constant dense<0.000000e+00> : vector<1000xf32>
    %reduce_sum3A_48 = vector.multi_reduction <add>, %exp3A, %reduce_sum3A [1] : vector<1000x128xf32> to vector<1000xf32>
    %broadcast_in_dim3A_49 = vector.shape_cast %reduce_sum3A_48 : vector<1000xf32> to vector<1000x1xf32>
    %div3A = vector.broadcast %broadcast_in_dim3A_49 : vector<1000x1xf32> to vector<1000x128xf32>
    %div3A_50 = arith.divf %exp3A, %div3A : vector<1000x128xf32>
    %swap3A_51 = arith.constant 0 : index
    %swap3A_52 = arith.constant 0 : index
    %swap3A_53 = vector.load %arg11[%swap3A_51, %swap3A_52] : memref<1000x128xf32, #tpu.memory_space<vmem>>, vector<1000x128xf32>
    tpu.vector_store %arg11[%swap3A_51, %swap3A_52], %div3A_50 {strides = array<i32>} : memref<1000x128xf32, #tpu.memory_space<vmem>>, vector<1000x128xf32>,
    return
  }
  func.func @transform_0(%arg0: i32) -> (i32, i32) {
    %c0_i32 = arith.constant 0 : i32
    %c0_i32_0 = arith.constant 0 : i32
    return %arg0, %c0_i32 : i32, i32
  }
  func.func @transform_1(%arg0: i32) -> (i32, i32, i32) {
    %c0_i32 = arith.constant 0 : i32
    %c0_i32_0 = arith.constant 0 : i32
    %c0_i32_1 = arith.constant 0 : i32
    return %c0_i32, %arg0, %c0_i32_0 : i32, i32, i32
  }
  func.func @transform_2(%arg0: i32) -> (i32, i32) {
    %c0_i32 = arith.constant 0 : i32
    %c0_i32_0 = arith.constant 0 : i32
    return %arg0, %c0_i32 : i32, i32
  }
  func.func @transform_3(%arg0: i32) -> (i32, i32) {
    %c0_i32 = arith.constant 0 : i32
    %c0_i32_0 = arith.constant 0 : i32
    %c0_i32_1 = arith.constant 0 : i32
    return %c0_i32, %c0_i32_0 : i32, i32
  }
  func.func @transform_4(%arg0: i32) -> (i32, i32) {
    %c0_i32 = arith.constant 0 : i32
    %c0_i32_0 = arith.constant 0 : i32
    %c0_i32_1 = arith.constant 0 : i32
    return %c0_i32, %c0_i32_0 : i32, i32
  }
  func.func @transform_5(%arg0: i32) -> (i32, i32) {
    %c0_i32 = arith.constant 0 : i32
    %c0_i32_0 = arith.constant 0 : i32
    %c0_i32_1 = arith.constant 0 : i32
    return %c0_i32, %c0_i32_0 : i32, i32
  }
  func.func @transform_6(%arg0: i32) -> (i32, i32) {
    %c0_i32 = arith.constant 0 : i32
    %c0_i32_0 = arith.constant 0 : i32
    %c0_i32_1 = arith.constant 0 : i32
    return %c0_i32, %c0_i32_0 : i32, i32
  }
  func.func @transform_7(%arg0: i32) -> (i32, i32) {
    %c0_i32 = arith.constant 0 : i32
    %c0_i32_0 = arith.constant 0 : i32
    %c0_i32_1 = arith.constant 0 : i32
    return %c0_i32, %c0_i32_0 : i32, i32
  }
  func.func @transform_8(%arg0: i32) -> (i32, i32) {
    %c0_i32 = arith.constant 0 : i32
    %c0_i32_0 = arith.constant 0 : i32
    return %arg0, %c0_i32 : i32, i32
  }
  func.func @transform_9(%arg0: i32) -> (i32, i32) {
    %c0_i32 = arith.constant 0 : i32
    %c0_i32_0 = arith.constant 0 : i32
    return %arg0, %c0_i32 : i32, i32
  }
  func.func @transform_10(%arg0: i32) -> (i32, i32) {
    %c0_i32 = arith.constant 0 : i32
    %c0_i32_0 = arith.constant 0 : i32
    return %arg0, %c0_i32 : i32, i32
  }
}

module attributes {stable_mosaic.version = 14 : i64} {
  func.func @_tc4_body(%arg0: i32, %arg1: memref<400x32xf32, #tpu.memory_space<vmem>>, %arg2: memref<10000x32xf32, #tpu.memory_space<vmem>>, %arg3: memref<400x10000xf32, #tpu.memory_space<vmem>>) attributes {dimension_semantics = [#tpu.dimension_semantics<arbitrary>], iteration_bounds = array<i64: 25>, scalar_prefetch = 0 : i64, scratch_operands = 0 : i64, tpu.core_type = #tpu.core_type<tc>, window_params = [{transform_indices = @transform_0, window_bounds = array<i64: 400, 32>}, {pipeline_mode = #tpu.pipeline_mode<synchronous>, transform_indices = @transform_1, window_bounds = array<i64: 10000, 32>}, {transform_indices = @transform_2, window_bounds = array<i64: 400, 10000>}]} {
    %get3A = arith.constant 0 : index
    %get3A_0 = arith.constant 0 : index
    %get3A_1 = vector.load %arg1[%get3A, %get3A_0] : memref<400x32xf32, #tpu.memory_space<vmem>>, vector<400x32xf32>
    %get3A_2 = arith.constant 0 : index
    %get3A_3 = arith.constant 0 : index
    %get3A_4 = vector.load %arg2[%get3A_2, %get3A_3] : memref<10000x32xf32, #tpu.memory_space<vmem>>, vector<10000x32xf32>
    %dot_general3A = arith.constant dense<0.000000e+00> : vector<400x10000xf32>
    %dot_general3A_5 = tpu.matmul %get3A_1, %get3A_4, %dot_general3A {dimension_numbers = #tpu.dot_dimension_numbers<[1], [1], [0], [0], [0, 0, 1, 0], [], []>, transpose_lhs_hint = false} : vector<400x32xf32>, vector<10000x32xf32>, vector<400x10000xf32> -> vector<400x10000xf32>
    %swap3A = arith.constant 0 : index
    %swap3A_6 = arith.constant 0 : index
    %swap3A_7 = vector.load %arg3[%swap3A, %swap3A_6] : memref<400x10000xf32, #tpu.memory_space<vmem>>, vector<400x10000xf32>
    tpu.vector_store %arg3[%swap3A, %swap3A_6], %dot_general3A_5 {strides = array<i32>} : memref<400x10000xf32, #tpu.memory_space<vmem>>, vector<400x10000xf32>,
    return
  }
  func.func @transform_0(%arg0: i32) -> (i32, i32) {
    %c0_i32 = arith.constant 0 : i32
    %c0_i32_0 = arith.constant 0 : i32
    return %arg0, %c0_i32 : i32, i32
  }
  func.func @transform_1(%arg0: i32) -> (i32, i32) {
    %c0_i32 = arith.constant 0 : i32
    %c0_i32_0 = arith.constant 0 : i32
    %c0_i32_1 = arith.constant 0 : i32
    return %c0_i32, %c0_i32_0 : i32, i32
  }
  func.func @transform_2(%arg0: i32) -> (i32, i32) {
    %c0_i32 = arith.constant 0 : i32
    %c0_i32_0 = arith.constant 0 : i32
    return %arg0, %c0_i32 : i32, i32
  }
}

</mosaic_0001>

<sc_bundles>
// kernel: kernel.12.cloned.1.call-start
scs
__scs_entry_jumppad:
0x0: {  	(pc) =	sbr.rel $0x88, $3  }
0x1: {  	(tag) =	ssettag $0x0;
	lr =	simm.s32 $0x1  }
0x2: {  	[smem:$0x3F96] =	sst lr;
	_ =	strace $0xD0000000  }
0x3: {  	_ = 	snop  }
0x4: {  	_ = 	snop  }
0x5: {  	_ = 	snop  }
0x6: {  	_ = 	snop  }
0x7: {  	_ = 	snop  }
__scs_overlays_trampoline_lowered:
0x8: {  	[smem:$0x3FA5] =	sst s0  }
0x9: {  	[smem:$0x3FA6] =	sst s1  }
0xa: {  	[smem:$0x3FA7] =	sst s2  }
0xb: {  	[smem:$0x3FA8] =	sst s3  }
0xc: {  	[smem:$0x3FA9] =	sst s4  }
0xd: {  	[smem:$0x3FAA] =	sst s5  }
0xe: {  	[smem:$0x3FAB] =	sst s6  }
0xf: {  	[smem:$0x3FAC] =	sst s7  }
0x10: {  	[smem:$0x3FAD] =	sst s8  }
0x11: {  	[smem:$0x3FAE] =	sst s9;
	s0 =	simm.s32 @!p0 $0x0  }
0x12: {  	s1 =	sld [smem:$0x3F94];
	s0 =	simm.s32 @p0 $0x1  }
0x13: {  	[smem:$0x3FAF] =	sst s0;
	s0 =	simm.s32 @!p1 $0x0  }
0x14: {  	s2 =	sld [smem:$0x3F93];
	s0 =	simm.s32 @p1 $0x1  }
0x15: {  	[smem:$0x3FB0] =	sst s0;
	s0 =	simm.s32 @!p2 $0x0  }
0x16: {  	s3 =	sld [smem:$0x3FDB];
	s0 =	simm.s32 @p2 $0x1  }
0x17: {  	s4 =	simm.s32 $0x1BF5;
	[smem:$0x3FB2] =	sst s0  }
0x18: {  	s0 =	sld [smem:$0x3F95];
	_ =	swait.ge [sflag:s4], $0x0  }
0x19: {  	s7 =	sld [smem:$0x3F96]  }
0x1a: {  	s8 =	sadd.s32 $0xFFFFE003, lr  }
0x1b: {  	s9 =	sadd.s32 $0xFFFFFEF7, lr;
	s5 =	simm.s32 $0xFFFFFFFF;
	p2 =	slt.u32 s8, $0xFFFFF086  }
0x1c: {  	p1 =	slt.u32 s9, $0xF7A;
	s5 =	simm.s32 @!p2 $0x0  }
0x1d: {  	s5 =	simm.s32 @p1 $0x1;
	p0 =	seq.s32 s7, s2  }
0x1e: {  	s7 =	smul.u32 @!p0 $0xF7A, s2;
	p2 =	seq.s32 @!p0 s5, $0x0  }
0x1f: {  	s9 =	smul.u32 $0xF7A, s1;
	s8 =	simm.s32 @!p0 $0x1BF5;
	p2 =	por !p2, p0  }
0x20: {  	[sflag:s8] =	ssyncset.s32 @!p0 $0xFFFFF086;
	s6 =	sadd.s32 @!p0 s3, s7;
	s7 =	simm.s32 @!p0 $0x108  }
0x21: {  	s3 =	sadd.s32 s3, s9;
	s6 =	sadd.s32 @!p0 $0x88, s6;
	s7 =	simm.s32 @p2 $0x1082  }
0x22: {  	[simem:s7], [sflag:s8] =	dma.local @!p0 [hbm:s6], $0xF7A  }
0x23: {  	s9 =	sor.u32 $0xD0000000, s2;
	s6 =	simm.s32 $0x108;
	_ =	swait.ge @!p0 [sflag:s8], $0x0  }
0x24: {  	s3 =	sadd.s32 $0x88, s3;
	s6 =	simm.s32 @!p1 $0x1082;
	[sflag:s4] =	ssyncset.s32 $0xFFFFF086  }
0x25: {  	[simem:s6], [sflag:s4] =	dma.local [hbm:s3], $0xF7A  }
0x26: {  	[smem:$0x3F96] =	sst s1;
	(tag) =	ssettag s2;
	_ =	strace s9  }
0x27: {  	s1 =	sld [smem:$0x3FA6]  }
0x28: {  	s2 =	sld [smem:$0x3FA7]  }
0x29: {  	s4 =	sld [smem:$0x3FA9]  }
0x2a: {  	p0 =	seq.s32 s5, $0x0;
	s5 =	sld [smem:$0x3FAA]  }
0x2b: {  	s6 =	sld [smem:$0x3FAB]  }
0x2c: {  	s7 =	sld [smem:$0x3FAC]  }
0x2d: {  	s3 =	simm.s32 $0x108;
	s8 =	sld [smem:$0x3FAD]  }
0x2e: {  	s3 =	simm.s32 @!p0 $0x1082;
	s9 =	sld [smem:$0x3FAE]  }
0x2f: {  	lr =	sadd.s32 s0, s3;
	s0 =	sld [smem:$0x3FA5]  }
0x30: {  	s3 =	sld [smem:$0x3FA8]  }
0x31: {  	[smem:$0x3FB1] =	sst s10  }
0x32: {  	s10 =	sld [smem:$0x3FAF];
	_ =	sdelay $0x3  }
0x33: {  	p0 =	seq.s32 s10, $0x1;
	s10 =	sld [smem:$0x3FB1];
	_ =	sdelay $0x3  }
0x34: {  	[smem:$0x3FB1] =	sst s10  }
0x35: {  	s10 =	sld [smem:$0x3FB0];
	_ =	sdelay $0x3  }
0x36: {  	p1 =	seq.s32 s10, $0x1;
	s10 =	sld [smem:$0x3FB1];
	_ =	sdelay $0x3  }
0x37: {  	[smem:$0x3FB1] =	sst s10  }
0x38: {  	s10 =	sld [smem:$0x3FB2]  }
0x39: {  	_ = 	snop;
	(pc) =	sbr.ind lr, $3  }
0x3a: {  	_ = 	snop  }
0x3b: {  	_ = 	snop  }
0x3c: {  	p2 =	seq.s32 s10, $0x1;
	s10 =	sld [smem:$0x3FB1]  }
0x3d: {  	_ =	shalt  }
0x3e: {  	_ =	shalt  }
0x3f: {  	_ =	shalt  }
0x40: {  	_ =	shalt  }
0x41: {  	_ =	shalt  }
0x42: {  	_ =	shalt  }
0x43: {  	_ =	shalt  }
0x44: {  	_ =	shalt  }
0x45: {  	_ =	shalt  }
0x46: {  	_ =	shalt  }
0x47: {  	_ =	shalt  }
0x48: {  	_ =	shalt  }
0x49: {  	_ =	shalt  }
0x4a: {  	_ =	shalt  }
0x4b: {  	_ =	shalt  }
0x4c: {  	_ =	shalt  }
0x4d: {  	_ =	shalt  }
0x4e: {  	_ =	shalt  }
0x4f: {  	_ =	shalt  }
0x50: {  	_ =	shalt  }
0x51: {  	_ =	shalt  }
0x52: {  	_ =	shalt  }
0x53: {  	_ =	shalt  }
0x54: {  	_ =	shalt  }
0x55: {  	_ =	shalt  }
0x56: {  	_ =	shalt  }
0x57: {  	_ =	shalt  }
0x58: {  	_ =	shalt  }
0x59: {  	_ =	shalt  }
0x5a: {  	_ =	shalt  }
0x5b: {  	_ =	shalt  }
0x5c: {  	_ =	shalt  }
0x5d: {  	_ =	shalt  }
0x5e: {  	_ =	shalt  }
0x5f: {  	_ =	shalt  }
0x60: {  	_ =	shalt  }
0x61: {  	_ =	shalt  }
0x62: {  	_ =	shalt  }
0x63: {  	_ =	shalt  }
0x64: {  	_ =	shalt  }
0x65: {  	_ =	shalt  }
0x66: {  	_ =	shalt  }
0x67: {  	_ =	shalt  }
0x68: {  	_ =	shalt  }
0x69: {  	_ =	shalt  }
0x6a: {  	_ =	shalt  }
0x6b: {  	_ =	shalt  }
0x6c: {  	_ =	shalt  }
0x6d: {  	_ =	shalt  }
0x6e: {  	_ =	shalt  }
0x6f: {  	_ =	shalt  }
0x70: {  	_ =	shalt  }
0x71: {  	_ =	shalt  }
0x72: {  	_ =	shalt  }
0x73: {  	_ =	shalt  }
0x74: {  	_ =	shalt  }
0x75: {  	_ =	shalt  }
0x76: {  	_ =	shalt  }
0x77: {  	_ =	shalt  }
0x78: {  	_ =	shalt  }
0x79: {  	_ =	shalt  }
0x7a: {  	_ =	shalt  }
0x7b: {  	_ =	shalt  }
0x7c: {  	_ =	shalt  }
0x7d: {  	_ =	shalt  }
0x7e: {  	_ =	shalt  }
0x7f: {  	_ =	shalt  }
0x80: {  	_ =	shalt  }
0x81: {  	_ =	shalt  }
0x82: {  	_ =	shalt  }
0x83: {  	_ =	shalt  }
0x84: {  	_ =	shalt  }
0x85: {  	_ =	shalt  }
0x86: {  	_ =	shalt  }
0x87: {  	_ =	shalt  }
.Lfunc_end0:
.L_simem_size_0:
called_computation.1_lowered:
.L_overlay_start_0:
0x88: {  	s2 =	sld [smem:$0x3FD9]  }
0x89: {  	s3 =	sld [smem:$0x3FFE];
	_ =	sdelay $0x1  }
0x8a: {  	s1 =	srdreg.scid  }
0x8b: {  	s0 =	sand.u32 $0x1, s1  }
0x8c: {  	s14 =	sshll.u32 s0, $0xA;
	s2 =	sadd.s32 s3, s2  }
0x8d: {  	s2 =	sadd.s32 s2, s14  }
0x8e: {  	[smem:$0x3FBD] =	sst s2  }
0x8f: {  	_ = 	snop  }
0x90: {  	s2 =	sld [smem:$0x3FD0];
	_ =	sdelay $0x2  }
0x91: {  	s15 =	simm.s32 $0xA;
	s4 =	simm.s32 $0x10  }
0x92: {  	[smem:s4], [sflag:s15] =	dma.local [hbm:s2], $0x1  }
0x93: {  	_ =	swait.eq [sflag:s15], $0x1  }
0x94: {  	s16 =	sld [smem:$0x10];
	[sflag:s15] =	ssyncset.done $0x0  }
0x95: {  	s17 =	sld [smem:$0x11];
	[sflag:s15] =	ssyncadd.s32 $0xFFFFFFFF  }
0x96: {  	s18 =	sld [smem:$0x13];
	(tm) =	ssettm $0x1  }
0x97: {  	s5 =	sld [smem:$0x3FFB];
	_ =	sdelay $0x3  }
0x98: {  	_ =	strace s5  }
0x99: {  	s5 =	sld [smem:$0x3FFC];
	_ =	sdelay $0x3  }
0x9a: {  	_ =	strace s5  }
0x9b: {  	s5 =	sld [smem:$0x3FFD];
	_ =	sdelay $0x3  }
0x9c: {  	_ =	strace s5  }
0x9d: {  	_ =	strace $0x8FFFFFFF  }
0x9e: {  	s19 =	sld [smem:$0x3FDB];
	_ =	sdelay $0x1  }
0x9f: {  	s6 =	simm.s32 $_scs_section_size  }
0xa0: {  	s7 =	simm.s32 $_size__tile_overlayer_lowered;
	s8 =	simm.s32 $_tile_overlayer_lowered  }
0xa1: {  	s22 =	simm.s32 $0x1BFF;
	s21 =	sshll.u32 s8, $0x1;
	s5 =	sadd.s32 s6, s19  }
0xa2: {  	s9 =	simm.s32 $0x0;
	s20 =	sshll.u32 s7, $0x1;
	s7 =	sadd.s32 s21, s5  }
0xa3: {  	[timem:s9], [sflag:s22] =	dma.local [hbm:s7], s20  }
0xa4: {  	_ =	swait.ge [sflag:s22], s20  }
0xa5: {  	s6 =	ssub.s32 $0x0, s20;
	[sflag:s22] =	ssyncset.done $0x0  }
0xa6: {  	[sflag:s22] =	ssyncadd.s32 s6;
	_ =	sdelay $0x1  }
0xa7: {  	s23 =	simm.s32 $0x1B8B  }
0xa8: {  	_ =	swait.ge [sflag:s23], $0x1  }
0xa9: {  	[sflag:s23] =	ssyncset.done $0x0  }
0xaa: {  	s25 =	simm.s32 $0x1B8E;
	s24 =	sld [smem:$0x3FFE];
	[sflag:s23] =	ssyncadd.s32 $0xFFFFFFFF  }
0xab: {  	s26 =	simm.s32 $execute0_lowered;
	[smem:$0x3FD2] =	sst s25  }
0xac: {  	s7 =	sshll.u32 s26, $0x1;
	_ =	strace $0x80000049;
	[dreg:$0x1] =	wrdreg $0xFFFFFFFF  }
0xad: {  	s28 =	simm.s32 $_size_execute0_lowered;
	s5 =	sadd.s32 s5, s7;
	[dreg:$0x0] =	wrdreg $0x0  }
0xae: {  	s7 =	sshll.u32 s28, $0x1;
	[dreg:$0x2] =	wrdreg s5  }
0xaf: {  	[dreg:$0x3] =	wrdreg s7  }
0xb0: {  	[dreg:$0x4] =	wrdreg $0xC0  }
0xb1: {  	_ =	task [dreg:s9], $0x5FFFF  }
0xb2: {  	[dreg:$0x1] =	wrdreg $0xFFFFFFFF  }
0xb3: {  	[dreg:$0x0] =	wrdreg $0x60  }
0xb4: {  	[dreg:$0x2] =	wrdreg s17  }
0xb5: {  	[dreg:$0x3] =	wrdreg s24  }
0xb6: {  	[dreg:$0x4] =	wrdreg s18  }
0xb7: {  	[dreg:$0x5] =	wrdreg s16  }
0xb8: {  	[dreg:$0x6] =	wrdreg $0x70000  }
0xb9: {  	[dreg:$0x7] =	wrdreg $0x9  }
0xba: {  	_ =	task.clear_ibuf [dreg:s9], $0x8FFFF;
	_ =	strace $0x90000049  }
0xbb: {  	s29 =	simm.s32 $0x9;
	_ =	strace $0x8000004B  }
0xbc: {  	_ =	swait.ge [sflag:s29], $0x1  }
0xbd: {  	[sflag:s29] =	ssyncadd.s32 $0xFFFFFFFF  }
0xbe: {  	_ =	strace $0x9000004B  }
0xbf: {  	_ =	sfence  }
0xc0: {  	s30 =	sld [smem:$0x0];
	_ =	sdelay $0x2  }
0xc1: {  	s31 =	sshll.u32 s1, $0xD;
	s1 =	sshrl.u32 s1, $0x2  }
0xc2: {  	s3 =	sand.u32 $0x4000, s31;
	s1 =	sadd.s32 s1, s30  }
0xc3: {  	s0 =	sor.u32 s3, s0;
	s1 =	sshll.u32 s1, $0x11  }
0xc4: {  	s0 =	sor.u32 s1, s0  }
0xc5: {  	s0 =	sadd.s32 $0x8F2B, s0  }
0xc6: {  	[sflag:s0] =	ssyncadd.remote.s32 $0x1  }
0xc7: {  	_ =	sfence.sel $0xFFFF  }
0xc8: {  	[dreg:$0x0] =	wrdreg $0xFFFFFFFF;
	(pc) =	sbr.abs _section_cstart, $3  }
0xc9: {  	[dreg:$0x1] =	wrdreg $0xFFFFFFFF  }
0xca: {  	_ =	task.clear_ibuf [dreg:s9], $0x2FFFF;
	_ =	strace $0x9FFFFFFF  }
0xcb: {  	(tm) =	ssettm $0x7FFFFFFF  }
tec
execute0_lowered:
.L_overlay_start_1:
0x0: {  	(tag) =	ssettag $0x1  }
0x1: {  	s1 =	rddreg [dreg:$0x0]  }
0x2: {  	s6 =	rddreg [dreg:$0x1]  }
0x3: {  	s2 =	rddreg [dreg:$0x2]  }
0x4: {  	s3 =	srdreg.scid;
	s9 =	rddreg [dreg:$0x3]  }
0x5: {  	s0 =	stileid.u32;
	s4 =	rddreg [dreg:$0x4]  }
0x6: {  	s5 =	simm.s32 $0x0;
	s14 =	simm.s32 $0x1;
	s15 =	simm.s32 $0x1C00  }
0x7: {  	s7 =	sand.u32 $0x1, s3;
	s30 =	sshll.u32 s0, $0x1;
	s3 =	rddreg [dreg:$0x5]  }
0x8: {  	[smem:$0x7FF] =	sst s5;
	s11 =	smul.u32 $0x50000, s0;
	s12 =	sshll.u32 s0, $0x6  }
0x9: {  	s19 =	smul.u32 $0x2800, s0;
	s8 =	sor.u32 s7, s30;
	s10 =	ssub.s32 $0x2, s7  }
0xa: {  	_ =	strace $0x8000004A;
	s13 =	smul.u32 $0x28000, s7;
	s31 =	sshrl.u32 s10, $0x1  }
0xb: {  	s8 =	smul.u32 $0xA00, s8;
	s11 =	sshrl.u32 s11, $0x2;
	s10 =	ssub.s32 s10, s31  }
0xc: {  	s11 =	sadd.s32 s11, s4;
	s18 =	sadd.s32 s9, s13;
	s13 =	simm.s32 $0x2000  }
0xd: {  	s8 =	sadd.s32 s8, s6;
	s6 =	sor.u32 $0x1C02, s12;
	s9 =	smax.u32 s10, $0x1  }
0xe: {  	s10 =	sshrl.u32 s11, $0x3;
	s11 =	simm.s32 $0x2;
	s12 =	simm.s32 $0x50  }
0xf: {  	s18 =	sadd.s32 s19, s18;
	s7 =	sadd.s32 $0x17000, s8;
	s8 =	sadd.s32 $0x3000, s8  }
0x10: {  	s19 =	simm.s32 $0x0;
	s16 =	sadd.s32 $0x200, s7;
	s17 =	sadd.s32 $0x200, s8  }
.LBB2_1:
0x11: {  	[spmem:s10], [sflag:s6] =	dma.local [hbm:s2], $0x2800  }
0x12: {  	_ =	swait.ge [sflag:s11], $0x2800  }
0x13: {  	[sflag:s11] =	ssyncset.done $0x0  }
0x14: {  	[sflag:s11] =	ssyncadd.s32 $0xFFFFD800  }
0x15: {  	[bflag:$0x0] =	sbarrier.arrive $0xFFFF  }
0x16: {  	[tilespmem:s5], [sflag:$0x2] =	stream.linear.gather [hbm4b:s7+s5], $0xC80, $0x38;
	[tilespmem:$0x1B000] =	vst v63  }
0x17: {  	_ =	swait.ge [sflag:s11], $0xC80  }
0x18: {  	s21 =	sand.u32 $0x1, s5;
	[sflag:s11] =	ssyncset.done $0x0  }
0x19: {  	s20 =	simm.s32 $0x1000;
	s22 =	sxor.u32 $0x1, s21;
	[sflag:s11] =	ssyncadd.s32 $0xFFFFF380  }
0x1a: {  	[tilespmem:s20], [sflag:$0x2] =	stream.linear.gather [hbm4b:s8+s5], $0xC80, $0x38;
	[tilespmem:$0x1B000] =	vst v63  }
0x1b: {  	s22 =	smul.u32 $0xA000, s22;
	_ =	swait.ge [sflag:s11], $0xC80  }
0x1c: {  	[sflag:s11] =	ssyncset.done $0x0  }
0x1d: {  	s23 =	simm.s32 $0x80;
	s22 =	sshrl.u32 s22, $0x2;
	[sflag:s11] =	ssyncadd.s32 $0xFFFFF380  }
0x1e: {  	[tilespmem:s13], [sflag:$0x1] =	stream.indirect.gather [hbm4b:s1+s12], $0x80, s5, s12, $0xb8;
	[tilespmem:$0x1B000] =	vst v63  }
0x1f: {  	s30 =	simm.s32 $0x1;
	s21 =	smul.u32 $0xA000, s21;
	s22 =	sadd.s32 $0x2000, s22  }
0x20: {  	[tilespmem:s22], [sflag:$0x1] =	stream.indirect.gather [hbm4b:s1+s12], $0x80, s23, s12, $0xb8;
	[tilespmem:$0x1B000] =	vst v63  }
0x21: {  	s21 =	sshrl.u32 s21, $0x2;
	s22 =	sand.u32 $0x1, s30;
	_ =	swait.ge [sflag:s14], $0x2800  }
0x22: {  	s31 =	sxor.u32 $0x1, s22;
	s22 =	smul.u32 $0xA000, s22;
	[sflag:s14] =	ssyncset.done $0x0  }
0x23: {  	s21 =	sadd.s32 $0x2000, s21;
	s24 =	smul.u32 $0xA000, s31;
	[sflag:s14] =	ssyncadd.s32 $0xFFFFD800  }
0x24: {  	[spmem:s4] =	stream.indirect.scatter.add.f32 [tilespmem:s21], [sflag:$0x2], $0x80, s20, s12, $0xb8;
	[tilespmem:$0x1B000] =	vst v63  }
0x25: {  	s23 =	simm.s32 $0x2;
	s21 =	simm.s32 $0x100;
	s20 =	simm.s32 $0x1080  }
.LBB2_2:
0x26: {  	s24 =	sshrl.u32 s24, $0x2;
	s22 =	sshrl.u32 s22, $0x2  }
0x27: {  	_ =	swait.ge [sflag:s11], $0x2800;
	s25 =	smov.u32 s23;
	s26 =	smov.u32 s20  }
0x28: {  	s28 =	sadd.s32 $0x1, s23;
	s24 =	sadd.s32 $0x2000, s24;
	[sflag:s11] =	ssyncset.done $0x0  }
0x29: {  	p0 =	sne.s32 s23, $0x17;
	[sflag:s11] =	ssyncadd.s32 $0xFFFFD800  }
0x2a: {  	[tilespmem:s24], [sflag:$0x1] =	stream.indirect.gather [hbm4b:s1+s12], $0x80, s21, s12, $0xb8;
	[tilespmem:$0x1B000] =	vst v63  }
.Ltmp0:
0x2b: {  	s20 =	sadd.s32 $0x80, s20;
	s21 =	sadd.s32 $0x80, s21;
	(pc) =	sbr.rel @p0 .LBB2_2-.Ltmp0, $4  }
0x2c: {  	s23 =	sand.u32 $0x1, s25;
	s25 =	sadd.s32 $0x2000, s22;
	_ =	swait.ge [sflag:s14], $0x2800  }
0x2d: {  	s22 =	smul.u32 $0xA000, s23;
	s24 =	sxor.u32 $0x1, s23;
	[sflag:s14] =	ssyncset.done $0x0  }
0x2e: {  	s23 =	smov.u32 s28;
	s24 =	smul.u32 $0xA000, s24;
	[sflag:s14] =	ssyncadd.s32 $0xFFFFD800  }
0x2f: {  	[spmem:s4] =	stream.indirect.scatter.add.f32 [tilespmem:s25], [sflag:$0x2], $0x80, s26, s12, $0xb8;
	[tilespmem:$0x1B000] =	vst v63  }
0x30: {  	_ =	swait.ge [sflag:s11], $0x2800  }
0x31: {  	s23 =	sshrl.u32 s24, $0x2;
	[sflag:s11] =	ssyncset.done $0x0  }
0x32: {  	s23 =	sadd.s32 $0x2000, s23;
	[sflag:s11] =	ssyncadd.s32 $0xFFFFD800  }
0x33: {  	[tilespmem:s23], [sflag:$0x1] =	stream.indirect.gather [hbm4b:s1+s12], $0x80, s21, s12, $0xb8;
	[tilespmem:$0x1B000] =	vst v63  }
0x34: {  	_ =	swait.ge [sflag:s14], $0x2800  }
0x35: {  	s31 =	sshrl.u32 s22, $0x2;
	[sflag:s14] =	ssyncset.done $0x0  }
0x36: {  	s21 =	sadd.s32 $0x2000, s31;
	[sflag:s14] =	ssyncadd.s32 $0xFFFFD800  }
0x37: {  	[spmem:s4] =	stream.indirect.scatter.add.f32 [tilespmem:s21], [sflag:$0x2], $0x80, s20, s12, $0xb8;
	[tilespmem:$0x1B000] =	vst v63  }
0x38: {  	_ =	swait.ge [sflag:s11], $0x2800  }
0x39: {  	[sflag:s11] =	ssyncset.done $0x0  }
0x3a: {  	[sflag:s11] =	ssyncadd.s32 $0xFFFFD800  }
0x3b: {  	_ =	swait.ge [sflag:s14], $0x2800  }
0x3c: {  	[sflag:s14] =	ssyncset.done $0x0  }
0x3d: {  	[sflag:s14] =	ssyncadd.s32 $0xFFFFD800  }
0x3e: {  	[spmem:s4] =	stream.indirect.scatter.add.f32 [tilespmem:s13], [sflag:$0x2], $0x80, s15, s12, $0xb8;
	[tilespmem:$0x1B000] =	vst v63  }
0x3f: {  	_ =	swait.ge [sflag:s11], $0x2800  }
0x40: {  	[sflag:s11] =	ssyncset.done $0x0  }
0x41: {  	s22 =	simm.s32 $0x0;
	[sflag:s11] =	ssyncadd.s32 $0xFFFFD800  }
0x42: {  	[tilespmem:s22], [sflag:$0x2] =	stream.linear.gather [hbm4b:s16+s22], $0xC80, $0x38;
	[tilespmem:$0x1B000] =	vst v63  }
0x43: {  	_ =	swait.ge [sflag:s11], $0xC80  }
0x44: {  	s25 =	sand.u32 $0x1, s22;
	[sflag:s11] =	ssyncset.done $0x0  }
0x45: {  	s24 =	simm.s32 $0x1000;
	s26 =	sxor.u32 $0x1, s25;
	[sflag:s11] =	ssyncadd.s32 $0xFFFFF380  }
0x46: {  	[tilespmem:s24], [sflag:$0x2] =	stream.linear.gather [hbm4b:s17+s22], $0xC80, $0x38;
	[tilespmem:$0x1B000] =	vst v63  }
0x47: {  	s23 =	smul.u32 $0xA000, s26;
	_ =	swait.ge [sflag:s11], $0xC80  }
0x48: {  	[sflag:s11] =	ssyncset.done $0x0  }
0x49: {  	s28 =	sshrl.u32 s23, $0x2;
	[sflag:s11] =	ssyncadd.s32 $0xFFFFF380  }
0x4a: {  	[tilespmem:s13], [sflag:$0x1] =	stream.indirect.gather [hbm4b:s1+s12], $0x80, s22, s12, $0xb8;
	[tilespmem:$0x1B000] =	vst v63  }
0x4b: {  	s29 =	simm.s32 $0x80;
	s20 =	sadd.s32 $0x2000, s28;
	s22 =	smul.u32 $0xA000, s25  }
0x4c: {  	[tilespmem:s20], [sflag:$0x1] =	stream.indirect.gather [hbm4b:s1+s12], $0x80, s29, s12, $0xb8;
	[tilespmem:$0x1B000] =	vst v63  }
0x4d: {  	_ =	swait.ge [sflag:s14], $0x2800  }
0x4e: {  	s30 =	simm.s32 $0x1;
	s22 =	sshrl.u32 s22, $0x2;
	[sflag:s14] =	ssyncset.done $0x0  }
0x4f: {  	s20 =	sand.u32 $0x1, s30;
	s22 =	sadd.s32 $0x2000, s22;
	[sflag:s14] =	ssyncadd.s32 $0xFFFFD800  }
0x50: {  	[spmem:s4] =	stream.indirect.scatter.add.f32 [tilespmem:s22], [sflag:$0x2], $0x80, s24, s12, $0xb8;
	[tilespmem:$0x1B000] =	vst v63  }
0x51: {  	s31 =	sxor.u32 $0x1, s20;
	s22 =	smul.u32 $0xA000, s20  }
0x52: {  	s24 =	smul.u32 $0xA000, s31  }
0x53: {  	s23 =	simm.s32 $0x2;
	s21 =	simm.s32 $0x100;
	s20 =	simm.s32 $0x1080  }
.LBB2_4:
0x54: {  	s24 =	sshrl.u32 s24, $0x2;
	s22 =	sshrl.u32 s22, $0x2  }
0x55: {  	_ =	swait.ge [sflag:s11], $0x2800;
	s25 =	smov.u32 s23;
	s26 =	smov.u32 s20  }
0x56: {  	s28 =	sadd.s32 $0x1, s23;
	s24 =	sadd.s32 $0x2000, s24;
	[sflag:s11] =	ssyncset.done $0x0  }
0x57: {  	p0 =	sne.s32 s23, $0x17;
	[sflag:s11] =	ssyncadd.s32 $0xFFFFD800  }
0x58: {  	[tilespmem:s24], [sflag:$0x1] =	stream.indirect.gather [hbm4b:s1+s12], $0x80, s21, s12, $0xb8;
	[tilespmem:$0x1B000] =	vst v63  }
.Ltmp1:
0x59: {  	s20 =	sadd.s32 $0x80, s20;
	s21 =	sadd.s32 $0x80, s21;
	(pc) =	sbr.rel @p0 .LBB2_4-.Ltmp1, $4  }
0x5a: {  	s23 =	sand.u32 $0x1, s25;
	s25 =	sadd.s32 $0x2000, s22;
	_ =	swait.ge [sflag:s14], $0x2800  }
0x5b: {  	s22 =	smul.u32 $0xA000, s23;
	s24 =	sxor.u32 $0x1, s23;
	[sflag:s14] =	ssyncset.done $0x0  }
0x5c: {  	s23 =	smov.u32 s28;
	s24 =	smul.u32 $0xA000, s24;
	[sflag:s14] =	ssyncadd.s32 $0xFFFFD800  }
0x5d: {  	[spmem:s4] =	stream.indirect.scatter.add.f32 [tilespmem:s25], [sflag:$0x2], $0x80, s26, s12, $0xb8;
	[tilespmem:$0x1B000] =	vst v63  }
0x5e: {  	_ =	swait.ge [sflag:s11], $0x2800  }
0x5f: {  	s23 =	sshrl.u32 s24, $0x2;
	[sflag:s11] =	ssyncset.done $0x0  }
0x60: {  	s23 =	sadd.s32 $0x2000, s23;
	[sflag:s11] =	ssyncadd.s32 $0xFFFFD800  }
0x61: {  	[tilespmem:s23], [sflag:$0x1] =	stream.indirect.gather [hbm4b:s1+s12], $0x80, s21, s12, $0xb8;
	[tilespmem:$0x1B000] =	vst v63  }
0x62: {  	_ =	swait.ge [sflag:s14], $0x2800  }
0x63: {  	s31 =	sshrl.u32 s22, $0x2;
	[sflag:s14] =	ssyncset.done $0x0  }
0x64: {  	s21 =	sadd.s32 $0x2000, s31;
	[sflag:s14] =	ssyncadd.s32 $0xFFFFD800  }
0x65: {  	[spmem:s4] =	stream.indirect.scatter.add.f32 [tilespmem:s21], [sflag:$0x2], $0x80, s20, s12, $0xb8;
	[tilespmem:$0x1B000] =	vst v63  }
0x66: {  	_ =	swait.ge [sflag:s11], $0x2800  }
0x67: {  	[sflag:s11] =	ssyncset.done $0x0  }
0x68: {  	[sflag:s11] =	ssyncadd.s32 $0xFFFFD800  }
0x69: {  	_ =	swait.ge [sflag:s14], $0x2800  }
0x6a: {  	[sflag:s14] =	ssyncset.done $0x0  }
0x6b: {  	[sflag:s14] =	ssyncadd.s32 $0xFFFFD800  }
0x6c: {  	[spmem:s4] =	stream.indirect.scatter.add.f32 [tilespmem:s13], [sflag:$0x2], $0x80, s15, s12, $0xb8;
	[tilespmem:$0x1B000] =	vst v63  }
0x6d: {  	_ =	swait.ge [sflag:s11], $0x2800  }
0x6e: {  	[sflag:s11] =	ssyncset.done $0x0  }
0x6f: {  	s22 =	simm.s32 $0x0;
	s21 =	sadd.s32 $0x400, s7;
	[sflag:s11] =	ssyncadd.s32 $0xFFFFD800  }
0x70: {  	[tilespmem:s22], [sflag:$0x2] =	stream.linear.gather [hbm4b:s21+s22], $0xC80, $0x38;
	[tilespmem:$0x1B000] =	vst v63  }
0x71: {  	_ =	swait.ge [sflag:s11], $0xC80  }
0x72: {  	s24 =	simm.s32 $0x1000;
	s25 =	sand.u32 $0x1, s22;
	[sflag:s11] =	ssyncset.done $0x0  }
0x73: {  	s26 =	sxor.u32 $0x1, s25;
	s23 =	sadd.s32 $0x400, s8;
	[sflag:s11] =	ssyncadd.s32 $0xFFFFF380  }
0x74: {  	[tilespmem:s24], [sflag:$0x2] =	stream.linear.gather [hbm4b:s23+s22], $0xC80, $0x38;
	[tilespmem:$0x1B000] =	vst v63  }
0x75: {  	s23 =	smul.u32 $0xA000, s26;
	_ =	swait.ge [sflag:s11], $0xC80  }
0x76: {  	[sflag:s11] =	ssyncset.done $0x0  }
0x77: {  	s28 =	sshrl.u32 s23, $0x2;
	[sflag:s11] =	ssyncadd.s32 $0xFFFFF380  }
0x78: {  	[tilespmem:s13], [sflag:$0x1] =	stream.indirect.gather [hbm4b:s1+s12], $0x80, s22, s12, $0xb8;
	[tilespmem:$0x1B000] =	vst v63  }
0x79: {  	s29 =	simm.s32 $0x80;
	s20 =	smul.u32 $0xA000, s25;
	s21 =	sadd.s32 $0x2000, s28  }
0x7a: {  	[tilespmem:s21], [sflag:$0x1] =	stream.indirect.gather [hbm4b:s1+s12], $0x80, s29, s12, $0xb8;
	[tilespmem:$0x1B000] =	vst v63  }
0x7b: {  	s30 =	simm.s32 $0x1;
	s20 =	sshrl.u32 s20, $0x2;
	_ =	swait.ge [sflag:s14], $0x2800  }
0x7c: {  	s20 =	sadd.s32 $0x2000, s20;
	s21 =	sand.u32 $0x1, s30;
	[sflag:s14] =	ssyncset.done $0x0  }
0x7d: {  	s31 =	sxor.u32 $0x1, s21;
	s22 =	smul.u32 $0xA000, s21;
	[sflag:s14] =	ssyncadd.s32 $0xFFFFD800  }
0x7e: {  	[spmem:s4] =	stream.indirect.scatter.add.f32 [tilespmem:s20], [sflag:$0x2], $0x80, s24, s12, $0xb8;
	[tilespmem:$0x1B000] =	vst v63  }
0x7f: {  	s24 =	smul.u32 $0xA000, s31  }
0x80: {  	s23 =	simm.s32 $0x2;
	s21 =	simm.s32 $0x100;
	s20 =	simm.s32 $0x1080  }
.LBB2_6:
0x81: {  	s24 =	sshrl.u32 s24, $0x2;
	s22 =	sshrl.u32 s22, $0x2  }
0x82: {  	_ =	swait.ge [sflag:s11], $0x2800;
	s25 =	smov.u32 s23;
	s26 =	smov.u32 s20  }
0x83: {  	s28 =	sadd.s32 $0x1, s23;
	s24 =	sadd.s32 $0x2000, s24;
	[sflag:s11] =	ssyncset.done $0x0  }
0x84: {  	p0 =	sne.s32 s23, $0x17;
	[sflag:s11] =	ssyncadd.s32 $0xFFFFD800  }
0x85: {  	[tilespmem:s24], [sflag:$0x1] =	stream.indirect.gather [hbm4b:s1+s12], $0x80, s21, s12, $0xb8;
	[tilespmem:$0x1B000] =	vst v63  }
.Ltmp2:
0x86: {  	s20 =	sadd.s32 $0x80, s20;
	s21 =	sadd.s32 $0x80, s21;
	(pc) =	sbr.rel @p0 .LBB2_6-.Ltmp2, $4  }
0x87: {  	s23 =	sand.u32 $0x1, s25;
	s25 =	sadd.s32 $0x2000, s22;
	_ =	swait.ge [sflag:s14], $0x2800  }
0x88: {  	s22 =	smul.u32 $0xA000, s23;
	s24 =	sxor.u32 $0x1, s23;
	[sflag:s14] =	ssyncset.done $0x0  }
0x89: {  	s23 =	smov.u32 s28;
	s24 =	smul.u32 $0xA000, s24;
	[sflag:s14] =	ssyncadd.s32 $0xFFFFD800  }
0x8a: {  	[spmem:s4] =	stream.indirect.scatter.add.f32 [tilespmem:s25], [sflag:$0x2], $0x80, s26, s12, $0xb8;
	[tilespmem:$0x1B000] =	vst v63  }
0x8b: {  	_ =	swait.ge [sflag:s11], $0x2800  }
0x8c: {  	s23 =	sshrl.u32 s24, $0x2;
	[sflag:s11] =	ssyncset.done $0x0  }
0x8d: {  	s23 =	sadd.s32 $0x2000, s23;
	[sflag:s11] =	ssyncadd.s32 $0xFFFFD800  }
0x8e: {  	[tilespmem:s23], [sflag:$0x1] =	stream.indirect.gather [hbm4b:s1+s12], $0x80, s21, s12, $0xb8;
	[tilespmem:$0x1B000] =	vst v63  }
0x8f: {  	_ =	swait.ge [sflag:s14], $0x2800  }
0x90: {  	s31 =	sshrl.u32 s22, $0x2;
	[sflag:s14] =	ssyncset.done $0x0  }
0x91: {  	s21 =	sadd.s32 $0x2000, s31;
	[sflag:s14] =	ssyncadd.s32 $0xFFFFD800  }
0x92: {  	[spmem:s4] =	stream.indirect.scatter.add.f32 [tilespmem:s21], [sflag:$0x2], $0x80, s20, s12, $0xb8;
	[tilespmem:$0x1B000] =	vst v63  }
0x93: {  	_ =	swait.ge [sflag:s11], $0x2800  }
0x94: {  	[sflag:s11] =	ssyncset.done $0x0  }
0x95: {  	[sflag:s11] =	ssyncadd.s32 $0xFFFFD800  }
0x96: {  	_ =	swait.ge [sflag:s14], $0x2800  }
0x97: {  	[sflag:s14] =	ssyncset.done $0x0  }
0x98: {  	[sflag:s14] =	ssyncadd.s32 $0xFFFFD800  }
0x99: {  	[spmem:s4] =	stream.indirect.scatter.add.f32 [tilespmem:s13], [sflag:$0x2], $0x80, s15, s12, $0xb8;
	[tilespmem:$0x1B000] =	vst v63  }
0x9a: {  	_ =	swait.ge [sflag:s11], $0x2800  }
0x9b: {  	[sflag:s11] =	ssyncset.done $0x0  }
0x9c: {  	s22 =	simm.s32 $0x0;
	s21 =	sadd.s32 $0x600, s7;
	[sflag:s11] =	ssyncadd.s32 $0xFFFFD800  }
0x9d: {  	[tilespmem:s22], [sflag:$0x2] =	stream.linear.gather [hbm4b:s21+s22], $0xC80, $0x38;
	[tilespmem:$0x1B000] =	vst v63  }
0x9e: {  	_ =	swait.ge [sflag:s11], $0xC80  }
0x9f: {  	s24 =	simm.s32 $0x1000;
	s25 =	sand.u32 $0x1, s22;
	[sflag:s11] =	ssyncset.done $0x0  }
0xa0: {  	s26 =	sxor.u32 $0x1, s25;
	s23 =	sadd.s32 $0x600, s8;
	[sflag:s11] =	ssyncadd.s32 $0xFFFFF380  }
0xa1: {  	[tilespmem:s24], [sflag:$0x2] =	stream.linear.gather [hbm4b:s23+s22], $0xC80, $0x38;
	[tilespmem:$0x1B000] =	vst v63  }
0xa2: {  	s23 =	smul.u32 $0xA000, s26;
	_ =	swait.ge [sflag:s11], $0xC80  }
0xa3: {  	[sflag:s11] =	ssyncset.done $0x0  }
0xa4: {  	s28 =	sshrl.u32 s23, $0x2;
	[sflag:s11] =	ssyncadd.s32 $0xFFFFF380  }
0xa5: {  	[tilespmem:s13], [sflag:$0x1] =	stream.indirect.gather [hbm4b:s1+s12], $0x80, s22, s12, $0xb8;
	[tilespmem:$0x1B000] =	vst v63  }
0xa6: {  	s29 =	simm.s32 $0x80;
	s20 =	smul.u32 $0xA000, s25;
	s21 =	sadd.s32 $0x2000, s28  }
0xa7: {  	[tilespmem:s21], [sflag:$0x1] =	stream.indirect.gather [hbm4b:s1+s12], $0x80, s29, s12, $0xb8;
	[tilespmem:$0x1B000] =	vst v63  }
0xa8: {  	s30 =	simm.s32 $0x1;
	s20 =	sshrl.u32 s20, $0x2;
	_ =	swait.ge [sflag:s14], $0x2800  }
0xa9: {  	s20 =	sadd.s32 $0x2000, s20;
	s21 =	sand.u32 $0x1, s30;
	[sflag:s14] =	ssyncset.done $0x0  }
0xaa: {  	s31 =	sxor.u32 $0x1, s21;
	s22 =	smul.u32 $0xA000, s21;
	[sflag:s14] =	ssyncadd.s32 $0xFFFFD800  }
0xab: {  	[spmem:s4] =	stream.indirect.scatter.add.f32 [tilespmem:s20], [sflag:$0x2], $0x80, s24, s12, $0xb8;
	[tilespmem:$0x1B000] =	vst v63  }
0xac: {  	s24 =	smul.u32 $0xA000, s31  }
0xad: {  	s23 =	simm.s32 $0x2;
	s21 =	simm.s32 $0x100;
	s20 =	simm.s32 $0x1080  }
.LBB2_8:
0xae: {  	s24 =	sshrl.u32 s24, $0x2;
	s22 =	sshrl.u32 s22, $0x2  }
0xaf: {  	_ =	swait.ge [sflag:s11], $0x2800;
	s25 =	smov.u32 s23;
	s26 =	smov.u32 s20  }
0xb0: {  	s28 =	sadd.s32 $0x1, s23;
	s24 =	sadd.s32 $0x2000, s24;
	[sflag:s11] =	ssyncset.done $0x0  }
0xb1: {  	p0 =	sne.s32 s23, $0x17;
	[sflag:s11] =	ssyncadd.s32 $0xFFFFD800  }
0xb2: {  	[tilespmem:s24], [sflag:$0x1] =	stream.indirect.gather [hbm4b:s1+s12], $0x80, s21, s12, $0xb8;
	[tilespmem:$0x1B000] =	vst v63  }
.Ltmp3:
0xb3: {  	s20 =	sadd.s32 $0x80, s20;
	s21 =	sadd.s32 $0x80, s21;
	(pc) =	sbr.rel @p0 .LBB2_8-.Ltmp3, $4  }
0xb4: {  	s23 =	sand.u32 $0x1, s25;
	s25 =	sadd.s32 $0x2000, s22;
	_ =	swait.ge [sflag:s14], $0x2800  }
0xb5: {  	s22 =	smul.u32 $0xA000, s23;
	s24 =	sxor.u32 $0x1, s23;
	[sflag:s14] =	ssyncset.done $0x0  }
0xb6: {  	s23 =	smov.u32 s28;
	s24 =	smul.u32 $0xA000, s24;
	[sflag:s14] =	ssyncadd.s32 $0xFFFFD800  }
0xb7: {  	[spmem:s4] =	stream.indirect.scatter.add.f32 [tilespmem:s25], [sflag:$0x2], $0x80, s26, s12, $0xb8;
	[tilespmem:$0x1B000] =	vst v63  }
0xb8: {  	_ =	swait.ge [sflag:s11], $0x2800  }
0xb9: {  	s23 =	sshrl.u32 s24, $0x2;
	[sflag:s11] =	ssyncset.done $0x0  }
0xba: {  	s23 =	sadd.s32 $0x2000, s23;
	[sflag:s11] =	ssyncadd.s32 $0xFFFFD800  }
0xbb: {  	[tilespmem:s23], [sflag:$0x1] =	stream.indirect.gather [hbm4b:s1+s12], $0x80, s21, s12, $0xb8;
	[tilespmem:$0x1B000] =	vst v63  }
0xbc: {  	_ =	swait.ge [sflag:s14], $0x2800  }
0xbd: {  	s31 =	sshrl.u32 s22, $0x2;
	[sflag:s14] =	ssyncset.done $0x0  }
0xbe: {  	s21 =	sadd.s32 $0x2000, s31;
	[sflag:s14] =	ssyncadd.s32 $0xFFFFD800  }
0xbf: {  	[spmem:s4] =	stream.indirect.scatter.add.f32 [tilespmem:s21], [sflag:$0x2], $0x80, s20, s12, $0xb8;
	[tilespmem:$0x1B000] =	vst v63  }
0xc0: {  	_ =	swait.ge [sflag:s11], $0x2800  }
0xc1: {  	[sflag:s11] =	ssyncset.done $0x0  }
0xc2: {  	[sflag:s11] =	ssyncadd.s32 $0xFFFFD800  }
0xc3: {  	_ =	swait.ge [sflag:s14], $0x2800  }
0xc4: {  	[sflag:s14] =	ssyncset.done $0x0  }
0xc5: {  	[sflag:s14] =	ssyncadd.s32 $0xFFFFD800  }
0xc6: {  	[spmem:s4] =	stream.indirect.scatter.add.f32 [tilespmem:s13], [sflag:$0x2], $0x80, s15, s12, $0xb8;
	[tilespmem:$0x1B000] =	vst v63  }
0xc7: {  	_ =	swait.ge [sflag:s11], $0x2800  }
0xc8: {  	[sflag:s11] =	ssyncset.done $0x0  }
0xc9: {  	s22 =	simm.s32 $0x0;
	s21 =	sadd.s32 $0x800, s7;
	[sflag:s11] =	ssyncadd.s32 $0xFFFFD800  }
0xca: {  	[tilespmem:s22], [sflag:$0x2] =	stream.linear.gather [hbm4b:s21+s22], $0xC80, $0x38;
	[tilespmem:$0x1B000] =	vst v63  }
0xcb: {  	_ =	swait.ge [sflag:s11], $0xC80  }
0xcc: {  	s24 =	simm.s32 $0x1000;
	s25 =	sand.u32 $0x1, s22;
	[sflag:s11] =	ssyncset.done $0x0  }
0xcd: {  	s26 =	sxor.u32 $0x1, s25;
	s23 =	sadd.s32 $0x800, s8;
	[sflag:s11] =	ssyncadd.s32 $0xFFFFF380  }
0xce: {  	[tilespmem:s24], [sflag:$0x2] =	stream.linear.gather [hbm4b:s23+s22], $0xC80, $0x38;
	[tilespmem:$0x1B000] =	vst v63  }
0xcf: {  	s23 =	smul.u32 $0xA000, s26;
	_ =	swait.ge [sflag:s11], $0xC80  }
0xd0: {  	[sflag:s11] =	ssyncset.done $0x0  }
0xd1: {  	s28 =	sshrl.u32 s23, $0x2;
	[sflag:s11] =	ssyncadd.s32 $0xFFFFF380  }
0xd2: {  	[tilespmem:s13], [sflag:$0x1] =	stream.indirect.gather [hbm4b:s1+s12], $0x80, s22, s12, $0xb8;
	[tilespmem:$0x1B000] =	vst v63  }
0xd3: {  	s29 =	simm.s32 $0x80;
	s20 =	smul.u32 $0xA000, s25;
	s21 =	sadd.s32 $0x2000, s28  }
0xd4: {  	[tilespmem:s21], [sflag:$0x1] =	stream.indirect.gather [hbm4b:s1+s12], $0x80, s29, s12, $0xb8;
	[tilespmem:$0x1B000] =	vst v63  }
0xd5: {  	s30 =	simm.s32 $0x1;
	s20 =	sshrl.u32 s20, $0x2;
	_ =	swait.ge [sflag:s14], $0x2800  }
0xd6: {  	s20 =	sadd.s32 $0x2000, s20;
	s21 =	sand.u32 $0x1, s30;
	[sflag:s14] =	ssyncset.done $0x0  }
0xd7: {  	s31 =	sxor.u32 $0x1, s21;
	s22 =	smul.u32 $0xA000, s21;
	[sflag:s14] =	ssyncadd.s32 $0xFFFFD800  }
0xd8: {  	[spmem:s4] =	stream.indirect.scatter.add.f32 [tilespmem:s20], [sflag:$0x2], $0x80, s24, s12, $0xb8;
	[tilespmem:$0x1B000] =	vst v63  }
0xd9: {  	s24 =	smul.u32 $0xA000, s31  }
0xda: {  	s23 =	simm.s32 $0x2;
	s21 =	simm.s32 $0x100;
	s20 =	simm.s32 $0x1080  }
.LBB2_10:
0xdb: {  	s24 =	sshrl.u32 s24, $0x2;
	s22 =	sshrl.u32 s22, $0x2  }
0xdc: {  	_ =	swait.ge [sflag:s11], $0x2800;
	s25 =	smov.u32 s23;
	s26 =	smov.u32 s20  }
0xdd: {  	s28 =	sadd.s32 $0x1, s23;
	s24 =	sadd.s32 $0x2000, s24;
	[sflag:s11] =	ssyncset.done $0x0  }
0xde: {  	p0 =	sne.s32 s23, $0x17;
	[sflag:s11] =	ssyncadd.s32 $0xFFFFD800  }
0xdf: {  	[tilespmem:s24], [sflag:$0x1] =	stream.indirect.gather [hbm4b:s1+s12], $0x80, s21, s12, $0xb8;
	[tilespmem:$0x1B000] =	vst v63  }
.Ltmp4:
0xe0: {  	s20 =	sadd.s32 $0x80, s20;
	s21 =	sadd.s32 $0x80, s21;
	(pc) =	sbr.rel @p0 .LBB2_10-.Ltmp4, $4  }
0xe1: {  	s23 =	sand.u32 $0x1, s25;
	s25 =	sadd.s32 $0x2000, s22;
	_ =	swait.ge [sflag:s14], $0x2800  }
0xe2: {  	s22 =	smul.u32 $0xA000, s23;
	s24 =	sxor.u32 $0x1, s23;
	[sflag:s14] =	ssyncset.done $0x0  }
0xe3: {  	s23 =	smov.u32 s28;
	s24 =	smul.u32 $0xA000, s24;
	[sflag:s14] =	ssyncadd.s32 $0xFFFFD800  }
0xe4: {  	[spmem:s4] =	stream.indirect.scatter.add.f32 [tilespmem:s25], [sflag:$0x2], $0x80, s26, s12, $0xb8;
	[tilespmem:$0x1B000] =	vst v63  }
0xe5: {  	_ =	swait.ge [sflag:s11], $0x2800  }
0xe6: {  	s23 =	sshrl.u32 s24, $0x2;
	[sflag:s11] =	ssyncset.done $0x0  }
0xe7: {  	s23 =	sadd.s32 $0x2000, s23;
	[sflag:s11] =	ssyncadd.s32 $0xFFFFD800  }
0xe8: {  	[tilespmem:s23], [sflag:$0x1] =	stream.indirect.gather [hbm4b:s1+s12], $0x80, s21, s12, $0xb8;
	[tilespmem:$0x1B000] =	vst v63  }
0xe9: {  	_ =	swait.ge [sflag:s14], $0x2800  }
0xea: {  	s31 =	sshrl.u32 s22, $0x2;
	[sflag:s14] =	ssyncset.done $0x0  }
0xeb: {  	s21 =	sadd.s32 $0x2000, s31;
	[sflag:s14] =	ssyncadd.s32 $0xFFFFD800  }
0xec: {  	[spmem:s4] =	stream.indirect.scatter.add.f32 [tilespmem:s21], [sflag:$0x2], $0x80, s20, s12, $0xb8;
	[tilespmem:$0x1B000] =	vst v63  }
0xed: {  	_ =	swait.ge [sflag:s11], $0x2800  }
0xee: {  	[sflag:s11] =	ssyncset.done $0x0  }
0xef: {  	[sflag:s11] =	ssyncadd.s32 $0xFFFFD800  }
0xf0: {  	_ =	swait.ge [sflag:s14], $0x2800  }
0xf1: {  	[sflag:s14] =	ssyncset.done $0x0  }
0xf2: {  	[sflag:s14] =	ssyncadd.s32 $0xFFFFD800  }
0xf3: {  	[spmem:s4] =	stream.indirect.scatter.add.f32 [tilespmem:s13], [sflag:$0x2], $0x80, s15, s12, $0xb8;
	[tilespmem:$0x1B000] =	vst v63  }
0xf4: {  	_ =	swait.ge [sflag:s11], $0x2800  }
0xf5: {  	s19 =	sadd.s32 $0x1, s19;
	[sflag:s11] =	ssyncset.done $0x0  }
0xf6: {  	p0 =	sne.s32 s19, s9;
	[sflag:s11] =	ssyncadd.s32 $0xFFFFD800  }
.Ltmp5:
0xf7: {  	[bflag:$0x0] =	sbarrier.arrive $0xFFFF;
	(pc) =	sbr.rel @p0 .LBB2_1-.Ltmp5, $4  }
0xf8: {  	[hbm:s18], [sflag:s6] =	dma.local [spmem:s10], $0x2800  }
0xf9: {  	_ =	swait.ge [sflag:s11], $0x2800  }
0xfa: {  	[sflag:s11] =	ssyncset.done $0x0  }
0xfb: {  	[sflag:s11] =	ssyncadd.s32 $0xFFFFD800  }
0xfc: {  	_ =	sfence.sel $0x180000  }
0xfd: {  	[bflag:$0x0] =	sbarrier.arrive $0xFFFF  }
0xfe: {  	p0 =	sne.s32 s0, $0x0;
	_ =	strace $0x9000004A  }
0xff: {  	s0 =	sadd.s32 @!p0 $0x100000, s3;
	[bflag:$0x2] =	sbarrier.arrive $0xFFFF  }
0x100: {  	[sflag:s0] =	ssyncadd.tile.s32 @!p0 $0x1;
	_ =	shalt  }
.Lfunc_end2:
_tile_overlayer_lowered:
.L_overlay_start_2:
0x101: {  	(tag) =	ssettag $0x2  }
0x102: {  	s0 =	rddreg [dreg:$0x0];
	s2 =	stileid.u32  }
0x103: {  	s1 =	rddreg [dreg:$0x1];
	p0 =	sne.s32 s2, $0x0  }
0x104: {  	s3 =	rddreg [dreg:$0x2];
	[bflag:$0x3] =	sbarrier.arrive $0xFFFF;
	s2 =	simm.s32 @!p0 $0x1C02  }
0x105: {  	[timem:s3], [sflag:s2] =	dma.local @!p0 [hbm:s0], s1  }
0x106: {  	s0 =	simm.s32 @!p0 $0x2  }
0x107: {  	_ =	swait.ge @!p0 [sflag:s0], s1  }
0x108: {  	s1 =	ssub.s32 @!p0 $0x0, s1;
	[sflag:s0] =	ssyncset.done @!p0 $0x0  }
0x109: {  	[sflag:s0] =	ssyncadd.s32 @!p0 s1  }
0x10a: {  	[bflag:$0x3] =	sbarrier.arrive $0xFFFF  }
0x10b: {  	_ =	shalt  }

// kernel: kernel.15.cloned.1.call-start
scs
__scs_entry_jumppad:
0x0: {  	(pc) =	sbr.rel $0x88, $3  }
0x1: {  	(tag) =	ssettag $0x0;
	lr =	simm.s32 $0x1  }
0x2: {  	[smem:$0x3F96] =	sst lr;
	_ =	strace $0xD0000000  }
0x3: {  	_ = 	snop  }
0x4: {  	_ = 	snop  }
0x5: {  	_ = 	snop  }
0x6: {  	_ = 	snop  }
0x7: {  	_ = 	snop  }
__scs_overlays_trampoline_lowered:
0x8: {  	[smem:$0x3FA5] =	sst s0  }
0x9: {  	[smem:$0x3FA6] =	sst s1  }
0xa: {  	[smem:$0x3FA7] =	sst s2  }
0xb: {  	[smem:$0x3FA8] =	sst s3  }
0xc: {  	[smem:$0x3FA9] =	sst s4  }
0xd: {  	[smem:$0x3FAA] =	sst s5  }
0xe: {  	[smem:$0x3FAB] =	sst s6  }
0xf: {  	[smem:$0x3FAC] =	sst s7  }
0x10: {  	[smem:$0x3FAD] =	sst s8  }
0x11: {  	[smem:$0x3FAE] =	sst s9;
	s0 =	simm.s32 @!p0 $0x0  }
0x12: {  	s1 =	sld [smem:$0x3F94];
	s0 =	simm.s32 @p0 $0x1  }
0x13: {  	[smem:$0x3FAF] =	sst s0;
	s0 =	simm.s32 @!p1 $0x0  }
0x14: {  	s2 =	sld [smem:$0x3F93];
	s0 =	simm.s32 @p1 $0x1  }
0x15: {  	[smem:$0x3FB0] =	sst s0;
	s0 =	simm.s32 @!p2 $0x0  }
0x16: {  	s3 =	sld [smem:$0x3FDB];
	s0 =	simm.s32 @p2 $0x1  }
0x17: {  	s4 =	simm.s32 $0x1BF5;
	[smem:$0x3FB2] =	sst s0  }
0x18: {  	s0 =	sld [smem:$0x3F95];
	_ =	swait.ge [sflag:s4], $0x0  }
0x19: {  	s7 =	sld [smem:$0x3F96]  }
0x1a: {  	s8 =	sadd.s32 $0xFFFFE003, lr  }
0x1b: {  	s9 =	sadd.s32 $0xFFFFFEF7, lr;
	s5 =	simm.s32 $0xFFFFFFFF;
	p2 =	slt.u32 s8, $0xFFFFF086  }
0x1c: {  	p1 =	slt.u32 s9, $0xF7A;
	s5 =	simm.s32 @!p2 $0x0  }
0x1d: {  	s5 =	simm.s32 @p1 $0x1;
	p0 =	seq.s32 s7, s2  }
0x1e: {  	s7 =	smul.u32 @!p0 $0xF7A, s2;
	p2 =	seq.s32 @!p0 s5, $0x0  }
0x1f: {  	s9 =	smul.u32 $0xF7A, s1;
	s8 =	simm.s32 @!p0 $0x1BF5;
	p2 =	por !p2, p0  }
0x20: {  	[sflag:s8] =	ssyncset.s32 @!p0 $0xFFFFF086;
	s6 =	sadd.s32 @!p0 s3, s7;
	s7 =	simm.s32 @!p0 $0x108  }
0x21: {  	s3 =	sadd.s32 s3, s9;
	s6 =	sadd.s32 @!p0 $0x88, s6;
	s7 =	simm.s32 @p2 $0x1082  }
0x22: {  	[simem:s7], [sflag:s8] =	dma.local @!p0 [hbm:s6], $0xF7A  }
0x23: {  	s9 =	sor.u32 $0xD0000000, s2;
	s6 =	simm.s32 $0x108;
	_ =	swait.ge @!p0 [sflag:s8], $0x0  }
0x24: {  	s3 =	sadd.s32 $0x88, s3;
	s6 =	simm.s32 @!p1 $0x1082;
	[sflag:s4] =	ssyncset.s32 $0xFFFFF086  }
0x25: {  	[simem:s6], [sflag:s4] =	dma.local [hbm:s3], $0xF7A  }
0x26: {  	[smem:$0x3F96] =	sst s1;
	(tag) =	ssettag s2;
	_ =	strace s9  }
0x27: {  	s1 =	sld [smem:$0x3FA6]  }
0x28: {  	s2 =	sld [smem:$0x3FA7]  }
0x29: {  	s4 =	sld [smem:$0x3FA9]  }
0x2a: {  	p0 =	seq.s32 s5, $0x0;
	s5 =	sld [smem:$0x3FAA]  }
0x2b: {  	s6 =	sld [smem:$0x3FAB]  }
0x2c: {  	s7 =	sld [smem:$0x3FAC]  }
0x2d: {  	s3 =	simm.s32 $0x108;
	s8 =	sld [smem:$0x3FAD]  }
0x2e: {  	s3 =	simm.s32 @!p0 $0x1082;
	s9 =	sld [smem:$0x3FAE]  }
0x2f: {  	lr =	sadd.s32 s0, s3;
	s0 =	sld [smem:$0x3FA5]  }
0x30: {  	s3 =	sld [smem:$0x3FA8]  }
0x31: {  	[smem:$0x3FB1] =	sst s10  }
0x32: {  	s10 =	sld [smem:$0x3FAF];
	_ =	sdelay $0x3  }
0x33: {  	p0 =	seq.s32 s10, $0x1;
	s10 =	sld [smem:$0x3FB1];
	_ =	sdelay $0x3  }
0x34: {  	[smem:$0x3FB1] =	sst s10  }
0x35: {  	s10 =	sld [smem:$0x3FB0];
	_ =	sdelay $0x3  }
0x36: {  	p1 =	seq.s32 s10, $0x1;
	s10 =	sld [smem:$0x3FB1];
	_ =	sdelay $0x3  }
0x37: {  	[smem:$0x3FB1] =	sst s10  }
0x38: {  	s10 =	sld [smem:$0x3FB2]  }
0x39: {  	_ = 	snop;
	(pc) =	sbr.ind lr, $3  }
0x3a: {  	_ = 	snop  }
0x3b: {  	_ = 	snop  }
0x3c: {  	p2 =	seq.s32 s10, $0x1;
	s10 =	sld [smem:$0x3FB1]  }
0x3d: {  	_ =	shalt  }
0x3e: {  	_ =	shalt  }
0x3f: {  	_ =	shalt  }
0x40: {  	_ =	shalt  }
0x41: {  	_ =	shalt  }
0x42: {  	_ =	shalt  }
0x43: {  	_ =	shalt  }
0x44: {  	_ =	shalt  }
0x45: {  	_ =	shalt  }
0x46: {  	_ =	shalt  }
0x47: {  	_ =	shalt  }
0x48: {  	_ =	shalt  }
0x49: {  	_ =	shalt  }
0x4a: {  	_ =	shalt  }
0x4b: {  	_ =	shalt  }
0x4c: {  	_ =	shalt  }
0x4d: {  	_ =	shalt  }
0x4e: {  	_ =	shalt  }
0x4f: {  	_ =	shalt  }
0x50: {  	_ =	shalt  }
0x51: {  	_ =	shalt  }
0x52: {  	_ =	shalt  }
0x53: {  	_ =	shalt  }
0x54: {  	_ =	shalt  }
0x55: {  	_ =	shalt  }
0x56: {  	_ =	shalt  }
0x57: {  	_ =	shalt  }
0x58: {  	_ =	shalt  }
0x59: {  	_ =	shalt  }
0x5a: {  	_ =	shalt  }
0x5b: {  	_ =	shalt  }
0x5c: {  	_ =	shalt  }
0x5d: {  	_ =	shalt  }
0x5e: {  	_ =	shalt  }
0x5f: {  	_ =	shalt  }
0x60: {  	_ =	shalt  }
0x61: {  	_ =	shalt  }
0x62: {  	_ =	shalt  }
0x63: {  	_ =	shalt  }
0x64: {  	_ =	shalt  }
0x65: {  	_ =	shalt  }
0x66: {  	_ =	shalt  }
0x67: {  	_ =	shalt  }
0x68: {  	_ =	shalt  }
0x69: {  	_ =	shalt  }
0x6a: {  	_ =	shalt  }
0x6b: {  	_ =	shalt  }
0x6c: {  	_ =	shalt  }
0x6d: {  	_ =	shalt  }
0x6e: {  	_ =	shalt  }
0x6f: {  	_ =	shalt  }
0x70: {  	_ =	shalt  }
0x71: {  	_ =	shalt  }
0x72: {  	_ =	shalt  }
0x73: {  	_ =	shalt  }
0x74: {  	_ =	shalt  }
0x75: {  	_ =	shalt  }
0x76: {  	_ =	shalt  }
0x77: {  	_ =	shalt  }
0x78: {  	_ =	shalt  }
0x79: {  	_ =	shalt  }
0x7a: {  	_ =	shalt  }
0x7b: {  	_ =	shalt  }
0x7c: {  	_ =	shalt  }
0x7d: {  	_ =	shalt  }
0x7e: {  	_ =	shalt  }
0x7f: {  	_ =	shalt  }
0x80: {  	_ =	shalt  }
0x81: {  	_ =	shalt  }
0x82: {  	_ =	shalt  }
0x83: {  	_ =	shalt  }
0x84: {  	_ =	shalt  }
0x85: {  	_ =	shalt  }
0x86: {  	_ =	shalt  }
0x87: {  	_ =	shalt  }
.Lfunc_end0:
.L_simem_size_0:
called_computation.2_lowered:
.L_overlay_start_0:
0x88: {  	s2 =	sld [smem:$0x3FD9]  }
0x89: {  	s3 =	sld [smem:$0x3FFE];
	_ =	sdelay $0x1  }
0x8a: {  	s1 =	srdreg.scid  }
0x8b: {  	s0 =	sand.u32 $0x1, s1  }
0x8c: {  	s14 =	sshll.u32 s0, $0xA;
	s2 =	sadd.s32 s3, s2  }
0x8d: {  	s2 =	sadd.s32 s2, s14  }
0x8e: {  	[smem:$0x3FBD] =	sst s2  }
0x8f: {  	_ = 	snop  }
0x90: {  	s2 =	sld [smem:$0x3FD0];
	_ =	sdelay $0x2  }
0x91: {  	s15 =	simm.s32 $0xA;
	s4 =	simm.s32 $0x10  }
0x92: {  	[smem:s4], [sflag:s15] =	dma.local [hbm:s2], $0x1  }
0x93: {  	_ =	swait.eq [sflag:s15], $0x1  }
0x94: {  	s16 =	sld [smem:$0x10];
	[sflag:s15] =	ssyncset.done $0x0  }
0x95: {  	s17 =	sld [smem:$0x11];
	[sflag:s15] =	ssyncadd.s32 $0xFFFFFFFF  }
0x96: {  	s18 =	sld [smem:$0x13];
	(tm) =	ssettm $0x1  }
0x97: {  	s5 =	sld [smem:$0x3FFB];
	_ =	sdelay $0x3  }
0x98: {  	_ =	strace s5  }
0x99: {  	s5 =	sld [smem:$0x3FFC];
	_ =	sdelay $0x3  }
0x9a: {  	_ =	strace s5  }
0x9b: {  	s5 =	sld [smem:$0x3FFD];
	_ =	sdelay $0x3  }
0x9c: {  	_ =	strace s5  }
0x9d: {  	_ =	strace $0x8FFFFFFF  }
0x9e: {  	s19 =	sld [smem:$0x3FDB];
	_ =	sdelay $0x1  }
0x9f: {  	s6 =	simm.s32 $_scs_section_size  }
0xa0: {  	s7 =	simm.s32 $_size__tile_overlayer_lowered;
	s8 =	simm.s32 $_tile_overlayer_lowered  }
0xa1: {  	s22 =	simm.s32 $0x1BFF;
	s21 =	sshll.u32 s8, $0x1;
	s5 =	sadd.s32 s6, s19  }
0xa2: {  	s9 =	simm.s32 $0x0;
	s20 =	sshll.u32 s7, $0x1;
	s7 =	sadd.s32 s21, s5  }
0xa3: {  	[timem:s9], [sflag:s22] =	dma.local [hbm:s7], s20  }
0xa4: {  	_ =	swait.ge [sflag:s22], s20  }
0xa5: {  	s6 =	ssub.s32 $0x0, s20;
	[sflag:s22] =	ssyncset.done $0x0  }
0xa6: {  	[sflag:s22] =	ssyncadd.s32 s6;
	_ =	sdelay $0x1  }
0xa7: {  	s23 =	simm.s32 $0x1B8B  }
0xa8: {  	_ =	swait.ge [sflag:s23], $0x1  }
0xa9: {  	[sflag:s23] =	ssyncset.done $0x0  }
0xaa: {  	s25 =	simm.s32 $0x1B8E;
	s24 =	sld [smem:$0x3FFE];
	[sflag:s23] =	ssyncadd.s32 $0xFFFFFFFF  }
0xab: {  	s26 =	simm.s32 $execute0_lowered;
	[smem:$0x3FD2] =	sst s25  }
0xac: {  	s7 =	sshll.u32 s26, $0x1;
	_ =	strace $0x8000004C;
	[dreg:$0x1] =	wrdreg $0xFFFFFFFF  }
0xad: {  	s28 =	simm.s32 $_size_execute0_lowered;
	s5 =	sadd.s32 s5, s7;
	[dreg:$0x0] =	wrdreg $0x0  }
0xae: {  	s7 =	sshll.u32 s28, $0x1;
	[dreg:$0x2] =	wrdreg s5  }
0xaf: {  	[dreg:$0x3] =	wrdreg s7  }
0xb0: {  	[dreg:$0x4] =	wrdreg $0xC0  }
0xb1: {  	_ =	task [dreg:s9], $0x5FFFF  }
0xb2: {  	[dreg:$0x1] =	wrdreg $0xFFFFFFFF  }
0xb3: {  	[dreg:$0x0] =	wrdreg $0x60  }
0xb4: {  	[dreg:$0x2] =	wrdreg s17  }
0xb5: {  	[dreg:$0x3] =	wrdreg s24  }
0xb6: {  	[dreg:$0x4] =	wrdreg s18  }
0xb7: {  	[dreg:$0x5] =	wrdreg s16  }
0xb8: {  	[dreg:$0x6] =	wrdreg $0x70000  }
0xb9: {  	[dreg:$0x7] =	wrdreg $0x9  }
0xba: {  	_ =	task.clear_ibuf [dreg:s9], $0x8FFFF;
	_ =	strace $0x9000004C  }
0xbb: {  	s29 =	simm.s32 $0x9;
	_ =	strace $0x8000004E  }
0xbc: {  	_ =	swait.ge [sflag:s29], $0x1  }
0xbd: {  	[sflag:s29] =	ssyncadd.s32 $0xFFFFFFFF  }
0xbe: {  	_ =	strace $0x9000004E  }
0xbf: {  	_ =	sfence  }
0xc0: {  	s30 =	sld [smem:$0x0];
	_ =	sdelay $0x2  }
0xc1: {  	s31 =	sshll.u32 s1, $0xD;
	s1 =	sshrl.u32 s1, $0x2  }
0xc2: {  	s3 =	sand.u32 $0x4000, s31;
	s1 =	sadd.s32 s1, s30  }
0xc3: {  	s0 =	sor.u32 s3, s0;
	s1 =	sshll.u32 s1, $0x11  }
0xc4: {  	s0 =	sor.u32 s1, s0  }
0xc5: {  	s0 =	sadd.s32 $0x8F2B, s0  }
0xc6: {  	[sflag:s0] =	ssyncadd.remote.s32 $0x1  }
0xc7: {  	_ =	sfence.sel $0xFFFF  }
0xc8: {  	[dreg:$0x0] =	wrdreg $0xFFFFFFFF;
	(pc) =	sbr.abs _section_cstart, $3  }
0xc9: {  	[dreg:$0x1] =	wrdreg $0xFFFFFFFF  }
0xca: {  	_ =	task.clear_ibuf [dreg:s9], $0x2FFFF;
	_ =	strace $0x9FFFFFFF  }
0xcb: {  	(tm) =	ssettm $0x7FFFFFFF  }
tec
execute0_lowered:
.L_overlay_start_1:
0x0: {  	(tag) =	ssettag $0x1  }
0x1: {  	s1 =	rddreg [dreg:$0x0]  }
0x2: {  	s6 =	rddreg [dreg:$0x1]  }
0x3: {  	s2 =	rddreg [dreg:$0x2]  }
0x4: {  	s3 =	srdreg.scid;
	s9 =	rddreg [dreg:$0x3]  }
0x5: {  	s0 =	stileid.u32;
	s4 =	rddreg [dreg:$0x4]  }
0x6: {  	s5 =	simm.s32 $0x0;
	s14 =	simm.s32 $0x1;
	s15 =	simm.s32 $0x1C00  }
0x7: {  	s7 =	sand.u32 $0x1, s3;
	s30 =	sshll.u32 s0, $0x1;
	s3 =	rddreg [dreg:$0x5]  }
0x8: {  	[smem:$0x7FF] =	sst s5;
	s11 =	smul.u32 $0x50000, s0;
	s12 =	sshll.u32 s0, $0x6  }
0x9: {  	s19 =	smul.u32 $0x2800, s0;
	s8 =	sor.u32 s7, s30;
	s10 =	ssub.s32 $0x2, s7  }
0xa: {  	_ =	strace $0x8000004D;
	s13 =	smul.u32 $0x28000, s7;
	s31 =	sshrl.u32 s10, $0x1  }
0xb: {  	s8 =	smul.u32 $0xA00, s8;
	s11 =	sshrl.u32 s11, $0x2;
	s10 =	ssub.s32 s10, s31  }
0xc: {  	s11 =	sadd.s32 s11, s4;
	s18 =	sadd.s32 s9, s13;
	s13 =	simm.s32 $0x2000  }
0xd: {  	s8 =	sadd.s32 s8, s6;
	s6 =	sor.u32 $0x1C02, s12;
	s9 =	smax.u32 s10, $0x1  }
0xe: {  	s10 =	sshrl.u32 s11, $0x3;
	s11 =	simm.s32 $0x2;
	s12 =	simm.s32 $0x50  }
0xf: {  	s18 =	sadd.s32 s19, s18;
	s7 =	sadd.s32 $0x17000, s8;
	s8 =	sadd.s32 $0x3000, s8  }
0x10: {  	s19 =	simm.s32 $0x0;
	s16 =	sadd.s32 $0x200, s7;
	s17 =	sadd.s32 $0x200, s8  }
.LBB2_1:
0x11: {  	[spmem:s10], [sflag:s6] =	dma.local [hbm:s2], $0x2800  }
0x12: {  	_ =	swait.ge [sflag:s11], $0x2800  }
0x13: {  	[sflag:s11] =	ssyncset.done $0x0  }
0x14: {  	[sflag:s11] =	ssyncadd.s32 $0xFFFFD800  }
0x15: {  	[bflag:$0x0] =	sbarrier.arrive $0xFFFF  }
0x16: {  	[tilespmem:s5], [sflag:$0x2] =	stream.linear.gather [hbm4b:s7+s5], $0xC80, $0x38;
	[tilespmem:$0x1B000] =	vst v63  }
0x17: {  	_ =	swait.ge [sflag:s11], $0xC80  }
0x18: {  	s21 =	sand.u32 $0x1, s5;
	[sflag:s11] =	ssyncset.done $0x0  }
0x19: {  	s20 =	simm.s32 $0x1000;
	s22 =	sxor.u32 $0x1, s21;
	[sflag:s11] =	ssyncadd.s32 $0xFFFFF380  }
0x1a: {  	[tilespmem:s20], [sflag:$0x2] =	stream.linear.gather [hbm4b:s8+s5], $0xC80, $0x38;
	[tilespmem:$0x1B000] =	vst v63  }
0x1b: {  	s22 =	smul.u32 $0xA000, s22;
	_ =	swait.ge [sflag:s11], $0xC80  }
0x1c: {  	[sflag:s11] =	ssyncset.done $0x0  }
0x1d: {  	s23 =	simm.s32 $0x80;
	s22 =	sshrl.u32 s22, $0x2;
	[sflag:s11] =	ssyncadd.s32 $0xFFFFF380  }
0x1e: {  	[tilespmem:s13], [sflag:$0x1] =	stream.indirect.gather [hbm4b:s1+s12], $0x80, s5, s12, $0xb8;
	[tilespmem:$0x1B000] =	vst v63  }
0x1f: {  	s30 =	simm.s32 $0x1;
	s21 =	smul.u32 $0xA000, s21;
	s22 =	sadd.s32 $0x2000, s22  }
0x20: {  	[tilespmem:s22], [sflag:$0x1] =	stream.indirect.gather [hbm4b:s1+s12], $0x80, s23, s12, $0xb8;
	[tilespmem:$0x1B000] =	vst v63  }
0x21: {  	s21 =	sshrl.u32 s21, $0x2;
	s22 =	sand.u32 $0x1, s30;
	_ =	swait.ge [sflag:s14], $0x2800  }
0x22: {  	s31 =	sxor.u32 $0x1, s22;
	s22 =	smul.u32 $0xA000, s22;
	[sflag:s14] =	ssyncset.done $0x0  }
0x23: {  	s21 =	sadd.s32 $0x2000, s21;
	s24 =	smul.u32 $0xA000, s31;
	[sflag:s14] =	ssyncadd.s32 $0xFFFFD800  }
0x24: {  	[spmem:s4] =	stream.indirect.scatter.add.f32 [tilespmem:s21], [sflag:$0x2], $0x80, s20, s12, $0xb8;
	[tilespmem:$0x1B000] =	vst v63  }
0x25: {  	s23 =	simm.s32 $0x2;
	s21 =	simm.s32 $0x100;
	s20 =	simm.s32 $0x1080  }
.LBB2_2:
0x26: {  	s24 =	sshrl.u32 s24, $0x2;
	s22 =	sshrl.u32 s22, $0x2  }
0x27: {  	_ =	swait.ge [sflag:s11], $0x2800;
	s25 =	smov.u32 s23;
	s26 =	smov.u32 s20  }
0x28: {  	s28 =	sadd.s32 $0x1, s23;
	s24 =	sadd.s32 $0x2000, s24;
	[sflag:s11] =	ssyncset.done $0x0  }
0x29: {  	p0 =	sne.s32 s23, $0x17;
	[sflag:s11] =	ssyncadd.s32 $0xFFFFD800  }
0x2a: {  	[tilespmem:s24], [sflag:$0x1] =	stream.indirect.gather [hbm4b:s1+s12], $0x80, s21, s12, $0xb8;
	[tilespmem:$0x1B000] =	vst v63  }
.Ltmp0:
0x2b: {  	s20 =	sadd.s32 $0x80, s20;
	s21 =	sadd.s32 $0x80, s21;
	(pc) =	sbr.rel @p0 .LBB2_2-.Ltmp0, $4  }
0x2c: {  	s23 =	sand.u32 $0x1, s25;
	s25 =	sadd.s32 $0x2000, s22;
	_ =	swait.ge [sflag:s14], $0x2800  }
0x2d: {  	s22 =	smul.u32 $0xA000, s23;
	s24 =	sxor.u32 $0x1, s23;
	[sflag:s14] =	ssyncset.done $0x0  }
0x2e: {  	s23 =	smov.u32 s28;
	s24 =	smul.u32 $0xA000, s24;
	[sflag:s14] =	ssyncadd.s32 $0xFFFFD800  }
0x2f: {  	[spmem:s4] =	stream.indirect.scatter.add.f32 [tilespmem:s25], [sflag:$0x2], $0x80, s26, s12, $0xb8;
	[tilespmem:$0x1B000] =	vst v63  }
0x30: {  	_ =	swait.ge [sflag:s11], $0x2800  }
0x31: {  	s23 =	sshrl.u32 s24, $0x2;
	[sflag:s11] =	ssyncset.done $0x0  }
0x32: {  	s23 =	sadd.s32 $0x2000, s23;
	[sflag:s11] =	ssyncadd.s32 $0xFFFFD800  }
0x33: {  	[tilespmem:s23], [sflag:$0x1] =	stream.indirect.gather [hbm4b:s1+s12], $0x80, s21, s12, $0xb8;
	[tilespmem:$0x1B000] =	vst v63  }
0x34: {  	_ =	swait.ge [sflag:s14], $0x2800  }
0x35: {  	s31 =	sshrl.u32 s22, $0x2;
	[sflag:s14] =	ssyncset.done $0x0  }
0x36: {  	s21 =	sadd.s32 $0x2000, s31;
	[sflag:s14] =	ssyncadd.s32 $0xFFFFD800  }
0x37: {  	[spmem:s4] =	stream.indirect.scatter.add.f32 [tilespmem:s21], [sflag:$0x2], $0x80, s20, s12, $0xb8;
	[tilespmem:$0x1B000] =	vst v63  }
0x38: {  	_ =	swait.ge [sflag:s11], $0x2800  }
0x39: {  	[sflag:s11] =	ssyncset.done $0x0  }
0x3a: {  	[sflag:s11] =	ssyncadd.s32 $0xFFFFD800  }
0x3b: {  	_ =	swait.ge [sflag:s14], $0x2800  }
0x3c: {  	[sflag:s14] =	ssyncset.done $0x0  }
0x3d: {  	[sflag:s14] =	ssyncadd.s32 $0xFFFFD800  }
0x3e: {  	[spmem:s4] =	stream.indirect.scatter.add.f32 [tilespmem:s13], [sflag:$0x2], $0x80, s15, s12, $0xb8;
	[tilespmem:$0x1B000] =	vst v63  }
0x3f: {  	_ =	swait.ge [sflag:s11], $0x2800  }
0x40: {  	[sflag:s11] =	ssyncset.done $0x0  }
0x41: {  	s22 =	simm.s32 $0x0;
	[sflag:s11] =	ssyncadd.s32 $0xFFFFD800  }
0x42: {  	[tilespmem:s22], [sflag:$0x2] =	stream.linear.gather [hbm4b:s16+s22], $0xC80, $0x38;
	[tilespmem:$0x1B000] =	vst v63  }
0x43: {  	_ =	swait.ge [sflag:s11], $0xC80  }
0x44: {  	s25 =	sand.u32 $0x1, s22;
	[sflag:s11] =	ssyncset.done $0x0  }
0x45: {  	s24 =	simm.s32 $0x1000;
	s26 =	sxor.u32 $0x1, s25;
	[sflag:s11] =	ssyncadd.s32 $0xFFFFF380  }
0x46: {  	[tilespmem:s24], [sflag:$0x2] =	stream.linear.gather [hbm4b:s17+s22], $0xC80, $0x38;
	[tilespmem:$0x1B000] =	vst v63  }
0x47: {  	s23 =	smul.u32 $0xA000, s26;
	_ =	swait.ge [sflag:s11], $0xC80  }
0x48: {  	[sflag:s11] =	ssyncset.done $0x0  }
0x49: {  	s28 =	sshrl.u32 s23, $0x2;
	[sflag:s11] =	ssyncadd.s32 $0xFFFFF380  }
0x4a: {  	[tilespmem:s13], [sflag:$0x1] =	stream.indirect.gather [hbm4b:s1+s12], $0x80, s22, s12, $0xb8;
	[tilespmem:$0x1B000] =	vst v63  }
0x4b: {  	s29 =	simm.s32 $0x80;
	s20 =	sadd.s32 $0x2000, s28;
	s22 =	smul.u32 $0xA000, s25  }
0x4c: {  	[tilespmem:s20], [sflag:$0x1] =	stream.indirect.gather [hbm4b:s1+s12], $0x80, s29, s12, $0xb8;
	[tilespmem:$0x1B000] =	vst v63  }
0x4d: {  	_ =	swait.ge [sflag:s14], $0x2800  }
0x4e: {  	s30 =	simm.s32 $0x1;
	s22 =	sshrl.u32 s22, $0x2;
	[sflag:s14] =	ssyncset.done $0x0  }
0x4f: {  	s20 =	sand.u32 $0x1, s30;
	s22 =	sadd.s32 $0x2000, s22;
	[sflag:s14] =	ssyncadd.s32 $0xFFFFD800  }
0x50: {  	[spmem:s4] =	stream.indirect.scatter.add.f32 [tilespmem:s22], [sflag:$0x2], $0x80, s24, s12, $0xb8;
	[tilespmem:$0x1B000] =	vst v63  }
0x51: {  	s31 =	sxor.u32 $0x1, s20;
	s22 =	smul.u32 $0xA000, s20  }
0x52: {  	s24 =	smul.u32 $0xA000, s31  }
0x53: {  	s23 =	simm.s32 $0x2;
	s21 =	simm.s32 $0x100;
	s20 =	simm.s32 $0x1080  }
.LBB2_4:
0x54: {  	s24 =	sshrl.u32 s24, $0x2;
	s22 =	sshrl.u32 s22, $0x2  }
0x55: {  	_ =	swait.ge [sflag:s11], $0x2800;
	s25 =	smov.u32 s23;
	s26 =	smov.u32 s20  }
0x56: {  	s28 =	sadd.s32 $0x1, s23;
	s24 =	sadd.s32 $0x2000, s24;
	[sflag:s11] =	ssyncset.done $0x0  }
0x57: {  	p0 =	sne.s32 s23, $0x17;
	[sflag:s11] =	ssyncadd.s32 $0xFFFFD800  }
0x58: {  	[tilespmem:s24], [sflag:$0x1] =	stream.indirect.gather [hbm4b:s1+s12], $0x80, s21, s12, $0xb8;
	[tilespmem:$0x1B000] =	vst v63  }
.Ltmp1:
0x59: {  	s20 =	sadd.s32 $0x80, s20;
	s21 =	sadd.s32 $0x80, s21;
	(pc) =	sbr.rel @p0 .LBB2_4-.Ltmp1, $4  }
0x5a: {  	s23 =	sand.u32 $0x1, s25;
	s25 =	sadd.s32 $0x2000, s22;
	_ =	swait.ge [sflag:s14], $0x2800  }
0x5b: {  	s22 =	smul.u32 $0xA000, s23;
	s24 =	sxor.u32 $0x1, s23;
	[sflag:s14] =	ssyncset.done $0x0  }
0x5c: {  	s23 =	smov.u32 s28;
	s24 =	smul.u32 $0xA000, s24;
	[sflag:s14] =	ssyncadd.s32 $0xFFFFD800  }
0x5d: {  	[spmem:s4] =	stream.indirect.scatter.add.f32 [tilespmem:s25], [sflag:$0x2], $0x80, s26, s12, $0xb8;
	[tilespmem:$0x1B000] =	vst v63  }
0x5e: {  	_ =	swait.ge [sflag:s11], $0x2800  }
0x5f: {  	s23 =	sshrl.u32 s24, $0x2;
	[sflag:s11] =	ssyncset.done $0x0  }
0x60: {  	s23 =	sadd.s32 $0x2000, s23;
	[sflag:s11] =	ssyncadd.s32 $0xFFFFD800  }
0x61: {  	[tilespmem:s23], [sflag:$0x1] =	stream.indirect.gather [hbm4b:s1+s12], $0x80, s21, s12, $0xb8;
	[tilespmem:$0x1B000] =	vst v63  }
0x62: {  	_ =	swait.ge [sflag:s14], $0x2800  }
0x63: {  	s31 =	sshrl.u32 s22, $0x2;
	[sflag:s14] =	ssyncset.done $0x0  }
0x64: {  	s21 =	sadd.s32 $0x2000, s31;
	[sflag:s14] =	ssyncadd.s32 $0xFFFFD800  }
0x65: {  	[spmem:s4] =	stream.indirect.scatter.add.f32 [tilespmem:s21], [sflag:$0x2], $0x80, s20, s12, $0xb8;
	[tilespmem:$0x1B000] =	vst v63  }
0x66: {  	_ =	swait.ge [sflag:s11], $0x2800  }
0x67: {  	[sflag:s11] =	ssyncset.done $0x0  }
0x68: {  	[sflag:s11] =	ssyncadd.s32 $0xFFFFD800  }
0x69: {  	_ =	swait.ge [sflag:s14], $0x2800  }
0x6a: {  	[sflag:s14] =	ssyncset.done $0x0  }
0x6b: {  	[sflag:s14] =	ssyncadd.s32 $0xFFFFD800  }
0x6c: {  	[spmem:s4] =	stream.indirect.scatter.add.f32 [tilespmem:s13], [sflag:$0x2], $0x80, s15, s12, $0xb8;
	[tilespmem:$0x1B000] =	vst v63  }
0x6d: {  	_ =	swait.ge [sflag:s11], $0x2800  }
0x6e: {  	[sflag:s11] =	ssyncset.done $0x0  }
0x6f: {  	s22 =	simm.s32 $0x0;
	s21 =	sadd.s32 $0x400, s7;
	[sflag:s11] =	ssyncadd.s32 $0xFFFFD800  }
0x70: {  	[tilespmem:s22], [sflag:$0x2] =	stream.linear.gather [hbm4b:s21+s22], $0xC80, $0x38;
	[tilespmem:$0x1B000] =	vst v63  }
0x71: {  	_ =	swait.ge [sflag:s11], $0xC80  }
0x72: {  	s24 =	simm.s32 $0x1000;
	s25 =	sand.u32 $0x1, s22;
	[sflag:s11] =	ssyncset.done $0x0  }
0x73: {  	s26 =	sxor.u32 $0x1, s25;
	s23 =	sadd.s32 $0x400, s8;
	[sflag:s11] =	ssyncadd.s32 $0xFFFFF380  }
0x74: {  	[tilespmem:s24], [sflag:$0x2] =	stream.linear.gather [hbm4b:s23+s22], $0xC80, $0x38;
	[tilespmem:$0x1B000] =	vst v63  }
0x75: {  	s23 =	smul.u32 $0xA000, s26;
	_ =	swait.ge [sflag:s11], $0xC80  }
0x76: {  	[sflag:s11] =	ssyncset.done $0x0  }
0x77: {  	s28 =	sshrl.u32 s23, $0x2;
	[sflag:s11] =	ssyncadd.s32 $0xFFFFF380  }
0x78: {  	[tilespmem:s13], [sflag:$0x1] =	stream.indirect.gather [hbm4b:s1+s12], $0x80, s22, s12, $0xb8;
	[tilespmem:$0x1B000] =	vst v63  }
0x79: {  	s29 =	simm.s32 $0x80;
	s20 =	smul.u32 $0xA000, s25;
	s21 =	sadd.s32 $0x2000, s28  }
0x7a: {  	[tilespmem:s21], [sflag:$0x1] =	stream.indirect.gather [hbm4b:s1+s12], $0x80, s29, s12, $0xb8;
	[tilespmem:$0x1B000] =	vst v63  }
0x7b: {  	s30 =	simm.s32 $0x1;
	s20 =	sshrl.u32 s20, $0x2;
	_ =	swait.ge [sflag:s14], $0x2800  }
0x7c: {  	s20 =	sadd.s32 $0x2000, s20;
	s21 =	sand.u32 $0x1, s30;
	[sflag:s14] =	ssyncset.done $0x0  }
0x7d: {  	s31 =	sxor.u32 $0x1, s21;
	s22 =	smul.u32 $0xA000, s21;
	[sflag:s14] =	ssyncadd.s32 $0xFFFFD800  }
0x7e: {  	[spmem:s4] =	stream.indirect.scatter.add.f32 [tilespmem:s20], [sflag:$0x2], $0x80, s24, s12, $0xb8;
	[tilespmem:$0x1B000] =	vst v63  }
0x7f: {  	s24 =	smul.u32 $0xA000, s31  }
0x80: {  	s23 =	simm.s32 $0x2;
	s21 =	simm.s32 $0x100;
	s20 =	simm.s32 $0x1080  }
.LBB2_6:
0x81: {  	s24 =	sshrl.u32 s24, $0x2;
	s22 =	sshrl.u32 s22, $0x2  }
0x82: {  	_ =	swait.ge [sflag:s11], $0x2800;
	s25 =	smov.u32 s23;
	s26 =	smov.u32 s20  }
0x83: {  	s28 =	sadd.s32 $0x1, s23;
	s24 =	sadd.s32 $0x2000, s24;
	[sflag:s11] =	ssyncset.done $0x0  }
0x84: {  	p0 =	sne.s32 s23, $0x17;
	[sflag:s11] =	ssyncadd.s32 $0xFFFFD800  }
0x85: {  	[tilespmem:s24], [sflag:$0x1] =	stream.indirect.gather [hbm4b:s1+s12], $0x80, s21, s12, $0xb8;
	[tilespmem:$0x1B000] =	vst v63  }
.Ltmp2:
0x86: {  	s20 =	sadd.s32 $0x80, s20;
	s21 =	sadd.s32 $0x80, s21;
	(pc) =	sbr.rel @p0 .LBB2_6-.Ltmp2, $4  }
0x87: {  	s23 =	sand.u32 $0x1, s25;
	s25 =	sadd.s32 $0x2000, s22;
	_ =	swait.ge [sflag:s14], $0x2800  }
0x88: {  	s22 =	smul.u32 $0xA000, s23;
	s24 =	sxor.u32 $0x1, s23;
	[sflag:s14] =	ssyncset.done $0x0  }
0x89: {  	s23 =	smov.u32 s28;
	s24 =	smul.u32 $0xA000, s24;
	[sflag:s14] =	ssyncadd.s32 $0xFFFFD800  }
0x8a: {  	[spmem:s4] =	stream.indirect.scatter.add.f32 [tilespmem:s25], [sflag:$0x2], $0x80, s26, s12, $0xb8;
	[tilespmem:$0x1B000] =	vst v63  }
0x8b: {  	_ =	swait.ge [sflag:s11], $0x2800  }
0x8c: {  	s23 =	sshrl.u32 s24, $0x2;
	[sflag:s11] =	ssyncset.done $0x0  }
0x8d: {  	s23 =	sadd.s32 $0x2000, s23;
	[sflag:s11] =	ssyncadd.s32 $0xFFFFD800  }
0x8e: {  	[tilespmem:s23], [sflag:$0x1] =	stream.indirect.gather [hbm4b:s1+s12], $0x80, s21, s12, $0xb8;
	[tilespmem:$0x1B000] =	vst v63  }
0x8f: {  	_ =	swait.ge [sflag:s14], $0x2800  }
0x90: {  	s31 =	sshrl.u32 s22, $0x2;
	[sflag:s14] =	ssyncset.done $0x0  }
0x91: {  	s21 =	sadd.s32 $0x2000, s31;
	[sflag:s14] =	ssyncadd.s32 $0xFFFFD800  }
0x92: {  	[spmem:s4] =	stream.indirect.scatter.add.f32 [tilespmem:s21], [sflag:$0x2], $0x80, s20, s12, $0xb8;
	[tilespmem:$0x1B000] =	vst v63  }
0x93: {  	_ =	swait.ge [sflag:s11], $0x2800  }
0x94: {  	[sflag:s11] =	ssyncset.done $0x0  }
0x95: {  	[sflag:s11] =	ssyncadd.s32 $0xFFFFD800  }
0x96: {  	_ =	swait.ge [sflag:s14], $0x2800  }
0x97: {  	[sflag:s14] =	ssyncset.done $0x0  }
0x98: {  	[sflag:s14] =	ssyncadd.s32 $0xFFFFD800  }
0x99: {  	[spmem:s4] =	stream.indirect.scatter.add.f32 [tilespmem:s13], [sflag:$0x2], $0x80, s15, s12, $0xb8;
	[tilespmem:$0x1B000] =	vst v63  }
0x9a: {  	_ =	swait.ge [sflag:s11], $0x2800  }
0x9b: {  	[sflag:s11] =	ssyncset.done $0x0  }
0x9c: {  	s22 =	simm.s32 $0x0;
	s21 =	sadd.s32 $0x600, s7;
	[sflag:s11] =	ssyncadd.s32 $0xFFFFD800  }
0x9d: {  	[tilespmem:s22], [sflag:$0x2] =	stream.linear.gather [hbm4b:s21+s22], $0xC80, $0x38;
	[tilespmem:$0x1B000] =	vst v63  }
0x9e: {  	_ =	swait.ge [sflag:s11], $0xC80  }
0x9f: {  	s24 =	simm.s32 $0x1000;
	s25 =	sand.u32 $0x1, s22;
	[sflag:s11] =	ssyncset.done $0x0  }
0xa0: {  	s26 =	sxor.u32 $0x1, s25;
	s23 =	sadd.s32 $0x600, s8;
	[sflag:s11] =	ssyncadd.s32 $0xFFFFF380  }
0xa1: {  	[tilespmem:s24], [sflag:$0x2] =	stream.linear.gather [hbm4b:s23+s22], $0xC80, $0x38;
	[tilespmem:$0x1B000] =	vst v63  }
0xa2: {  	s23 =	smul.u32 $0xA000, s26;
	_ =	swait.ge [sflag:s11], $0xC80  }
0xa3: {  	[sflag:s11] =	ssyncset.done $0x0  }
0xa4: {  	s28 =	sshrl.u32 s23, $0x2;
	[sflag:s11] =	ssyncadd.s32 $0xFFFFF380  }
0xa5: {  	[tilespmem:s13], [sflag:$0x1] =	stream.indirect.gather [hbm4b:s1+s12], $0x80, s22, s12, $0xb8;
	[tilespmem:$0x1B000] =	vst v63  }
0xa6: {  	s29 =	simm.s32 $0x80;
	s20 =	smul.u32 $0xA000, s25;
	s21 =	sadd.s32 $0x2000, s28  }
0xa7: {  	[tilespmem:s21], [sflag:$0x1] =	stream.indirect.gather [hbm4b:s1+s12], $0x80, s29, s12, $0xb8;
	[tilespmem:$0x1B000] =	vst v63  }
0xa8: {  	s30 =	simm.s32 $0x1;
	s20 =	sshrl.u32 s20, $0x2;
	_ =	swait.ge [sflag:s14], $0x2800  }
0xa9: {  	s20 =	sadd.s32 $0x2000, s20;
	s21 =	sand.u32 $0x1, s30;
	[sflag:s14] =	ssyncset.done $0x0  }
0xaa: {  	s31 =	sxor.u32 $0x1, s21;
	s22 =	smul.u32 $0xA000, s21;
	[sflag:s14] =	ssyncadd.s32 $0xFFFFD800  }
0xab: {  	[spmem:s4] =	stream.indirect.scatter.add.f32 [tilespmem:s20], [sflag:$0x2], $0x80, s24, s12, $0xb8;
	[tilespmem:$0x1B000] =	vst v63  }
0xac: {  	s24 =	smul.u32 $0xA000, s31  }
0xad: {  	s23 =	simm.s32 $0x2;
	s21 =	simm.s32 $0x100;
	s20 =	simm.s32 $0x1080  }
.LBB2_8:
0xae: {  	s24 =	sshrl.u32 s24, $0x2;
	s22 =	sshrl.u32 s22, $0x2  }
0xaf: {  	_ =	swait.ge [sflag:s11], $0x2800;
	s25 =	smov.u32 s23;
	s26 =	smov.u32 s20  }
0xb0: {  	s28 =	sadd.s32 $0x1, s23;
	s24 =	sadd.s32 $0x2000, s24;
	[sflag:s11] =	ssyncset.done $0x0  }
0xb1: {  	p0 =	sne.s32 s23, $0x17;
	[sflag:s11] =	ssyncadd.s32 $0xFFFFD800  }
0xb2: {  	[tilespmem:s24], [sflag:$0x1] =	stream.indirect.gather [hbm4b:s1+s12], $0x80, s21, s12, $0xb8;
	[tilespmem:$0x1B000] =	vst v63  }
.Ltmp3:
0xb3: {  	s20 =	sadd.s32 $0x80, s20;
	s21 =	sadd.s32 $0x80, s21;
	(pc) =	sbr.rel @p0 .LBB2_8-.Ltmp3, $4  }
0xb4: {  	s23 =	sand.u32 $0x1, s25;
	s25 =	sadd.s32 $0x2000, s22;
	_ =	swait.ge [sflag:s14], $0x2800  }
0xb5: {  	s22 =	smul.u32 $0xA000, s23;
	s24 =	sxor.u32 $0x1, s23;
	[sflag:s14] =	ssyncset.done $0x0  }
0xb6: {  	s23 =	smov.u32 s28;
	s24 =	smul.u32 $0xA000, s24;
	[sflag:s14] =	ssyncadd.s32 $0xFFFFD800  }
0xb7: {  	[spmem:s4] =	stream.indirect.scatter.add.f32 [tilespmem:s25], [sflag:$0x2], $0x80, s26, s12, $0xb8;
	[tilespmem:$0x1B000] =	vst v63  }
0xb8: {  	_ =	swait.ge [sflag:s11], $0x2800  }
0xb9: {  	s23 =	sshrl.u32 s24, $0x2;
	[sflag:s11] =	ssyncset.done $0x0  }
0xba: {  	s23 =	sadd.s32 $0x2000, s23;
	[sflag:s11] =	ssyncadd.s32 $0xFFFFD800  }
0xbb: {  	[tilespmem:s23], [sflag:$0x1] =	stream.indirect.gather [hbm4b:s1+s12], $0x80, s21, s12, $0xb8;
	[tilespmem:$0x1B000] =	vst v63  }
0xbc: {  	_ =	swait.ge [sflag:s14], $0x2800  }
0xbd: {  	s31 =	sshrl.u32 s22, $0x2;
	[sflag:s14] =	ssyncset.done $0x0  }
0xbe: {  	s21 =	sadd.s32 $0x2000, s31;
	[sflag:s14] =	ssyncadd.s32 $0xFFFFD800  }
0xbf: {  	[spmem:s4] =	stream.indirect.scatter.add.f32 [tilespmem:s21], [sflag:$0x2], $0x80, s20, s12, $0xb8;
	[tilespmem:$0x1B000] =	vst v63  }
0xc0: {  	_ =	swait.ge [sflag:s11], $0x2800  }
0xc1: {  	[sflag:s11] =	ssyncset.done $0x0  }
0xc2: {  	[sflag:s11] =	ssyncadd.s32 $0xFFFFD800  }
0xc3: {  	_ =	swait.ge [sflag:s14], $0x2800  }
0xc4: {  	[sflag:s14] =	ssyncset.done $0x0  }
0xc5: {  	[sflag:s14] =	ssyncadd.s32 $0xFFFFD800  }
0xc6: {  	[spmem:s4] =	stream.indirect.scatter.add.f32 [tilespmem:s13], [sflag:$0x2], $0x80, s15, s12, $0xb8;
	[tilespmem:$0x1B000] =	vst v63  }
0xc7: {  	_ =	swait.ge [sflag:s11], $0x2800  }
0xc8: {  	[sflag:s11] =	ssyncset.done $0x0  }
0xc9: {  	s22 =	simm.s32 $0x0;
	s21 =	sadd.s32 $0x800, s7;
	[sflag:s11] =	ssyncadd.s32 $0xFFFFD800  }
0xca: {  	[tilespmem:s22], [sflag:$0x2] =	stream.linear.gather [hbm4b:s21+s22], $0xC80, $0x38;
	[tilespmem:$0x1B000] =	vst v63  }
0xcb: {  	_ =	swait.ge [sflag:s11], $0xC80  }
0xcc: {  	s24 =	simm.s32 $0x1000;
	s25 =	sand.u32 $0x1, s22;
	[sflag:s11] =	ssyncset.done $0x0  }
0xcd: {  	s26 =	sxor.u32 $0x1, s25;
	s23 =	sadd.s32 $0x800, s8;
	[sflag:s11] =	ssyncadd.s32 $0xFFFFF380  }
0xce: {  	[tilespmem:s24], [sflag:$0x2] =	stream.linear.gather [hbm4b:s23+s22], $0xC80, $0x38;
	[tilespmem:$0x1B000] =	vst v63  }
0xcf: {  	s23 =	smul.u32 $0xA000, s26;
	_ =	swait.ge [sflag:s11], $0xC80  }
0xd0: {  	[sflag:s11] =	ssyncset.done $0x0  }
0xd1: {  	s28 =	sshrl.u32 s23, $0x2;
	[sflag:s11] =	ssyncadd.s32 $0xFFFFF380  }
0xd2: {  	[tilespmem:s13], [sflag:$0x1] =	stream.indirect.gather [hbm4b:s1+s12], $0x80, s22, s12, $0xb8;
	[tilespmem:$0x1B000] =	vst v63  }
0xd3: {  	s29 =	simm.s32 $0x80;
	s20 =	smul.u32 $0xA000, s25;
	s21 =	sadd.s32 $0x2000, s28  }
0xd4: {  	[tilespmem:s21], [sflag:$0x1] =	stream.indirect.gather [hbm4b:s1+s12], $0x80, s29, s12, $0xb8;
	[tilespmem:$0x1B000] =	vst v63  }
0xd5: {  	s30 =	simm.s32 $0x1;
	s20 =	sshrl.u32 s20, $0x2;
	_ =	swait.ge [sflag:s14], $0x2800  }
0xd6: {  	s20 =	sadd.s32 $0x2000, s20;
	s21 =	sand.u32 $0x1, s30;
	[sflag:s14] =	ssyncset.done $0x0  }
0xd7: {  	s31 =	sxor.u32 $0x1, s21;
	s22 =	smul.u32 $0xA000, s21;
	[sflag:s14] =	ssyncadd.s32 $0xFFFFD800  }
0xd8: {  	[spmem:s4] =	stream.indirect.scatter.add.f32 [tilespmem:s20], [sflag:$0x2], $0x80, s24, s12, $0xb8;
	[tilespmem:$0x1B000] =	vst v63  }
0xd9: {  	s24 =	smul.u32 $0xA000, s31  }
0xda: {  	s23 =	simm.s32 $0x2;
	s21 =	simm.s32 $0x100;
	s20 =	simm.s32 $0x1080  }
.LBB2_10:
0xdb: {  	s24 =	sshrl.u32 s24, $0x2;
	s22 =	sshrl.u32 s22, $0x2  }
0xdc: {  	_ =	swait.ge [sflag:s11], $0x2800;
	s25 =	smov.u32 s23;
	s26 =	smov.u32 s20  }
0xdd: {  	s28 =	sadd.s32 $0x1, s23;
	s24 =	sadd.s32 $0x2000, s24;
	[sflag:s11] =	ssyncset.done $0x0  }
0xde: {  	p0 =	sne.s32 s23, $0x17;
	[sflag:s11] =	ssyncadd.s32 $0xFFFFD800  }
0xdf: {  	[tilespmem:s24], [sflag:$0x1] =	stream.indirect.gather [hbm4b:s1+s12], $0x80, s21, s12, $0xb8;
	[tilespmem:$0x1B000] =	vst v63  }
.Ltmp4:
0xe0: {  	s20 =	sadd.s32 $0x80, s20;
	s21 =	sadd.s32 $0x80, s21;
	(pc) =	sbr.rel @p0 .LBB2_10-.Ltmp4, $4  }
0xe1: {  	s23 =	sand.u32 $0x1, s25;
	s25 =	sadd.s32 $0x2000, s22;
	_ =	swait.ge [sflag:s14], $0x2800  }
0xe2: {  	s22 =	smul.u32 $0xA000, s23;
	s24 =	sxor.u32 $0x1, s23;
	[sflag:s14] =	ssyncset.done $0x0  }
0xe3: {  	s23 =	smov.u32 s28;
	s24 =	smul.u32 $0xA000, s24;
	[sflag:s14] =	ssyncadd.s32 $0xFFFFD800  }
0xe4: {  	[spmem:s4] =	stream.indirect.scatter.add.f32 [tilespmem:s25], [sflag:$0x2], $0x80, s26, s12, $0xb8;
	[tilespmem:$0x1B000] =	vst v63  }
0xe5: {  	_ =	swait.ge [sflag:s11], $0x2800  }
0xe6: {  	s23 =	sshrl.u32 s24, $0x2;
	[sflag:s11] =	ssyncset.done $0x0  }
0xe7: {  	s23 =	sadd.s32 $0x2000, s23;
	[sflag:s11] =	ssyncadd.s32 $0xFFFFD800  }
0xe8: {  	[tilespmem:s23], [sflag:$0x1] =	stream.indirect.gather [hbm4b:s1+s12], $0x80, s21, s12, $0xb8;
	[tilespmem:$0x1B000] =	vst v63  }
0xe9: {  	_ =	swait.ge [sflag:s14], $0x2800  }
0xea: {  	s31 =	sshrl.u32 s22, $0x2;
	[sflag:s14] =	ssyncset.done $0x0  }
0xeb: {  	s21 =	sadd.s32 $0x2000, s31;
	[sflag:s14] =	ssyncadd.s32 $0xFFFFD800  }
0xec: {  	[spmem:s4] =	stream.indirect.scatter.add.f32 [tilespmem:s21], [sflag:$0x2], $0x80, s20, s12, $0xb8;
	[tilespmem:$0x1B000] =	vst v63  }
0xed: {  	_ =	swait.ge [sflag:s11], $0x2800  }
0xee: {  	[sflag:s11] =	ssyncset.done $0x0  }
0xef: {  	[sflag:s11] =	ssyncadd.s32 $0xFFFFD800  }
0xf0: {  	_ =	swait.ge [sflag:s14], $0x2800  }
0xf1: {  	[sflag:s14] =	ssyncset.done $0x0  }
0xf2: {  	[sflag:s14] =	ssyncadd.s32 $0xFFFFD800  }
0xf3: {  	[spmem:s4] =	stream.indirect.scatter.add.f32 [tilespmem:s13], [sflag:$0x2], $0x80, s15, s12, $0xb8;
	[tilespmem:$0x1B000] =	vst v63  }
0xf4: {  	_ =	swait.ge [sflag:s11], $0x2800  }
0xf5: {  	s19 =	sadd.s32 $0x1, s19;
	[sflag:s11] =	ssyncset.done $0x0  }
0xf6: {  	p0 =	sne.s32 s19, s9;
	[sflag:s11] =	ssyncadd.s32 $0xFFFFD800  }
.Ltmp5:
0xf7: {  	[bflag:$0x0] =	sbarrier.arrive $0xFFFF;
	(pc) =	sbr.rel @p0 .LBB2_1-.Ltmp5, $4  }
0xf8: {  	[hbm:s18], [sflag:s6] =	dma.local [spmem:s10], $0x2800  }
0xf9: {  	_ =	swait.ge [sflag:s11], $0x2800  }
0xfa: {  	[sflag:s11] =	ssyncset.done $0x0  }
0xfb: {  	[sflag:s11] =	ssyncadd.s32 $0xFFFFD800  }
0xfc: {  	_ =	sfence.sel $0x180000  }
0xfd: {  	[bflag:$0x0] =	sbarrier.arrive $0xFFFF  }
0xfe: {  	p0 =	sne.s32 s0, $0x0;
	_ =	strace $0x9000004D  }
0xff: {  	s0 =	sadd.s32 @!p0 $0x100000, s3;
	[bflag:$0x2] =	sbarrier.arrive $0xFFFF  }
0x100: {  	[sflag:s0] =	ssyncadd.tile.s32 @!p0 $0x1;
	_ =	shalt  }
.Lfunc_end2:
_tile_overlayer_lowered:
.L_overlay_start_2:
0x101: {  	(tag) =	ssettag $0x2  }
0x102: {  	s0 =	rddreg [dreg:$0x0];
	s2 =	stileid.u32  }
0x103: {  	s1 =	rddreg [dreg:$0x1];
	p0 =	sne.s32 s2, $0x0  }
0x104: {  	s3 =	rddreg [dreg:$0x2];
	[bflag:$0x3] =	sbarrier.arrive $0xFFFF;
	s2 =	simm.s32 @!p0 $0x1C02  }
0x105: {  	[timem:s3], [sflag:s2] =	dma.local @!p0 [hbm:s0], s1  }
0x106: {  	s0 =	simm.s32 @!p0 $0x2  }
0x107: {  	_ =	swait.ge @!p0 [sflag:s0], s1  }
0x108: {  	s1 =	ssub.s32 @!p0 $0x0, s1;
	[sflag:s0] =	ssyncset.done @!p0 $0x0  }
0x109: {  	[sflag:s0] =	ssyncadd.s32 @!p0 s1  }
0x10a: {  	[bflag:$0x3] =	sbarrier.arrive $0xFFFF  }
0x10b: {  	_ =	shalt  }

// kernel: kernel.9.cloned.1.call-start
scs
__scs_entry_jumppad:
0x0: {  	(pc) =	sbr.rel $0x88, $3  }
0x1: {  	(tag) =	ssettag $0x0;
	lr =	simm.s32 $0x1  }
0x2: {  	[smem:$0x3F96] =	sst lr;
	_ =	strace $0xD0000000  }
0x3: {  	_ = 	snop  }
0x4: {  	_ = 	snop  }
0x5: {  	_ = 	snop  }
0x6: {  	_ = 	snop  }
0x7: {  	_ = 	snop  }
__scs_overlays_trampoline_lowered:
0x8: {  	[smem:$0x3FA5] =	sst s0  }
0x9: {  	[smem:$0x3FA6] =	sst s1  }
0xa: {  	[smem:$0x3FA7] =	sst s2  }
0xb: {  	[smem:$0x3FA8] =	sst s3  }
0xc: {  	[smem:$0x3FA9] =	sst s4  }
0xd: {  	[smem:$0x3FAA] =	sst s5  }
0xe: {  	[smem:$0x3FAB] =	sst s6  }
0xf: {  	[smem:$0x3FAC] =	sst s7  }
0x10: {  	[smem:$0x3FAD] =	sst s8  }
0x11: {  	[smem:$0x3FAE] =	sst s9;
	s0 =	simm.s32 @!p0 $0x0  }
0x12: {  	s1 =	sld [smem:$0x3F94];
	s0 =	simm.s32 @p0 $0x1  }
0x13: {  	[smem:$0x3FAF] =	sst s0;
	s0 =	simm.s32 @!p1 $0x0  }
0x14: {  	s2 =	sld [smem:$0x3F93];
	s0 =	simm.s32 @p1 $0x1  }
0x15: {  	[smem:$0x3FB0] =	sst s0;
	s0 =	simm.s32 @!p2 $0x0  }
0x16: {  	s3 =	sld [smem:$0x3FDB];
	s0 =	simm.s32 @p2 $0x1  }
0x17: {  	s4 =	simm.s32 $0x1BF5;
	[smem:$0x3FB2] =	sst s0  }
0x18: {  	s0 =	sld [smem:$0x3F95];
	_ =	swait.ge [sflag:s4], $0x0  }
0x19: {  	s7 =	sld [smem:$0x3F96]  }
0x1a: {  	s8 =	sadd.s32 $0xFFFFE003, lr  }
0x1b: {  	s9 =	sadd.s32 $0xFFFFFEF7, lr;
	s5 =	simm.s32 $0xFFFFFFFF;
	p2 =	slt.u32 s8, $0xFFFFF086  }
0x1c: {  	p1 =	slt.u32 s9, $0xF7A;
	s5 =	simm.s32 @!p2 $0x0  }
0x1d: {  	s5 =	simm.s32 @p1 $0x1;
	p0 =	seq.s32 s7, s2  }
0x1e: {  	s7 =	smul.u32 @!p0 $0xF7A, s2;
	p2 =	seq.s32 @!p0 s5, $0x0  }
0x1f: {  	s9 =	smul.u32 $0xF7A, s1;
	s8 =	simm.s32 @!p0 $0x1BF5;
	p2 =	por !p2, p0  }
0x20: {  	[sflag:s8] =	ssyncset.s32 @!p0 $0xFFFFF086;
	s6 =	sadd.s32 @!p0 s3, s7;
	s7 =	simm.s32 @!p0 $0x108  }
0x21: {  	s3 =	sadd.s32 s3, s9;
	s6 =	sadd.s32 @!p0 $0x88, s6;
	s7 =	simm.s32 @p2 $0x1082  }
0x22: {  	[simem:s7], [sflag:s8] =	dma.local @!p0 [hbm:s6], $0xF7A  }
0x23: {  	s9 =	sor.u32 $0xD0000000, s2;
	s6 =	simm.s32 $0x108;
	_ =	swait.ge @!p0 [sflag:s8], $0x0  }
0x24: {  	s3 =	sadd.s32 $0x88, s3;
	s6 =	simm.s32 @!p1 $0x1082;
	[sflag:s4] =	ssyncset.s32 $0xFFFFF086  }
0x25: {  	[simem:s6], [sflag:s4] =	dma.local [hbm:s3], $0xF7A  }
0x26: {  	[smem:$0x3F96] =	sst s1;
	(tag) =	ssettag s2;
	_ =	strace s9  }
0x27: {  	s1 =	sld [smem:$0x3FA6]  }
0x28: {  	s2 =	sld [smem:$0x3FA7]  }
0x29: {  	s4 =	sld [smem:$0x3FA9]  }
0x2a: {  	p0 =	seq.s32 s5, $0x0;
	s5 =	sld [smem:$0x3FAA]  }
0x2b: {  	s6 =	sld [smem:$0x3FAB]  }
0x2c: {  	s7 =	sld [smem:$0x3FAC]  }
0x2d: {  	s3 =	simm.s32 $0x108;
	s8 =	sld [smem:$0x3FAD]  }
0x2e: {  	s3 =	simm.s32 @!p0 $0x1082;
	s9 =	sld [smem:$0x3FAE]  }
0x2f: {  	lr =	sadd.s32 s0, s3;
	s0 =	sld [smem:$0x3FA5]  }
0x30: {  	s3 =	sld [smem:$0x3FA8]  }
0x31: {  	[smem:$0x3FB1] =	sst s10  }
0x32: {  	s10 =	sld [smem:$0x3FAF];
	_ =	sdelay $0x3  }
0x33: {  	p0 =	seq.s32 s10, $0x1;
	s10 =	sld [smem:$0x3FB1];
	_ =	sdelay $0x3  }
0x34: {  	[smem:$0x3FB1] =	sst s10  }
0x35: {  	s10 =	sld [smem:$0x3FB0];
	_ =	sdelay $0x3  }
0x36: {  	p1 =	seq.s32 s10, $0x1;
	s10 =	sld [smem:$0x3FB1];
	_ =	sdelay $0x3  }
0x37: {  	[smem:$0x3FB1] =	sst s10  }
0x38: {  	s10 =	sld [smem:$0x3FB2]  }
0x39: {  	_ = 	snop;
	(pc) =	sbr.ind lr, $3  }
0x3a: {  	_ = 	snop  }
0x3b: {  	_ = 	snop  }
0x3c: {  	p2 =	seq.s32 s10, $0x1;
	s10 =	sld [smem:$0x3FB1]  }
0x3d: {  	_ =	shalt  }
0x3e: {  	_ =	shalt  }
0x3f: {  	_ =	shalt  }
0x40: {  	_ =	shalt  }
0x41: {  	_ =	shalt  }
0x42: {  	_ =	shalt  }
0x43: {  	_ =	shalt  }
0x44: {  	_ =	shalt  }
0x45: {  	_ =	shalt  }
0x46: {  	_ =	shalt  }
0x47: {  	_ =	shalt  }
0x48: {  	_ =	shalt  }
0x49: {  	_ =	shalt  }
0x4a: {  	_ =	shalt  }
0x4b: {  	_ =	shalt  }
0x4c: {  	_ =	shalt  }
0x4d: {  	_ =	shalt  }
0x4e: {  	_ =	shalt  }
0x4f: {  	_ =	shalt  }
0x50: {  	_ =	shalt  }
0x51: {  	_ =	shalt  }
0x52: {  	_ =	shalt  }
0x53: {  	_ =	shalt  }
0x54: {  	_ =	shalt  }
0x55: {  	_ =	shalt  }
0x56: {  	_ =	shalt  }
0x57: {  	_ =	shalt  }
0x58: {  	_ =	shalt  }
0x59: {  	_ =	shalt  }
0x5a: {  	_ =	shalt  }
0x5b: {  	_ =	shalt  }
0x5c: {  	_ =	shalt  }
0x5d: {  	_ =	shalt  }
0x5e: {  	_ =	shalt  }
0x5f: {  	_ =	shalt  }
0x60: {  	_ =	shalt  }
0x61: {  	_ =	shalt  }
0x62: {  	_ =	shalt  }
0x63: {  	_ =	shalt  }
0x64: {  	_ =	shalt  }
0x65: {  	_ =	shalt  }
0x66: {  	_ =	shalt  }
0x67: {  	_ =	shalt  }
0x68: {  	_ =	shalt  }
0x69: {  	_ =	shalt  }
0x6a: {  	_ =	shalt  }
0x6b: {  	_ =	shalt  }
0x6c: {  	_ =	shalt  }
0x6d: {  	_ =	shalt  }
0x6e: {  	_ =	shalt  }
0x6f: {  	_ =	shalt  }
0x70: {  	_ =	shalt  }
0x71: {  	_ =	shalt  }
0x72: {  	_ =	shalt  }
0x73: {  	_ =	shalt  }
0x74: {  	_ =	shalt  }
0x75: {  	_ =	shalt  }
0x76: {  	_ =	shalt  }
0x77: {  	_ =	shalt  }
0x78: {  	_ =	shalt  }
0x79: {  	_ =	shalt  }
0x7a: {  	_ =	shalt  }
0x7b: {  	_ =	shalt  }
0x7c: {  	_ =	shalt  }
0x7d: {  	_ =	shalt  }
0x7e: {  	_ =	shalt  }
0x7f: {  	_ =	shalt  }
0x80: {  	_ =	shalt  }
0x81: {  	_ =	shalt  }
0x82: {  	_ =	shalt  }
0x83: {  	_ =	shalt  }
0x84: {  	_ =	shalt  }
0x85: {  	_ =	shalt  }
0x86: {  	_ =	shalt  }
0x87: {  	_ =	shalt  }
.Lfunc_end0:
.L_simem_size_0:
called_computation_lowered:
.L_overlay_start_0:
0x88: {  	s2 =	sld [smem:$0x3FD9]  }
0x89: {  	s3 =	sld [smem:$0x3FFE];
	_ =	sdelay $0x1  }
0x8a: {  	s1 =	srdreg.scid  }
0x8b: {  	s0 =	sand.u32 $0x1, s1  }
0x8c: {  	s15 =	sshll.u32 s0, $0xA;
	s2 =	sadd.s32 s3, s2  }
0x8d: {  	s2 =	sadd.s32 s2, s15  }
0x8e: {  	[smem:$0x3FBD] =	sst s2  }
0x8f: {  	_ = 	snop  }
0x90: {  	s2 =	sld [smem:$0x3FD0];
	_ =	sdelay $0x2  }
0x91: {  	s16 =	simm.s32 $0xA;
	s4 =	simm.s32 $0x10  }
0x92: {  	[smem:s4], [sflag:s16] =	dma.local [hbm:s2], $0x1  }
0x93: {  	_ =	swait.eq [sflag:s16], $0x1  }
0x94: {  	s17 =	sld [smem:$0x11];
	[sflag:s16] =	ssyncset.done $0x0  }
0x95: {  	s18 =	sld [smem:$0x12];
	[sflag:s16] =	ssyncadd.s32 $0xFFFFFFFF  }
0x96: {  	s19 =	sld [smem:$0x13];
	(tm) =	ssettm $0x1  }
0x97: {  	s5 =	sld [smem:$0x3FFB];
	_ =	sdelay $0x3  }
0x98: {  	_ =	strace s5  }
0x99: {  	s5 =	sld [smem:$0x3FFC];
	_ =	sdelay $0x3  }
0x9a: {  	_ =	strace s5  }
0x9b: {  	s5 =	sld [smem:$0x3FFD];
	_ =	sdelay $0x3  }
0x9c: {  	_ =	strace s5  }
0x9d: {  	_ =	strace $0x8FFFFFFF  }
0x9e: {  	s20 =	sld [smem:$0x3FDB];
	_ =	sdelay $0x1  }
0x9f: {  	s6 =	simm.s32 $_scs_section_size  }
0xa0: {  	s7 =	simm.s32 $_size__tile_overlayer_lowered;
	s8 =	simm.s32 $_tile_overlayer_lowered  }
0xa1: {  	s23 =	simm.s32 $0x1BFF;
	s22 =	sshll.u32 s8, $0x1;
	s5 =	sadd.s32 s6, s20  }
0xa2: {  	s9 =	simm.s32 $0x0;
	s21 =	sshll.u32 s7, $0x1;
	s7 =	sadd.s32 s22, s5  }
0xa3: {  	[timem:s9], [sflag:s23] =	dma.local [hbm:s7], s21  }
0xa4: {  	_ =	swait.ge [sflag:s23], s21  }
0xa5: {  	s6 =	ssub.s32 $0x0, s21;
	[sflag:s23] =	ssyncset.done $0x0  }
0xa6: {  	[sflag:s23] =	ssyncadd.s32 s6;
	_ =	sdelay $0x1  }
0xa7: {  	s24 =	simm.s32 $0x1B8B  }
0xa8: {  	_ =	swait.ge [sflag:s24], $0x1  }
0xa9: {  	[sflag:s24] =	ssyncset.done $0x0  }
0xaa: {  	s25 =	simm.s32 $0x1B8E;
	[sflag:s24] =	ssyncadd.s32 $0xFFFFFFFF  }
0xab: {  	s26 =	simm.s32 $execute0_lowered;
	[smem:$0x3FD2] =	sst s25  }
0xac: {  	s6 =	sshll.u32 s26, $0x1;
	_ =	strace $0x80000046;
	[dreg:$0x1] =	wrdreg $0xFFFFFFFF  }
0xad: {  	s28 =	simm.s32 $_size_execute0_lowered;
	s5 =	sadd.s32 s5, s6;
	[dreg:$0x0] =	wrdreg $0x0  }
0xae: {  	s6 =	sshll.u32 s28, $0x1;
	[dreg:$0x2] =	wrdreg s5  }
0xaf: {  	[dreg:$0x3] =	wrdreg s6  }
0xb0: {  	[dreg:$0x4] =	wrdreg $0xC0  }
0xb1: {  	_ =	task [dreg:s9], $0x5FFFF  }
0xb2: {  	[dreg:$0x1] =	wrdreg $0xFFFFFFFF  }
0xb3: {  	[dreg:$0x0] =	wrdreg $0x60  }
0xb4: {  	[dreg:$0x2] =	wrdreg s17  }
0xb5: {  	[dreg:$0x3] =	wrdreg s18  }
0xb6: {  	[dreg:$0x4] =	wrdreg s19  }
0xb7: {  	[dreg:$0x5] =	wrdreg $0x40800  }
0xb8: {  	[dreg:$0x6] =	wrdreg $0x9  }
0xb9: {  	_ =	task.clear_ibuf [dreg:s9], $0x7FFFF;
	_ =	strace $0x90000046  }
0xba: {  	s29 =	simm.s32 $0x9;
	_ =	strace $0x80000048  }
0xbb: {  	_ =	swait.ge [sflag:s29], $0x1  }
0xbc: {  	[sflag:s29] =	ssyncadd.s32 $0xFFFFFFFF  }
0xbd: {  	_ =	strace $0x90000048  }
0xbe: {  	_ =	sfence  }
0xbf: {  	s30 =	sld [smem:$0x0];
	_ =	sdelay $0x2  }
0xc0: {  	s31 =	sshll.u32 s1, $0xD;
	s1 =	sshrl.u32 s1, $0x2  }
0xc1: {  	s3 =	sand.u32 $0x4000, s31;
	s1 =	sadd.s32 s1, s30  }
0xc2: {  	s0 =	sor.u32 s3, s0;
	s1 =	sshll.u32 s1, $0x11  }
0xc3: {  	s0 =	sor.u32 s1, s0  }
0xc4: {  	s0 =	sadd.s32 $0x8F2B, s0  }
0xc5: {  	[sflag:s0] =	ssyncadd.remote.s32 $0x1  }
0xc6: {  	_ =	sfence.sel $0xFFFF  }
0xc7: {  	[dreg:$0x0] =	wrdreg $0xFFFFFFFF;
	(pc) =	sbr.abs _section_cstart, $3  }
0xc8: {  	[dreg:$0x1] =	wrdreg $0xFFFFFFFF  }
0xc9: {  	_ =	task.clear_ibuf [dreg:s9], $0x2FFFF;
	_ =	strace $0x9FFFFFFF  }
0xca: {  	(tm) =	ssettm $0x7FFFFFFF  }
0xcb: {  	_ =	shalt  }
tec
execute0_lowered:
.L_overlay_start_1:
0x0: {  	(tag) =	ssettag $0x1  }
0x1: {  	s6 =	rddreg [dreg:$0x0]  }
0x2: {  	s1 =	rddreg [dreg:$0x1]  }
0x3: {  	s7 =	rddreg [dreg:$0x2]  }
0x4: {  	s3 =	rddreg [dreg:$0x3]  }
0x5: {  	s0 =	rddreg [dreg:$0x4]  }
0x6: {  	s5 =	srdreg.scid;
	s4 =	simm.s32 $0x0;
	s2 =	stileid.u32  }
0x7: {  	s14 =	simm.s32 $0x10;
	s15 =	simm.s32 $0x0;
	s8 =	sand.u32 $0x1, s5  }
0x8: {  	[smem:$0x7FF] =	sst s4;
	s9 =	smul.u32 $0xA00, s2;
	s29 =	sshll.u32 s2, $0x6  }
0x9: {  	s12 =	sshll.u32 s2, $0xC;
	s13 =	smul.u32 $0xA0, s2;
	s5 =	ssub.s32 $0x2, s8  }
0xa: {  	_ =	strace $0x80000047;
	s30 =	sshll.u32 s8, $0xB;
	s8 =	sshll.u32 s8, $0x4  }
0xb: {  	s10 =	sshrl.u32 s5, $0x1;
	s28 =	sshrl.u32 s9, $0x2;
	s6 =	sadd.s32 s6, s30  }
0xc: {  	s31 =	sadd.s32 s7, s8;
	s9 =	simm.s32 $0x1;
	s10 =	ssub.s32 s5, s10  }
0xd: {  	s11 =	sadd.s32 s28, s3;
	s5 =	sor.u32 $0x1C01, s29;
	s6 =	sadd.s32 s12, s6  }
0xe: {  	s12 =	sadd.s32 s13, s31;
	s13 =	simm.s32 $0x20;
	s7 =	smax.u32 s10, $0x1  }
0xf: {  	v0 =	vimm.f32 $1.000000000e+00;
	s8 =	sshrl.u32 s11, $0x3;
	s10 =	simm.s32 $0x50;
	s11 =	simm.s32 $0x4000  }
.LBB2_1:
0x10: {  	[spmem:s8], [sflag:s5] =	dma.local [hbm:s1], $0x50  }
0x11: {  	_ =	swait.ge [sflag:s9], $0x50  }
0x12: {  	[sflag:s9] =	ssyncset.done $0x0  }
0x13: {  	[sflag:s9] =	ssyncadd.s32 $0xFFFFFFB0  }
0x14: {  	[tilespmem:$0x4000] =	vst v0  }
0x15: {  	[tilespmem:$0x4010] =	vst v0  }
0x16: {  	[tilespmem:$0x4020] =	vst v0  }
0x17: {  	[tilespmem:$0x4030] =	vst v0  }
0x18: {  	[tilespmem:$0x4040] =	vst v0  }
0x19: {  	[tilespmem:s4], [sflag:$0x1] =	stream.linear.gather [hbm4b:s6+s4], $0x3E80, $0x38;
	[tilespmem:$0x4300] =	vst v63  }
0x1a: {  	_ =	swait.ge [sflag:s9], $0x3E80  }
0x1b: {  	[sflag:s9] =	ssyncset.done $0x0  }
0x1c: {  	[sflag:s9] =	ssyncadd.s32 $0xFFFFC180  }
0x1d: {  	s16 =	simm.s32 $0x0;
	[bflag:$0x0] =	sbarrier.arrive $0xFFFF  }
0x1e: {  	[spmem:s3] =	stream.indirect.scatter.add.f32 [tilespmem:s11], [sflag:$0x1], $0x1, s16, s10, $0xb8;
	[tilespmem:$0x4300] =	vst v63  }
0x1f: {  	_ =	swait.ge [sflag:s9], $0x50  }
0x20: {  	s16 =	simm.s32 $0x200;
	[sflag:s9] =	ssyncset.done $0x0  }
.LBB2_2:
0x21: {  	s17 =	sshra.s32 s16, $0x2;
	[sflag:s9] =	ssyncadd.s32 $0xFFFFFFB0;
	p0 =	sne.s32 s16, $0xF800  }
0x22: {  	[spmem:s3] =	stream.indirect.scatter.add.f32 [tilespmem:s11], [sflag:$0x1], $0x1, s17, s10, $0xb8;
	[tilespmem:$0x4300] =	vst v63  }
.Ltmp0:
0x23: {  	_ = 	snop;
	(pc) =	sbr.rel @p0 .LBB2_2-.Ltmp0, $4  }
0x24: {  	_ = 	snop  }
0x25: {  	s16 =	sadd.s32 $0x200, s16  }
0x26: {  	_ =	swait.ge [sflag:s9], $0x50  }
0x27: {  	[sflag:s9] =	ssyncset.done $0x0  }
0x28: {  	s15 =	sadd.s32 $0x1, s15  }
0x29: {  	[sflag:s9] =	ssyncadd.s32 $0xFFFFFFB0;
	p0 =	sne.s32 s15, s7  }
.Ltmp1:
0x2a: {  	[bflag:$0x0] =	sbarrier.arrive $0xFFFF;
	(pc) =	sbr.rel @p0 .LBB2_1-.Ltmp1, $4  }
0x2b: {  	[hbm:s12@s13], [sflag:s5] =	dma.strided [spmem:s8@s14], $0x50, s9, $0x10   }
0x2c: {  	_ =	swait.ge [sflag:s9], $0x50  }
0x2d: {  	[sflag:s9] =	ssyncset.done $0x0  }
0x2e: {  	[sflag:s9] =	ssyncadd.s32 $0xFFFFFFB0  }
0x2f: {  	_ =	sfence.sel $0x180000  }
0x30: {  	[bflag:$0x0] =	sbarrier.arrive $0xFFFF  }
0x31: {  	p0 =	sne.s32 s2, $0x0;
	_ =	strace $0x90000047  }
0x32: {  	s0 =	sadd.s32 @!p0 $0x100000, s0;
	[bflag:$0x2] =	sbarrier.arrive $0xFFFF  }
0x33: {  	[sflag:s0] =	ssyncadd.tile.s32 @!p0 $0x1;
	_ =	shalt  }
.Lfunc_end2:
_tile_overlayer_lowered:
.L_overlay_start_2:
0x34: {  	(tag) =	ssettag $0x2  }
0x35: {  	s0 =	rddreg [dreg:$0x0];
	s2 =	stileid.u32  }
0x36: {  	s1 =	rddreg [dreg:$0x1];
	p0 =	sne.s32 s2, $0x0  }
0x37: {  	s3 =	rddreg [dreg:$0x2];
	[bflag:$0x3] =	sbarrier.arrive $0xFFFF;
	s2 =	simm.s32 @!p0 $0x1C01  }
0x38: {  	[timem:s3], [sflag:s2] =	dma.local @!p0 [hbm:s0], s1  }
0x39: {  	s0 =	simm.s32 @!p0 $0x1  }
0x3a: {  	_ =	swait.ge @!p0 [sflag:s0], s1  }
0x3b: {  	s1 =	ssub.s32 @!p0 $0x0, s1;
	[sflag:s0] =	ssyncset.done @!p0 $0x0  }
0x3c: {  	[sflag:s0] =	ssyncadd.s32 @!p0 s1  }
0x3d: {  	[bflag:$0x3] =	sbarrier.arrive $0xFFFF  }
0x3e: {  	_ =	shalt  }

</sc_bundles>
